<compile_context>
chip_gen: v7x
topology: tpu7x:2x2x1
jax: 0.10.2.dev20260603
libtpu: 0.0.44.dev20260713+nightly
codegen_flags: <defaults>
</compile_context>

<pallas_src>
import functools

import jax
import jax.numpy as jnp
from jax import lax
from jax.experimental import pallas as pl
from jax.experimental.pallas import tpu as pltpu
from jax.experimental.pallas import tpu_sc as plsc

_NC = 2
_NS = 16
_NW = _NC * _NS

_C = 128
_MC = 80
_IB = 2048
_NB = 4

_BLK = 2000
_OBLK = 1024
_STEP = 2 * _BLK + _OBLK


def _gather(h_p, h_k, idxp, idxk):
    N, D = h_p.shape
    Mpad = idxp.shape[0]
    R = Mpad // _C
    halfw = _NW // 2
    per_w = R // halfw
    rounds = (per_w + _NB - 1) // _NB

    mesh = plsc.VectorSubcoreMesh(core_axis_name="c", subcore_axis_name="s")

    @functools.partial(
        pl.kernel,
        mesh=mesh,
        out_type=[
            jax.ShapeDtypeStruct((Mpad, D), jnp.float32),
            jax.ShapeDtypeStruct((Mpad, D), jnp.float32),
        ],
        scratch_types=(
            [pltpu.VMEM((_C,), jnp.int32) for _ in range(_NB)]
            + [pltpu.VMEM((_C, D), jnp.float32) for _ in range(_NB)]
            + [pltpu.SemaphoreType.DMA for _ in range(3 * _NB)]
        ),
    )
    def k(hp_ref, hk_ref, ip_ref, ik_ref, gp_ref, gk_ref, *scr):
        ibuf = scr[:_NB]
        rows = scr[_NB:2 * _NB]
        si = scr[2 * _NB:3 * _NB]
        sg = scr[3 * _NB:4 * _NB]
        sw = scr[4 * _NB:5 * _NB]

        wid = lax.axis_index("s") * _NC + lax.axis_index("c")
        lw = lax.rem(wid, halfw)
        is_p = wid < halfw

        def work(idx_hbm, src_hbm, g_hbm):
            def rnd_body(r, _):
                c0 = lw * per_w + r * _NB

                for b in range(_NB):
                    @pl.when(r * _NB + b < per_w)
                    def _(b=b):
                        pltpu.async_copy(
                            idx_hbm.at[pl.ds((c0 + b) * _C, _C)],
                            ibuf[b], si[b])

                for b in range(_NB):
                    @pl.when(r * _NB + b < per_w)
                    def _(b=b):
                        pltpu.make_async_copy(
                            idx_hbm.at[pl.ds((c0 + b) * _C, _C)],
                            ibuf[b], si[b]).wait()
                        pltpu.async_copy(src_hbm.at[ibuf[b]], rows[b], sg[b])

                for b in range(_NB):
                    @pl.when(r * _NB + b < per_w)
                    def _(b=b):
                        pltpu.make_async_copy(src_hbm.at[ibuf[b]], rows[b],
                                              sg[b]).wait()
                        pltpu.async_copy(
                            rows[b], g_hbm.at[pl.ds((c0 + b) * _C, _C)],
                            sw[b])

                for b in range(_NB):
                    @pl.when(r * _NB + b < per_w)
                    def _(b=b):
                        pltpu.make_async_copy(
                            rows[b], g_hbm.at[pl.ds((c0 + b) * _C, _C)],
                            sw[b]).wait()

                return 0

            lax.fori_loop(0, rounds, rnd_body, 0)

        @pl.when(is_p)
        def _():
            work(ip_ref, hp_ref, gp_ref)

        @pl.when(jnp.logical_not(is_p))
        def _():
            work(ik_ref, hk_ref, gk_ref)

    return k(h_p, h_k, idxp, idxk)


def _winner(idxp, idxk, M, N):
    nb_full = M // _IB
    tail = M - nb_full * _IB

    mesh = plsc.VectorSubcoreMesh(core_axis_name="c", subcore_axis_name="s")

    @functools.partial(
        pl.kernel,
        mesh=mesh,
        out_type=[
            jax.ShapeDtypeStruct((N,), jnp.int32),
            jax.ShapeDtypeStruct((N,), jnp.int32),
        ],
        scratch_types=[
            pltpu.VMEM((N,), jnp.int32),
            pltpu.VMEM((_IB,), jnp.int32),
        ],
        compiler_params=pltpu.CompilerParams(needs_layout_passes=False),
    )
    def k(ip_ref, ik_ref, winp_ref, wink_ref, win, ibig):
        wid = lax.axis_index("s") * _NC + lax.axis_index("c")

        def group(idx16, mv):
            plsc.store_scatter(win, [idx16], mv)
            chk = plsc.load_gather(win, [idx16])

            def cond(c):
                return jnp.any(c < mv)

            def fix(c):
                plsc.store_scatter(win, [idx16], mv, mask=c < mv)
                return plsc.load_gather(win, [idx16])

            lax.while_loop(cond, fix, chk)

        def winner_work(idx_hbm, w_hbm):
            neg = jnp.full((16,), -1, jnp.int32)

            def init(q, _):
                win[pl.ds(q * 16, 16)] = neg
                return 0

            lax.fori_loop(0, N // 16, init, 0)

            def build_block(b, _):
                pltpu.sync_copy(idx_hbm.at[pl.ds(b * _IB, _IB)], ibig)

                def grp(q, _):
                    iv = ibig[pl.ds(q * 16, 16)]
                    mv = b * _IB + q * 16 + lax.iota(jnp.int32, 16)
                    group(iv, mv)
                    return 0

                lax.fori_loop(0, _IB // 16, grp, 0)
                return 0

            lax.fori_loop(0, nb_full, build_block, 0)
            if tail:
                pltpu.sync_copy(idx_hbm.at[pl.ds(nb_full * _IB, tail)],
                                ibig.at[pl.ds(0, tail)])

                def grp_t(q, _):
                    iv = ibig[pl.ds(q * 16, 16)]
                    mv = nb_full * _IB + q * 16 + lax.iota(jnp.int32, 16)
                    group(iv, mv)
                    return 0

                lax.fori_loop(0, tail // 16, grp_t, 0)

            pltpu.sync_copy(win, w_hbm)

        @pl.when(wid == 0)
        def _():
            winner_work(ip_ref, winp_ref)

        @pl.when(wid == 1)
        def _():
            winner_work(ik_ref, wink_ref)

    return k(idxp, idxk)


def _dense(h_p, h_k, g_p, g_k, W_o, W_c, lwpT, lwkT, lin_b2, bias2):
    N, D = h_p.shape
    Mpad = g_p.shape[0]
    G = N // _BLK
    assert Mpad == G * _OBLK

    def dot(a, b):
        return jax.lax.dot_general(
            a, b, (((1,), (0,)), ((), ())),
            precision=jax.lax.Precision.DEFAULT,
            preferred_element_type=jnp.float32)

    def body(hp, hk, gp, gk, wo, wc, lp, lk, lb, bs, cat):
        cat[0:_BLK, :] = dot(hp[...], wo[...])
        cat[_BLK:2 * _BLK, :] = dot(hk[...], wc[...])
        tp = jnp.tanh(dot(gp[...], wo[...]))
        tk = jnp.tanh(dot(gk[...], wc[...]))
        y = dot(tp, lp[...]) + dot(tk, lk[...]) + lb[...]
        cat[2 * _BLK:_STEP, :] = jnp.where(y >= 0, y, 0.01 * y) + bs[...]

    full = pl.BlockSpec((D, D), lambda i: (0, 0))
    vec = pl.BlockSpec((1, D), lambda i: (0, 0))
    return pl.pallas_call(
        body,
        grid=(G,),
        in_specs=[
            pl.BlockSpec((_BLK, D), lambda i: (i, 0)),
            pl.BlockSpec((_BLK, D), lambda i: (i, 0)),
            pl.BlockSpec((_OBLK, D), lambda i: (i, 0)),
            pl.BlockSpec((_OBLK, D), lambda i: (i, 0)),
            full, full, full, full, vec, vec,
        ],
        out_specs=pl.BlockSpec((_STEP, D), lambda i: (i, 0)),
        out_shape=jax.ShapeDtypeStruct((G * _STEP, D), jnp.float32),
        compiler_params=pltpu.CompilerParams(
            dimension_semantics=("arbitrary",),
        ),
    )(h_p, h_k, g_p, g_k, W_o, W_c, lwpT, lwkT, lin_b2, bias2)


def _merge(cat, win_p, win_k, N, D):
    npa = N // _MC
    ntot = 2 * npa

    mesh = plsc.VectorSubcoreMesh(core_axis_name="c", subcore_axis_name="s")

    @functools.partial(
        pl.kernel,
        mesh=mesh,
        out_type=[
            jax.ShapeDtypeStruct((N, D), jnp.float32),
            jax.ShapeDtypeStruct((N, D), jnp.float32),
        ],
        scratch_types=(
            [pltpu.VMEM((_MC,), jnp.int32) for _ in range(_NB)]
            + [pltpu.VMEM((_MC,), jnp.int32) for _ in range(_NB)]
            + [pltpu.VMEM((_MC, D), jnp.float32) for _ in range(_NB)]
            + [pltpu.SemaphoreType.DMA for _ in range(3 * _NB)]
        ),
        compiler_params=pltpu.CompilerParams(needs_layout_passes=False),
    )
    def k(cat_ref, winp_ref, wink_ref, outp_ref, outk_ref, *scr):
        wbuf = scr[:_NB]
        sbuf = scr[_NB:2 * _NB]
        rows = scr[2 * _NB:3 * _NB]
        si = scr[3 * _NB:4 * _NB]
        sg = scr[4 * _NB:5 * _NB]
        sw = scr[5 * _NB:6 * _NB]

        wid = lax.axis_index("s") * _NC + lax.axis_index("c")
        n = (ntot - wid + _NW - 1) // _NW
        rounds = (ntot + _NW * _NB - 1) // (_NW * _NB)
        lanes = lax.iota(jnp.int32, 16)

        def win_of(c):
            return c < npa

        def rnd_body(r, _):
            cs = []
            for b in range(_NB):
                cs.append(wid + (r * _NB + b) * _NW)

            for b in range(_NB):
                c = cs[b]

                @pl.when(c < npa)
                def _(b=b, c=c):
                    pltpu.async_copy(winp_ref.at[pl.ds(c * _MC, _MC)],
                                     wbuf[b], si[b])

                @pl.when(jnp.logical_and(c >= npa, c < ntot))
                def _(b=b, c=c):
                    pltpu.async_copy(wink_ref.at[pl.ds((c - npa) * _MC, _MC)],
                                     wbuf[b], si[b])

            for b in range(_NB):
                c = cs[b]

                @pl.when(c < ntot)
                def _(b=b, c=c):
                    pltpu.make_async_copy(winp_ref.at[pl.ds(0, _MC)],
                                          wbuf[b], si[b]).wait()
                    j = jnp.where(c < npa, c, c - npa)
                    arr_off = jnp.where(c < npa, 0, _BLK)
                    base = j * _MC

                    def grp(q, _):
                        wv = wbuf[b][pl.ds(q * 16, 16)]
                        ig = base + q * 16 + lanes
                        pos_raw = (lax.div(ig, _BLK) * _STEP
                                   + lax.rem(ig, _BLK) + arr_off)
                        pos_out = (lax.div(wv, _OBLK) * _STEP
                                   + lax.rem(wv, _OBLK) + 2 * _BLK)
                        sbuf[b][pl.ds(q * 16, 16)] = jnp.where(
                            wv >= 0, pos_out, pos_raw)
                        return 0

                    lax.fori_loop(0, _MC // 16, grp, 0)
                    pltpu.async_copy(cat_ref.at[sbuf[b]], rows[b], sg[b])

            for b in range(_NB):
                c = cs[b]

                @pl.when(c < ntot)
                def _(b=b, c=c):
                    pltpu.make_async_copy(cat_ref.at[sbuf[b]], rows[b],
                                          sg[b]).wait()

                @pl.when(c < npa)
                def _(b=b, c=c):
                    pltpu.async_copy(rows[b],
                                     outp_ref.at[pl.ds(c * _MC, _MC)], sw[b])

                @pl.when(jnp.logical_and(c >= npa, c < ntot))
                def _(b=b, c=c):
                    pltpu.async_copy(rows[b],
                                     outk_ref.at[pl.ds((c - npa) * _MC, _MC)],
                                     sw[b])

            for b in range(_NB):
                c = cs[b]

                @pl.when(c < ntot)
                def _(b=b, c=c):
                    pltpu.make_async_copy(rows[b],
                                          outp_ref.at[pl.ds(0, _MC)],
                                          sw[b]).wait()

            return 0

        del n
        lax.fori_loop(0, rounds, rnd_body, 0)

    return k(cat, win_p, win_k)


def kernel(h_p, h_k, last_x, W_o, W_c, lin_w, lin_b, bias,
           mutual_index_p, mutual_index_k):
    N, D = h_p.shape
    M = mutual_index_p.shape[0]

    G = N // _BLK
    Mpad = G * _OBLK
    pad = Mpad - M

    idxp = jnp.concatenate([mutual_index_p, mutual_index_p[:pad]])
    idxk = jnp.concatenate([mutual_index_k, mutual_index_k[:pad]])

    g_p, g_k = _gather(h_p, h_k, idxp, idxk)
    win_p, win_k = _winner(idxp, idxk, M, N)

    lwpT = lin_w[:, :D].T
    lwkT = lin_w[:, D:].T
    cat = _dense(h_p, h_k, g_p, g_k, W_o, W_c, lwpT, lwkT,
                 lin_b.reshape(1, D), bias.reshape(1, D))

    fhp, fhk = _merge(cat, win_p, win_k, N, D)
    return fhp, fhk

# --- scband reference (transcript-rebuilt; emitter-appended) ---
"""Pipeline reference for scband-temporal-encoding-copy-78950088835529 (READ-ONLY COPY).

The authoritative reference and input builder live on the scoring server;
editing this copy changes nothing except your own understanding.
"""

import jax, jax.numpy as jnp
import numpy as np

N = 100000
D = 128
M = 50000


def setup_inputs(seed: int = 0) -> dict:
    key = jax.random.key(seed)
    ks = jax.random.split(key, 10)
    h_p = jax.random.normal(ks[0], (N, D), dtype=jnp.float32)
    h_k = jax.random.normal(ks[1], (N, D), dtype=jnp.float32)
    mutual_index_p = jax.random.randint(ks[2], (M,), 0, N, dtype=jnp.int32)
    mutual_index_k = jax.random.randint(ks[3], (M,), 0, N, dtype=jnp.int32)
    last_x = jax.random.normal(ks[4], (N, D), dtype=jnp.float32)
    # parameters (sized per init_kwargs: in_features=128)
    xav_bound = 1.667 * np.sqrt(6.0 / (D + D))
    W_o = jax.random.uniform(ks[5], (D, D), minval=-xav_bound, maxval=xav_bound, dtype=jnp.float32)
    W_c = jax.random.uniform(ks[6], (D, D), minval=-xav_bound, maxval=xav_bound, dtype=jnp.float32)
    lin_bound = 1.0 / np.sqrt(2 * D)
    lin_w = jax.random.uniform(ks[7], (D, 2 * D), minval=-lin_bound, maxval=lin_bound, dtype=jnp.float32)
    lin_b = jax.random.uniform(ks[8], (D,), minval=-lin_bound, maxval=lin_bound, dtype=jnp.float32)
    stdv = 1.0 / np.sqrt(D)
    bias = jax.random.uniform(ks[9], (D,), minval=-stdv, maxval=stdv, dtype=jnp.float32)
    return {
        "h_p": h_p,
        "h_k": h_k,
        "last_x": last_x,
        "W_o": W_o,
        "W_c": W_c,
        "lin_w": lin_w,
        "lin_b": lin_b,
        "bias": bias,
        "mutual_index_p": mutual_index_p,
        "mutual_index_k": mutual_index_k,
    }


def reference(h_p, h_k, last_x, W_o, W_c, lin_w, lin_b, bias, mutual_index_p, mutual_index_k):
    trans_hp = h_p @ W_o
    trans_hk = h_k @ W_c
    gathered = jnp.concatenate(
        [jnp.take(trans_hp, mutual_index_p, axis=0), jnp.take(trans_hk, mutual_index_k, axis=0)],
        axis=1,
    )
    output = jnp.tanh(gathered)
    output = jax.nn.leaky_relu(output @ lin_w.T + lin_b, negative_slope=0.01)
    output = output + bias
    trans_hp = trans_hp.at[mutual_index_p].set(output)
    trans_hk = trans_hk.at[mutual_index_k].set(output)
    return (trans_hp, trans_hk)

if __name__ == "__main__":
    import jax
    _d = setup_inputs()
    print(jax.jit(kernel)(*tuple(_d.values())))

</pallas_src>

<mosaic_0001>
#map = affine_map<(d0, d1) -> (0, 0)>
#map1 = affine_map<(d0, d1) -> (0)>
module attributes {stable_mosaic.version = 14 : i64} {
  func.func @k(%arg0: i32, %arg1: i32, %arg2: memref<251200x128xf32, #tpu.memory_space<hbm>>, %arg3: memref<100000xi32, #tpu.memory_space<hbm>>, %arg4: memref<100000xi32, #tpu.memory_space<hbm>>, %arg5: memref<100000x128xf32, #tpu.memory_space<hbm>>, %arg6: memref<100000x128xf32, #tpu.memory_space<hbm>>, %arg7: memref<80xi32, #tpu.memory_space<vmem>>, %arg8: memref<80xi32, #tpu.memory_space<vmem>>, %arg9: memref<80xi32, #tpu.memory_space<vmem>>, %arg10: memref<80xi32, #tpu.memory_space<vmem>>, %arg11: memref<80xi32, #tpu.memory_space<vmem>>, %arg12: memref<80xi32, #tpu.memory_space<vmem>>, %arg13: memref<80xi32, #tpu.memory_space<vmem>>, %arg14: memref<80xi32, #tpu.memory_space<vmem>>, %arg15: memref<80x128xf32, #tpu.memory_space<vmem>>, %arg16: memref<80x128xf32, #tpu.memory_space<vmem>>, %arg17: memref<80x128xf32, #tpu.memory_space<vmem>>, %arg18: memref<80x128xf32, #tpu.memory_space<vmem>>, %arg19: memref<!tpu.dma_semaphore, #tpu.memory_space<semaphore_mem>>, %arg20: memref<!tpu.dma_semaphore, #tpu.memory_space<semaphore_mem>>, %arg21: memref<!tpu.dma_semaphore, #tpu.memory_space<semaphore_mem>>, %arg22: memref<!tpu.dma_semaphore, #tpu.memory_space<semaphore_mem>>, %arg23: memref<!tpu.dma_semaphore, #tpu.memory_space<semaphore_mem>>, %arg24: memref<!tpu.dma_semaphore, #tpu.memory_space<semaphore_mem>>, %arg25: memref<!tpu.dma_semaphore, #tpu.memory_space<semaphore_mem>>, %arg26: memref<!tpu.dma_semaphore, #tpu.memory_space<semaphore_mem>>, %arg27: memref<!tpu.dma_semaphore, #tpu.memory_space<semaphore_mem>>, %arg28: memref<!tpu.dma_semaphore, #tpu.memory_space<semaphore_mem>>, %arg29: memref<!tpu.dma_semaphore, #tpu.memory_space<semaphore_mem>>, %arg30: memref<!tpu.dma_semaphore, #tpu.memory_space<semaphore_mem>>) attributes {dimension_semantics = [#tpu.dimension_semantics<core_parallel>, #tpu.dimension_semantics<subcore_parallel>], iteration_bounds = array<i64: 2, 16>, scalar_prefetch = 0 : i64, scratch_operands = 24 : i64, tpu.core_type = #tpu.core_type<sc_vector_subcore>, window_params = [{transform_indices = #map}, {transform_indices = #map1}, {transform_indices = #map1}, {transform_indices = #map}, {transform_indices = #map}]} {
    %mul3A = arith.constant 2 : i32
    %mul3A_0 = arith.muli %arg1, %mul3A : i32
    %add3A = arith.addi %mul3A_0, %arg0 : i32
    %sub3A = arith.constant 2500 : i32
    %sub3A_1 = arith.subi %sub3A, %add3A : i32
    %add3A_2 = arith.constant 32 : i32
    %add3A_3 = arith.addi %sub3A_1, %add3A_2 : i32
    %sub3A_4 = arith.constant 1 : i32
    %sub3A_5 = arith.subi %add3A_3, %sub3A_4 : i32
    %jit3A = arith.constant 32 : i32
    %div3A = arith.divsi %sub3A_5, %jit3A : i32
    %sign3A = arith.constant 0 : i32
    %sign3A_6 = arith.cmpi sgt, %sub3A_5, %sign3A : i32
    %sign3A_7 = arith.extui %sign3A_6 : i1 to i32
    %sign3A_8 = arith.constant 0 : i32
    %sign3A_9 = arith.cmpi slt, %sub3A_5, %sign3A_8 : i32
    %sign3A_10 = arith.extui %sign3A_9 : i1 to i32
    %sign3A_11 = arith.subi %sign3A_7, %sign3A_10 : i32
    %sign3A_12 = arith.constant 0 : i32
    %sign3A_13 = arith.cmpi sgt, %jit3A, %sign3A_12 : i32
    %sign3A_14 = arith.extui %sign3A_13 : i1 to i32
    %sign3A_15 = arith.constant 0 : i32
    %sign3A_16 = arith.cmpi slt, %jit3A, %sign3A_15 : i32
    %sign3A_17 = arith.extui %sign3A_16 : i1 to i32
    %sign3A_18 = arith.subi %sign3A_14, %sign3A_17 : i32
    %ne3A = arith.cmpi ne, %sign3A_11, %sign3A_18 : i32
    %rem3A = arith.remsi %sub3A_5, %jit3A : i32
    %ne3A_19 = arith.constant 0 : i32
    %ne3A_20 = arith.cmpi ne, %rem3A, %ne3A_19 : i32
    %and3A = arith.andi %ne3A, %ne3A_20 : i1
    %sub3A_21 = arith.constant 1 : i32
    %sub3A_22 = arith.subi %div3A, %sub3A_21 : i32
    %select_n3A = arith.select %and3A, %sub3A_22, %div3A : i32
    %iota3A = tpu.iota {dimensions = array<i32: 0>} : vector<16xi32>
    %scan3A = arith.constant 0 : i32
    %scan3A_23 = arith.constant 0 : i32
    %scan3A_24 = arith.constant 20 : i32
    %scan3A_25 = arith.addi %scan3A_23, %scan3A_24 : i32
    %scan3A_26 = arith.constant 1 : i32
    %scan3A_27 = scf.for %scan3A_29 = %scan3A_23 to %scan3A_25 step %scan3A_26 iter_args(%scan3A_30 = %scan3A) -> (i32)  : i32 {
      %mul3A_31 = arith.constant 4 : i32
      %mul3A_32 = arith.muli %scan3A_29, %mul3A_31 : i32
      %add3A_33 = arith.constant 0 : i32
      %add3A_34 = arith.addi %mul3A_32, %add3A_33 : i32
      %mul3A_35 = arith.constant 32 : i32
      %mul3A_36 = arith.muli %add3A_34, %mul3A_35 : i32
      %add3A_37 = arith.addi %add3A, %mul3A_36 : i32
      %mul3A_38 = arith.constant 4 : i32
      %mul3A_39 = arith.muli %scan3A_29, %mul3A_38 : i32
      %add3A_40 = arith.constant 1 : i32
      %add3A_41 = arith.addi %mul3A_39, %add3A_40 : i32
      %mul3A_42 = arith.constant 32 : i32
      %mul3A_43 = arith.muli %add3A_41, %mul3A_42 : i32
      %add3A_44 = arith.addi %add3A, %mul3A_43 : i32
      %mul3A_45 = arith.constant 4 : i32
      %mul3A_46 = arith.muli %scan3A_29, %mul3A_45 : i32
      %add3A_47 = arith.constant 2 : i32
      %add3A_48 = arith.addi %mul3A_46, %add3A_47 : i32
      %mul3A_49 = arith.constant 32 : i32
      %mul3A_50 = arith.muli %add3A_48, %mul3A_49 : i32
      %add3A_51 = arith.addi %add3A, %mul3A_50 : i32
      %mul3A_52 = arith.constant 4 : i32
      %mul3A_53 = arith.muli %scan3A_29, %mul3A_52 : i32
      %add3A_54 = arith.constant 3 : i32
      %add3A_55 = arith.addi %mul3A_53, %add3A_54 : i32
      %mul3A_56 = arith.constant 32 : i32
      %mul3A_57 = arith.muli %add3A_55, %mul3A_56 : i32
      %add3A_58 = arith.addi %add3A, %mul3A_57 : i32
      %lt3A = arith.constant 1250 : i32
      %lt3A_59 = arith.cmpi slt, %add3A_37, %lt3A : i32
      %convert_element_type3A = arith.extui %lt3A_59 : i1 to i32
      %cond3A = arith.constant 0 : i32
      %cond3A_60 = arith.cmpi ne, %convert_element_type3A, %cond3A : i32
      scf.if %cond3A_60 {
        %mul3A_220 = arith.constant 80 : i32
        %mul3A_221 = arith.muli %add3A_37, %mul3A_220 : i32
        %dma_start3A = tpu.memref_slice %arg3[%mul3A_221] : memref<100000xi32, #tpu.memory_space<hbm>> -> memref<80xi32, #tpu.memory_space<hbm>>
        %dma_start3A_222 = tpu.memref_slice %arg3[%mul3A_221] : memref<100000xi32, #tpu.memory_space<hbm>> -> memref<80xi32, #tpu.memory_space<hbm>>
        tpu.enqueue_dma source(%dma_start3A_222 : memref<80xi32, #tpu.memory_space<hbm>>) target(%arg7 : memref<80xi32, #tpu.memory_space<vmem>>) target_semaphore(%arg19 : memref<!tpu.dma_semaphore, #tpu.memory_space<semaphore_mem>>)
      } else {
      }
      %ge3A = arith.constant 1250 : i32
      %ge3A_61 = arith.cmpi sge, %add3A_37, %ge3A : i32
      %lt3A_62 = arith.constant 2500 : i32
      %lt3A_63 = arith.cmpi slt, %add3A_37, %lt3A_62 : i32
      %and3A_64 = arith.andi %ge3A_61, %lt3A_63 : i1
      %convert_element_type3A_65 = arith.extui %and3A_64 : i1 to i32
      %cond3A_66 = arith.constant 0 : i32
      %cond3A_67 = arith.cmpi ne, %convert_element_type3A_65, %cond3A_66 : i32
      scf.if %cond3A_67 {
        %sub3A_220 = arith.constant 1250 : i32
        %sub3A_221 = arith.subi %add3A_37, %sub3A_220 : i32
        %mul3A_222 = arith.constant 80 : i32
        %mul3A_223 = arith.muli %sub3A_221, %mul3A_222 : i32
        %dma_start3A = tpu.memref_slice %arg4[%mul3A_223] : memref<100000xi32, #tpu.memory_space<hbm>> -> memref<80xi32, #tpu.memory_space<hbm>>
        %dma_start3A_224 = tpu.memref_slice %arg4[%mul3A_223] : memref<100000xi32, #tpu.memory_space<hbm>> -> memref<80xi32, #tpu.memory_space<hbm>>
        tpu.enqueue_dma source(%dma_start3A_224 : memref<80xi32, #tpu.memory_space<hbm>>) target(%arg7 : memref<80xi32, #tpu.memory_space<vmem>>) target_semaphore(%arg19 : memref<!tpu.dma_semaphore, #tpu.memory_space<semaphore_mem>>)
      } else {
      }
      %lt3A_68 = arith.constant 1250 : i32
      %lt3A_69 = arith.cmpi slt, %add3A_44, %lt3A_68 : i32
      %convert_element_type3A_70 = arith.extui %lt3A_69 : i1 to i32
      %cond3A_71 = arith.constant 0 : i32
      %cond3A_72 = arith.cmpi ne, %convert_element_type3A_70, %cond3A_71 : i32
      scf.if %cond3A_72 {
        %mul3A_220 = arith.constant 80 : i32
        %mul3A_221 = arith.muli %add3A_44, %mul3A_220 : i32
        %dma_start3A = tpu.memref_slice %arg3[%mul3A_221] : memref<100000xi32, #tpu.memory_space<hbm>> -> memref<80xi32, #tpu.memory_space<hbm>>
        %dma_start3A_222 = tpu.memref_slice %arg3[%mul3A_221] : memref<100000xi32, #tpu.memory_space<hbm>> -> memref<80xi32, #tpu.memory_space<hbm>>
        tpu.enqueue_dma source(%dma_start3A_222 : memref<80xi32, #tpu.memory_space<hbm>>) target(%arg8 : memref<80xi32, #tpu.memory_space<vmem>>) target_semaphore(%arg20 : memref<!tpu.dma_semaphore, #tpu.memory_space<semaphore_mem>>)
      } else {
      }
      %ge3A_73 = arith.constant 1250 : i32
      %ge3A_74 = arith.cmpi sge, %add3A_44, %ge3A_73 : i32
      %lt3A_75 = arith.constant 2500 : i32
      %lt3A_76 = arith.cmpi slt, %add3A_44, %lt3A_75 : i32
      %and3A_77 = arith.andi %ge3A_74, %lt3A_76 : i1
      %convert_element_type3A_78 = arith.extui %and3A_77 : i1 to i32
      %cond3A_79 = arith.constant 0 : i32
      %cond3A_80 = arith.cmpi ne, %convert_element_type3A_78, %cond3A_79 : i32
      scf.if %cond3A_80 {
        %sub3A_220 = arith.constant 1250 : i32
        %sub3A_221 = arith.subi %add3A_44, %sub3A_220 : i32
        %mul3A_222 = arith.constant 80 : i32
        %mul3A_223 = arith.muli %sub3A_221, %mul3A_222 : i32
        %dma_start3A = tpu.memref_slice %arg4[%mul3A_223] : memref<100000xi32, #tpu.memory_space<hbm>> -> memref<80xi32, #tpu.memory_space<hbm>>
        %dma_start3A_224 = tpu.memref_slice %arg4[%mul3A_223] : memref<100000xi32, #tpu.memory_space<hbm>> -> memref<80xi32, #tpu.memory_space<hbm>>
        tpu.enqueue_dma source(%dma_start3A_224 : memref<80xi32, #tpu.memory_space<hbm>>) target(%arg8 : memref<80xi32, #tpu.memory_space<vmem>>) target_semaphore(%arg20 : memref<!tpu.dma_semaphore, #tpu.memory_space<semaphore_mem>>)
      } else {
      }
      %lt3A_81 = arith.constant 1250 : i32
      %lt3A_82 = arith.cmpi slt, %add3A_51, %lt3A_81 : i32
      %convert_element_type3A_83 = arith.extui %lt3A_82 : i1 to i32
      %cond3A_84 = arith.constant 0 : i32
      %cond3A_85 = arith.cmpi ne, %convert_element_type3A_83, %cond3A_84 : i32
      scf.if %cond3A_85 {
        %mul3A_220 = arith.constant 80 : i32
        %mul3A_221 = arith.muli %add3A_51, %mul3A_220 : i32
        %dma_start3A = tpu.memref_slice %arg3[%mul3A_221] : memref<100000xi32, #tpu.memory_space<hbm>> -> memref<80xi32, #tpu.memory_space<hbm>>
        %dma_start3A_222 = tpu.memref_slice %arg3[%mul3A_221] : memref<100000xi32, #tpu.memory_space<hbm>> -> memref<80xi32, #tpu.memory_space<hbm>>
        tpu.enqueue_dma source(%dma_start3A_222 : memref<80xi32, #tpu.memory_space<hbm>>) target(%arg9 : memref<80xi32, #tpu.memory_space<vmem>>) target_semaphore(%arg21 : memref<!tpu.dma_semaphore, #tpu.memory_space<semaphore_mem>>)
      } else {
      }
      %ge3A_86 = arith.constant 1250 : i32
      %ge3A_87 = arith.cmpi sge, %add3A_51, %ge3A_86 : i32
      %lt3A_88 = arith.constant 2500 : i32
      %lt3A_89 = arith.cmpi slt, %add3A_51, %lt3A_88 : i32
      %and3A_90 = arith.andi %ge3A_87, %lt3A_89 : i1
      %convert_element_type3A_91 = arith.extui %and3A_90 : i1 to i32
      %cond3A_92 = arith.constant 0 : i32
      %cond3A_93 = arith.cmpi ne, %convert_element_type3A_91, %cond3A_92 : i32
      scf.if %cond3A_93 {
        %sub3A_220 = arith.constant 1250 : i32
        %sub3A_221 = arith.subi %add3A_51, %sub3A_220 : i32
        %mul3A_222 = arith.constant 80 : i32
        %mul3A_223 = arith.muli %sub3A_221, %mul3A_222 : i32
        %dma_start3A = tpu.memref_slice %arg4[%mul3A_223] : memref<100000xi32, #tpu.memory_space<hbm>> -> memref<80xi32, #tpu.memory_space<hbm>>
        %dma_start3A_224 = tpu.memref_slice %arg4[%mul3A_223] : memref<100000xi32, #tpu.memory_space<hbm>> -> memref<80xi32, #tpu.memory_space<hbm>>
        tpu.enqueue_dma source(%dma_start3A_224 : memref<80xi32, #tpu.memory_space<hbm>>) target(%arg9 : memref<80xi32, #tpu.memory_space<vmem>>) target_semaphore(%arg21 : memref<!tpu.dma_semaphore, #tpu.memory_space<semaphore_mem>>)
      } else {
      }
      %lt3A_94 = arith.constant 1250 : i32
      %lt3A_95 = arith.cmpi slt, %add3A_58, %lt3A_94 : i32
      %convert_element_type3A_96 = arith.extui %lt3A_95 : i1 to i32
      %cond3A_97 = arith.constant 0 : i32
      %cond3A_98 = arith.cmpi ne, %convert_element_type3A_96, %cond3A_97 : i32
      scf.if %cond3A_98 {
        %mul3A_220 = arith.constant 80 : i32
        %mul3A_221 = arith.muli %add3A_58, %mul3A_220 : i32
        %dma_start3A = tpu.memref_slice %arg3[%mul3A_221] : memref<100000xi32, #tpu.memory_space<hbm>> -> memref<80xi32, #tpu.memory_space<hbm>>
        %dma_start3A_222 = tpu.memref_slice %arg3[%mul3A_221] : memref<100000xi32, #tpu.memory_space<hbm>> -> memref<80xi32, #tpu.memory_space<hbm>>
        tpu.enqueue_dma source(%dma_start3A_222 : memref<80xi32, #tpu.memory_space<hbm>>) target(%arg10 : memref<80xi32, #tpu.memory_space<vmem>>) target_semaphore(%arg22 : memref<!tpu.dma_semaphore, #tpu.memory_space<semaphore_mem>>)
      } else {
      }
      %ge3A_99 = arith.constant 1250 : i32
      %ge3A_100 = arith.cmpi sge, %add3A_58, %ge3A_99 : i32
      %lt3A_101 = arith.constant 2500 : i32
      %lt3A_102 = arith.cmpi slt, %add3A_58, %lt3A_101 : i32
      %and3A_103 = arith.andi %ge3A_100, %lt3A_102 : i1
      %convert_element_type3A_104 = arith.extui %and3A_103 : i1 to i32
      %cond3A_105 = arith.constant 0 : i32
      %cond3A_106 = arith.cmpi ne, %convert_element_type3A_104, %cond3A_105 : i32
      scf.if %cond3A_106 {
        %sub3A_220 = arith.constant 1250 : i32
        %sub3A_221 = arith.subi %add3A_58, %sub3A_220 : i32
        %mul3A_222 = arith.constant 80 : i32
        %mul3A_223 = arith.muli %sub3A_221, %mul3A_222 : i32
        %dma_start3A = tpu.memref_slice %arg4[%mul3A_223] : memref<100000xi32, #tpu.memory_space<hbm>> -> memref<80xi32, #tpu.memory_space<hbm>>
        %dma_start3A_224 = tpu.memref_slice %arg4[%mul3A_223] : memref<100000xi32, #tpu.memory_space<hbm>> -> memref<80xi32, #tpu.memory_space<hbm>>
        tpu.enqueue_dma source(%dma_start3A_224 : memref<80xi32, #tpu.memory_space<hbm>>) target(%arg10 : memref<80xi32, #tpu.memory_space<vmem>>) target_semaphore(%arg22 : memref<!tpu.dma_semaphore, #tpu.memory_space<semaphore_mem>>)
      } else {
      }
      %lt3A_107 = arith.constant 2500 : i32
      %lt3A_108 = arith.cmpi slt, %add3A_37, %lt3A_107 : i32
      %convert_element_type3A_109 = arith.extui %lt3A_108 : i1 to i32
      %cond3A_110 = arith.constant 0 : i32
      %cond3A_111 = arith.cmpi ne, %convert_element_type3A_109, %cond3A_110 : i32
      scf.if %cond3A_111 {
        %dma_wait3A = arith.constant 0 : i32
        %dma_wait3A_220 = tpu.memref_slice %arg3[%dma_wait3A] : memref<100000xi32, #tpu.memory_space<hbm>> -> memref<80xi32, #tpu.memory_space<hbm>>
        %dma_wait3A_221 = arith.constant 0 : i32
        %dma_wait3A_222 = tpu.memref_slice %arg3[%dma_wait3A_221] : memref<100000xi32, #tpu.memory_space<hbm>> -> memref<80xi32, #tpu.memory_space<hbm>>
        tpu.wait_dma2 semaphore(%arg19 : memref<!tpu.dma_semaphore, #tpu.memory_space<semaphore_mem>>) src(%dma_wait3A_222 : memref<80xi32, #tpu.memory_space<hbm>>) dst(%arg7 : memref<80xi32, #tpu.memory_space<vmem>>)
        %lt3A_223 = arith.constant 1250 : i32
        %lt3A_224 = arith.cmpi slt, %add3A_37, %lt3A_223 : i32
        %sub3A_225 = arith.constant 1250 : i32
        %sub3A_226 = arith.subi %add3A_37, %sub3A_225 : i32
        %select_n3A_227 = arith.select %lt3A_224, %add3A_37, %sub3A_226 : i32
        %lt3A_228 = arith.constant 1250 : i32
        %lt3A_229 = arith.cmpi slt, %add3A_37, %lt3A_228 : i32
        %jit3A_230 = arith.constant 0 : i32
        %jit3A_231 = arith.constant 2000 : i32
        %select_n3A_232 = arith.select %lt3A_229, %jit3A_230, %jit3A_231 : i32
        %mul3A_233 = arith.constant 80 : i32
        %mul3A_234 = arith.muli %select_n3A_227, %mul3A_233 : i32
        %scan3A_235 = arith.constant 0 : i32
        %scan3A_236 = arith.constant 0 : i32
        %scan3A_237 = arith.constant 5 : i32
        %scan3A_238 = arith.addi %scan3A_236, %scan3A_237 : i32
        %scan3A_239 = arith.constant 1 : i32
        %scan3A_240 = scf.for %scan3A_244 = %scan3A_236 to %scan3A_238 step %scan3A_239 iter_args(%scan3A_245 = %scan3A_235) -> (i32)  : i32 {
          %mul3A_246 = arith.constant 16 : i32
          %mul3A_247 = arith.muli %scan3A_244, %mul3A_246 : i32
          %get3A = arith.index_cast %mul3A_247 : i32 to index
          %get3A_248 = tpu.vector_load %arg7[%get3A] {strides = array<i32>} : memref<80xi32, #tpu.memory_space<vmem>>, vector<16xi32>,
          %mul3A_249 = arith.constant 16 : i32
          %mul3A_250 = arith.muli %scan3A_244, %mul3A_249 : i32
          %add3A_251 = arith.addi %mul3A_234, %mul3A_250 : i32
          %add3A_252 = vector.broadcast %add3A_251 : i32 to vector<16xi32>
          %add3A_253 = arith.addi %add3A_252, %iota3A : vector<16xi32>
          %div3A_254 = arith.constant 2000 : i32
          %div3A_255 = vector.broadcast %div3A_254 : i32 to vector<16xi32>
          %div3A_256 = arith.divsi %add3A_253, %div3A_255 : vector<16xi32>
          %mul3A_257 = arith.constant 5024 : i32
          %mul3A_258 = vector.broadcast %mul3A_257 : i32 to vector<16xi32>
          %mul3A_259 = arith.muli %div3A_256, %mul3A_258 : vector<16xi32>
          %rem3A_260 = arith.constant 2000 : i32
          %rem3A_261 = vector.broadcast %rem3A_260 : i32 to vector<16xi32>
          %rem3A_262 = arith.remsi %add3A_253, %rem3A_261 : vector<16xi32>
          %add3A_263 = arith.addi %mul3A_259, %rem3A_262 : vector<16xi32>
          %add3A_264 = vector.broadcast %select_n3A_232 : i32 to vector<16xi32>
          %add3A_265 = arith.addi %add3A_263, %add3A_264 : vector<16xi32>
          %div3A_266 = arith.constant 1024 : i32
          %div3A_267 = vector.broadcast %div3A_266 : i32 to vector<16xi32>
          %div3A_268 = arith.divsi %get3A_248, %div3A_267 : vector<16xi32>
          %mul3A_269 = arith.constant 5024 : i32
          %mul3A_270 = vector.broadcast %mul3A_269 : i32 to vector<16xi32>
          %mul3A_271 = arith.muli %div3A_268, %mul3A_270 : vector<16xi32>
          %rem3A_272 = arith.constant 1024 : i32
          %rem3A_273 = vector.broadcast %rem3A_272 : i32 to vector<16xi32>
          %rem3A_274 = arith.remsi %get3A_248, %rem3A_273 : vector<16xi32>
          %add3A_275 = arith.addi %mul3A_271, %rem3A_274 : vector<16xi32>
          %add3A_276 = arith.constant 4000 : i32
          %add3A_277 = vector.broadcast %add3A_276 : i32 to vector<16xi32>
          %add3A_278 = arith.addi %add3A_275, %add3A_277 : vector<16xi32>
          %ge3A_279 = arith.constant 0 : i32
          %ge3A_280 = vector.broadcast %ge3A_279 : i32 to vector<16xi32>
          %ge3A_281 = arith.cmpi sge, %get3A_248, %ge3A_280 : vector<16xi32>
          %select_n3A_282 = arith.select %ge3A_281, %add3A_278, %add3A_265 : vector<16xi1>, vector<16xi32>
          %mul3A_283 = arith.constant 16 : i32
          %mul3A_284 = arith.muli %scan3A_244, %mul3A_283 : i32
          %swap3A = arith.index_cast %mul3A_284 : i32 to index
          %swap3A_285 = tpu.vector_load %arg11[%swap3A] {strides = array<i32>} : memref<80xi32, #tpu.memory_space<vmem>>, vector<16xi32>,
          tpu.vector_store %arg11[%swap3A], %select_n3A_282 {strides = array<i32>} : memref<80xi32, #tpu.memory_space<vmem>>, vector<16xi32>,
          %scan3A_286 = arith.constant 0 : i32
          scf.yield %scan3A_286 : i32
        }
        %scan3A_241 = arith.constant 5 : i32
        %dma_start3A = arith.constant 0 : i32
        %dma_start3A_242 = arith.constant 0 : i32
        %dma_start3A_243 = tpu.memref_slice %arg2[%dma_start3A, %dma_start3A_242] : memref<251200x128xf32, #tpu.memory_space<hbm>> -> memref<251200x128xf32, #tpu.memory_space<hbm>>
        tpu.enqueue_indirect_dma source(%dma_start3A_243 : memref<251200x128xf32, #tpu.memory_space<hbm>>) target(%arg15 : memref<80x128xf32, #tpu.memory_space<vmem>>) offsets(%arg11 : memref<80xi32, #tpu.memory_space<vmem>>) semaphore(%arg23 : memref<!tpu.dma_semaphore, #tpu.memory_space<semaphore_mem>>)
      } else {
      }
      %lt3A_112 = arith.constant 2500 : i32
      %lt3A_113 = arith.cmpi slt, %add3A_44, %lt3A_112 : i32
      %convert_element_type3A_114 = arith.extui %lt3A_113 : i1 to i32
      %cond3A_115 = arith.constant 0 : i32
      %cond3A_116 = arith.cmpi ne, %convert_element_type3A_114, %cond3A_115 : i32
      scf.if %cond3A_116 {
        %dma_wait3A = arith.constant 0 : i32
        %dma_wait3A_220 = tpu.memref_slice %arg3[%dma_wait3A] : memref<100000xi32, #tpu.memory_space<hbm>> -> memref<80xi32, #tpu.memory_space<hbm>>
        %dma_wait3A_221 = arith.constant 0 : i32
        %dma_wait3A_222 = tpu.memref_slice %arg3[%dma_wait3A_221] : memref<100000xi32, #tpu.memory_space<hbm>> -> memref<80xi32, #tpu.memory_space<hbm>>
        tpu.wait_dma2 semaphore(%arg20 : memref<!tpu.dma_semaphore, #tpu.memory_space<semaphore_mem>>) src(%dma_wait3A_222 : memref<80xi32, #tpu.memory_space<hbm>>) dst(%arg8 : memref<80xi32, #tpu.memory_space<vmem>>)
        %lt3A_223 = arith.constant 1250 : i32
        %lt3A_224 = arith.cmpi slt, %add3A_44, %lt3A_223 : i32
        %sub3A_225 = arith.constant 1250 : i32
        %sub3A_226 = arith.subi %add3A_44, %sub3A_225 : i32
        %select_n3A_227 = arith.select %lt3A_224, %add3A_44, %sub3A_226 : i32
        %lt3A_228 = arith.constant 1250 : i32
        %lt3A_229 = arith.cmpi slt, %add3A_44, %lt3A_228 : i32
        %jit3A_230 = arith.constant 0 : i32
        %jit3A_231 = arith.constant 2000 : i32
        %select_n3A_232 = arith.select %lt3A_229, %jit3A_230, %jit3A_231 : i32
        %mul3A_233 = arith.constant 80 : i32
        %mul3A_234 = arith.muli %select_n3A_227, %mul3A_233 : i32
        %scan3A_235 = arith.constant 0 : i32
        %scan3A_236 = arith.constant 0 : i32
        %scan3A_237 = arith.constant 5 : i32
        %scan3A_238 = arith.addi %scan3A_236, %scan3A_237 : i32
        %scan3A_239 = arith.constant 1 : i32
        %scan3A_240 = scf.for %scan3A_244 = %scan3A_236 to %scan3A_238 step %scan3A_239 iter_args(%scan3A_245 = %scan3A_235) -> (i32)  : i32 {
          %mul3A_246 = arith.constant 16 : i32
          %mul3A_247 = arith.muli %scan3A_244, %mul3A_246 : i32
          %get3A = arith.index_cast %mul3A_247 : i32 to index
          %get3A_248 = tpu.vector_load %arg8[%get3A] {strides = array<i32>} : memref<80xi32, #tpu.memory_space<vmem>>, vector<16xi32>,
          %mul3A_249 = arith.constant 16 : i32
          %mul3A_250 = arith.muli %scan3A_244, %mul3A_249 : i32
          %add3A_251 = arith.addi %mul3A_234, %mul3A_250 : i32
          %add3A_252 = vector.broadcast %add3A_251 : i32 to vector<16xi32>
          %add3A_253 = arith.addi %add3A_252, %iota3A : vector<16xi32>
          %div3A_254 = arith.constant 2000 : i32
          %div3A_255 = vector.broadcast %div3A_254 : i32 to vector<16xi32>
          %div3A_256 = arith.divsi %add3A_253, %div3A_255 : vector<16xi32>
          %mul3A_257 = arith.constant 5024 : i32
          %mul3A_258 = vector.broadcast %mul3A_257 : i32 to vector<16xi32>
          %mul3A_259 = arith.muli %div3A_256, %mul3A_258 : vector<16xi32>
          %rem3A_260 = arith.constant 2000 : i32
          %rem3A_261 = vector.broadcast %rem3A_260 : i32 to vector<16xi32>
          %rem3A_262 = arith.remsi %add3A_253, %rem3A_261 : vector<16xi32>
          %add3A_263 = arith.addi %mul3A_259, %rem3A_262 : vector<16xi32>
          %add3A_264 = vector.broadcast %select_n3A_232 : i32 to vector<16xi32>
          %add3A_265 = arith.addi %add3A_263, %add3A_264 : vector<16xi32>
          %div3A_266 = arith.constant 1024 : i32
          %div3A_267 = vector.broadcast %div3A_266 : i32 to vector<16xi32>
          %div3A_268 = arith.divsi %get3A_248, %div3A_267 : vector<16xi32>
          %mul3A_269 = arith.constant 5024 : i32
          %mul3A_270 = vector.broadcast %mul3A_269 : i32 to vector<16xi32>
          %mul3A_271 = arith.muli %div3A_268, %mul3A_270 : vector<16xi32>
          %rem3A_272 = arith.constant 1024 : i32
          %rem3A_273 = vector.broadcast %rem3A_272 : i32 to vector<16xi32>
          %rem3A_274 = arith.remsi %get3A_248, %rem3A_273 : vector<16xi32>
          %add3A_275 = arith.addi %mul3A_271, %rem3A_274 : vector<16xi32>
          %add3A_276 = arith.constant 4000 : i32
          %add3A_277 = vector.broadcast %add3A_276 : i32 to vector<16xi32>
          %add3A_278 = arith.addi %add3A_275, %add3A_277 : vector<16xi32>
          %ge3A_279 = arith.constant 0 : i32
          %ge3A_280 = vector.broadcast %ge3A_279 : i32 to vector<16xi32>
          %ge3A_281 = arith.cmpi sge, %get3A_248, %ge3A_280 : vector<16xi32>
          %select_n3A_282 = arith.select %ge3A_281, %add3A_278, %add3A_265 : vector<16xi1>, vector<16xi32>
          %mul3A_283 = arith.constant 16 : i32
          %mul3A_284 = arith.muli %scan3A_244, %mul3A_283 : i32
          %swap3A = arith.index_cast %mul3A_284 : i32 to index
          %swap3A_285 = tpu.vector_load %arg12[%swap3A] {strides = array<i32>} : memref<80xi32, #tpu.memory_space<vmem>>, vector<16xi32>,
          tpu.vector_store %arg12[%swap3A], %select_n3A_282 {strides = array<i32>} : memref<80xi32, #tpu.memory_space<vmem>>, vector<16xi32>,
          %scan3A_286 = arith.constant 0 : i32
          scf.yield %scan3A_286 : i32
        }
        %scan3A_241 = arith.constant 5 : i32
        %dma_start3A = arith.constant 0 : i32
        %dma_start3A_242 = arith.constant 0 : i32
        %dma_start3A_243 = tpu.memref_slice %arg2[%dma_start3A, %dma_start3A_242] : memref<251200x128xf32, #tpu.memory_space<hbm>> -> memref<251200x128xf32, #tpu.memory_space<hbm>>
        tpu.enqueue_indirect_dma source(%dma_start3A_243 : memref<251200x128xf32, #tpu.memory_space<hbm>>) target(%arg16 : memref<80x128xf32, #tpu.memory_space<vmem>>) offsets(%arg12 : memref<80xi32, #tpu.memory_space<vmem>>) semaphore(%arg24 : memref<!tpu.dma_semaphore, #tpu.memory_space<semaphore_mem>>)
      } else {
      }
      %lt3A_117 = arith.constant 2500 : i32
      %lt3A_118 = arith.cmpi slt, %add3A_51, %lt3A_117 : i32
      %convert_element_type3A_119 = arith.extui %lt3A_118 : i1 to i32
      %cond3A_120 = arith.constant 0 : i32
      %cond3A_121 = arith.cmpi ne, %convert_element_type3A_119, %cond3A_120 : i32
      scf.if %cond3A_121 {
        %dma_wait3A = arith.constant 0 : i32
        %dma_wait3A_220 = tpu.memref_slice %arg3[%dma_wait3A] : memref<100000xi32, #tpu.memory_space<hbm>> -> memref<80xi32, #tpu.memory_space<hbm>>
        %dma_wait3A_221 = arith.constant 0 : i32
        %dma_wait3A_222 = tpu.memref_slice %arg3[%dma_wait3A_221] : memref<100000xi32, #tpu.memory_space<hbm>> -> memref<80xi32, #tpu.memory_space<hbm>>
        tpu.wait_dma2 semaphore(%arg21 : memref<!tpu.dma_semaphore, #tpu.memory_space<semaphore_mem>>) src(%dma_wait3A_222 : memref<80xi32, #tpu.memory_space<hbm>>) dst(%arg9 : memref<80xi32, #tpu.memory_space<vmem>>)
        %lt3A_223 = arith.constant 1250 : i32
        %lt3A_224 = arith.cmpi slt, %add3A_51, %lt3A_223 : i32
        %sub3A_225 = arith.constant 1250 : i32
        %sub3A_226 = arith.subi %add3A_51, %sub3A_225 : i32
        %select_n3A_227 = arith.select %lt3A_224, %add3A_51, %sub3A_226 : i32
        %lt3A_228 = arith.constant 1250 : i32
        %lt3A_229 = arith.cmpi slt, %add3A_51, %lt3A_228 : i32
        %jit3A_230 = arith.constant 0 : i32
        %jit3A_231 = arith.constant 2000 : i32
        %select_n3A_232 = arith.select %lt3A_229, %jit3A_230, %jit3A_231 : i32
        %mul3A_233 = arith.constant 80 : i32
        %mul3A_234 = arith.muli %select_n3A_227, %mul3A_233 : i32
        %scan3A_235 = arith.constant 0 : i32
        %scan3A_236 = arith.constant 0 : i32
        %scan3A_237 = arith.constant 5 : i32
        %scan3A_238 = arith.addi %scan3A_236, %scan3A_237 : i32
        %scan3A_239 = arith.constant 1 : i32
        %scan3A_240 = scf.for %scan3A_244 = %scan3A_236 to %scan3A_238 step %scan3A_239 iter_args(%scan3A_245 = %scan3A_235) -> (i32)  : i32 {
          %mul3A_246 = arith.constant 16 : i32
          %mul3A_247 = arith.muli %scan3A_244, %mul3A_246 : i32
          %get3A = arith.index_cast %mul3A_247 : i32 to index
          %get3A_248 = tpu.vector_load %arg9[%get3A] {strides = array<i32>} : memref<80xi32, #tpu.memory_space<vmem>>, vector<16xi32>,
          %mul3A_249 = arith.constant 16 : i32
          %mul3A_250 = arith.muli %scan3A_244, %mul3A_249 : i32
          %add3A_251 = arith.addi %mul3A_234, %mul3A_250 : i32
          %add3A_252 = vector.broadcast %add3A_251 : i32 to vector<16xi32>
          %add3A_253 = arith.addi %add3A_252, %iota3A : vector<16xi32>
          %div3A_254 = arith.constant 2000 : i32
          %div3A_255 = vector.broadcast %div3A_254 : i32 to vector<16xi32>
          %div3A_256 = arith.divsi %add3A_253, %div3A_255 : vector<16xi32>
          %mul3A_257 = arith.constant 5024 : i32
          %mul3A_258 = vector.broadcast %mul3A_257 : i32 to vector<16xi32>
          %mul3A_259 = arith.muli %div3A_256, %mul3A_258 : vector<16xi32>
          %rem3A_260 = arith.constant 2000 : i32
          %rem3A_261 = vector.broadcast %rem3A_260 : i32 to vector<16xi32>
          %rem3A_262 = arith.remsi %add3A_253, %rem3A_261 : vector<16xi32>
          %add3A_263 = arith.addi %mul3A_259, %rem3A_262 : vector<16xi32>
          %add3A_264 = vector.broadcast %select_n3A_232 : i32 to vector<16xi32>
          %add3A_265 = arith.addi %add3A_263, %add3A_264 : vector<16xi32>
          %div3A_266 = arith.constant 1024 : i32
          %div3A_267 = vector.broadcast %div3A_266 : i32 to vector<16xi32>
          %div3A_268 = arith.divsi %get3A_248, %div3A_267 : vector<16xi32>
          %mul3A_269 = arith.constant 5024 : i32
          %mul3A_270 = vector.broadcast %mul3A_269 : i32 to vector<16xi32>
          %mul3A_271 = arith.muli %div3A_268, %mul3A_270 : vector<16xi32>
          %rem3A_272 = arith.constant 1024 : i32
          %rem3A_273 = vector.broadcast %rem3A_272 : i32 to vector<16xi32>
          %rem3A_274 = arith.remsi %get3A_248, %rem3A_273 : vector<16xi32>
          %add3A_275 = arith.addi %mul3A_271, %rem3A_274 : vector<16xi32>
          %add3A_276 = arith.constant 4000 : i32
          %add3A_277 = vector.broadcast %add3A_276 : i32 to vector<16xi32>
          %add3A_278 = arith.addi %add3A_275, %add3A_277 : vector<16xi32>
          %ge3A_279 = arith.constant 0 : i32
          %ge3A_280 = vector.broadcast %ge3A_279 : i32 to vector<16xi32>
          %ge3A_281 = arith.cmpi sge, %get3A_248, %ge3A_280 : vector<16xi32>
          %select_n3A_282 = arith.select %ge3A_281, %add3A_278, %add3A_265 : vector<16xi1>, vector<16xi32>
          %mul3A_283 = arith.constant 16 : i32
          %mul3A_284 = arith.muli %scan3A_244, %mul3A_283 : i32
          %swap3A = arith.index_cast %mul3A_284 : i32 to index
          %swap3A_285 = tpu.vector_load %arg13[%swap3A] {strides = array<i32>} : memref<80xi32, #tpu.memory_space<vmem>>, vector<16xi32>,
          tpu.vector_store %arg13[%swap3A], %select_n3A_282 {strides = array<i32>} : memref<80xi32, #tpu.memory_space<vmem>>, vector<16xi32>,
          %scan3A_286 = arith.constant 0 : i32
          scf.yield %scan3A_286 : i32
        }
        %scan3A_241 = arith.constant 5 : i32
        %dma_start3A = arith.constant 0 : i32
        %dma_start3A_242 = arith.constant 0 : i32
        %dma_start3A_243 = tpu.memref_slice %arg2[%dma_start3A, %dma_start3A_242] : memref<251200x128xf32, #tpu.memory_space<hbm>> -> memref<251200x128xf32, #tpu.memory_space<hbm>>
        tpu.enqueue_indirect_dma source(%dma_start3A_243 : memref<251200x128xf32, #tpu.memory_space<hbm>>) target(%arg17 : memref<80x128xf32, #tpu.memory_space<vmem>>) offsets(%arg13 : memref<80xi32, #tpu.memory_space<vmem>>) semaphore(%arg25 : memref<!tpu.dma_semaphore, #tpu.memory_space<semaphore_mem>>)
      } else {
      }
      %lt3A_122 = arith.constant 2500 : i32
      %lt3A_123 = arith.cmpi slt, %add3A_58, %lt3A_122 : i32
      %convert_element_type3A_124 = arith.extui %lt3A_123 : i1 to i32
      %cond3A_125 = arith.constant 0 : i32
      %cond3A_126 = arith.cmpi ne, %convert_element_type3A_124, %cond3A_125 : i32
      scf.if %cond3A_126 {
        %dma_wait3A = arith.constant 0 : i32
        %dma_wait3A_220 = tpu.memref_slice %arg3[%dma_wait3A] : memref<100000xi32, #tpu.memory_space<hbm>> -> memref<80xi32, #tpu.memory_space<hbm>>
        %dma_wait3A_221 = arith.constant 0 : i32
        %dma_wait3A_222 = tpu.memref_slice %arg3[%dma_wait3A_221] : memref<100000xi32, #tpu.memory_space<hbm>> -> memref<80xi32, #tpu.memory_space<hbm>>
        tpu.wait_dma2 semaphore(%arg22 : memref<!tpu.dma_semaphore, #tpu.memory_space<semaphore_mem>>) src(%dma_wait3A_222 : memref<80xi32, #tpu.memory_space<hbm>>) dst(%arg10 : memref<80xi32, #tpu.memory_space<vmem>>)
        %lt3A_223 = arith.constant 1250 : i32
        %lt3A_224 = arith.cmpi slt, %add3A_58, %lt3A_223 : i32
        %sub3A_225 = arith.constant 1250 : i32
        %sub3A_226 = arith.subi %add3A_58, %sub3A_225 : i32
        %select_n3A_227 = arith.select %lt3A_224, %add3A_58, %sub3A_226 : i32
        %lt3A_228 = arith.constant 1250 : i32
        %lt3A_229 = arith.cmpi slt, %add3A_58, %lt3A_228 : i32
        %jit3A_230 = arith.constant 0 : i32
        %jit3A_231 = arith.constant 2000 : i32
        %select_n3A_232 = arith.select %lt3A_229, %jit3A_230, %jit3A_231 : i32
        %mul3A_233 = arith.constant 80 : i32
        %mul3A_234 = arith.muli %select_n3A_227, %mul3A_233 : i32
        %scan3A_235 = arith.constant 0 : i32
        %scan3A_236 = arith.constant 0 : i32
        %scan3A_237 = arith.constant 5 : i32
        %scan3A_238 = arith.addi %scan3A_236, %scan3A_237 : i32
        %scan3A_239 = arith.constant 1 : i32
        %scan3A_240 = scf.for %scan3A_244 = %scan3A_236 to %scan3A_238 step %scan3A_239 iter_args(%scan3A_245 = %scan3A_235) -> (i32)  : i32 {
          %mul3A_246 = arith.constant 16 : i32
          %mul3A_247 = arith.muli %scan3A_244, %mul3A_246 : i32
          %get3A = arith.index_cast %mul3A_247 : i32 to index
          %get3A_248 = tpu.vector_load %arg10[%get3A] {strides = array<i32>} : memref<80xi32, #tpu.memory_space<vmem>>, vector<16xi32>,
          %mul3A_249 = arith.constant 16 : i32
          %mul3A_250 = arith.muli %scan3A_244, %mul3A_249 : i32
          %add3A_251 = arith.addi %mul3A_234, %mul3A_250 : i32
          %add3A_252 = vector.broadcast %add3A_251 : i32 to vector<16xi32>
          %add3A_253 = arith.addi %add3A_252, %iota3A : vector<16xi32>
          %div3A_254 = arith.constant 2000 : i32
          %div3A_255 = vector.broadcast %div3A_254 : i32 to vector<16xi32>
          %div3A_256 = arith.divsi %add3A_253, %div3A_255 : vector<16xi32>
          %mul3A_257 = arith.constant 5024 : i32
          %mul3A_258 = vector.broadcast %mul3A_257 : i32 to vector<16xi32>
          %mul3A_259 = arith.muli %div3A_256, %mul3A_258 : vector<16xi32>
          %rem3A_260 = arith.constant 2000 : i32
          %rem3A_261 = vector.broadcast %rem3A_260 : i32 to vector<16xi32>
          %rem3A_262 = arith.remsi %add3A_253, %rem3A_261 : vector<16xi32>
          %add3A_263 = arith.addi %mul3A_259, %rem3A_262 : vector<16xi32>
          %add3A_264 = vector.broadcast %select_n3A_232 : i32 to vector<16xi32>
          %add3A_265 = arith.addi %add3A_263, %add3A_264 : vector<16xi32>
          %div3A_266 = arith.constant 1024 : i32
          %div3A_267 = vector.broadcast %div3A_266 : i32 to vector<16xi32>
          %div3A_268 = arith.divsi %get3A_248, %div3A_267 : vector<16xi32>
          %mul3A_269 = arith.constant 5024 : i32
          %mul3A_270 = vector.broadcast %mul3A_269 : i32 to vector<16xi32>
          %mul3A_271 = arith.muli %div3A_268, %mul3A_270 : vector<16xi32>
          %rem3A_272 = arith.constant 1024 : i32
          %rem3A_273 = vector.broadcast %rem3A_272 : i32 to vector<16xi32>
          %rem3A_274 = arith.remsi %get3A_248, %rem3A_273 : vector<16xi32>
          %add3A_275 = arith.addi %mul3A_271, %rem3A_274 : vector<16xi32>
          %add3A_276 = arith.constant 4000 : i32
          %add3A_277 = vector.broadcast %add3A_276 : i32 to vector<16xi32>
          %add3A_278 = arith.addi %add3A_275, %add3A_277 : vector<16xi32>
          %ge3A_279 = arith.constant 0 : i32
          %ge3A_280 = vector.broadcast %ge3A_279 : i32 to vector<16xi32>
          %ge3A_281 = arith.cmpi sge, %get3A_248, %ge3A_280 : vector<16xi32>
          %select_n3A_282 = arith.select %ge3A_281, %add3A_278, %add3A_265 : vector<16xi1>, vector<16xi32>
          %mul3A_283 = arith.constant 16 : i32
          %mul3A_284 = arith.muli %scan3A_244, %mul3A_283 : i32
          %swap3A = arith.index_cast %mul3A_284 : i32 to index
          %swap3A_285 = tpu.vector_load %arg14[%swap3A] {strides = array<i32>} : memref<80xi32, #tpu.memory_space<vmem>>, vector<16xi32>,
          tpu.vector_store %arg14[%swap3A], %select_n3A_282 {strides = array<i32>} : memref<80xi32, #tpu.memory_space<vmem>>, vector<16xi32>,
          %scan3A_286 = arith.constant 0 : i32
          scf.yield %scan3A_286 : i32
        }
        %scan3A_241 = arith.constant 5 : i32
        %dma_start3A = arith.constant 0 : i32
        %dma_start3A_242 = arith.constant 0 : i32
        %dma_start3A_243 = tpu.memref_slice %arg2[%dma_start3A, %dma_start3A_242] : memref<251200x128xf32, #tpu.memory_space<hbm>> -> memref<251200x128xf32, #tpu.memory_space<hbm>>
        tpu.enqueue_indirect_dma source(%dma_start3A_243 : memref<251200x128xf32, #tpu.memory_space<hbm>>) target(%arg18 : memref<80x128xf32, #tpu.memory_space<vmem>>) offsets(%arg14 : memref<80xi32, #tpu.memory_space<vmem>>) semaphore(%arg26 : memref<!tpu.dma_semaphore, #tpu.memory_space<semaphore_mem>>)
      } else {
      }
      %lt3A_127 = arith.constant 2500 : i32
      %lt3A_128 = arith.cmpi slt, %add3A_37, %lt3A_127 : i32
      %convert_element_type3A_129 = arith.extui %lt3A_128 : i1 to i32
      %cond3A_130 = arith.constant 0 : i32
      %cond3A_131 = arith.cmpi ne, %convert_element_type3A_129, %cond3A_130 : i32
      scf.if %cond3A_131 {
        %dma_wait3A = arith.constant 0 : i32
        %dma_wait3A_220 = arith.constant 0 : i32
        %dma_wait3A_221 = tpu.memref_slice %arg2[%dma_wait3A, %dma_wait3A_220] : memref<251200x128xf32, #tpu.memory_space<hbm>> -> memref<251200x128xf32, #tpu.memory_space<hbm>>
        tpu.wait_indirect_dma semaphore(%arg23 : memref<!tpu.dma_semaphore, #tpu.memory_space<semaphore_mem>>) src(%dma_wait3A_221 : memref<251200x128xf32, #tpu.memory_space<hbm>>) dst(%arg15 : memref<80x128xf32, #tpu.memory_space<vmem>>)
      } else {
      }
      %lt3A_132 = arith.constant 1250 : i32
      %lt3A_133 = arith.cmpi slt, %add3A_37, %lt3A_132 : i32
      %convert_element_type3A_134 = arith.extui %lt3A_133 : i1 to i32
      %cond3A_135 = arith.constant 0 : i32
      %cond3A_136 = arith.cmpi ne, %convert_element_type3A_134, %cond3A_135 : i32
      scf.if %cond3A_136 {
        %mul3A_220 = arith.constant 80 : i32
        %mul3A_221 = arith.muli %add3A_37, %mul3A_220 : i32
        %dma_start3A = arith.constant 0 : i32
        %dma_start3A_222 = tpu.memref_slice %arg5[%mul3A_221, %dma_start3A] : memref<100000x128xf32, #tpu.memory_space<hbm>> -> memref<80x128xf32, #tpu.memory_space<hbm>>
        %dma_start3A_223 = arith.constant 0 : i32
        %dma_start3A_224 = tpu.memref_slice %arg5[%mul3A_221, %dma_start3A_223] : memref<100000x128xf32, #tpu.memory_space<hbm>> -> memref<80x128xf32, #tpu.memory_space<hbm>>
        tpu.enqueue_dma source(%arg15 : memref<80x128xf32, #tpu.memory_space<vmem>>) target(%dma_start3A_224 : memref<80x128xf32, #tpu.memory_space<hbm>>) target_semaphore(%arg27 : memref<!tpu.dma_semaphore, #tpu.memory_space<semaphore_mem>>)
      } else {
      }
      %ge3A_137 = arith.constant 1250 : i32
      %ge3A_138 = arith.cmpi sge, %add3A_37, %ge3A_137 : i32
      %lt3A_139 = arith.constant 2500 : i32
      %lt3A_140 = arith.cmpi slt, %add3A_37, %lt3A_139 : i32
      %and3A_141 = arith.andi %ge3A_138, %lt3A_140 : i1
      %convert_element_type3A_142 = arith.extui %and3A_141 : i1 to i32
      %cond3A_143 = arith.constant 0 : i32
      %cond3A_144 = arith.cmpi ne, %convert_element_type3A_142, %cond3A_143 : i32
      scf.if %cond3A_144 {
        %sub3A_220 = arith.constant 1250 : i32
        %sub3A_221 = arith.subi %add3A_37, %sub3A_220 : i32
        %mul3A_222 = arith.constant 80 : i32
        %mul3A_223 = arith.muli %sub3A_221, %mul3A_222 : i32
        %dma_start3A = arith.constant 0 : i32
        %dma_start3A_224 = tpu.memref_slice %arg6[%mul3A_223, %dma_start3A] : memref<100000x128xf32, #tpu.memory_space<hbm>> -> memref<80x128xf32, #tpu.memory_space<hbm>>
        %dma_start3A_225 = arith.constant 0 : i32
        %dma_start3A_226 = tpu.memref_slice %arg6[%mul3A_223, %dma_start3A_225] : memref<100000x128xf32, #tpu.memory_space<hbm>> -> memref<80x128xf32, #tpu.memory_space<hbm>>
        tpu.enqueue_dma source(%arg15 : memref<80x128xf32, #tpu.memory_space<vmem>>) target(%dma_start3A_226 : memref<80x128xf32, #tpu.memory_space<hbm>>) target_semaphore(%arg27 : memref<!tpu.dma_semaphore, #tpu.memory_space<semaphore_mem>>)
      } else {
      }
      %lt3A_145 = arith.constant 2500 : i32
      %lt3A_146 = arith.cmpi slt, %add3A_44, %lt3A_145 : i32
      %convert_element_type3A_147 = arith.extui %lt3A_146 : i1 to i32
      %cond3A_148 = arith.constant 0 : i32
      %cond3A_149 = arith.cmpi ne, %convert_element_type3A_147, %cond3A_148 : i32
      scf.if %cond3A_149 {
        %dma_wait3A = arith.constant 0 : i32
        %dma_wait3A_220 = arith.constant 0 : i32
        %dma_wait3A_221 = tpu.memref_slice %arg2[%dma_wait3A, %dma_wait3A_220] : memref<251200x128xf32, #tpu.memory_space<hbm>> -> memref<251200x128xf32, #tpu.memory_space<hbm>>
        tpu.wait_indirect_dma semaphore(%arg24 : memref<!tpu.dma_semaphore, #tpu.memory_space<semaphore_mem>>) src(%dma_wait3A_221 : memref<251200x128xf32, #tpu.memory_space<hbm>>) dst(%arg16 : memref<80x128xf32, #tpu.memory_space<vmem>>)
      } else {
      }
      %lt3A_150 = arith.constant 1250 : i32
      %lt3A_151 = arith.cmpi slt, %add3A_44, %lt3A_150 : i32
      %convert_element_type3A_152 = arith.extui %lt3A_151 : i1 to i32
      %cond3A_153 = arith.constant 0 : i32
      %cond3A_154 = arith.cmpi ne, %convert_element_type3A_152, %cond3A_153 : i32
      scf.if %cond3A_154 {
        %mul3A_220 = arith.constant 80 : i32
        %mul3A_221 = arith.muli %add3A_44, %mul3A_220 : i32
        %dma_start3A = arith.constant 0 : i32
        %dma_start3A_222 = tpu.memref_slice %arg5[%mul3A_221, %dma_start3A] : memref<100000x128xf32, #tpu.memory_space<hbm>> -> memref<80x128xf32, #tpu.memory_space<hbm>>
        %dma_start3A_223 = arith.constant 0 : i32
        %dma_start3A_224 = tpu.memref_slice %arg5[%mul3A_221, %dma_start3A_223] : memref<100000x128xf32, #tpu.memory_space<hbm>> -> memref<80x128xf32, #tpu.memory_space<hbm>>
        tpu.enqueue_dma source(%arg16 : memref<80x128xf32, #tpu.memory_space<vmem>>) target(%dma_start3A_224 : memref<80x128xf32, #tpu.memory_space<hbm>>) target_semaphore(%arg28 : memref<!tpu.dma_semaphore, #tpu.memory_space<semaphore_mem>>)
      } else {
      }
      %ge3A_155 = arith.constant 1250 : i32
      %ge3A_156 = arith.cmpi sge, %add3A_44, %ge3A_155 : i32
      %lt3A_157 = arith.constant 2500 : i32
      %lt3A_158 = arith.cmpi slt, %add3A_44, %lt3A_157 : i32
      %and3A_159 = arith.andi %ge3A_156, %lt3A_158 : i1
      %convert_element_type3A_160 = arith.extui %and3A_159 : i1 to i32
      %cond3A_161 = arith.constant 0 : i32
      %cond3A_162 = arith.cmpi ne, %convert_element_type3A_160, %cond3A_161 : i32
      scf.if %cond3A_162 {
        %sub3A_220 = arith.constant 1250 : i32
        %sub3A_221 = arith.subi %add3A_44, %sub3A_220 : i32
        %mul3A_222 = arith.constant 80 : i32
        %mul3A_223 = arith.muli %sub3A_221, %mul3A_222 : i32
        %dma_start3A = arith.constant 0 : i32
        %dma_start3A_224 = tpu.memref_slice %arg6[%mul3A_223, %dma_start3A] : memref<100000x128xf32, #tpu.memory_space<hbm>> -> memref<80x128xf32, #tpu.memory_space<hbm>>
        %dma_start3A_225 = arith.constant 0 : i32
        %dma_start3A_226 = tpu.memref_slice %arg6[%mul3A_223, %dma_start3A_225] : memref<100000x128xf32, #tpu.memory_space<hbm>> -> memref<80x128xf32, #tpu.memory_space<hbm>>
        tpu.enqueue_dma source(%arg16 : memref<80x128xf32, #tpu.memory_space<vmem>>) target(%dma_start3A_226 : memref<80x128xf32, #tpu.memory_space<hbm>>) target_semaphore(%arg28 : memref<!tpu.dma_semaphore, #tpu.memory_space<semaphore_mem>>)
      } else {
      }
      %lt3A_163 = arith.constant 2500 : i32
      %lt3A_164 = arith.cmpi slt, %add3A_51, %lt3A_163 : i32
      %convert_element_type3A_165 = arith.extui %lt3A_164 : i1 to i32
      %cond3A_166 = arith.constant 0 : i32
      %cond3A_167 = arith.cmpi ne, %convert_element_type3A_165, %cond3A_166 : i32
      scf.if %cond3A_167 {
        %dma_wait3A = arith.constant 0 : i32
        %dma_wait3A_220 = arith.constant 0 : i32
        %dma_wait3A_221 = tpu.memref_slice %arg2[%dma_wait3A, %dma_wait3A_220] : memref<251200x128xf32, #tpu.memory_space<hbm>> -> memref<251200x128xf32, #tpu.memory_space<hbm>>
        tpu.wait_indirect_dma semaphore(%arg25 : memref<!tpu.dma_semaphore, #tpu.memory_space<semaphore_mem>>) src(%dma_wait3A_221 : memref<251200x128xf32, #tpu.memory_space<hbm>>) dst(%arg17 : memref<80x128xf32, #tpu.memory_space<vmem>>)
      } else {
      }
      %lt3A_168 = arith.constant 1250 : i32
      %lt3A_169 = arith.cmpi slt, %add3A_51, %lt3A_168 : i32
      %convert_element_type3A_170 = arith.extui %lt3A_169 : i1 to i32
      %cond3A_171 = arith.constant 0 : i32
      %cond3A_172 = arith.cmpi ne, %convert_element_type3A_170, %cond3A_171 : i32
      scf.if %cond3A_172 {
        %mul3A_220 = arith.constant 80 : i32
        %mul3A_221 = arith.muli %add3A_51, %mul3A_220 : i32
        %dma_start3A = arith.constant 0 : i32
        %dma_start3A_222 = tpu.memref_slice %arg5[%mul3A_221, %dma_start3A] : memref<100000x128xf32, #tpu.memory_space<hbm>> -> memref<80x128xf32, #tpu.memory_space<hbm>>
        %dma_start3A_223 = arith.constant 0 : i32
        %dma_start3A_224 = tpu.memref_slice %arg5[%mul3A_221, %dma_start3A_223] : memref<100000x128xf32, #tpu.memory_space<hbm>> -> memref<80x128xf32, #tpu.memory_space<hbm>>
        tpu.enqueue_dma source(%arg17 : memref<80x128xf32, #tpu.memory_space<vmem>>) target(%dma_start3A_224 : memref<80x128xf32, #tpu.memory_space<hbm>>) target_semaphore(%arg29 : memref<!tpu.dma_semaphore, #tpu.memory_space<semaphore_mem>>)
      } else {
      }
      %ge3A_173 = arith.constant 1250 : i32
      %ge3A_174 = arith.cmpi sge, %add3A_51, %ge3A_173 : i32
      %lt3A_175 = arith.constant 2500 : i32
      %lt3A_176 = arith.cmpi slt, %add3A_51, %lt3A_175 : i32
      %and3A_177 = arith.andi %ge3A_174, %lt3A_176 : i1
      %convert_element_type3A_178 = arith.extui %and3A_177 : i1 to i32
      %cond3A_179 = arith.constant 0 : i32
      %cond3A_180 = arith.cmpi ne, %convert_element_type3A_178, %cond3A_179 : i32
      scf.if %cond3A_180 {
        %sub3A_220 = arith.constant 1250 : i32
        %sub3A_221 = arith.subi %add3A_51, %sub3A_220 : i32
        %mul3A_222 = arith.constant 80 : i32
        %mul3A_223 = arith.muli %sub3A_221, %mul3A_222 : i32
        %dma_start3A = arith.constant 0 : i32
        %dma_start3A_224 = tpu.memref_slice %arg6[%mul3A_223, %dma_start3A] : memref<100000x128xf32, #tpu.memory_space<hbm>> -> memref<80x128xf32, #tpu.memory_space<hbm>>
        %dma_start3A_225 = arith.constant 0 : i32
        %dma_start3A_226 = tpu.memref_slice %arg6[%mul3A_223, %dma_start3A_225] : memref<100000x128xf32, #tpu.memory_space<hbm>> -> memref<80x128xf32, #tpu.memory_space<hbm>>
        tpu.enqueue_dma source(%arg17 : memref<80x128xf32, #tpu.memory_space<vmem>>) target(%dma_start3A_226 : memref<80x128xf32, #tpu.memory_space<hbm>>) target_semaphore(%arg29 : memref<!tpu.dma_semaphore, #tpu.memory_space<semaphore_mem>>)
      } else {
      }
      %lt3A_181 = arith.constant 2500 : i32
      %lt3A_182 = arith.cmpi slt, %add3A_58, %lt3A_181 : i32
      %convert_element_type3A_183 = arith.extui %lt3A_182 : i1 to i32
      %cond3A_184 = arith.constant 0 : i32
      %cond3A_185 = arith.cmpi ne, %convert_element_type3A_183, %cond3A_184 : i32
      scf.if %cond3A_185 {
        %dma_wait3A = arith.constant 0 : i32
        %dma_wait3A_220 = arith.constant 0 : i32
        %dma_wait3A_221 = tpu.memref_slice %arg2[%dma_wait3A, %dma_wait3A_220] : memref<251200x128xf32, #tpu.memory_space<hbm>> -> memref<251200x128xf32, #tpu.memory_space<hbm>>
        tpu.wait_indirect_dma semaphore(%arg26 : memref<!tpu.dma_semaphore, #tpu.memory_space<semaphore_mem>>) src(%dma_wait3A_221 : memref<251200x128xf32, #tpu.memory_space<hbm>>) dst(%arg18 : memref<80x128xf32, #tpu.memory_space<vmem>>)
      } else {
      }
      %lt3A_186 = arith.constant 1250 : i32
      %lt3A_187 = arith.cmpi slt, %add3A_58, %lt3A_186 : i32
      %convert_element_type3A_188 = arith.extui %lt3A_187 : i1 to i32
      %cond3A_189 = arith.constant 0 : i32
      %cond3A_190 = arith.cmpi ne, %convert_element_type3A_188, %cond3A_189 : i32
      scf.if %cond3A_190 {
        %mul3A_220 = arith.constant 80 : i32
        %mul3A_221 = arith.muli %add3A_58, %mul3A_220 : i32
        %dma_start3A = arith.constant 0 : i32
        %dma_start3A_222 = tpu.memref_slice %arg5[%mul3A_221, %dma_start3A] : memref<100000x128xf32, #tpu.memory_space<hbm>> -> memref<80x128xf32, #tpu.memory_space<hbm>>
        %dma_start3A_223 = arith.constant 0 : i32
        %dma_start3A_224 = tpu.memref_slice %arg5[%mul3A_221, %dma_start3A_223] : memref<100000x128xf32, #tpu.memory_space<hbm>> -> memref<80x128xf32, #tpu.memory_space<hbm>>
        tpu.enqueue_dma source(%arg18 : memref<80x128xf32, #tpu.memory_space<vmem>>) target(%dma_start3A_224 : memref<80x128xf32, #tpu.memory_space<hbm>>) target_semaphore(%arg30 : memref<!tpu.dma_semaphore, #tpu.memory_space<semaphore_mem>>)
      } else {
      }
      %ge3A_191 = arith.constant 1250 : i32
      %ge3A_192 = arith.cmpi sge, %add3A_58, %ge3A_191 : i32
      %lt3A_193 = arith.constant 2500 : i32
      %lt3A_194 = arith.cmpi slt, %add3A_58, %lt3A_193 : i32
      %and3A_195 = arith.andi %ge3A_192, %lt3A_194 : i1
      %convert_element_type3A_196 = arith.extui %and3A_195 : i1 to i32
      %cond3A_197 = arith.constant 0 : i32
      %cond3A_198 = arith.cmpi ne, %convert_element_type3A_196, %cond3A_197 : i32
      scf.if %cond3A_198 {
        %sub3A_220 = arith.constant 1250 : i32
        %sub3A_221 = arith.subi %add3A_58, %sub3A_220 : i32
        %mul3A_222 = arith.constant 80 : i32
        %mul3A_223 = arith.muli %sub3A_221, %mul3A_222 : i32
        %dma_start3A = arith.constant 0 : i32
        %dma_start3A_224 = tpu.memref_slice %arg6[%mul3A_223, %dma_start3A] : memref<100000x128xf32, #tpu.memory_space<hbm>> -> memref<80x128xf32, #tpu.memory_space<hbm>>
        %dma_start3A_225 = arith.constant 0 : i32
        %dma_start3A_226 = tpu.memref_slice %arg6[%mul3A_223, %dma_start3A_225] : memref<100000x128xf32, #tpu.memory_space<hbm>> -> memref<80x128xf32, #tpu.memory_space<hbm>>
        tpu.enqueue_dma source(%arg18 : memref<80x128xf32, #tpu.memory_space<vmem>>) target(%dma_start3A_226 : memref<80x128xf32, #tpu.memory_space<hbm>>) target_semaphore(%arg30 : memref<!tpu.dma_semaphore, #tpu.memory_space<semaphore_mem>>)
      } else {
      }
      %lt3A_199 = arith.constant 2500 : i32
      %lt3A_200 = arith.cmpi slt, %add3A_37, %lt3A_199 : i32
      %convert_element_type3A_201 = arith.extui %lt3A_200 : i1 to i32
      %cond3A_202 = arith.constant 0 : i32
      %cond3A_203 = arith.cmpi ne, %convert_element_type3A_201, %cond3A_202 : i32
      scf.if %cond3A_203 {
        %dma_wait3A = arith.constant 0 : i32
        %dma_wait3A_220 = arith.constant 0 : i32
        %dma_wait3A_221 = tpu.memref_slice %arg5[%dma_wait3A, %dma_wait3A_220] : memref<100000x128xf32, #tpu.memory_space<hbm>> -> memref<80x128xf32, #tpu.memory_space<hbm>>
        %dma_wait3A_222 = arith.constant 0 : i32
        %dma_wait3A_223 = arith.constant 0 : i32
        %dma_wait3A_224 = tpu.memref_slice %arg5[%dma_wait3A_222, %dma_wait3A_223] : memref<100000x128xf32, #tpu.memory_space<hbm>> -> memref<80x128xf32, #tpu.memory_space<hbm>>
        tpu.wait_dma2 semaphore(%arg27 : memref<!tpu.dma_semaphore, #tpu.memory_space<semaphore_mem>>) src(%arg15 : memref<80x128xf32, #tpu.memory_space<vmem>>) dst(%dma_wait3A_224 : memref<80x128xf32, #tpu.memory_space<hbm>>)
      } else {
      }
      %lt3A_204 = arith.constant 2500 : i32
      %lt3A_205 = arith.cmpi slt, %add3A_44, %lt3A_204 : i32
      %convert_element_type3A_206 = arith.extui %lt3A_205 : i1 to i32
      %cond3A_207 = arith.constant 0 : i32
      %cond3A_208 = arith.cmpi ne, %convert_element_type3A_206, %cond3A_207 : i32
      scf.if %cond3A_208 {
        %dma_wait3A = arith.constant 0 : i32
        %dma_wait3A_220 = arith.constant 0 : i32
        %dma_wait3A_221 = tpu.memref_slice %arg5[%dma_wait3A, %dma_wait3A_220] : memref<100000x128xf32, #tpu.memory_space<hbm>> -> memref<80x128xf32, #tpu.memory_space<hbm>>
        %dma_wait3A_222 = arith.constant 0 : i32
        %dma_wait3A_223 = arith.constant 0 : i32
        %dma_wait3A_224 = tpu.memref_slice %arg5[%dma_wait3A_222, %dma_wait3A_223] : memref<100000x128xf32, #tpu.memory_space<hbm>> -> memref<80x128xf32, #tpu.memory_space<hbm>>
        tpu.wait_dma2 semaphore(%arg28 : memref<!tpu.dma_semaphore, #tpu.memory_space<semaphore_mem>>) src(%arg16 : memref<80x128xf32, #tpu.memory_space<vmem>>) dst(%dma_wait3A_224 : memref<80x128xf32, #tpu.memory_space<hbm>>)
      } else {
      }
      %lt3A_209 = arith.constant 2500 : i32
      %lt3A_210 = arith.cmpi slt, %add3A_51, %lt3A_209 : i32
      %convert_element_type3A_211 = arith.extui %lt3A_210 : i1 to i32
      %cond3A_212 = arith.constant 0 : i32
      %cond3A_213 = arith.cmpi ne, %convert_element_type3A_211, %cond3A_212 : i32
      scf.if %cond3A_213 {
        %dma_wait3A = arith.constant 0 : i32
        %dma_wait3A_220 = arith.constant 0 : i32
        %dma_wait3A_221 = tpu.memref_slice %arg5[%dma_wait3A, %dma_wait3A_220] : memref<100000x128xf32, #tpu.memory_space<hbm>> -> memref<80x128xf32, #tpu.memory_space<hbm>>
        %dma_wait3A_222 = arith.constant 0 : i32
        %dma_wait3A_223 = arith.constant 0 : i32
        %dma_wait3A_224 = tpu.memref_slice %arg5[%dma_wait3A_222, %dma_wait3A_223] : memref<100000x128xf32, #tpu.memory_space<hbm>> -> memref<80x128xf32, #tpu.memory_space<hbm>>
        tpu.wait_dma2 semaphore(%arg29 : memref<!tpu.dma_semaphore, #tpu.memory_space<semaphore_mem>>) src(%arg17 : memref<80x128xf32, #tpu.memory_space<vmem>>) dst(%dma_wait3A_224 : memref<80x128xf32, #tpu.memory_space<hbm>>)
      } else {
      }
      %lt3A_214 = arith.constant 2500 : i32
      %lt3A_215 = arith.cmpi slt, %add3A_58, %lt3A_214 : i32
      %convert_element_type3A_216 = arith.extui %lt3A_215 : i1 to i32
      %cond3A_217 = arith.constant 0 : i32
      %cond3A_218 = arith.cmpi ne, %convert_element_type3A_216, %cond3A_217 : i32
      scf.if %cond3A_218 {
        %dma_wait3A = arith.constant 0 : i32
        %dma_wait3A_220 = arith.constant 0 : i32
        %dma_wait3A_221 = tpu.memref_slice %arg5[%dma_wait3A, %dma_wait3A_220] : memref<100000x128xf32, #tpu.memory_space<hbm>> -> memref<80x128xf32, #tpu.memory_space<hbm>>
        %dma_wait3A_222 = arith.constant 0 : i32
        %dma_wait3A_223 = arith.constant 0 : i32
        %dma_wait3A_224 = tpu.memref_slice %arg5[%dma_wait3A_222, %dma_wait3A_223] : memref<100000x128xf32, #tpu.memory_space<hbm>> -> memref<80x128xf32, #tpu.memory_space<hbm>>
        tpu.wait_dma2 semaphore(%arg30 : memref<!tpu.dma_semaphore, #tpu.memory_space<semaphore_mem>>) src(%arg18 : memref<80x128xf32, #tpu.memory_space<vmem>>) dst(%dma_wait3A_224 : memref<80x128xf32, #tpu.memory_space<hbm>>)
      } else {
      }
      %scan3A_219 = arith.constant 0 : i32
      scf.yield %scan3A_219 : i32
    }
    %scan3A_28 = arith.constant 20 : i32
    return
  }
}

#map = affine_map<(d0, d1) -> (0, 0)>
#map1 = affine_map<(d0, d1) -> (0)>
module attributes {stable_mosaic.version = 14 : i64} {
  func.func @k(%arg0: i32, %arg1: i32, %arg2: memref<100000x128xf32, #tpu.memory_space<hbm>>, %arg3: memref<100000x128xf32, #tpu.memory_space<hbm>>, %arg4: memref<51200xi32, #tpu.memory_space<hbm>>, %arg5: memref<51200xi32, #tpu.memory_space<hbm>>, %arg6: memref<51200x128xf32, #tpu.memory_space<hbm>>, %arg7: memref<51200x128xf32, #tpu.memory_space<hbm>>, %arg8: memref<128xi32, #tpu.memory_space<vmem>>, %arg9: memref<128xi32, #tpu.memory_space<vmem>>, %arg10: memref<128xi32, #tpu.memory_space<vmem>>, %arg11: memref<128xi32, #tpu.memory_space<vmem>>, %arg12: memref<128x128xf32, #tpu.memory_space<vmem>>, %arg13: memref<128x128xf32, #tpu.memory_space<vmem>>, %arg14: memref<128x128xf32, #tpu.memory_space<vmem>>, %arg15: memref<128x128xf32, #tpu.memory_space<vmem>>, %arg16: memref<!tpu.dma_semaphore, #tpu.memory_space<semaphore_mem>>, %arg17: memref<!tpu.dma_semaphore, #tpu.memory_space<semaphore_mem>>, %arg18: memref<!tpu.dma_semaphore, #tpu.memory_space<semaphore_mem>>, %arg19: memref<!tpu.dma_semaphore, #tpu.memory_space<semaphore_mem>>, %arg20: memref<!tpu.dma_semaphore, #tpu.memory_space<semaphore_mem>>, %arg21: memref<!tpu.dma_semaphore, #tpu.memory_space<semaphore_mem>>, %arg22: memref<!tpu.dma_semaphore, #tpu.memory_space<semaphore_mem>>, %arg23: memref<!tpu.dma_semaphore, #tpu.memory_space<semaphore_mem>>, %arg24: memref<!tpu.dma_semaphore, #tpu.memory_space<semaphore_mem>>, %arg25: memref<!tpu.dma_semaphore, #tpu.memory_space<semaphore_mem>>, %arg26: memref<!tpu.dma_semaphore, #tpu.memory_space<semaphore_mem>>, %arg27: memref<!tpu.dma_semaphore, #tpu.memory_space<semaphore_mem>>) attributes {dimension_semantics = [#tpu.dimension_semantics<core_parallel>, #tpu.dimension_semantics<subcore_parallel>], iteration_bounds = array<i64: 2, 16>, scalar_prefetch = 0 : i64, scratch_operands = 20 : i64, tpu.core_type = #tpu.core_type<sc_vector_subcore>, window_params = [{transform_indices = #map}, {transform_indices = #map}, {transform_indices = #map1}, {transform_indices = #map1}, {transform_indices = #map}, {transform_indices = #map}]} {
    %mul3A = arith.constant 2 : i32
    %mul3A_0 = arith.muli %arg1, %mul3A : i32
    %add3A = arith.addi %mul3A_0, %arg0 : i32
    %rem3A = arith.constant 16 : i32
    %rem3A_1 = arith.remsi %add3A, %rem3A : i32
    %lt3A = arith.constant 16 : i32
    %lt3A_2 = arith.cmpi slt, %add3A, %lt3A : i32
    %convert_element_type3A = arith.extui %lt3A_2 : i1 to i32
    %cond3A = arith.constant 0 : i32
    %cond3A_3 = arith.cmpi ne, %convert_element_type3A, %cond3A : i32
    scf.if %cond3A_3 {
      %scan3A = arith.constant 0 : i32
      %scan3A_8 = arith.constant 0 : i32
      %scan3A_9 = arith.constant 7 : i32
      %scan3A_10 = arith.addi %scan3A_8, %scan3A_9 : i32
      %scan3A_11 = arith.constant 1 : i32
      %scan3A_12 = scf.for %scan3A_14 = %scan3A_8 to %scan3A_10 step %scan3A_11 iter_args(%scan3A_15 = %scan3A) -> (i32)  : i32 {
        %mul3A_16 = arith.constant 25 : i32
        %mul3A_17 = arith.muli %rem3A_1, %mul3A_16 : i32
        %mul3A_18 = arith.constant 4 : i32
        %mul3A_19 = arith.muli %scan3A_14, %mul3A_18 : i32
        %add3A_20 = arith.addi %mul3A_17, %mul3A_19 : i32
        %mul3A_21 = arith.constant 4 : i32
        %mul3A_22 = arith.muli %scan3A_14, %mul3A_21 : i32
        %add3A_23 = arith.constant 0 : i32
        %add3A_24 = arith.addi %mul3A_22, %add3A_23 : i32
        %lt3A_25 = arith.constant 25 : i32
        %lt3A_26 = arith.cmpi slt, %add3A_24, %lt3A_25 : i32
        %convert_element_type3A_27 = arith.extui %lt3A_26 : i1 to i32
        %cond3A_28 = arith.constant 0 : i32
        %cond3A_29 = arith.cmpi ne, %convert_element_type3A_27, %cond3A_28 : i32
        scf.if %cond3A_29 {
          %add3A_166 = arith.constant 0 : i32
          %add3A_167 = arith.addi %add3A_20, %add3A_166 : i32
          %mul3A_168 = arith.constant 128 : i32
          %mul3A_169 = arith.muli %add3A_167, %mul3A_168 : i32
          %dma_start3A = tpu.memref_slice %arg4[%mul3A_169] : memref<51200xi32, #tpu.memory_space<hbm>> -> memref<128xi32, #tpu.memory_space<hbm>>
          %dma_start3A_170 = tpu.memref_slice %arg4[%mul3A_169] : memref<51200xi32, #tpu.memory_space<hbm>> -> memref<128xi32, #tpu.memory_space<hbm>>
          tpu.enqueue_dma source(%dma_start3A_170 : memref<128xi32, #tpu.memory_space<hbm>>) target(%arg8 : memref<128xi32, #tpu.memory_space<vmem>>) target_semaphore(%arg16 : memref<!tpu.dma_semaphore, #tpu.memory_space<semaphore_mem>>)
        } else {
        }
        %mul3A_30 = arith.constant 4 : i32
        %mul3A_31 = arith.muli %scan3A_14, %mul3A_30 : i32
        %add3A_32 = arith.constant 1 : i32
        %add3A_33 = arith.addi %mul3A_31, %add3A_32 : i32
        %lt3A_34 = arith.constant 25 : i32
        %lt3A_35 = arith.cmpi slt, %add3A_33, %lt3A_34 : i32
        %convert_element_type3A_36 = arith.extui %lt3A_35 : i1 to i32
        %cond3A_37 = arith.constant 0 : i32
        %cond3A_38 = arith.cmpi ne, %convert_element_type3A_36, %cond3A_37 : i32
        scf.if %cond3A_38 {
          %add3A_166 = arith.constant 1 : i32
          %add3A_167 = arith.addi %add3A_20, %add3A_166 : i32
          %mul3A_168 = arith.constant 128 : i32
          %mul3A_169 = arith.muli %add3A_167, %mul3A_168 : i32
          %dma_start3A = tpu.memref_slice %arg4[%mul3A_169] : memref<51200xi32, #tpu.memory_space<hbm>> -> memref<128xi32, #tpu.memory_space<hbm>>
          %dma_start3A_170 = tpu.memref_slice %arg4[%mul3A_169] : memref<51200xi32, #tpu.memory_space<hbm>> -> memref<128xi32, #tpu.memory_space<hbm>>
          tpu.enqueue_dma source(%dma_start3A_170 : memref<128xi32, #tpu.memory_space<hbm>>) target(%arg9 : memref<128xi32, #tpu.memory_space<vmem>>) target_semaphore(%arg17 : memref<!tpu.dma_semaphore, #tpu.memory_space<semaphore_mem>>)
        } else {
        }
        %mul3A_39 = arith.constant 4 : i32
        %mul3A_40 = arith.muli %scan3A_14, %mul3A_39 : i32
        %add3A_41 = arith.constant 2 : i32
        %add3A_42 = arith.addi %mul3A_40, %add3A_41 : i32
        %lt3A_43 = arith.constant 25 : i32
        %lt3A_44 = arith.cmpi slt, %add3A_42, %lt3A_43 : i32
        %convert_element_type3A_45 = arith.extui %lt3A_44 : i1 to i32
        %cond3A_46 = arith.constant 0 : i32
        %cond3A_47 = arith.cmpi ne, %convert_element_type3A_45, %cond3A_46 : i32
        scf.if %cond3A_47 {
          %add3A_166 = arith.constant 2 : i32
          %add3A_167 = arith.addi %add3A_20, %add3A_166 : i32
          %mul3A_168 = arith.constant 128 : i32
          %mul3A_169 = arith.muli %add3A_167, %mul3A_168 : i32
          %dma_start3A = tpu.memref_slice %arg4[%mul3A_169] : memref<51200xi32, #tpu.memory_space<hbm>> -> memref<128xi32, #tpu.memory_space<hbm>>
          %dma_start3A_170 = tpu.memref_slice %arg4[%mul3A_169] : memref<51200xi32, #tpu.memory_space<hbm>> -> memref<128xi32, #tpu.memory_space<hbm>>
          tpu.enqueue_dma source(%dma_start3A_170 : memref<128xi32, #tpu.memory_space<hbm>>) target(%arg10 : memref<128xi32, #tpu.memory_space<vmem>>) target_semaphore(%arg18 : memref<!tpu.dma_semaphore, #tpu.memory_space<semaphore_mem>>)
        } else {
        }
        %mul3A_48 = arith.constant 4 : i32
        %mul3A_49 = arith.muli %scan3A_14, %mul3A_48 : i32
        %add3A_50 = arith.constant 3 : i32
        %add3A_51 = arith.addi %mul3A_49, %add3A_50 : i32
        %lt3A_52 = arith.constant 25 : i32
        %lt3A_53 = arith.cmpi slt, %add3A_51, %lt3A_52 : i32
        %convert_element_type3A_54 = arith.extui %lt3A_53 : i1 to i32
        %cond3A_55 = arith.constant 0 : i32
        %cond3A_56 = arith.cmpi ne, %convert_element_type3A_54, %cond3A_55 : i32
        scf.if %cond3A_56 {
          %add3A_166 = arith.constant 3 : i32
          %add3A_167 = arith.addi %add3A_20, %add3A_166 : i32
          %mul3A_168 = arith.constant 128 : i32
          %mul3A_169 = arith.muli %add3A_167, %mul3A_168 : i32
          %dma_start3A = tpu.memref_slice %arg4[%mul3A_169] : memref<51200xi32, #tpu.memory_space<hbm>> -> memref<128xi32, #tpu.memory_space<hbm>>
          %dma_start3A_170 = tpu.memref_slice %arg4[%mul3A_169] : memref<51200xi32, #tpu.memory_space<hbm>> -> memref<128xi32, #tpu.memory_space<hbm>>
          tpu.enqueue_dma source(%dma_start3A_170 : memref<128xi32, #tpu.memory_space<hbm>>) target(%arg11 : memref<128xi32, #tpu.memory_space<vmem>>) target_semaphore(%arg19 : memref<!tpu.dma_semaphore, #tpu.memory_space<semaphore_mem>>)
        } else {
        }
        %mul3A_57 = arith.constant 4 : i32
        %mul3A_58 = arith.muli %scan3A_14, %mul3A_57 : i32
        %add3A_59 = arith.constant 0 : i32
        %add3A_60 = arith.addi %mul3A_58, %add3A_59 : i32
        %lt3A_61 = arith.constant 25 : i32
        %lt3A_62 = arith.cmpi slt, %add3A_60, %lt3A_61 : i32
        %convert_element_type3A_63 = arith.extui %lt3A_62 : i1 to i32
        %cond3A_64 = arith.constant 0 : i32
        %cond3A_65 = arith.cmpi ne, %convert_element_type3A_63, %cond3A_64 : i32
        scf.if %cond3A_65 {
          %add3A_166 = arith.constant 0 : i32
          %add3A_167 = arith.addi %add3A_20, %add3A_166 : i32
          %mul3A_168 = arith.constant 128 : i32
          %mul3A_169 = arith.muli %add3A_167, %mul3A_168 : i32
          %dma_wait3A = tpu.memref_slice %arg4[%mul3A_169] : memref<51200xi32, #tpu.memory_space<hbm>> -> memref<128xi32, #tpu.memory_space<hbm>>
          %dma_wait3A_170 = tpu.memref_slice %arg4[%mul3A_169] : memref<51200xi32, #tpu.memory_space<hbm>> -> memref<128xi32, #tpu.memory_space<hbm>>
          tpu.wait_dma2 semaphore(%arg16 : memref<!tpu.dma_semaphore, #tpu.memory_space<semaphore_mem>>) src(%dma_wait3A_170 : memref<128xi32, #tpu.memory_space<hbm>>) dst(%arg8 : memref<128xi32, #tpu.memory_space<vmem>>)
          %dma_start3A = arith.constant 0 : i32
          %dma_start3A_171 = arith.constant 0 : i32
          %dma_start3A_172 = tpu.memref_slice %arg2[%dma_start3A, %dma_start3A_171] : memref<100000x128xf32, #tpu.memory_space<hbm>> -> memref<100000x128xf32, #tpu.memory_space<hbm>>
          tpu.enqueue_indirect_dma source(%dma_start3A_172 : memref<100000x128xf32, #tpu.memory_space<hbm>>) target(%arg12 : memref<128x128xf32, #tpu.memory_space<vmem>>) offsets(%arg8 : memref<128xi32, #tpu.memory_space<vmem>>) semaphore(%arg20 : memref<!tpu.dma_semaphore, #tpu.memory_space<semaphore_mem>>)
        } else {
        }
        %mul3A_66 = arith.constant 4 : i32
        %mul3A_67 = arith.muli %scan3A_14, %mul3A_66 : i32
        %add3A_68 = arith.constant 1 : i32
        %add3A_69 = arith.addi %mul3A_67, %add3A_68 : i32
        %lt3A_70 = arith.constant 25 : i32
        %lt3A_71 = arith.cmpi slt, %add3A_69, %lt3A_70 : i32
        %convert_element_type3A_72 = arith.extui %lt3A_71 : i1 to i32
        %cond3A_73 = arith.constant 0 : i32
        %cond3A_74 = arith.cmpi ne, %convert_element_type3A_72, %cond3A_73 : i32
        scf.if %cond3A_74 {
          %add3A_166 = arith.constant 1 : i32
          %add3A_167 = arith.addi %add3A_20, %add3A_166 : i32
          %mul3A_168 = arith.constant 128 : i32
          %mul3A_169 = arith.muli %add3A_167, %mul3A_168 : i32
          %dma_wait3A = tpu.memref_slice %arg4[%mul3A_169] : memref<51200xi32, #tpu.memory_space<hbm>> -> memref<128xi32, #tpu.memory_space<hbm>>
          %dma_wait3A_170 = tpu.memref_slice %arg4[%mul3A_169] : memref<51200xi32, #tpu.memory_space<hbm>> -> memref<128xi32, #tpu.memory_space<hbm>>
          tpu.wait_dma2 semaphore(%arg17 : memref<!tpu.dma_semaphore, #tpu.memory_space<semaphore_mem>>) src(%dma_wait3A_170 : memref<128xi32, #tpu.memory_space<hbm>>) dst(%arg9 : memref<128xi32, #tpu.memory_space<vmem>>)
          %dma_start3A = arith.constant 0 : i32
          %dma_start3A_171 = arith.constant 0 : i32
          %dma_start3A_172 = tpu.memref_slice %arg2[%dma_start3A, %dma_start3A_171] : memref<100000x128xf32, #tpu.memory_space<hbm>> -> memref<100000x128xf32, #tpu.memory_space<hbm>>
          tpu.enqueue_indirect_dma source(%dma_start3A_172 : memref<100000x128xf32, #tpu.memory_space<hbm>>) target(%arg13 : memref<128x128xf32, #tpu.memory_space<vmem>>) offsets(%arg9 : memref<128xi32, #tpu.memory_space<vmem>>) semaphore(%arg21 : memref<!tpu.dma_semaphore, #tpu.memory_space<semaphore_mem>>)
        } else {
        }
        %mul3A_75 = arith.constant 4 : i32
        %mul3A_76 = arith.muli %scan3A_14, %mul3A_75 : i32
        %add3A_77 = arith.constant 2 : i32
        %add3A_78 = arith.addi %mul3A_76, %add3A_77 : i32
        %lt3A_79 = arith.constant 25 : i32
        %lt3A_80 = arith.cmpi slt, %add3A_78, %lt3A_79 : i32
        %convert_element_type3A_81 = arith.extui %lt3A_80 : i1 to i32
        %cond3A_82 = arith.constant 0 : i32
        %cond3A_83 = arith.cmpi ne, %convert_element_type3A_81, %cond3A_82 : i32
        scf.if %cond3A_83 {
          %add3A_166 = arith.constant 2 : i32
          %add3A_167 = arith.addi %add3A_20, %add3A_166 : i32
          %mul3A_168 = arith.constant 128 : i32
          %mul3A_169 = arith.muli %add3A_167, %mul3A_168 : i32
          %dma_wait3A = tpu.memref_slice %arg4[%mul3A_169] : memref<51200xi32, #tpu.memory_space<hbm>> -> memref<128xi32, #tpu.memory_space<hbm>>
          %dma_wait3A_170 = tpu.memref_slice %arg4[%mul3A_169] : memref<51200xi32, #tpu.memory_space<hbm>> -> memref<128xi32, #tpu.memory_space<hbm>>
          tpu.wait_dma2 semaphore(%arg18 : memref<!tpu.dma_semaphore, #tpu.memory_space<semaphore_mem>>) src(%dma_wait3A_170 : memref<128xi32, #tpu.memory_space<hbm>>) dst(%arg10 : memref<128xi32, #tpu.memory_space<vmem>>)
          %dma_start3A = arith.constant 0 : i32
          %dma_start3A_171 = arith.constant 0 : i32
          %dma_start3A_172 = tpu.memref_slice %arg2[%dma_start3A, %dma_start3A_171] : memref<100000x128xf32, #tpu.memory_space<hbm>> -> memref<100000x128xf32, #tpu.memory_space<hbm>>
          tpu.enqueue_indirect_dma source(%dma_start3A_172 : memref<100000x128xf32, #tpu.memory_space<hbm>>) target(%arg14 : memref<128x128xf32, #tpu.memory_space<vmem>>) offsets(%arg10 : memref<128xi32, #tpu.memory_space<vmem>>) semaphore(%arg22 : memref<!tpu.dma_semaphore, #tpu.memory_space<semaphore_mem>>)
        } else {
        }
        %mul3A_84 = arith.constant 4 : i32
        %mul3A_85 = arith.muli %scan3A_14, %mul3A_84 : i32
        %add3A_86 = arith.constant 3 : i32
        %add3A_87 = arith.addi %mul3A_85, %add3A_86 : i32
        %lt3A_88 = arith.constant 25 : i32
        %lt3A_89 = arith.cmpi slt, %add3A_87, %lt3A_88 : i32
        %convert_element_type3A_90 = arith.extui %lt3A_89 : i1 to i32
        %cond3A_91 = arith.constant 0 : i32
        %cond3A_92 = arith.cmpi ne, %convert_element_type3A_90, %cond3A_91 : i32
        scf.if %cond3A_92 {
          %add3A_166 = arith.constant 3 : i32
          %add3A_167 = arith.addi %add3A_20, %add3A_166 : i32
          %mul3A_168 = arith.constant 128 : i32
          %mul3A_169 = arith.muli %add3A_167, %mul3A_168 : i32
          %dma_wait3A = tpu.memref_slice %arg4[%mul3A_169] : memref<51200xi32, #tpu.memory_space<hbm>> -> memref<128xi32, #tpu.memory_space<hbm>>
          %dma_wait3A_170 = tpu.memref_slice %arg4[%mul3A_169] : memref<51200xi32, #tpu.memory_space<hbm>> -> memref<128xi32, #tpu.memory_space<hbm>>
          tpu.wait_dma2 semaphore(%arg19 : memref<!tpu.dma_semaphore, #tpu.memory_space<semaphore_mem>>) src(%dma_wait3A_170 : memref<128xi32, #tpu.memory_space<hbm>>) dst(%arg11 : memref<128xi32, #tpu.memory_space<vmem>>)
          %dma_start3A = arith.constant 0 : i32
          %dma_start3A_171 = arith.constant 0 : i32
          %dma_start3A_172 = tpu.memref_slice %arg2[%dma_start3A, %dma_start3A_171] : memref<100000x128xf32, #tpu.memory_space<hbm>> -> memref<100000x128xf32, #tpu.memory_space<hbm>>
          tpu.enqueue_indirect_dma source(%dma_start3A_172 : memref<100000x128xf32, #tpu.memory_space<hbm>>) target(%arg15 : memref<128x128xf32, #tpu.memory_space<vmem>>) offsets(%arg11 : memref<128xi32, #tpu.memory_space<vmem>>) semaphore(%arg23 : memref<!tpu.dma_semaphore, #tpu.memory_space<semaphore_mem>>)
        } else {
        }
        %mul3A_93 = arith.constant 4 : i32
        %mul3A_94 = arith.muli %scan3A_14, %mul3A_93 : i32
        %add3A_95 = arith.constant 0 : i32
        %add3A_96 = arith.addi %mul3A_94, %add3A_95 : i32
        %lt3A_97 = arith.constant 25 : i32
        %lt3A_98 = arith.cmpi slt, %add3A_96, %lt3A_97 : i32
        %convert_element_type3A_99 = arith.extui %lt3A_98 : i1 to i32
        %cond3A_100 = arith.constant 0 : i32
        %cond3A_101 = arith.cmpi ne, %convert_element_type3A_99, %cond3A_100 : i32
        scf.if %cond3A_101 {
          %dma_wait3A = arith.constant 0 : i32
          %dma_wait3A_166 = arith.constant 0 : i32
          %dma_wait3A_167 = tpu.memref_slice %arg2[%dma_wait3A, %dma_wait3A_166] : memref<100000x128xf32, #tpu.memory_space<hbm>> -> memref<100000x128xf32, #tpu.memory_space<hbm>>
          tpu.wait_indirect_dma semaphore(%arg20 : memref<!tpu.dma_semaphore, #tpu.memory_space<semaphore_mem>>) src(%dma_wait3A_167 : memref<100000x128xf32, #tpu.memory_space<hbm>>) dst(%arg12 : memref<128x128xf32, #tpu.memory_space<vmem>>)
          %add3A_168 = arith.constant 0 : i32
          %add3A_169 = arith.addi %add3A_20, %add3A_168 : i32
          %mul3A_170 = arith.constant 128 : i32
          %mul3A_171 = arith.muli %add3A_169, %mul3A_170 : i32
          %dma_start3A = arith.constant 0 : i32
          %dma_start3A_172 = tpu.memref_slice %arg6[%mul3A_171, %dma_start3A] : memref<51200x128xf32, #tpu.memory_space<hbm>> -> memref<128x128xf32, #tpu.memory_space<hbm>>
          %dma_start3A_173 = arith.constant 0 : i32
          %dma_start3A_174 = tpu.memref_slice %arg6[%mul3A_171, %dma_start3A_173] : memref<51200x128xf32, #tpu.memory_space<hbm>> -> memref<128x128xf32, #tpu.memory_space<hbm>>
          tpu.enqueue_dma source(%arg12 : memref<128x128xf32, #tpu.memory_space<vmem>>) target(%dma_start3A_174 : memref<128x128xf32, #tpu.memory_space<hbm>>) target_semaphore(%arg24 : memref<!tpu.dma_semaphore, #tpu.memory_space<semaphore_mem>>)
        } else {
        }
        %mul3A_102 = arith.constant 4 : i32
        %mul3A_103 = arith.muli %scan3A_14, %mul3A_102 : i32
        %add3A_104 = arith.constant 1 : i32
        %add3A_105 = arith.addi %mul3A_103, %add3A_104 : i32
        %lt3A_106 = arith.constant 25 : i32
        %lt3A_107 = arith.cmpi slt, %add3A_105, %lt3A_106 : i32
        %convert_element_type3A_108 = arith.extui %lt3A_107 : i1 to i32
        %cond3A_109 = arith.constant 0 : i32
        %cond3A_110 = arith.cmpi ne, %convert_element_type3A_108, %cond3A_109 : i32
        scf.if %cond3A_110 {
          %dma_wait3A = arith.constant 0 : i32
          %dma_wait3A_166 = arith.constant 0 : i32
          %dma_wait3A_167 = tpu.memref_slice %arg2[%dma_wait3A, %dma_wait3A_166] : memref<100000x128xf32, #tpu.memory_space<hbm>> -> memref<100000x128xf32, #tpu.memory_space<hbm>>
          tpu.wait_indirect_dma semaphore(%arg21 : memref<!tpu.dma_semaphore, #tpu.memory_space<semaphore_mem>>) src(%dma_wait3A_167 : memref<100000x128xf32, #tpu.memory_space<hbm>>) dst(%arg13 : memref<128x128xf32, #tpu.memory_space<vmem>>)
          %add3A_168 = arith.constant 1 : i32
          %add3A_169 = arith.addi %add3A_20, %add3A_168 : i32
          %mul3A_170 = arith.constant 128 : i32
          %mul3A_171 = arith.muli %add3A_169, %mul3A_170 : i32
          %dma_start3A = arith.constant 0 : i32
          %dma_start3A_172 = tpu.memref_slice %arg6[%mul3A_171, %dma_start3A] : memref<51200x128xf32, #tpu.memory_space<hbm>> -> memref<128x128xf32, #tpu.memory_space<hbm>>
          %dma_start3A_173 = arith.constant 0 : i32
          %dma_start3A_174 = tpu.memref_slice %arg6[%mul3A_171, %dma_start3A_173] : memref<51200x128xf32, #tpu.memory_space<hbm>> -> memref<128x128xf32, #tpu.memory_space<hbm>>
          tpu.enqueue_dma source(%arg13 : memref<128x128xf32, #tpu.memory_space<vmem>>) target(%dma_start3A_174 : memref<128x128xf32, #tpu.memory_space<hbm>>) target_semaphore(%arg25 : memref<!tpu.dma_semaphore, #tpu.memory_space<semaphore_mem>>)
        } else {
        }
        %mul3A_111 = arith.constant 4 : i32
        %mul3A_112 = arith.muli %scan3A_14, %mul3A_111 : i32
        %add3A_113 = arith.constant 2 : i32
        %add3A_114 = arith.addi %mul3A_112, %add3A_113 : i32
        %lt3A_115 = arith.constant 25 : i32
        %lt3A_116 = arith.cmpi slt, %add3A_114, %lt3A_115 : i32
        %convert_element_type3A_117 = arith.extui %lt3A_116 : i1 to i32
        %cond3A_118 = arith.constant 0 : i32
        %cond3A_119 = arith.cmpi ne, %convert_element_type3A_117, %cond3A_118 : i32
        scf.if %cond3A_119 {
          %dma_wait3A = arith.constant 0 : i32
          %dma_wait3A_166 = arith.constant 0 : i32
          %dma_wait3A_167 = tpu.memref_slice %arg2[%dma_wait3A, %dma_wait3A_166] : memref<100000x128xf32, #tpu.memory_space<hbm>> -> memref<100000x128xf32, #tpu.memory_space<hbm>>
          tpu.wait_indirect_dma semaphore(%arg22 : memref<!tpu.dma_semaphore, #tpu.memory_space<semaphore_mem>>) src(%dma_wait3A_167 : memref<100000x128xf32, #tpu.memory_space<hbm>>) dst(%arg14 : memref<128x128xf32, #tpu.memory_space<vmem>>)
          %add3A_168 = arith.constant 2 : i32
          %add3A_169 = arith.addi %add3A_20, %add3A_168 : i32
          %mul3A_170 = arith.constant 128 : i32
          %mul3A_171 = arith.muli %add3A_169, %mul3A_170 : i32
          %dma_start3A = arith.constant 0 : i32
          %dma_start3A_172 = tpu.memref_slice %arg6[%mul3A_171, %dma_start3A] : memref<51200x128xf32, #tpu.memory_space<hbm>> -> memref<128x128xf32, #tpu.memory_space<hbm>>
          %dma_start3A_173 = arith.constant 0 : i32
          %dma_start3A_174 = tpu.memref_slice %arg6[%mul3A_171, %dma_start3A_173] : memref<51200x128xf32, #tpu.memory_space<hbm>> -> memref<128x128xf32, #tpu.memory_space<hbm>>
          tpu.enqueue_dma source(%arg14 : memref<128x128xf32, #tpu.memory_space<vmem>>) target(%dma_start3A_174 : memref<128x128xf32, #tpu.memory_space<hbm>>) target_semaphore(%arg26 : memref<!tpu.dma_semaphore, #tpu.memory_space<semaphore_mem>>)
        } else {
        }
        %mul3A_120 = arith.constant 4 : i32
        %mul3A_121 = arith.muli %scan3A_14, %mul3A_120 : i32
        %add3A_122 = arith.constant 3 : i32
        %add3A_123 = arith.addi %mul3A_121, %add3A_122 : i32
        %lt3A_124 = arith.constant 25 : i32
        %lt3A_125 = arith.cmpi slt, %add3A_123, %lt3A_124 : i32
        %convert_element_type3A_126 = arith.extui %lt3A_125 : i1 to i32
        %cond3A_127 = arith.constant 0 : i32
        %cond3A_128 = arith.cmpi ne, %convert_element_type3A_126, %cond3A_127 : i32
        scf.if %cond3A_128 {
          %dma_wait3A = arith.constant 0 : i32
          %dma_wait3A_166 = arith.constant 0 : i32
          %dma_wait3A_167 = tpu.memref_slice %arg2[%dma_wait3A, %dma_wait3A_166] : memref<100000x128xf32, #tpu.memory_space<hbm>> -> memref<100000x128xf32, #tpu.memory_space<hbm>>
          tpu.wait_indirect_dma semaphore(%arg23 : memref<!tpu.dma_semaphore, #tpu.memory_space<semaphore_mem>>) src(%dma_wait3A_167 : memref<100000x128xf32, #tpu.memory_space<hbm>>) dst(%arg15 : memref<128x128xf32, #tpu.memory_space<vmem>>)
          %add3A_168 = arith.constant 3 : i32
          %add3A_169 = arith.addi %add3A_20, %add3A_168 : i32
          %mul3A_170 = arith.constant 128 : i32
          %mul3A_171 = arith.muli %add3A_169, %mul3A_170 : i32
          %dma_start3A = arith.constant 0 : i32
          %dma_start3A_172 = tpu.memref_slice %arg6[%mul3A_171, %dma_start3A] : memref<51200x128xf32, #tpu.memory_space<hbm>> -> memref<128x128xf32, #tpu.memory_space<hbm>>
          %dma_start3A_173 = arith.constant 0 : i32
          %dma_start3A_174 = tpu.memref_slice %arg6[%mul3A_171, %dma_start3A_173] : memref<51200x128xf32, #tpu.memory_space<hbm>> -> memref<128x128xf32, #tpu.memory_space<hbm>>
          tpu.enqueue_dma source(%arg15 : memref<128x128xf32, #tpu.memory_space<vmem>>) target(%dma_start3A_174 : memref<128x128xf32, #tpu.memory_space<hbm>>) target_semaphore(%arg27 : memref<!tpu.dma_semaphore, #tpu.memory_space<semaphore_mem>>)
        } else {
        }
        %mul3A_129 = arith.constant 4 : i32
        %mul3A_130 = arith.muli %scan3A_14, %mul3A_129 : i32
        %add3A_131 = arith.constant 0 : i32
        %add3A_132 = arith.addi %mul3A_130, %add3A_131 : i32
        %lt3A_133 = arith.constant 25 : i32
        %lt3A_134 = arith.cmpi slt, %add3A_132, %lt3A_133 : i32
        %convert_element_type3A_135 = arith.extui %lt3A_134 : i1 to i32
        %cond3A_136 = arith.constant 0 : i32
        %cond3A_137 = arith.cmpi ne, %convert_element_type3A_135, %cond3A_136 : i32
        scf.if %cond3A_137 {
          %add3A_166 = arith.constant 0 : i32
          %add3A_167 = arith.addi %add3A_20, %add3A_166 : i32
          %mul3A_168 = arith.constant 128 : i32
          %mul3A_169 = arith.muli %add3A_167, %mul3A_168 : i32
          %dma_wait3A = arith.constant 0 : i32
          %dma_wait3A_170 = tpu.memref_slice %arg6[%mul3A_169, %dma_wait3A] : memref<51200x128xf32, #tpu.memory_space<hbm>> -> memref<128x128xf32, #tpu.memory_space<hbm>>
          %dma_wait3A_171 = arith.constant 0 : i32
          %dma_wait3A_172 = tpu.memref_slice %arg6[%mul3A_169, %dma_wait3A_171] : memref<51200x128xf32, #tpu.memory_space<hbm>> -> memref<128x128xf32, #tpu.memory_space<hbm>>
          tpu.wait_dma2 semaphore(%arg24 : memref<!tpu.dma_semaphore, #tpu.memory_space<semaphore_mem>>) src(%arg12 : memref<128x128xf32, #tpu.memory_space<vmem>>) dst(%dma_wait3A_172 : memref<128x128xf32, #tpu.memory_space<hbm>>)
        } else {
        }
        %mul3A_138 = arith.constant 4 : i32
        %mul3A_139 = arith.muli %scan3A_14, %mul3A_138 : i32
        %add3A_140 = arith.constant 1 : i32
        %add3A_141 = arith.addi %mul3A_139, %add3A_140 : i32
        %lt3A_142 = arith.constant 25 : i32
        %lt3A_143 = arith.cmpi slt, %add3A_141, %lt3A_142 : i32
        %convert_element_type3A_144 = arith.extui %lt3A_143 : i1 to i32
        %cond3A_145 = arith.constant 0 : i32
        %cond3A_146 = arith.cmpi ne, %convert_element_type3A_144, %cond3A_145 : i32
        scf.if %cond3A_146 {
          %add3A_166 = arith.constant 1 : i32
          %add3A_167 = arith.addi %add3A_20, %add3A_166 : i32
          %mul3A_168 = arith.constant 128 : i32
          %mul3A_169 = arith.muli %add3A_167, %mul3A_168 : i32
          %dma_wait3A = arith.constant 0 : i32
          %dma_wait3A_170 = tpu.memref_slice %arg6[%mul3A_169, %dma_wait3A] : memref<51200x128xf32, #tpu.memory_space<hbm>> -> memref<128x128xf32, #tpu.memory_space<hbm>>
          %dma_wait3A_171 = arith.constant 0 : i32
          %dma_wait3A_172 = tpu.memref_slice %arg6[%mul3A_169, %dma_wait3A_171] : memref<51200x128xf32, #tpu.memory_space<hbm>> -> memref<128x128xf32, #tpu.memory_space<hbm>>
          tpu.wait_dma2 semaphore(%arg25 : memref<!tpu.dma_semaphore, #tpu.memory_space<semaphore_mem>>) src(%arg13 : memref<128x128xf32, #tpu.memory_space<vmem>>) dst(%dma_wait3A_172 : memref<128x128xf32, #tpu.memory_space<hbm>>)
        } else {
        }
        %mul3A_147 = arith.constant 4 : i32
        %mul3A_148 = arith.muli %scan3A_14, %mul3A_147 : i32
        %add3A_149 = arith.constant 2 : i32
        %add3A_150 = arith.addi %mul3A_148, %add3A_149 : i32
        %lt3A_151 = arith.constant 25 : i32
        %lt3A_152 = arith.cmpi slt, %add3A_150, %lt3A_151 : i32
        %convert_element_type3A_153 = arith.extui %lt3A_152 : i1 to i32
        %cond3A_154 = arith.constant 0 : i32
        %cond3A_155 = arith.cmpi ne, %convert_element_type3A_153, %cond3A_154 : i32
        scf.if %cond3A_155 {
          %add3A_166 = arith.constant 2 : i32
          %add3A_167 = arith.addi %add3A_20, %add3A_166 : i32
          %mul3A_168 = arith.constant 128 : i32
          %mul3A_169 = arith.muli %add3A_167, %mul3A_168 : i32
          %dma_wait3A = arith.constant 0 : i32
          %dma_wait3A_170 = tpu.memref_slice %arg6[%mul3A_169, %dma_wait3A] : memref<51200x128xf32, #tpu.memory_space<hbm>> -> memref<128x128xf32, #tpu.memory_space<hbm>>
          %dma_wait3A_171 = arith.constant 0 : i32
          %dma_wait3A_172 = tpu.memref_slice %arg6[%mul3A_169, %dma_wait3A_171] : memref<51200x128xf32, #tpu.memory_space<hbm>> -> memref<128x128xf32, #tpu.memory_space<hbm>>
          tpu.wait_dma2 semaphore(%arg26 : memref<!tpu.dma_semaphore, #tpu.memory_space<semaphore_mem>>) src(%arg14 : memref<128x128xf32, #tpu.memory_space<vmem>>) dst(%dma_wait3A_172 : memref<128x128xf32, #tpu.memory_space<hbm>>)
        } else {
        }
        %mul3A_156 = arith.constant 4 : i32
        %mul3A_157 = arith.muli %scan3A_14, %mul3A_156 : i32
        %add3A_158 = arith.constant 3 : i32
        %add3A_159 = arith.addi %mul3A_157, %add3A_158 : i32
        %lt3A_160 = arith.constant 25 : i32
        %lt3A_161 = arith.cmpi slt, %add3A_159, %lt3A_160 : i32
        %convert_element_type3A_162 = arith.extui %lt3A_161 : i1 to i32
        %cond3A_163 = arith.constant 0 : i32
        %cond3A_164 = arith.cmpi ne, %convert_element_type3A_162, %cond3A_163 : i32
        scf.if %cond3A_164 {
          %add3A_166 = arith.constant 3 : i32
          %add3A_167 = arith.addi %add3A_20, %add3A_166 : i32
          %mul3A_168 = arith.constant 128 : i32
          %mul3A_169 = arith.muli %add3A_167, %mul3A_168 : i32
          %dma_wait3A = arith.constant 0 : i32
          %dma_wait3A_170 = tpu.memref_slice %arg6[%mul3A_169, %dma_wait3A] : memref<51200x128xf32, #tpu.memory_space<hbm>> -> memref<128x128xf32, #tpu.memory_space<hbm>>
          %dma_wait3A_171 = arith.constant 0 : i32
          %dma_wait3A_172 = tpu.memref_slice %arg6[%mul3A_169, %dma_wait3A_171] : memref<51200x128xf32, #tpu.memory_space<hbm>> -> memref<128x128xf32, #tpu.memory_space<hbm>>
          tpu.wait_dma2 semaphore(%arg27 : memref<!tpu.dma_semaphore, #tpu.memory_space<semaphore_mem>>) src(%arg15 : memref<128x128xf32, #tpu.memory_space<vmem>>) dst(%dma_wait3A_172 : memref<128x128xf32, #tpu.memory_space<hbm>>)
        } else {
        }
        %scan3A_165 = arith.constant 0 : i32
        scf.yield %scan3A_165 : i32
      }
      %scan3A_13 = arith.constant 7 : i32
    } else {
    }
    %not3A = arith.constant true
    %not3A_4 = arith.xori %lt3A_2, %not3A : i1
    %convert_element_type3A_5 = arith.extui %not3A_4 : i1 to i32
    %cond3A_6 = arith.constant 0 : i32
    %cond3A_7 = arith.cmpi ne, %convert_element_type3A_5, %cond3A_6 : i32
    scf.if %cond3A_7 {
      %scan3A = arith.constant 0 : i32
      %scan3A_8 = arith.constant 0 : i32
      %scan3A_9 = arith.constant 7 : i32
      %scan3A_10 = arith.addi %scan3A_8, %scan3A_9 : i32
      %scan3A_11 = arith.constant 1 : i32
      %scan3A_12 = scf.for %scan3A_14 = %scan3A_8 to %scan3A_10 step %scan3A_11 iter_args(%scan3A_15 = %scan3A) -> (i32)  : i32 {
        %mul3A_16 = arith.constant 25 : i32
        %mul3A_17 = arith.muli %rem3A_1, %mul3A_16 : i32
        %mul3A_18 = arith.constant 4 : i32
        %mul3A_19 = arith.muli %scan3A_14, %mul3A_18 : i32
        %add3A_20 = arith.addi %mul3A_17, %mul3A_19 : i32
        %mul3A_21 = arith.constant 4 : i32
        %mul3A_22 = arith.muli %scan3A_14, %mul3A_21 : i32
        %add3A_23 = arith.constant 0 : i32
        %add3A_24 = arith.addi %mul3A_22, %add3A_23 : i32
        %lt3A_25 = arith.constant 25 : i32
        %lt3A_26 = arith.cmpi slt, %add3A_24, %lt3A_25 : i32
        %convert_element_type3A_27 = arith.extui %lt3A_26 : i1 to i32
        %cond3A_28 = arith.constant 0 : i32
        %cond3A_29 = arith.cmpi ne, %convert_element_type3A_27, %cond3A_28 : i32
        scf.if %cond3A_29 {
          %add3A_166 = arith.constant 0 : i32
          %add3A_167 = arith.addi %add3A_20, %add3A_166 : i32
          %mul3A_168 = arith.constant 128 : i32
          %mul3A_169 = arith.muli %add3A_167, %mul3A_168 : i32
          %dma_start3A = tpu.memref_slice %arg5[%mul3A_169] : memref<51200xi32, #tpu.memory_space<hbm>> -> memref<128xi32, #tpu.memory_space<hbm>>
          %dma_start3A_170 = tpu.memref_slice %arg5[%mul3A_169] : memref<51200xi32, #tpu.memory_space<hbm>> -> memref<128xi32, #tpu.memory_space<hbm>>
          tpu.enqueue_dma source(%dma_start3A_170 : memref<128xi32, #tpu.memory_space<hbm>>) target(%arg8 : memref<128xi32, #tpu.memory_space<vmem>>) target_semaphore(%arg16 : memref<!tpu.dma_semaphore, #tpu.memory_space<semaphore_mem>>)
        } else {
        }
        %mul3A_30 = arith.constant 4 : i32
        %mul3A_31 = arith.muli %scan3A_14, %mul3A_30 : i32
        %add3A_32 = arith.constant 1 : i32
        %add3A_33 = arith.addi %mul3A_31, %add3A_32 : i32
        %lt3A_34 = arith.constant 25 : i32
        %lt3A_35 = arith.cmpi slt, %add3A_33, %lt3A_34 : i32
        %convert_element_type3A_36 = arith.extui %lt3A_35 : i1 to i32
        %cond3A_37 = arith.constant 0 : i32
        %cond3A_38 = arith.cmpi ne, %convert_element_type3A_36, %cond3A_37 : i32
        scf.if %cond3A_38 {
          %add3A_166 = arith.constant 1 : i32
          %add3A_167 = arith.addi %add3A_20, %add3A_166 : i32
          %mul3A_168 = arith.constant 128 : i32
          %mul3A_169 = arith.muli %add3A_167, %mul3A_168 : i32
          %dma_start3A = tpu.memref_slice %arg5[%mul3A_169] : memref<51200xi32, #tpu.memory_space<hbm>> -> memref<128xi32, #tpu.memory_space<hbm>>
          %dma_start3A_170 = tpu.memref_slice %arg5[%mul3A_169] : memref<51200xi32, #tpu.memory_space<hbm>> -> memref<128xi32, #tpu.memory_space<hbm>>
          tpu.enqueue_dma source(%dma_start3A_170 : memref<128xi32, #tpu.memory_space<hbm>>) target(%arg9 : memref<128xi32, #tpu.memory_space<vmem>>) target_semaphore(%arg17 : memref<!tpu.dma_semaphore, #tpu.memory_space<semaphore_mem>>)
        } else {
        }
        %mul3A_39 = arith.constant 4 : i32
        %mul3A_40 = arith.muli %scan3A_14, %mul3A_39 : i32
        %add3A_41 = arith.constant 2 : i32
        %add3A_42 = arith.addi %mul3A_40, %add3A_41 : i32
        %lt3A_43 = arith.constant 25 : i32
        %lt3A_44 = arith.cmpi slt, %add3A_42, %lt3A_43 : i32
        %convert_element_type3A_45 = arith.extui %lt3A_44 : i1 to i32
        %cond3A_46 = arith.constant 0 : i32
        %cond3A_47 = arith.cmpi ne, %convert_element_type3A_45, %cond3A_46 : i32
        scf.if %cond3A_47 {
          %add3A_166 = arith.constant 2 : i32
          %add3A_167 = arith.addi %add3A_20, %add3A_166 : i32
          %mul3A_168 = arith.constant 128 : i32
          %mul3A_169 = arith.muli %add3A_167, %mul3A_168 : i32
          %dma_start3A = tpu.memref_slice %arg5[%mul3A_169] : memref<51200xi32, #tpu.memory_space<hbm>> -> memref<128xi32, #tpu.memory_space<hbm>>
          %dma_start3A_170 = tpu.memref_slice %arg5[%mul3A_169] : memref<51200xi32, #tpu.memory_space<hbm>> -> memref<128xi32, #tpu.memory_space<hbm>>
          tpu.enqueue_dma source(%dma_start3A_170 : memref<128xi32, #tpu.memory_space<hbm>>) target(%arg10 : memref<128xi32, #tpu.memory_space<vmem>>) target_semaphore(%arg18 : memref<!tpu.dma_semaphore, #tpu.memory_space<semaphore_mem>>)
        } else {
        }
        %mul3A_48 = arith.constant 4 : i32
        %mul3A_49 = arith.muli %scan3A_14, %mul3A_48 : i32
        %add3A_50 = arith.constant 3 : i32
        %add3A_51 = arith.addi %mul3A_49, %add3A_50 : i32
        %lt3A_52 = arith.constant 25 : i32
        %lt3A_53 = arith.cmpi slt, %add3A_51, %lt3A_52 : i32
        %convert_element_type3A_54 = arith.extui %lt3A_53 : i1 to i32
        %cond3A_55 = arith.constant 0 : i32
        %cond3A_56 = arith.cmpi ne, %convert_element_type3A_54, %cond3A_55 : i32
        scf.if %cond3A_56 {
          %add3A_166 = arith.constant 3 : i32
          %add3A_167 = arith.addi %add3A_20, %add3A_166 : i32
          %mul3A_168 = arith.constant 128 : i32
          %mul3A_169 = arith.muli %add3A_167, %mul3A_168 : i32
          %dma_start3A = tpu.memref_slice %arg5[%mul3A_169] : memref<51200xi32, #tpu.memory_space<hbm>> -> memref<128xi32, #tpu.memory_space<hbm>>
          %dma_start3A_170 = tpu.memref_slice %arg5[%mul3A_169] : memref<51200xi32, #tpu.memory_space<hbm>> -> memref<128xi32, #tpu.memory_space<hbm>>
          tpu.enqueue_dma source(%dma_start3A_170 : memref<128xi32, #tpu.memory_space<hbm>>) target(%arg11 : memref<128xi32, #tpu.memory_space<vmem>>) target_semaphore(%arg19 : memref<!tpu.dma_semaphore, #tpu.memory_space<semaphore_mem>>)
        } else {
        }
        %mul3A_57 = arith.constant 4 : i32
        %mul3A_58 = arith.muli %scan3A_14, %mul3A_57 : i32
        %add3A_59 = arith.constant 0 : i32
        %add3A_60 = arith.addi %mul3A_58, %add3A_59 : i32
        %lt3A_61 = arith.constant 25 : i32
        %lt3A_62 = arith.cmpi slt, %add3A_60, %lt3A_61 : i32
        %convert_element_type3A_63 = arith.extui %lt3A_62 : i1 to i32
        %cond3A_64 = arith.constant 0 : i32
        %cond3A_65 = arith.cmpi ne, %convert_element_type3A_63, %cond3A_64 : i32
        scf.if %cond3A_65 {
          %add3A_166 = arith.constant 0 : i32
          %add3A_167 = arith.addi %add3A_20, %add3A_166 : i32
          %mul3A_168 = arith.constant 128 : i32
          %mul3A_169 = arith.muli %add3A_167, %mul3A_168 : i32
          %dma_wait3A = tpu.memref_slice %arg5[%mul3A_169] : memref<51200xi32, #tpu.memory_space<hbm>> -> memref<128xi32, #tpu.memory_space<hbm>>
          %dma_wait3A_170 = tpu.memref_slice %arg5[%mul3A_169] : memref<51200xi32, #tpu.memory_space<hbm>> -> memref<128xi32, #tpu.memory_space<hbm>>
          tpu.wait_dma2 semaphore(%arg16 : memref<!tpu.dma_semaphore, #tpu.memory_space<semaphore_mem>>) src(%dma_wait3A_170 : memref<128xi32, #tpu.memory_space<hbm>>) dst(%arg8 : memref<128xi32, #tpu.memory_space<vmem>>)
          %dma_start3A = arith.constant 0 : i32
          %dma_start3A_171 = arith.constant 0 : i32
          %dma_start3A_172 = tpu.memref_slice %arg3[%dma_start3A, %dma_start3A_171] : memref<100000x128xf32, #tpu.memory_space<hbm>> -> memref<100000x128xf32, #tpu.memory_space<hbm>>
          tpu.enqueue_indirect_dma source(%dma_start3A_172 : memref<100000x128xf32, #tpu.memory_space<hbm>>) target(%arg12 : memref<128x128xf32, #tpu.memory_space<vmem>>) offsets(%arg8 : memref<128xi32, #tpu.memory_space<vmem>>) semaphore(%arg20 : memref<!tpu.dma_semaphore, #tpu.memory_space<semaphore_mem>>)
        } else {
        }
        %mul3A_66 = arith.constant 4 : i32
        %mul3A_67 = arith.muli %scan3A_14, %mul3A_66 : i32
        %add3A_68 = arith.constant 1 : i32
        %add3A_69 = arith.addi %mul3A_67, %add3A_68 : i32
        %lt3A_70 = arith.constant 25 : i32
        %lt3A_71 = arith.cmpi slt, %add3A_69, %lt3A_70 : i32
        %convert_element_type3A_72 = arith.extui %lt3A_71 : i1 to i32
        %cond3A_73 = arith.constant 0 : i32
        %cond3A_74 = arith.cmpi ne, %convert_element_type3A_72, %cond3A_73 : i32
        scf.if %cond3A_74 {
          %add3A_166 = arith.constant 1 : i32
          %add3A_167 = arith.addi %add3A_20, %add3A_166 : i32
          %mul3A_168 = arith.constant 128 : i32
          %mul3A_169 = arith.muli %add3A_167, %mul3A_168 : i32
          %dma_wait3A = tpu.memref_slice %arg5[%mul3A_169] : memref<51200xi32, #tpu.memory_space<hbm>> -> memref<128xi32, #tpu.memory_space<hbm>>
          %dma_wait3A_170 = tpu.memref_slice %arg5[%mul3A_169] : memref<51200xi32, #tpu.memory_space<hbm>> -> memref<128xi32, #tpu.memory_space<hbm>>
          tpu.wait_dma2 semaphore(%arg17 : memref<!tpu.dma_semaphore, #tpu.memory_space<semaphore_mem>>) src(%dma_wait3A_170 : memref<128xi32, #tpu.memory_space<hbm>>) dst(%arg9 : memref<128xi32, #tpu.memory_space<vmem>>)
          %dma_start3A = arith.constant 0 : i32
          %dma_start3A_171 = arith.constant 0 : i32
          %dma_start3A_172 = tpu.memref_slice %arg3[%dma_start3A, %dma_start3A_171] : memref<100000x128xf32, #tpu.memory_space<hbm>> -> memref<100000x128xf32, #tpu.memory_space<hbm>>
          tpu.enqueue_indirect_dma source(%dma_start3A_172 : memref<100000x128xf32, #tpu.memory_space<hbm>>) target(%arg13 : memref<128x128xf32, #tpu.memory_space<vmem>>) offsets(%arg9 : memref<128xi32, #tpu.memory_space<vmem>>) semaphore(%arg21 : memref<!tpu.dma_semaphore, #tpu.memory_space<semaphore_mem>>)
        } else {
        }
        %mul3A_75 = arith.constant 4 : i32
        %mul3A_76 = arith.muli %scan3A_14, %mul3A_75 : i32
        %add3A_77 = arith.constant 2 : i32
        %add3A_78 = arith.addi %mul3A_76, %add3A_77 : i32
        %lt3A_79 = arith.constant 25 : i32
        %lt3A_80 = arith.cmpi slt, %add3A_78, %lt3A_79 : i32
        %convert_element_type3A_81 = arith.extui %lt3A_80 : i1 to i32
        %cond3A_82 = arith.constant 0 : i32
        %cond3A_83 = arith.cmpi ne, %convert_element_type3A_81, %cond3A_82 : i32
        scf.if %cond3A_83 {
          %add3A_166 = arith.constant 2 : i32
          %add3A_167 = arith.addi %add3A_20, %add3A_166 : i32
          %mul3A_168 = arith.constant 128 : i32
          %mul3A_169 = arith.muli %add3A_167, %mul3A_168 : i32
          %dma_wait3A = tpu.memref_slice %arg5[%mul3A_169] : memref<51200xi32, #tpu.memory_space<hbm>> -> memref<128xi32, #tpu.memory_space<hbm>>
          %dma_wait3A_170 = tpu.memref_slice %arg5[%mul3A_169] : memref<51200xi32, #tpu.memory_space<hbm>> -> memref<128xi32, #tpu.memory_space<hbm>>
          tpu.wait_dma2 semaphore(%arg18 : memref<!tpu.dma_semaphore, #tpu.memory_space<semaphore_mem>>) src(%dma_wait3A_170 : memref<128xi32, #tpu.memory_space<hbm>>) dst(%arg10 : memref<128xi32, #tpu.memory_space<vmem>>)
          %dma_start3A = arith.constant 0 : i32
          %dma_start3A_171 = arith.constant 0 : i32
          %dma_start3A_172 = tpu.memref_slice %arg3[%dma_start3A, %dma_start3A_171] : memref<100000x128xf32, #tpu.memory_space<hbm>> -> memref<100000x128xf32, #tpu.memory_space<hbm>>
          tpu.enqueue_indirect_dma source(%dma_start3A_172 : memref<100000x128xf32, #tpu.memory_space<hbm>>) target(%arg14 : memref<128x128xf32, #tpu.memory_space<vmem>>) offsets(%arg10 : memref<128xi32, #tpu.memory_space<vmem>>) semaphore(%arg22 : memref<!tpu.dma_semaphore, #tpu.memory_space<semaphore_mem>>)
        } else {
        }
        %mul3A_84 = arith.constant 4 : i32
        %mul3A_85 = arith.muli %scan3A_14, %mul3A_84 : i32
        %add3A_86 = arith.constant 3 : i32
        %add3A_87 = arith.addi %mul3A_85, %add3A_86 : i32
        %lt3A_88 = arith.constant 25 : i32
        %lt3A_89 = arith.cmpi slt, %add3A_87, %lt3A_88 : i32
        %convert_element_type3A_90 = arith.extui %lt3A_89 : i1 to i32
        %cond3A_91 = arith.constant 0 : i32
        %cond3A_92 = arith.cmpi ne, %convert_element_type3A_90, %cond3A_91 : i32
        scf.if %cond3A_92 {
          %add3A_166 = arith.constant 3 : i32
          %add3A_167 = arith.addi %add3A_20, %add3A_166 : i32
          %mul3A_168 = arith.constant 128 : i32
          %mul3A_169 = arith.muli %add3A_167, %mul3A_168 : i32
          %dma_wait3A = tpu.memref_slice %arg5[%mul3A_169] : memref<51200xi32, #tpu.memory_space<hbm>> -> memref<128xi32, #tpu.memory_space<hbm>>
          %dma_wait3A_170 = tpu.memref_slice %arg5[%mul3A_169] : memref<51200xi32, #tpu.memory_space<hbm>> -> memref<128xi32, #tpu.memory_space<hbm>>
          tpu.wait_dma2 semaphore(%arg19 : memref<!tpu.dma_semaphore, #tpu.memory_space<semaphore_mem>>) src(%dma_wait3A_170 : memref<128xi32, #tpu.memory_space<hbm>>) dst(%arg11 : memref<128xi32, #tpu.memory_space<vmem>>)
          %dma_start3A = arith.constant 0 : i32
          %dma_start3A_171 = arith.constant 0 : i32
          %dma_start3A_172 = tpu.memref_slice %arg3[%dma_start3A, %dma_start3A_171] : memref<100000x128xf32, #tpu.memory_space<hbm>> -> memref<100000x128xf32, #tpu.memory_space<hbm>>
          tpu.enqueue_indirect_dma source(%dma_start3A_172 : memref<100000x128xf32, #tpu.memory_space<hbm>>) target(%arg15 : memref<128x128xf32, #tpu.memory_space<vmem>>) offsets(%arg11 : memref<128xi32, #tpu.memory_space<vmem>>) semaphore(%arg23 : memref<!tpu.dma_semaphore, #tpu.memory_space<semaphore_mem>>)
        } else {
        }
        %mul3A_93 = arith.constant 4 : i32
        %mul3A_94 = arith.muli %scan3A_14, %mul3A_93 : i32
        %add3A_95 = arith.constant 0 : i32
        %add3A_96 = arith.addi %mul3A_94, %add3A_95 : i32
        %lt3A_97 = arith.constant 25 : i32
        %lt3A_98 = arith.cmpi slt, %add3A_96, %lt3A_97 : i32
        %convert_element_type3A_99 = arith.extui %lt3A_98 : i1 to i32
        %cond3A_100 = arith.constant 0 : i32
        %cond3A_101 = arith.cmpi ne, %convert_element_type3A_99, %cond3A_100 : i32
        scf.if %cond3A_101 {
          %dma_wait3A = arith.constant 0 : i32
          %dma_wait3A_166 = arith.constant 0 : i32
          %dma_wait3A_167 = tpu.memref_slice %arg3[%dma_wait3A, %dma_wait3A_166] : memref<100000x128xf32, #tpu.memory_space<hbm>> -> memref<100000x128xf32, #tpu.memory_space<hbm>>
          tpu.wait_indirect_dma semaphore(%arg20 : memref<!tpu.dma_semaphore, #tpu.memory_space<semaphore_mem>>) src(%dma_wait3A_167 : memref<100000x128xf32, #tpu.memory_space<hbm>>) dst(%arg12 : memref<128x128xf32, #tpu.memory_space<vmem>>)
          %add3A_168 = arith.constant 0 : i32
          %add3A_169 = arith.addi %add3A_20, %add3A_168 : i32
          %mul3A_170 = arith.constant 128 : i32
          %mul3A_171 = arith.muli %add3A_169, %mul3A_170 : i32
          %dma_start3A = arith.constant 0 : i32
          %dma_start3A_172 = tpu.memref_slice %arg7[%mul3A_171, %dma_start3A] : memref<51200x128xf32, #tpu.memory_space<hbm>> -> memref<128x128xf32, #tpu.memory_space<hbm>>
          %dma_start3A_173 = arith.constant 0 : i32
          %dma_start3A_174 = tpu.memref_slice %arg7[%mul3A_171, %dma_start3A_173] : memref<51200x128xf32, #tpu.memory_space<hbm>> -> memref<128x128xf32, #tpu.memory_space<hbm>>
          tpu.enqueue_dma source(%arg12 : memref<128x128xf32, #tpu.memory_space<vmem>>) target(%dma_start3A_174 : memref<128x128xf32, #tpu.memory_space<hbm>>) target_semaphore(%arg24 : memref<!tpu.dma_semaphore, #tpu.memory_space<semaphore_mem>>)
        } else {
        }
        %mul3A_102 = arith.constant 4 : i32
        %mul3A_103 = arith.muli %scan3A_14, %mul3A_102 : i32
        %add3A_104 = arith.constant 1 : i32
        %add3A_105 = arith.addi %mul3A_103, %add3A_104 : i32
        %lt3A_106 = arith.constant 25 : i32
        %lt3A_107 = arith.cmpi slt, %add3A_105, %lt3A_106 : i32
        %convert_element_type3A_108 = arith.extui %lt3A_107 : i1 to i32
        %cond3A_109 = arith.constant 0 : i32
        %cond3A_110 = arith.cmpi ne, %convert_element_type3A_108, %cond3A_109 : i32
        scf.if %cond3A_110 {
          %dma_wait3A = arith.constant 0 : i32
          %dma_wait3A_166 = arith.constant 0 : i32
          %dma_wait3A_167 = tpu.memref_slice %arg3[%dma_wait3A, %dma_wait3A_166] : memref<100000x128xf32, #tpu.memory_space<hbm>> -> memref<100000x128xf32, #tpu.memory_space<hbm>>
          tpu.wait_indirect_dma semaphore(%arg21 : memref<!tpu.dma_semaphore, #tpu.memory_space<semaphore_mem>>) src(%dma_wait3A_167 : memref<100000x128xf32, #tpu.memory_space<hbm>>) dst(%arg13 : memref<128x128xf32, #tpu.memory_space<vmem>>)
          %add3A_168 = arith.constant 1 : i32
          %add3A_169 = arith.addi %add3A_20, %add3A_168 : i32
          %mul3A_170 = arith.constant 128 : i32
          %mul3A_171 = arith.muli %add3A_169, %mul3A_170 : i32
          %dma_start3A = arith.constant 0 : i32
          %dma_start3A_172 = tpu.memref_slice %arg7[%mul3A_171, %dma_start3A] : memref<51200x128xf32, #tpu.memory_space<hbm>> -> memref<128x128xf32, #tpu.memory_space<hbm>>
          %dma_start3A_173 = arith.constant 0 : i32
          %dma_start3A_174 = tpu.memref_slice %arg7[%mul3A_171, %dma_start3A_173] : memref<51200x128xf32, #tpu.memory_space<hbm>> -> memref<128x128xf32, #tpu.memory_space<hbm>>
          tpu.enqueue_dma source(%arg13 : memref<128x128xf32, #tpu.memory_space<vmem>>) target(%dma_start3A_174 : memref<128x128xf32, #tpu.memory_space<hbm>>) target_semaphore(%arg25 : memref<!tpu.dma_semaphore, #tpu.memory_space<semaphore_mem>>)
        } else {
        }
        %mul3A_111 = arith.constant 4 : i32
        %mul3A_112 = arith.muli %scan3A_14, %mul3A_111 : i32
        %add3A_113 = arith.constant 2 : i32
        %add3A_114 = arith.addi %mul3A_112, %add3A_113 : i32
        %lt3A_115 = arith.constant 25 : i32
        %lt3A_116 = arith.cmpi slt, %add3A_114, %lt3A_115 : i32
        %convert_element_type3A_117 = arith.extui %lt3A_116 : i1 to i32
        %cond3A_118 = arith.constant 0 : i32
        %cond3A_119 = arith.cmpi ne, %convert_element_type3A_117, %cond3A_118 : i32
        scf.if %cond3A_119 {
          %dma_wait3A = arith.constant 0 : i32
          %dma_wait3A_166 = arith.constant 0 : i32
          %dma_wait3A_167 = tpu.memref_slice %arg3[%dma_wait3A, %dma_wait3A_166] : memref<100000x128xf32, #tpu.memory_space<hbm>> -> memref<100000x128xf32, #tpu.memory_space<hbm>>
          tpu.wait_indirect_dma semaphore(%arg22 : memref<!tpu.dma_semaphore, #tpu.memory_space<semaphore_mem>>) src(%dma_wait3A_167 : memref<100000x128xf32, #tpu.memory_space<hbm>>) dst(%arg14 : memref<128x128xf32, #tpu.memory_space<vmem>>)
          %add3A_168 = arith.constant 2 : i32
          %add3A_169 = arith.addi %add3A_20, %add3A_168 : i32
          %mul3A_170 = arith.constant 128 : i32
          %mul3A_171 = arith.muli %add3A_169, %mul3A_170 : i32
          %dma_start3A = arith.constant 0 : i32
          %dma_start3A_172 = tpu.memref_slice %arg7[%mul3A_171, %dma_start3A] : memref<51200x128xf32, #tpu.memory_space<hbm>> -> memref<128x128xf32, #tpu.memory_space<hbm>>
          %dma_start3A_173 = arith.constant 0 : i32
          %dma_start3A_174 = tpu.memref_slice %arg7[%mul3A_171, %dma_start3A_173] : memref<51200x128xf32, #tpu.memory_space<hbm>> -> memref<128x128xf32, #tpu.memory_space<hbm>>
          tpu.enqueue_dma source(%arg14 : memref<128x128xf32, #tpu.memory_space<vmem>>) target(%dma_start3A_174 : memref<128x128xf32, #tpu.memory_space<hbm>>) target_semaphore(%arg26 : memref<!tpu.dma_semaphore, #tpu.memory_space<semaphore_mem>>)
        } else {
        }
        %mul3A_120 = arith.constant 4 : i32
        %mul3A_121 = arith.muli %scan3A_14, %mul3A_120 : i32
        %add3A_122 = arith.constant 3 : i32
        %add3A_123 = arith.addi %mul3A_121, %add3A_122 : i32
        %lt3A_124 = arith.constant 25 : i32
        %lt3A_125 = arith.cmpi slt, %add3A_123, %lt3A_124 : i32
        %convert_element_type3A_126 = arith.extui %lt3A_125 : i1 to i32
        %cond3A_127 = arith.constant 0 : i32
        %cond3A_128 = arith.cmpi ne, %convert_element_type3A_126, %cond3A_127 : i32
        scf.if %cond3A_128 {
          %dma_wait3A = arith.constant 0 : i32
          %dma_wait3A_166 = arith.constant 0 : i32
          %dma_wait3A_167 = tpu.memref_slice %arg3[%dma_wait3A, %dma_wait3A_166] : memref<100000x128xf32, #tpu.memory_space<hbm>> -> memref<100000x128xf32, #tpu.memory_space<hbm>>
          tpu.wait_indirect_dma semaphore(%arg23 : memref<!tpu.dma_semaphore, #tpu.memory_space<semaphore_mem>>) src(%dma_wait3A_167 : memref<100000x128xf32, #tpu.memory_space<hbm>>) dst(%arg15 : memref<128x128xf32, #tpu.memory_space<vmem>>)
          %add3A_168 = arith.constant 3 : i32
          %add3A_169 = arith.addi %add3A_20, %add3A_168 : i32
          %mul3A_170 = arith.constant 128 : i32
          %mul3A_171 = arith.muli %add3A_169, %mul3A_170 : i32
          %dma_start3A = arith.constant 0 : i32
          %dma_start3A_172 = tpu.memref_slice %arg7[%mul3A_171, %dma_start3A] : memref<51200x128xf32, #tpu.memory_space<hbm>> -> memref<128x128xf32, #tpu.memory_space<hbm>>
          %dma_start3A_173 = arith.constant 0 : i32
          %dma_start3A_174 = tpu.memref_slice %arg7[%mul3A_171, %dma_start3A_173] : memref<51200x128xf32, #tpu.memory_space<hbm>> -> memref<128x128xf32, #tpu.memory_space<hbm>>
          tpu.enqueue_dma source(%arg15 : memref<128x128xf32, #tpu.memory_space<vmem>>) target(%dma_start3A_174 : memref<128x128xf32, #tpu.memory_space<hbm>>) target_semaphore(%arg27 : memref<!tpu.dma_semaphore, #tpu.memory_space<semaphore_mem>>)
        } else {
        }
        %mul3A_129 = arith.constant 4 : i32
        %mul3A_130 = arith.muli %scan3A_14, %mul3A_129 : i32
        %add3A_131 = arith.constant 0 : i32
        %add3A_132 = arith.addi %mul3A_130, %add3A_131 : i32
        %lt3A_133 = arith.constant 25 : i32
        %lt3A_134 = arith.cmpi slt, %add3A_132, %lt3A_133 : i32
        %convert_element_type3A_135 = arith.extui %lt3A_134 : i1 to i32
        %cond3A_136 = arith.constant 0 : i32
        %cond3A_137 = arith.cmpi ne, %convert_element_type3A_135, %cond3A_136 : i32
        scf.if %cond3A_137 {
          %add3A_166 = arith.constant 0 : i32
          %add3A_167 = arith.addi %add3A_20, %add3A_166 : i32
          %mul3A_168 = arith.constant 128 : i32
          %mul3A_169 = arith.muli %add3A_167, %mul3A_168 : i32
          %dma_wait3A = arith.constant 0 : i32
          %dma_wait3A_170 = tpu.memref_slice %arg7[%mul3A_169, %dma_wait3A] : memref<51200x128xf32, #tpu.memory_space<hbm>> -> memref<128x128xf32, #tpu.memory_space<hbm>>
          %dma_wait3A_171 = arith.constant 0 : i32
          %dma_wait3A_172 = tpu.memref_slice %arg7[%mul3A_169, %dma_wait3A_171] : memref<51200x128xf32, #tpu.memory_space<hbm>> -> memref<128x128xf32, #tpu.memory_space<hbm>>
          tpu.wait_dma2 semaphore(%arg24 : memref<!tpu.dma_semaphore, #tpu.memory_space<semaphore_mem>>) src(%arg12 : memref<128x128xf32, #tpu.memory_space<vmem>>) dst(%dma_wait3A_172 : memref<128x128xf32, #tpu.memory_space<hbm>>)
        } else {
        }
        %mul3A_138 = arith.constant 4 : i32
        %mul3A_139 = arith.muli %scan3A_14, %mul3A_138 : i32
        %add3A_140 = arith.constant 1 : i32
        %add3A_141 = arith.addi %mul3A_139, %add3A_140 : i32
        %lt3A_142 = arith.constant 25 : i32
        %lt3A_143 = arith.cmpi slt, %add3A_141, %lt3A_142 : i32
        %convert_element_type3A_144 = arith.extui %lt3A_143 : i1 to i32
        %cond3A_145 = arith.constant 0 : i32
        %cond3A_146 = arith.cmpi ne, %convert_element_type3A_144, %cond3A_145 : i32
        scf.if %cond3A_146 {
          %add3A_166 = arith.constant 1 : i32
          %add3A_167 = arith.addi %add3A_20, %add3A_166 : i32
          %mul3A_168 = arith.constant 128 : i32
          %mul3A_169 = arith.muli %add3A_167, %mul3A_168 : i32
          %dma_wait3A = arith.constant 0 : i32
          %dma_wait3A_170 = tpu.memref_slice %arg7[%mul3A_169, %dma_wait3A] : memref<51200x128xf32, #tpu.memory_space<hbm>> -> memref<128x128xf32, #tpu.memory_space<hbm>>
          %dma_wait3A_171 = arith.constant 0 : i32
          %dma_wait3A_172 = tpu.memref_slice %arg7[%mul3A_169, %dma_wait3A_171] : memref<51200x128xf32, #tpu.memory_space<hbm>> -> memref<128x128xf32, #tpu.memory_space<hbm>>
          tpu.wait_dma2 semaphore(%arg25 : memref<!tpu.dma_semaphore, #tpu.memory_space<semaphore_mem>>) src(%arg13 : memref<128x128xf32, #tpu.memory_space<vmem>>) dst(%dma_wait3A_172 : memref<128x128xf32, #tpu.memory_space<hbm>>)
        } else {
        }
        %mul3A_147 = arith.constant 4 : i32
        %mul3A_148 = arith.muli %scan3A_14, %mul3A_147 : i32
        %add3A_149 = arith.constant 2 : i32
        %add3A_150 = arith.addi %mul3A_148, %add3A_149 : i32
        %lt3A_151 = arith.constant 25 : i32
        %lt3A_152 = arith.cmpi slt, %add3A_150, %lt3A_151 : i32
        %convert_element_type3A_153 = arith.extui %lt3A_152 : i1 to i32
        %cond3A_154 = arith.constant 0 : i32
        %cond3A_155 = arith.cmpi ne, %convert_element_type3A_153, %cond3A_154 : i32
        scf.if %cond3A_155 {
          %add3A_166 = arith.constant 2 : i32
          %add3A_167 = arith.addi %add3A_20, %add3A_166 : i32
          %mul3A_168 = arith.constant 128 : i32
          %mul3A_169 = arith.muli %add3A_167, %mul3A_168 : i32
          %dma_wait3A = arith.constant 0 : i32
          %dma_wait3A_170 = tpu.memref_slice %arg7[%mul3A_169, %dma_wait3A] : memref<51200x128xf32, #tpu.memory_space<hbm>> -> memref<128x128xf32, #tpu.memory_space<hbm>>
          %dma_wait3A_171 = arith.constant 0 : i32
          %dma_wait3A_172 = tpu.memref_slice %arg7[%mul3A_169, %dma_wait3A_171] : memref<51200x128xf32, #tpu.memory_space<hbm>> -> memref<128x128xf32, #tpu.memory_space<hbm>>
          tpu.wait_dma2 semaphore(%arg26 : memref<!tpu.dma_semaphore, #tpu.memory_space<semaphore_mem>>) src(%arg14 : memref<128x128xf32, #tpu.memory_space<vmem>>) dst(%dma_wait3A_172 : memref<128x128xf32, #tpu.memory_space<hbm>>)
        } else {
        }
        %mul3A_156 = arith.constant 4 : i32
        %mul3A_157 = arith.muli %scan3A_14, %mul3A_156 : i32
        %add3A_158 = arith.constant 3 : i32
        %add3A_159 = arith.addi %mul3A_157, %add3A_158 : i32
        %lt3A_160 = arith.constant 25 : i32
        %lt3A_161 = arith.cmpi slt, %add3A_159, %lt3A_160 : i32
        %convert_element_type3A_162 = arith.extui %lt3A_161 : i1 to i32
        %cond3A_163 = arith.constant 0 : i32
        %cond3A_164 = arith.cmpi ne, %convert_element_type3A_162, %cond3A_163 : i32
        scf.if %cond3A_164 {
          %add3A_166 = arith.constant 3 : i32
          %add3A_167 = arith.addi %add3A_20, %add3A_166 : i32
          %mul3A_168 = arith.constant 128 : i32
          %mul3A_169 = arith.muli %add3A_167, %mul3A_168 : i32
          %dma_wait3A = arith.constant 0 : i32
          %dma_wait3A_170 = tpu.memref_slice %arg7[%mul3A_169, %dma_wait3A] : memref<51200x128xf32, #tpu.memory_space<hbm>> -> memref<128x128xf32, #tpu.memory_space<hbm>>
          %dma_wait3A_171 = arith.constant 0 : i32
          %dma_wait3A_172 = tpu.memref_slice %arg7[%mul3A_169, %dma_wait3A_171] : memref<51200x128xf32, #tpu.memory_space<hbm>> -> memref<128x128xf32, #tpu.memory_space<hbm>>
          tpu.wait_dma2 semaphore(%arg27 : memref<!tpu.dma_semaphore, #tpu.memory_space<semaphore_mem>>) src(%arg15 : memref<128x128xf32, #tpu.memory_space<vmem>>) dst(%dma_wait3A_172 : memref<128x128xf32, #tpu.memory_space<hbm>>)
        } else {
        }
        %scan3A_165 = arith.constant 0 : i32
        scf.yield %scan3A_165 : i32
      }
      %scan3A_13 = arith.constant 7 : i32
    } else {
    }
    return
  }
}

#map = affine_map<(d0, d1) -> (0)>
module attributes {stable_mosaic.version = 14 : i64} {
  func.func @k(%arg0: i32, %arg1: i32, %arg2: memref<51200xi32, #tpu.memory_space<hbm>>, %arg3: memref<51200xi32, #tpu.memory_space<hbm>>, %arg4: memref<100000xi32, #tpu.memory_space<hbm>>, %arg5: memref<100000xi32, #tpu.memory_space<hbm>>, %arg6: memref<100000xi32, #tpu.memory_space<vmem>>, %arg7: memref<2048xi32, #tpu.memory_space<vmem>>) attributes {dimension_semantics = [#tpu.dimension_semantics<core_parallel>, #tpu.dimension_semantics<subcore_parallel>], iteration_bounds = array<i64: 2, 16>, scalar_prefetch = 0 : i64, scratch_operands = 2 : i64, tpu.core_type = #tpu.core_type<sc_vector_subcore>, window_params = [{transform_indices = #map}, {transform_indices = #map}, {transform_indices = #map}, {transform_indices = #map}]} {
    %mul3A = arith.constant 2 : i32
    %mul3A_0 = arith.muli %arg1, %mul3A : i32
    %add3A = arith.addi %mul3A_0, %arg0 : i32
    %eq3A = arith.constant 0 : i32
    %eq3A_1 = arith.cmpi eq, %add3A, %eq3A : i32
    %convert_element_type3A = arith.extui %eq3A_1 : i1 to i32
    %cond3A = arith.constant 0 : i32
    %cond3A_2 = arith.cmpi ne, %convert_element_type3A, %cond3A : i32
    scf.if %cond3A_2 {
      %broadcast_in_dim3A = arith.constant -1 : i32
      %broadcast_in_dim3A_8 = vector.broadcast %broadcast_in_dim3A : i32 to vector<16xi32>
      %scan3A = arith.constant 0 : i32
      %scan3A_9 = arith.constant 0 : i32
      %scan3A_10 = arith.constant 6250 : i32
      %scan3A_11 = arith.addi %scan3A_9, %scan3A_10 : i32
      %scan3A_12 = arith.constant 1 : i32
      %scan3A_13 = scf.for %scan3A_29 = %scan3A_9 to %scan3A_11 step %scan3A_12 iter_args(%scan3A_30 = %scan3A) -> (i32)  : i32 {
        %mul3A_31 = arith.constant 16 : i32
        %mul3A_32 = arith.muli %scan3A_29, %mul3A_31 : i32
        %swap3A = arith.index_cast %mul3A_32 : i32 to index
        %swap3A_33 = tpu.vector_load %arg6[%swap3A] {strides = array<i32>} : memref<100000xi32, #tpu.memory_space<vmem>>, vector<16xi32>,
        tpu.vector_store %arg6[%swap3A], %broadcast_in_dim3A_8 {strides = array<i32>} : memref<100000xi32, #tpu.memory_space<vmem>>, vector<16xi32>,
        %scan3A_34 = arith.constant 0 : i32
        scf.yield %scan3A_34 : i32
      }
      %scan3A_14 = arith.constant 6250 : i32
      %scan3A_15 = arith.constant 0 : i32
      %scan3A_16 = arith.constant 0 : i32
      %scan3A_17 = arith.constant 24 : i32
      %scan3A_18 = arith.addi %scan3A_16, %scan3A_17 : i32
      %scan3A_19 = arith.constant 1 : i32
      %scan3A_20 = scf.for %scan3A_29 = %scan3A_16 to %scan3A_18 step %scan3A_19 iter_args(%scan3A_30 = %scan3A_15) -> (i32)  : i32 {
        %mul3A_31 = arith.constant 2048 : i32
        %mul3A_32 = arith.muli %scan3A_29, %mul3A_31 : i32
        "tpu.region"() ({
          %run_scoped3A = tpu.sem_alloc : memref<!tpu.dma_semaphore, #tpu.memory_space<semaphore_mem>>
          %dma_start3A = tpu.memref_slice %arg2[%mul3A_32] : memref<51200xi32, #tpu.memory_space<hbm>> -> memref<2048xi32, #tpu.memory_space<hbm>>
          %dma_start3A_41 = tpu.memref_slice %arg2[%mul3A_32] : memref<51200xi32, #tpu.memory_space<hbm>> -> memref<2048xi32, #tpu.memory_space<hbm>>
          tpu.enqueue_dma source(%dma_start3A_41 : memref<2048xi32, #tpu.memory_space<hbm>>) target(%arg7 : memref<2048xi32, #tpu.memory_space<vmem>>) target_semaphore(%run_scoped3A : memref<!tpu.dma_semaphore, #tpu.memory_space<semaphore_mem>>)
          %dma_wait3A = tpu.memref_slice %arg2[%mul3A_32] : memref<51200xi32, #tpu.memory_space<hbm>> -> memref<2048xi32, #tpu.memory_space<hbm>>
          %dma_wait3A_42 = tpu.memref_slice %arg2[%mul3A_32] : memref<51200xi32, #tpu.memory_space<hbm>> -> memref<2048xi32, #tpu.memory_space<hbm>>
          tpu.wait_dma2 semaphore(%run_scoped3A : memref<!tpu.dma_semaphore, #tpu.memory_space<semaphore_mem>>) src(%dma_wait3A_42 : memref<2048xi32, #tpu.memory_space<hbm>>) dst(%arg7 : memref<2048xi32, #tpu.memory_space<vmem>>)
          tpu.yield
        }) : () -> ()
        %scan3A_33 = arith.constant 0 : i32
        %scan3A_34 = arith.constant 0 : i32
        %scan3A_35 = arith.constant 128 : i32
        %scan3A_36 = arith.addi %scan3A_34, %scan3A_35 : i32
        %scan3A_37 = arith.constant 1 : i32
        %scan3A_38 = scf.for %scan3A_41 = %scan3A_34 to %scan3A_36 step %scan3A_37 iter_args(%scan3A_42 = %scan3A_33) -> (i32)  : i32 {
          %mul3A_43 = arith.constant 16 : i32
          %mul3A_44 = arith.muli %scan3A_41, %mul3A_43 : i32
          %get3A = arith.index_cast %mul3A_44 : i32 to index
          %get3A_45 = tpu.vector_load %arg7[%get3A] {strides = array<i32>} : memref<2048xi32, #tpu.memory_space<vmem>>, vector<16xi32>,
          %mul3A_46 = arith.constant 2048 : i32
          %mul3A_47 = arith.muli %scan3A_29, %mul3A_46 : i32
          %mul3A_48 = arith.constant 16 : i32
          %mul3A_49 = arith.muli %scan3A_41, %mul3A_48 : i32
          %add3A_50 = arith.addi %mul3A_47, %mul3A_49 : i32
          %iota3A = tpu.iota {dimensions = array<i32: 0>} : vector<16xi32>
          %add3A_51 = vector.broadcast %add3A_50 : i32 to vector<16xi32>
          %add3A_52 = arith.addi %add3A_51, %iota3A : vector<16xi32>
          tpu.vector_store_idx %arg6[%get3A_45], %add3A_52 : memref<100000xi32, #tpu.memory_space<vmem>>[vector<16xi32>], vector<16xi32>,
          %gather3A = tpu.vector_load_idx %arg6[%get3A_45] : memref<100000xi32, #tpu.memory_space<vmem>>[vector<16xi32>], vector<16xi32>,
          %while3A = scf.while (%while3A_54 = %gather3A) : (vector<16xi32>) -> vector<16xi32> {
            %lt3A = arith.cmpi slt, %while3A_54, %add3A_52 : vector<16xi32>
            %reduce_or3A = arith.constant 1.000000e+00 : f32
            %reduce_or3A_55 = arith.constant 0.000000e+00 : f32
            %reduce_or3A_56 = vector.broadcast %reduce_or3A : f32 to vector<16xf32>
            %reduce_or3A_57 = vector.broadcast %reduce_or3A_55 : f32 to vector<16xf32>
            %reduce_or3A_58 = arith.select %lt3A, %reduce_or3A_56, %reduce_or3A_57 : vector<16xi1>, vector<16xf32>
            %reduce_or3A_59 = arith.constant true
            %reduce_or3A_60 = vector.broadcast %reduce_or3A_59 : i1 to vector<16xi1>
            %reduce_or3A_61 = tpu.scan <max>, %reduce_or3A_58 masked %reduce_or3A_60 : vector<16xf32>, vector<16xi1> -> vector<16xf32>
            %reduce_or3A_62 = vector.extract %reduce_or3A_61[15] : f32 from vector<16xf32>
            %reduce_or3A_63 = arith.constant 0.000000e+00 : f32
            %reduce_or3A_64 = arith.cmpf ogt, %reduce_or3A_62, %reduce_or3A_63 : f32
            scf.condition(%reduce_or3A_64) %while3A_54 : vector<16xi32>
          } do {
          ^bb0(%while3A_54: vector<16xi32>):
            %lt3A = arith.cmpi slt, %while3A_54, %add3A_52 : vector<16xi32>
            tpu.vector_store_idx %arg6[%get3A_45], %add3A_52 masked %lt3A : memref<100000xi32, #tpu.memory_space<vmem>>[vector<16xi32>], vector<16xi32>, vector<16xi1>
            %gather3A_55 = tpu.vector_load_idx %arg6[%get3A_45] : memref<100000xi32, #tpu.memory_space<vmem>>[vector<16xi32>], vector<16xi32>,
            scf.yield %gather3A_55 : vector<16xi32>
          }
          %scan3A_53 = arith.constant 0 : i32
          scf.yield %scan3A_53 : i32
        }
        %scan3A_39 = arith.constant 128 : i32
        %scan3A_40 = arith.constant 0 : i32
        scf.yield %scan3A_40 : i32
      }
      %scan3A_21 = arith.constant 24 : i32
      "tpu.region"() ({
        %run_scoped3A = tpu.sem_alloc : memref<!tpu.dma_semaphore, #tpu.memory_space<semaphore_mem>>
        %dma_start3A = arith.constant 0 : i32
        %dma_start3A_29 = tpu.memref_slice %arg7[%dma_start3A] : memref<2048xi32, #tpu.memory_space<vmem>> -> memref<848xi32, #tpu.memory_space<vmem>>
        %dma_start3A_30 = arith.constant 49152 : i32
        %dma_start3A_31 = tpu.memref_slice %arg2[%dma_start3A_30] : memref<51200xi32, #tpu.memory_space<hbm>> -> memref<848xi32, #tpu.memory_space<hbm>>
        %dma_start3A_32 = arith.constant 0 : i32
        %dma_start3A_33 = tpu.memref_slice %arg7[%dma_start3A_32] : memref<2048xi32, #tpu.memory_space<vmem>> -> memref<848xi32, #tpu.memory_space<vmem>>
        %dma_start3A_34 = arith.constant 49152 : i32
        %dma_start3A_35 = tpu.memref_slice %arg2[%dma_start3A_34] : memref<51200xi32, #tpu.memory_space<hbm>> -> memref<848xi32, #tpu.memory_space<hbm>>
        tpu.enqueue_dma source(%dma_start3A_35 : memref<848xi32, #tpu.memory_space<hbm>>) target(%dma_start3A_33 : memref<848xi32, #tpu.memory_space<vmem>>) target_semaphore(%run_scoped3A : memref<!tpu.dma_semaphore, #tpu.memory_space<semaphore_mem>>)
        %dma_wait3A = arith.constant 0 : i32
        %dma_wait3A_36 = tpu.memref_slice %arg7[%dma_wait3A] : memref<2048xi32, #tpu.memory_space<vmem>> -> memref<848xi32, #tpu.memory_space<vmem>>
        %dma_wait3A_37 = arith.constant 49152 : i32
        %dma_wait3A_38 = tpu.memref_slice %arg2[%dma_wait3A_37] : memref<51200xi32, #tpu.memory_space<hbm>> -> memref<848xi32, #tpu.memory_space<hbm>>
        %dma_wait3A_39 = arith.constant 0 : i32
        %dma_wait3A_40 = tpu.memref_slice %arg7[%dma_wait3A_39] : memref<2048xi32, #tpu.memory_space<vmem>> -> memref<848xi32, #tpu.memory_space<vmem>>
        %dma_wait3A_41 = arith.constant 49152 : i32
        %dma_wait3A_42 = tpu.memref_slice %arg2[%dma_wait3A_41] : memref<51200xi32, #tpu.memory_space<hbm>> -> memref<848xi32, #tpu.memory_space<hbm>>
        tpu.wait_dma2 semaphore(%run_scoped3A : memref<!tpu.dma_semaphore, #tpu.memory_space<semaphore_mem>>) src(%dma_wait3A_42 : memref<848xi32, #tpu.memory_space<hbm>>) dst(%dma_wait3A_40 : memref<848xi32, #tpu.memory_space<vmem>>)
        tpu.yield
      }) : () -> ()
      %scan3A_22 = arith.constant 0 : i32
      %scan3A_23 = arith.constant 0 : i32
      %scan3A_24 = arith.constant 53 : i32
      %scan3A_25 = arith.addi %scan3A_23, %scan3A_24 : i32
      %scan3A_26 = arith.constant 1 : i32
      %scan3A_27 = scf.for %scan3A_29 = %scan3A_23 to %scan3A_25 step %scan3A_26 iter_args(%scan3A_30 = %scan3A_22) -> (i32)  : i32 {
        %mul3A_31 = arith.constant 16 : i32
        %mul3A_32 = arith.muli %scan3A_29, %mul3A_31 : i32
        %get3A = arith.index_cast %mul3A_32 : i32 to index
        %get3A_33 = tpu.vector_load %arg7[%get3A] {strides = array<i32>} : memref<2048xi32, #tpu.memory_space<vmem>>, vector<16xi32>,
        %mul3A_34 = arith.constant 16 : i32
        %mul3A_35 = arith.muli %scan3A_29, %mul3A_34 : i32
        %add3A_36 = arith.constant 49152 : i32
        %add3A_37 = arith.addi %add3A_36, %mul3A_35 : i32
        %iota3A = tpu.iota {dimensions = array<i32: 0>} : vector<16xi32>
        %add3A_38 = vector.broadcast %add3A_37 : i32 to vector<16xi32>
        %add3A_39 = arith.addi %add3A_38, %iota3A : vector<16xi32>
        tpu.vector_store_idx %arg6[%get3A_33], %add3A_39 : memref<100000xi32, #tpu.memory_space<vmem>>[vector<16xi32>], vector<16xi32>,
        %gather3A = tpu.vector_load_idx %arg6[%get3A_33] : memref<100000xi32, #tpu.memory_space<vmem>>[vector<16xi32>], vector<16xi32>,
        %while3A = scf.while (%while3A_41 = %gather3A) : (vector<16xi32>) -> vector<16xi32> {
          %lt3A = arith.cmpi slt, %while3A_41, %add3A_39 : vector<16xi32>
          %reduce_or3A = arith.constant 1.000000e+00 : f32
          %reduce_or3A_42 = arith.constant 0.000000e+00 : f32
          %reduce_or3A_43 = vector.broadcast %reduce_or3A : f32 to vector<16xf32>
          %reduce_or3A_44 = vector.broadcast %reduce_or3A_42 : f32 to vector<16xf32>
          %reduce_or3A_45 = arith.select %lt3A, %reduce_or3A_43, %reduce_or3A_44 : vector<16xi1>, vector<16xf32>
          %reduce_or3A_46 = arith.constant true
          %reduce_or3A_47 = vector.broadcast %reduce_or3A_46 : i1 to vector<16xi1>
          %reduce_or3A_48 = tpu.scan <max>, %reduce_or3A_45 masked %reduce_or3A_47 : vector<16xf32>, vector<16xi1> -> vector<16xf32>
          %reduce_or3A_49 = vector.extract %reduce_or3A_48[15] : f32 from vector<16xf32>
          %reduce_or3A_50 = arith.constant 0.000000e+00 : f32
          %reduce_or3A_51 = arith.cmpf ogt, %reduce_or3A_49, %reduce_or3A_50 : f32
          scf.condition(%reduce_or3A_51) %while3A_41 : vector<16xi32>
        } do {
        ^bb0(%while3A_41: vector<16xi32>):
          %lt3A = arith.cmpi slt, %while3A_41, %add3A_39 : vector<16xi32>
          tpu.vector_store_idx %arg6[%get3A_33], %add3A_39 masked %lt3A : memref<100000xi32, #tpu.memory_space<vmem>>[vector<16xi32>], vector<16xi32>, vector<16xi1>
          %gather3A_42 = tpu.vector_load_idx %arg6[%get3A_33] : memref<100000xi32, #tpu.memory_space<vmem>>[vector<16xi32>], vector<16xi32>,
          scf.yield %gather3A_42 : vector<16xi32>
        }
        %scan3A_40 = arith.constant 0 : i32
        scf.yield %scan3A_40 : i32
      }
      %scan3A_28 = arith.constant 53 : i32
      "tpu.region"() ({
        %run_scoped3A = tpu.sem_alloc : memref<!tpu.dma_semaphore, #tpu.memory_space<semaphore_mem>>
        tpu.enqueue_dma source(%arg6 : memref<100000xi32, #tpu.memory_space<vmem>>) target(%arg4 : memref<100000xi32, #tpu.memory_space<hbm>>) target_semaphore(%run_scoped3A : memref<!tpu.dma_semaphore, #tpu.memory_space<semaphore_mem>>)
        tpu.wait_dma2 semaphore(%run_scoped3A : memref<!tpu.dma_semaphore, #tpu.memory_space<semaphore_mem>>) src(%arg6 : memref<100000xi32, #tpu.memory_space<vmem>>) dst(%arg4 : memref<100000xi32, #tpu.memory_space<hbm>>)
        tpu.yield
      }) : () -> ()
    } else {
    }
    %eq3A_3 = arith.constant 1 : i32
    %eq3A_4 = arith.cmpi eq, %add3A, %eq3A_3 : i32
    %convert_element_type3A_5 = arith.extui %eq3A_4 : i1 to i32
    %cond3A_6 = arith.constant 0 : i32
    %cond3A_7 = arith.cmpi ne, %convert_element_type3A_5, %cond3A_6 : i32
    scf.if %cond3A_7 {
      %broadcast_in_dim3A = arith.constant -1 : i32
      %broadcast_in_dim3A_8 = vector.broadcast %broadcast_in_dim3A : i32 to vector<16xi32>
      %scan3A = arith.constant 0 : i32
      %scan3A_9 = arith.constant 0 : i32
      %scan3A_10 = arith.constant 6250 : i32
      %scan3A_11 = arith.addi %scan3A_9, %scan3A_10 : i32
      %scan3A_12 = arith.constant 1 : i32
      %scan3A_13 = scf.for %scan3A_29 = %scan3A_9 to %scan3A_11 step %scan3A_12 iter_args(%scan3A_30 = %scan3A) -> (i32)  : i32 {
        %mul3A_31 = arith.constant 16 : i32
        %mul3A_32 = arith.muli %scan3A_29, %mul3A_31 : i32
        %swap3A = arith.index_cast %mul3A_32 : i32 to index
        %swap3A_33 = tpu.vector_load %arg6[%swap3A] {strides = array<i32>} : memref<100000xi32, #tpu.memory_space<vmem>>, vector<16xi32>,
        tpu.vector_store %arg6[%swap3A], %broadcast_in_dim3A_8 {strides = array<i32>} : memref<100000xi32, #tpu.memory_space<vmem>>, vector<16xi32>,
        %scan3A_34 = arith.constant 0 : i32
        scf.yield %scan3A_34 : i32
      }
      %scan3A_14 = arith.constant 6250 : i32
      %scan3A_15 = arith.constant 0 : i32
      %scan3A_16 = arith.constant 0 : i32
      %scan3A_17 = arith.constant 24 : i32
      %scan3A_18 = arith.addi %scan3A_16, %scan3A_17 : i32
      %scan3A_19 = arith.constant 1 : i32
      %scan3A_20 = scf.for %scan3A_29 = %scan3A_16 to %scan3A_18 step %scan3A_19 iter_args(%scan3A_30 = %scan3A_15) -> (i32)  : i32 {
        %mul3A_31 = arith.constant 2048 : i32
        %mul3A_32 = arith.muli %scan3A_29, %mul3A_31 : i32
        "tpu.region"() ({
          %run_scoped3A = tpu.sem_alloc : memref<!tpu.dma_semaphore, #tpu.memory_space<semaphore_mem>>
          %dma_start3A = tpu.memref_slice %arg3[%mul3A_32] : memref<51200xi32, #tpu.memory_space<hbm>> -> memref<2048xi32, #tpu.memory_space<hbm>>
          %dma_start3A_41 = tpu.memref_slice %arg3[%mul3A_32] : memref<51200xi32, #tpu.memory_space<hbm>> -> memref<2048xi32, #tpu.memory_space<hbm>>
          tpu.enqueue_dma source(%dma_start3A_41 : memref<2048xi32, #tpu.memory_space<hbm>>) target(%arg7 : memref<2048xi32, #tpu.memory_space<vmem>>) target_semaphore(%run_scoped3A : memref<!tpu.dma_semaphore, #tpu.memory_space<semaphore_mem>>)
          %dma_wait3A = tpu.memref_slice %arg3[%mul3A_32] : memref<51200xi32, #tpu.memory_space<hbm>> -> memref<2048xi32, #tpu.memory_space<hbm>>
          %dma_wait3A_42 = tpu.memref_slice %arg3[%mul3A_32] : memref<51200xi32, #tpu.memory_space<hbm>> -> memref<2048xi32, #tpu.memory_space<hbm>>
          tpu.wait_dma2 semaphore(%run_scoped3A : memref<!tpu.dma_semaphore, #tpu.memory_space<semaphore_mem>>) src(%dma_wait3A_42 : memref<2048xi32, #tpu.memory_space<hbm>>) dst(%arg7 : memref<2048xi32, #tpu.memory_space<vmem>>)
          tpu.yield
        }) : () -> ()
        %scan3A_33 = arith.constant 0 : i32
        %scan3A_34 = arith.constant 0 : i32
        %scan3A_35 = arith.constant 128 : i32
        %scan3A_36 = arith.addi %scan3A_34, %scan3A_35 : i32
        %scan3A_37 = arith.constant 1 : i32
        %scan3A_38 = scf.for %scan3A_41 = %scan3A_34 to %scan3A_36 step %scan3A_37 iter_args(%scan3A_42 = %scan3A_33) -> (i32)  : i32 {
          %mul3A_43 = arith.constant 16 : i32
          %mul3A_44 = arith.muli %scan3A_41, %mul3A_43 : i32
          %get3A = arith.index_cast %mul3A_44 : i32 to index
          %get3A_45 = tpu.vector_load %arg7[%get3A] {strides = array<i32>} : memref<2048xi32, #tpu.memory_space<vmem>>, vector<16xi32>,
          %mul3A_46 = arith.constant 2048 : i32
          %mul3A_47 = arith.muli %scan3A_29, %mul3A_46 : i32
          %mul3A_48 = arith.constant 16 : i32
          %mul3A_49 = arith.muli %scan3A_41, %mul3A_48 : i32
          %add3A_50 = arith.addi %mul3A_47, %mul3A_49 : i32
          %iota3A = tpu.iota {dimensions = array<i32: 0>} : vector<16xi32>
          %add3A_51 = vector.broadcast %add3A_50 : i32 to vector<16xi32>
          %add3A_52 = arith.addi %add3A_51, %iota3A : vector<16xi32>
          tpu.vector_store_idx %arg6[%get3A_45], %add3A_52 : memref<100000xi32, #tpu.memory_space<vmem>>[vector<16xi32>], vector<16xi32>,
          %gather3A = tpu.vector_load_idx %arg6[%get3A_45] : memref<100000xi32, #tpu.memory_space<vmem>>[vector<16xi32>], vector<16xi32>,
          %while3A = scf.while (%while3A_54 = %gather3A) : (vector<16xi32>) -> vector<16xi32> {
            %lt3A = arith.cmpi slt, %while3A_54, %add3A_52 : vector<16xi32>
            %reduce_or3A = arith.constant 1.000000e+00 : f32
            %reduce_or3A_55 = arith.constant 0.000000e+00 : f32
            %reduce_or3A_56 = vector.broadcast %reduce_or3A : f32 to vector<16xf32>
            %reduce_or3A_57 = vector.broadcast %reduce_or3A_55 : f32 to vector<16xf32>
            %reduce_or3A_58 = arith.select %lt3A, %reduce_or3A_56, %reduce_or3A_57 : vector<16xi1>, vector<16xf32>
            %reduce_or3A_59 = arith.constant true
            %reduce_or3A_60 = vector.broadcast %reduce_or3A_59 : i1 to vector<16xi1>
            %reduce_or3A_61 = tpu.scan <max>, %reduce_or3A_58 masked %reduce_or3A_60 : vector<16xf32>, vector<16xi1> -> vector<16xf32>
            %reduce_or3A_62 = vector.extract %reduce_or3A_61[15] : f32 from vector<16xf32>
            %reduce_or3A_63 = arith.constant 0.000000e+00 : f32
            %reduce_or3A_64 = arith.cmpf ogt, %reduce_or3A_62, %reduce_or3A_63 : f32
            scf.condition(%reduce_or3A_64) %while3A_54 : vector<16xi32>
          } do {
          ^bb0(%while3A_54: vector<16xi32>):
            %lt3A = arith.cmpi slt, %while3A_54, %add3A_52 : vector<16xi32>
            tpu.vector_store_idx %arg6[%get3A_45], %add3A_52 masked %lt3A : memref<100000xi32, #tpu.memory_space<vmem>>[vector<16xi32>], vector<16xi32>, vector<16xi1>
            %gather3A_55 = tpu.vector_load_idx %arg6[%get3A_45] : memref<100000xi32, #tpu.memory_space<vmem>>[vector<16xi32>], vector<16xi32>,
            scf.yield %gather3A_55 : vector<16xi32>
          }
          %scan3A_53 = arith.constant 0 : i32
          scf.yield %scan3A_53 : i32
        }
        %scan3A_39 = arith.constant 128 : i32
        %scan3A_40 = arith.constant 0 : i32
        scf.yield %scan3A_40 : i32
      }
      %scan3A_21 = arith.constant 24 : i32
      "tpu.region"() ({
        %run_scoped3A = tpu.sem_alloc : memref<!tpu.dma_semaphore, #tpu.memory_space<semaphore_mem>>
        %dma_start3A = arith.constant 0 : i32
        %dma_start3A_29 = tpu.memref_slice %arg7[%dma_start3A] : memref<2048xi32, #tpu.memory_space<vmem>> -> memref<848xi32, #tpu.memory_space<vmem>>
        %dma_start3A_30 = arith.constant 49152 : i32
        %dma_start3A_31 = tpu.memref_slice %arg3[%dma_start3A_30] : memref<51200xi32, #tpu.memory_space<hbm>> -> memref<848xi32, #tpu.memory_space<hbm>>
        %dma_start3A_32 = arith.constant 0 : i32
        %dma_start3A_33 = tpu.memref_slice %arg7[%dma_start3A_32] : memref<2048xi32, #tpu.memory_space<vmem>> -> memref<848xi32, #tpu.memory_space<vmem>>
        %dma_start3A_34 = arith.constant 49152 : i32
        %dma_start3A_35 = tpu.memref_slice %arg3[%dma_start3A_34] : memref<51200xi32, #tpu.memory_space<hbm>> -> memref<848xi32, #tpu.memory_space<hbm>>
        tpu.enqueue_dma source(%dma_start3A_35 : memref<848xi32, #tpu.memory_space<hbm>>) target(%dma_start3A_33 : memref<848xi32, #tpu.memory_space<vmem>>) target_semaphore(%run_scoped3A : memref<!tpu.dma_semaphore, #tpu.memory_space<semaphore_mem>>)
        %dma_wait3A = arith.constant 0 : i32
        %dma_wait3A_36 = tpu.memref_slice %arg7[%dma_wait3A] : memref<2048xi32, #tpu.memory_space<vmem>> -> memref<848xi32, #tpu.memory_space<vmem>>
        %dma_wait3A_37 = arith.constant 49152 : i32
        %dma_wait3A_38 = tpu.memref_slice %arg3[%dma_wait3A_37] : memref<51200xi32, #tpu.memory_space<hbm>> -> memref<848xi32, #tpu.memory_space<hbm>>
        %dma_wait3A_39 = arith.constant 0 : i32
        %dma_wait3A_40 = tpu.memref_slice %arg7[%dma_wait3A_39] : memref<2048xi32, #tpu.memory_space<vmem>> -> memref<848xi32, #tpu.memory_space<vmem>>
        %dma_wait3A_41 = arith.constant 49152 : i32
        %dma_wait3A_42 = tpu.memref_slice %arg3[%dma_wait3A_41] : memref<51200xi32, #tpu.memory_space<hbm>> -> memref<848xi32, #tpu.memory_space<hbm>>
        tpu.wait_dma2 semaphore(%run_scoped3A : memref<!tpu.dma_semaphore, #tpu.memory_space<semaphore_mem>>) src(%dma_wait3A_42 : memref<848xi32, #tpu.memory_space<hbm>>) dst(%dma_wait3A_40 : memref<848xi32, #tpu.memory_space<vmem>>)
        tpu.yield
      }) : () -> ()
      %scan3A_22 = arith.constant 0 : i32
      %scan3A_23 = arith.constant 0 : i32
      %scan3A_24 = arith.constant 53 : i32
      %scan3A_25 = arith.addi %scan3A_23, %scan3A_24 : i32
      %scan3A_26 = arith.constant 1 : i32
      %scan3A_27 = scf.for %scan3A_29 = %scan3A_23 to %scan3A_25 step %scan3A_26 iter_args(%scan3A_30 = %scan3A_22) -> (i32)  : i32 {
        %mul3A_31 = arith.constant 16 : i32
        %mul3A_32 = arith.muli %scan3A_29, %mul3A_31 : i32
        %get3A = arith.index_cast %mul3A_32 : i32 to index
        %get3A_33 = tpu.vector_load %arg7[%get3A] {strides = array<i32>} : memref<2048xi32, #tpu.memory_space<vmem>>, vector<16xi32>,
        %mul3A_34 = arith.constant 16 : i32
        %mul3A_35 = arith.muli %scan3A_29, %mul3A_34 : i32
        %add3A_36 = arith.constant 49152 : i32
        %add3A_37 = arith.addi %add3A_36, %mul3A_35 : i32
        %iota3A = tpu.iota {dimensions = array<i32: 0>} : vector<16xi32>
        %add3A_38 = vector.broadcast %add3A_37 : i32 to vector<16xi32>
        %add3A_39 = arith.addi %add3A_38, %iota3A : vector<16xi32>
        tpu.vector_store_idx %arg6[%get3A_33], %add3A_39 : memref<100000xi32, #tpu.memory_space<vmem>>[vector<16xi32>], vector<16xi32>,
        %gather3A = tpu.vector_load_idx %arg6[%get3A_33] : memref<100000xi32, #tpu.memory_space<vmem>>[vector<16xi32>], vector<16xi32>,
        %while3A = scf.while (%while3A_41 = %gather3A) : (vector<16xi32>) -> vector<16xi32> {
          %lt3A = arith.cmpi slt, %while3A_41, %add3A_39 : vector<16xi32>
          %reduce_or3A = arith.constant 1.000000e+00 : f32
          %reduce_or3A_42 = arith.constant 0.000000e+00 : f32
          %reduce_or3A_43 = vector.broadcast %reduce_or3A : f32 to vector<16xf32>
          %reduce_or3A_44 = vector.broadcast %reduce_or3A_42 : f32 to vector<16xf32>
          %reduce_or3A_45 = arith.select %lt3A, %reduce_or3A_43, %reduce_or3A_44 : vector<16xi1>, vector<16xf32>
          %reduce_or3A_46 = arith.constant true
          %reduce_or3A_47 = vector.broadcast %reduce_or3A_46 : i1 to vector<16xi1>
          %reduce_or3A_48 = tpu.scan <max>, %reduce_or3A_45 masked %reduce_or3A_47 : vector<16xf32>, vector<16xi1> -> vector<16xf32>
          %reduce_or3A_49 = vector.extract %reduce_or3A_48[15] : f32 from vector<16xf32>
          %reduce_or3A_50 = arith.constant 0.000000e+00 : f32
          %reduce_or3A_51 = arith.cmpf ogt, %reduce_or3A_49, %reduce_or3A_50 : f32
          scf.condition(%reduce_or3A_51) %while3A_41 : vector<16xi32>
        } do {
        ^bb0(%while3A_41: vector<16xi32>):
          %lt3A = arith.cmpi slt, %while3A_41, %add3A_39 : vector<16xi32>
          tpu.vector_store_idx %arg6[%get3A_33], %add3A_39 masked %lt3A : memref<100000xi32, #tpu.memory_space<vmem>>[vector<16xi32>], vector<16xi32>, vector<16xi1>
          %gather3A_42 = tpu.vector_load_idx %arg6[%get3A_33] : memref<100000xi32, #tpu.memory_space<vmem>>[vector<16xi32>], vector<16xi32>,
          scf.yield %gather3A_42 : vector<16xi32>
        }
        %scan3A_40 = arith.constant 0 : i32
        scf.yield %scan3A_40 : i32
      }
      %scan3A_28 = arith.constant 53 : i32
      "tpu.region"() ({
        %run_scoped3A = tpu.sem_alloc : memref<!tpu.dma_semaphore, #tpu.memory_space<semaphore_mem>>
        tpu.enqueue_dma source(%arg6 : memref<100000xi32, #tpu.memory_space<vmem>>) target(%arg5 : memref<100000xi32, #tpu.memory_space<hbm>>) target_semaphore(%run_scoped3A : memref<!tpu.dma_semaphore, #tpu.memory_space<semaphore_mem>>)
        tpu.wait_dma2 semaphore(%run_scoped3A : memref<!tpu.dma_semaphore, #tpu.memory_space<semaphore_mem>>) src(%arg6 : memref<100000xi32, #tpu.memory_space<vmem>>) dst(%arg5 : memref<100000xi32, #tpu.memory_space<hbm>>)
        tpu.yield
      }) : () -> ()
    } else {
    }
    return
  }
}

module attributes {stable_mosaic.version = 14 : i64} {
  func.func @body(%arg0: i32, %arg1: memref<2000x128xf32, #tpu.memory_space<vmem>>, %arg2: memref<2000x128xf32, #tpu.memory_space<vmem>>, %arg3: memref<1024x128xf32, #tpu.memory_space<vmem>>, %arg4: memref<1024x128xf32, #tpu.memory_space<vmem>>, %arg5: memref<128x128xf32, #tpu.memory_space<vmem>>, %arg6: memref<128x128xf32, #tpu.memory_space<vmem>>, %arg7: memref<128x128xf32, #tpu.memory_space<vmem>>, %arg8: memref<128x128xf32, #tpu.memory_space<vmem>>, %arg9: memref<1x128xf32, #tpu.memory_space<vmem>>, %arg10: memref<1x128xf32, #tpu.memory_space<vmem>>, %arg11: memref<5024x128xf32, #tpu.memory_space<vmem>>) attributes {dimension_semantics = [#tpu.dimension_semantics<arbitrary>], iteration_bounds = array<i64: 50>, scalar_prefetch = 0 : i64, scratch_operands = 0 : i64, tpu.core_type = #tpu.core_type<tc>, window_params = [{transform_indices = @transform_0, window_bounds = array<i64: 2000, 128>}, {transform_indices = @transform_1, window_bounds = array<i64: 2000, 128>}, {transform_indices = @transform_2, window_bounds = array<i64: 1024, 128>}, {transform_indices = @transform_3, window_bounds = array<i64: 1024, 128>}, {pipeline_mode = #tpu.pipeline_mode<synchronous>, transform_indices = @transform_4, window_bounds = array<i64: 128, 128>}, {pipeline_mode = #tpu.pipeline_mode<synchronous>, transform_indices = @transform_5, window_bounds = array<i64: 128, 128>}, {pipeline_mode = #tpu.pipeline_mode<synchronous>, transform_indices = @transform_6, window_bounds = array<i64: 128, 128>}, {pipeline_mode = #tpu.pipeline_mode<synchronous>, transform_indices = @transform_7, window_bounds = array<i64: 128, 128>}, {pipeline_mode = #tpu.pipeline_mode<synchronous>, transform_indices = @transform_8, window_bounds = array<i64: 1, 128>}, {pipeline_mode = #tpu.pipeline_mode<synchronous>, transform_indices = @transform_9, window_bounds = array<i64: 1, 128>}, {transform_indices = @transform_10, window_bounds = array<i64: 5024, 128>}]} {
    %get3A = arith.constant 0 : index
    %get3A_0 = arith.constant 0 : index
    %get3A_1 = vector.load %arg1[%get3A, %get3A_0] : memref<2000x128xf32, #tpu.memory_space<vmem>>, vector<2000x128xf32>
    %get3A_2 = arith.constant 0 : index
    %get3A_3 = arith.constant 0 : index
    %get3A_4 = vector.load %arg5[%get3A_2, %get3A_3] : memref<128x128xf32, #tpu.memory_space<vmem>>, vector<128x128xf32>
    %dot_general3A = arith.constant dense<0.000000e+00> : vector<2000x128xf32>
    %dot_general3A_5 = tpu.matmul %get3A_1, %get3A_4, %dot_general3A {dimension_numbers = #tpu.dot_dimension_numbers<[1], [0], [0], [1], [0, 0, 1, 1], [], []>, transpose_lhs_hint = false} : vector<2000x128xf32>, vector<128x128xf32>, vector<2000x128xf32> -> vector<2000x128xf32>
    %swap3A = arith.constant 0 : index
    %swap3A_6 = arith.constant 0 : index
    %swap3A_7 = vector.load %arg11[%swap3A, %swap3A_6] : memref<5024x128xf32, #tpu.memory_space<vmem>>, vector<2000x128xf32>
    tpu.vector_store %arg11[%swap3A, %swap3A_6], %dot_general3A_5 {strides = array<i32>} : memref<5024x128xf32, #tpu.memory_space<vmem>>, vector<2000x128xf32>,
    %get3A_8 = arith.constant 0 : index
    %get3A_9 = arith.constant 0 : index
    %get3A_10 = vector.load %arg2[%get3A_8, %get3A_9] : memref<2000x128xf32, #tpu.memory_space<vmem>>, vector<2000x128xf32>
    %get3A_11 = arith.constant 0 : index
    %get3A_12 = arith.constant 0 : index
    %get3A_13 = vector.load %arg6[%get3A_11, %get3A_12] : memref<128x128xf32, #tpu.memory_space<vmem>>, vector<128x128xf32>
    %dot_general3A_14 = arith.constant dense<0.000000e+00> : vector<2000x128xf32>
    %dot_general3A_15 = tpu.matmul %get3A_10, %get3A_13, %dot_general3A_14 {dimension_numbers = #tpu.dot_dimension_numbers<[1], [0], [0], [1], [0, 0, 1, 1], [], []>, transpose_lhs_hint = false} : vector<2000x128xf32>, vector<128x128xf32>, vector<2000x128xf32> -> vector<2000x128xf32>
    %swap3A_16 = arith.constant 2000 : index
    %swap3A_17 = arith.constant 0 : index
    %swap3A_18 = vector.load %arg11[%swap3A_16, %swap3A_17] : memref<5024x128xf32, #tpu.memory_space<vmem>>, vector<2000x128xf32>
    tpu.vector_store %arg11[%swap3A_16, %swap3A_17], %dot_general3A_15 {strides = array<i32>} : memref<5024x128xf32, #tpu.memory_space<vmem>>, vector<2000x128xf32>,
    %get3A_19 = arith.constant 0 : index
    %get3A_20 = arith.constant 0 : index
    %get3A_21 = vector.load %arg3[%get3A_19, %get3A_20] : memref<1024x128xf32, #tpu.memory_space<vmem>>, vector<1024x128xf32>
    %get3A_22 = arith.constant 0 : index
    %get3A_23 = arith.constant 0 : index
    %get3A_24 = vector.load %arg5[%get3A_22, %get3A_23] : memref<128x128xf32, #tpu.memory_space<vmem>>, vector<128x128xf32>
    %dot_general3A_25 = arith.constant dense<0.000000e+00> : vector<1024x128xf32>
    %dot_general3A_26 = tpu.matmul %get3A_21, %get3A_24, %dot_general3A_25 {dimension_numbers = #tpu.dot_dimension_numbers<[1], [0], [0], [1], [0, 0, 1, 1], [], []>, transpose_lhs_hint = false} : vector<1024x128xf32>, vector<128x128xf32>, vector<1024x128xf32> -> vector<1024x128xf32>
    %tanh3A = math.tanh %dot_general3A_26 : vector<1024x128xf32>
    %get3A_27 = arith.constant 0 : index
    %get3A_28 = arith.constant 0 : index
    %get3A_29 = vector.load %arg4[%get3A_27, %get3A_28] : memref<1024x128xf32, #tpu.memory_space<vmem>>, vector<1024x128xf32>
    %get3A_30 = arith.constant 0 : index
    %get3A_31 = arith.constant 0 : index
    %get3A_32 = vector.load %arg6[%get3A_30, %get3A_31] : memref<128x128xf32, #tpu.memory_space<vmem>>, vector<128x128xf32>
    %dot_general3A_33 = arith.constant dense<0.000000e+00> : vector<1024x128xf32>
    %dot_general3A_34 = tpu.matmul %get3A_29, %get3A_32, %dot_general3A_33 {dimension_numbers = #tpu.dot_dimension_numbers<[1], [0], [0], [1], [0, 0, 1, 1], [], []>, transpose_lhs_hint = false} : vector<1024x128xf32>, vector<128x128xf32>, vector<1024x128xf32> -> vector<1024x128xf32>
    %tanh3A_35 = math.tanh %dot_general3A_34 : vector<1024x128xf32>
    %get3A_36 = arith.constant 0 : index
    %get3A_37 = arith.constant 0 : index
    %get3A_38 = vector.load %arg7[%get3A_36, %get3A_37] : memref<128x128xf32, #tpu.memory_space<vmem>>, vector<128x128xf32>
    %dot_general3A_39 = arith.constant dense<0.000000e+00> : vector<1024x128xf32>
    %dot_general3A_40 = tpu.matmul %tanh3A, %get3A_38, %dot_general3A_39 {dimension_numbers = #tpu.dot_dimension_numbers<[1], [0], [0], [1], [0, 0, 1, 1], [], []>, transpose_lhs_hint = false} : vector<1024x128xf32>, vector<128x128xf32>, vector<1024x128xf32> -> vector<1024x128xf32>
    %get3A_41 = arith.constant 0 : index
    %get3A_42 = arith.constant 0 : index
    %get3A_43 = vector.load %arg8[%get3A_41, %get3A_42] : memref<128x128xf32, #tpu.memory_space<vmem>>, vector<128x128xf32>
    %dot_general3A_44 = arith.constant dense<0.000000e+00> : vector<1024x128xf32>
    %dot_general3A_45 = tpu.matmul %tanh3A_35, %get3A_43, %dot_general3A_44 {dimension_numbers = #tpu.dot_dimension_numbers<[1], [0], [0], [1], [0, 0, 1, 1], [], []>, transpose_lhs_hint = false} : vector<1024x128xf32>, vector<128x128xf32>, vector<1024x128xf32> -> vector<1024x128xf32>
    %add3A = arith.addf %dot_general3A_40, %dot_general3A_45 : vector<1024x128xf32>
    %get3A_46 = arith.constant 0 : index
    %get3A_47 = arith.constant 0 : index
    %get3A_48 = vector.load %arg9[%get3A_46, %get3A_47] : memref<1x128xf32, #tpu.memory_space<vmem>>, vector<1x128xf32>
    %add3A_49 = vector.broadcast %get3A_48 : vector<1x128xf32> to vector<1024x128xf32>
    %add3A_50 = arith.addf %add3A, %add3A_49 : vector<1024x128xf32>
    %ge3A = arith.constant 0.000000e+00 : f32
    %ge3A_51 = vector.broadcast %ge3A : f32 to vector<1024x128xf32>
    %ge3A_52 = arith.cmpf oge, %add3A_50, %ge3A_51 : vector<1024x128xf32>
    %mul3A = arith.constant 0.00999999977 : f32
    %mul3A_53 = vector.broadcast %mul3A : f32 to vector<1024x128xf32>
    %mul3A_54 = arith.mulf %mul3A_53, %add3A_50 : vector<1024x128xf32>
    %select_n3A = arith.select %ge3A_52, %add3A_50, %mul3A_54 : vector<1024x128xi1>, vector<1024x128xf32>
    %get3A_55 = arith.constant 0 : index
    %get3A_56 = arith.constant 0 : index
    %get3A_57 = vector.load %arg10[%get3A_55, %get3A_56] : memref<1x128xf32, #tpu.memory_space<vmem>>, vector<1x128xf32>
    %add3A_58 = vector.broadcast %get3A_57 : vector<1x128xf32> to vector<1024x128xf32>
    %add3A_59 = arith.addf %select_n3A, %add3A_58 : vector<1024x128xf32>
    %swap3A_60 = arith.constant 4000 : index
    %swap3A_61 = arith.constant 0 : index
    %swap3A_62 = vector.load %arg11[%swap3A_60, %swap3A_61] : memref<5024x128xf32, #tpu.memory_space<vmem>>, vector<1024x128xf32>
    tpu.vector_store %arg11[%swap3A_60, %swap3A_61], %add3A_59 {strides = array<i32>} : memref<5024x128xf32, #tpu.memory_space<vmem>>, vector<1024x128xf32>,
    return
  }
  func.func @transform_0(%arg0: i32) -> (i32, i32) {
    %c0_i32 = arith.constant 0 : i32
    %c0_i32_0 = arith.constant 0 : i32
    return %arg0, %c0_i32 : i32, i32
  }
  func.func @transform_1(%arg0: i32) -> (i32, i32) {
    %c0_i32 = arith.constant 0 : i32
    %c0_i32_0 = arith.constant 0 : i32
    return %arg0, %c0_i32 : i32, i32
  }
  func.func @transform_2(%arg0: i32) -> (i32, i32) {
    %c0_i32 = arith.constant 0 : i32
    %c0_i32_0 = arith.constant 0 : i32
    return %arg0, %c0_i32 : i32, i32
  }
  func.func @transform_3(%arg0: i32) -> (i32, i32) {
    %c0_i32 = arith.constant 0 : i32
    %c0_i32_0 = arith.constant 0 : i32
    return %arg0, %c0_i32 : i32, i32
  }
  func.func @transform_4(%arg0: i32) -> (i32, i32) {
    %c0_i32 = arith.constant 0 : i32
    %c0_i32_0 = arith.constant 0 : i32
    %c0_i32_1 = arith.constant 0 : i32
    return %c0_i32, %c0_i32_0 : i32, i32
  }
  func.func @transform_5(%arg0: i32) -> (i32, i32) {
    %c0_i32 = arith.constant 0 : i32
    %c0_i32_0 = arith.constant 0 : i32
    %c0_i32_1 = arith.constant 0 : i32
    return %c0_i32, %c0_i32_0 : i32, i32
  }
  func.func @transform_6(%arg0: i32) -> (i32, i32) {
    %c0_i32 = arith.constant 0 : i32
    %c0_i32_0 = arith.constant 0 : i32
    %c0_i32_1 = arith.constant 0 : i32
    return %c0_i32, %c0_i32_0 : i32, i32
  }
  func.func @transform_7(%arg0: i32) -> (i32, i32) {
    %c0_i32 = arith.constant 0 : i32
    %c0_i32_0 = arith.constant 0 : i32
    %c0_i32_1 = arith.constant 0 : i32
    return %c0_i32, %c0_i32_0 : i32, i32
  }
  func.func @transform_8(%arg0: i32) -> (i32, i32) {
    %c0_i32 = arith.constant 0 : i32
    %c0_i32_0 = arith.constant 0 : i32
    %c0_i32_1 = arith.constant 0 : i32
    return %c0_i32, %c0_i32_0 : i32, i32
  }
  func.func @transform_9(%arg0: i32) -> (i32, i32) {
    %c0_i32 = arith.constant 0 : i32
    %c0_i32_0 = arith.constant 0 : i32
    %c0_i32_1 = arith.constant 0 : i32
    return %c0_i32, %c0_i32_0 : i32, i32
  }
  func.func @transform_10(%arg0: i32) -> (i32, i32) {
    %c0_i32 = arith.constant 0 : i32
    %c0_i32_0 = arith.constant 0 : i32
    return %arg0, %c0_i32 : i32, i32
  }
}

</mosaic_0001>

<sc_bundles>
// kernel: kernel.12.cloned.1.call-start
scs
__scs_entry_jumppad:
0x0: {  	(pc) =	sbr.rel $0x88, $3  }
0x1: {  	(tag) =	ssettag $0x0;
	lr =	simm.s32 $0x1  }
0x2: {  	[smem:$0x3F98] =	sst lr;
	_ =	strace $0xD0000000  }
0x3: {  	_ = 	snop  }
0x4: {  	_ = 	snop  }
0x5: {  	_ = 	snop  }
0x6: {  	_ = 	snop  }
0x7: {  	_ = 	snop  }
__scs_overlays_trampoline_lowered:
0x8: {  	[smem:$0x3FA7] =	sst s0  }
0x9: {  	[smem:$0x3FA8] =	sst s1  }
0xa: {  	[smem:$0x3FA9] =	sst s2  }
0xb: {  	[smem:$0x3FAA] =	sst s3  }
0xc: {  	[smem:$0x3FAB] =	sst s4  }
0xd: {  	[smem:$0x3FAC] =	sst s5  }
0xe: {  	[smem:$0x3FAD] =	sst s6  }
0xf: {  	[smem:$0x3FAE] =	sst s7  }
0x10: {  	[smem:$0x3FAF] =	sst s8  }
0x11: {  	[smem:$0x3FB0] =	sst s9;
	s0 =	simm.s32 @!p0 $0x0  }
0x12: {  	s1 =	sld [smem:$0x3F96];
	s0 =	simm.s32 @p0 $0x1  }
0x13: {  	[smem:$0x3FB1] =	sst s0;
	s0 =	simm.s32 @!p1 $0x0  }
0x14: {  	s2 =	sld [smem:$0x3F95];
	s0 =	simm.s32 @p1 $0x1  }
0x15: {  	[smem:$0x3FB2] =	sst s0;
	s0 =	simm.s32 @!p2 $0x0  }
0x16: {  	s3 =	sld [smem:$0x3FDB];
	s0 =	simm.s32 @p2 $0x1  }
0x17: {  	s4 =	simm.s32 $0x1BF5;
	[smem:$0x3FB4] =	sst s0  }
0x18: {  	s0 =	sld [smem:$0x3F97];
	_ =	swait.ge [sflag:s4], $0x0  }
0x19: {  	s7 =	sld [smem:$0x3F98]  }
0x1a: {  	s8 =	sadd.s32 $0xFFFFE003, lr  }
0x1b: {  	s9 =	sadd.s32 $0xFFFFFEF7, lr;
	s5 =	simm.s32 $0xFFFFFFFF;
	p2 =	slt.u32 s8, $0xFFFFF086  }
0x1c: {  	p1 =	slt.u32 s9, $0xF7A;
	s5 =	simm.s32 @!p2 $0x0  }
0x1d: {  	s5 =	simm.s32 @p1 $0x1;
	p0 =	seq.s32 s7, s2  }
0x1e: {  	s7 =	smul.u32 @!p0 $0xF7A, s2;
	p2 =	seq.s32 @!p0 s5, $0x0  }
0x1f: {  	s9 =	smul.u32 $0xF7A, s1;
	s8 =	simm.s32 @!p0 $0x1BF5;
	p2 =	por !p2, p0  }
0x20: {  	[sflag:s8] =	ssyncset.s32 @!p0 $0xFFFFF086;
	s6 =	sadd.s32 @!p0 s3, s7;
	s7 =	simm.s32 @!p0 $0x108  }
0x21: {  	s3 =	sadd.s32 s3, s9;
	s6 =	sadd.s32 @!p0 $0x88, s6;
	s7 =	simm.s32 @p2 $0x1082  }
0x22: {  	[simem:s7], [sflag:s8] =	dma.local @!p0 [hbm:s6], $0xF7A  }
0x23: {  	s9 =	sor.u32 $0xD0000000, s2;
	s6 =	simm.s32 $0x108;
	_ =	swait.ge @!p0 [sflag:s8], $0x0  }
0x24: {  	s3 =	sadd.s32 $0x88, s3;
	s6 =	simm.s32 @!p1 $0x1082;
	[sflag:s4] =	ssyncset.s32 $0xFFFFF086  }
0x25: {  	[simem:s6], [sflag:s4] =	dma.local [hbm:s3], $0xF7A  }
0x26: {  	[smem:$0x3F98] =	sst s1;
	(tag) =	ssettag s2;
	_ =	strace s9  }
0x27: {  	s1 =	sld [smem:$0x3FA8]  }
0x28: {  	s2 =	sld [smem:$0x3FA9]  }
0x29: {  	s4 =	sld [smem:$0x3FAB]  }
0x2a: {  	p0 =	seq.s32 s5, $0x0;
	s5 =	sld [smem:$0x3FAC]  }
0x2b: {  	s6 =	sld [smem:$0x3FAD]  }
0x2c: {  	s7 =	sld [smem:$0x3FAE]  }
0x2d: {  	s3 =	simm.s32 $0x108;
	s8 =	sld [smem:$0x3FAF]  }
0x2e: {  	s3 =	simm.s32 @!p0 $0x1082;
	s9 =	sld [smem:$0x3FB0]  }
0x2f: {  	lr =	sadd.s32 s0, s3;
	s0 =	sld [smem:$0x3FA7]  }
0x30: {  	s3 =	sld [smem:$0x3FAA]  }
0x31: {  	[smem:$0x3FB3] =	sst s10  }
0x32: {  	s10 =	sld [smem:$0x3FB1];
	_ =	sdelay $0x3  }
0x33: {  	p0 =	seq.s32 s10, $0x1;
	s10 =	sld [smem:$0x3FB3];
	_ =	sdelay $0x3  }
0x34: {  	[smem:$0x3FB3] =	sst s10  }
0x35: {  	s10 =	sld [smem:$0x3FB2];
	_ =	sdelay $0x3  }
0x36: {  	p1 =	seq.s32 s10, $0x1;
	s10 =	sld [smem:$0x3FB3];
	_ =	sdelay $0x3  }
0x37: {  	[smem:$0x3FB3] =	sst s10  }
0x38: {  	s10 =	sld [smem:$0x3FB4]  }
0x39: {  	_ = 	snop;
	(pc) =	sbr.ind lr, $3  }
0x3a: {  	_ = 	snop  }
0x3b: {  	_ = 	snop  }
0x3c: {  	p2 =	seq.s32 s10, $0x1;
	s10 =	sld [smem:$0x3FB3]  }
0x3d: {  	_ =	shalt  }
0x3e: {  	_ =	shalt  }
0x3f: {  	_ =	shalt  }
0x40: {  	_ =	shalt  }
0x41: {  	_ =	shalt  }
0x42: {  	_ =	shalt  }
0x43: {  	_ =	shalt  }
0x44: {  	_ =	shalt  }
0x45: {  	_ =	shalt  }
0x46: {  	_ =	shalt  }
0x47: {  	_ =	shalt  }
0x48: {  	_ =	shalt  }
0x49: {  	_ =	shalt  }
0x4a: {  	_ =	shalt  }
0x4b: {  	_ =	shalt  }
0x4c: {  	_ =	shalt  }
0x4d: {  	_ =	shalt  }
0x4e: {  	_ =	shalt  }
0x4f: {  	_ =	shalt  }
0x50: {  	_ =	shalt  }
0x51: {  	_ =	shalt  }
0x52: {  	_ =	shalt  }
0x53: {  	_ =	shalt  }
0x54: {  	_ =	shalt  }
0x55: {  	_ =	shalt  }
0x56: {  	_ =	shalt  }
0x57: {  	_ =	shalt  }
0x58: {  	_ =	shalt  }
0x59: {  	_ =	shalt  }
0x5a: {  	_ =	shalt  }
0x5b: {  	_ =	shalt  }
0x5c: {  	_ =	shalt  }
0x5d: {  	_ =	shalt  }
0x5e: {  	_ =	shalt  }
0x5f: {  	_ =	shalt  }
0x60: {  	_ =	shalt  }
0x61: {  	_ =	shalt  }
0x62: {  	_ =	shalt  }
0x63: {  	_ =	shalt  }
0x64: {  	_ =	shalt  }
0x65: {  	_ =	shalt  }
0x66: {  	_ =	shalt  }
0x67: {  	_ =	shalt  }
0x68: {  	_ =	shalt  }
0x69: {  	_ =	shalt  }
0x6a: {  	_ =	shalt  }
0x6b: {  	_ =	shalt  }
0x6c: {  	_ =	shalt  }
0x6d: {  	_ =	shalt  }
0x6e: {  	_ =	shalt  }
0x6f: {  	_ =	shalt  }
0x70: {  	_ =	shalt  }
0x71: {  	_ =	shalt  }
0x72: {  	_ =	shalt  }
0x73: {  	_ =	shalt  }
0x74: {  	_ =	shalt  }
0x75: {  	_ =	shalt  }
0x76: {  	_ =	shalt  }
0x77: {  	_ =	shalt  }
0x78: {  	_ =	shalt  }
0x79: {  	_ =	shalt  }
0x7a: {  	_ =	shalt  }
0x7b: {  	_ =	shalt  }
0x7c: {  	_ =	shalt  }
0x7d: {  	_ =	shalt  }
0x7e: {  	_ =	shalt  }
0x7f: {  	_ =	shalt  }
0x80: {  	_ =	shalt  }
0x81: {  	_ =	shalt  }
0x82: {  	_ =	shalt  }
0x83: {  	_ =	shalt  }
0x84: {  	_ =	shalt  }
0x85: {  	_ =	shalt  }
0x86: {  	_ =	shalt  }
0x87: {  	_ =	shalt  }
.Lfunc_end0:
.L_simem_size_0:
called_computation.2_lowered:
.L_overlay_start_0:
0x88: {  	s2 =	sld [smem:$0x3FD9]  }
0x89: {  	s3 =	sld [smem:$0x3FFE];
	_ =	sdelay $0x1  }
0x8a: {  	s1 =	srdreg.scid  }
0x8b: {  	s0 =	sand.u32 $0x1, s1  }
0x8c: {  	s14 =	sshll.u32 s0, $0xA;
	s2 =	sadd.s32 s3, s2  }
0x8d: {  	s2 =	sadd.s32 s2, s14  }
0x8e: {  	[smem:$0x3FBF] =	sst s2  }
0x8f: {  	_ = 	snop  }
0x90: {  	s2 =	sld [smem:$0x3FD0];
	_ =	sdelay $0x2  }
0x91: {  	s15 =	simm.s32 $0xB;
	s4 =	simm.s32 $0x10  }
0x92: {  	[smem:s4], [sflag:s15] =	dma.local [hbm:s2], $0x1  }
0x93: {  	_ =	swait.eq [sflag:s15], $0x1  }
0x94: {  	[sflag:s15] =	ssyncset.done $0x0  }
0x95: {  	s16 =	sld [smem:$0x10];
	[sflag:s15] =	ssyncadd.s32 $0xFFFFFFFF  }
0x96: {  	s17 =	sld [smem:$0x11];
	(tm) =	ssettm $0x1  }
0x97: {  	s18 =	sld [smem:$0x3FFB];
	_ =	sdelay $0x3  }
0x98: {  	_ =	strace s18  }
0x99: {  	s4 =	sld [smem:$0x3FFC];
	_ =	sdelay $0x3  }
0x9a: {  	_ =	strace s4  }
0x9b: {  	s4 =	sld [smem:$0x3FFD];
	_ =	sdelay $0x3  }
0x9c: {  	_ =	strace s4  }
0x9d: {  	_ =	strace $0x8FFFFFFF  }
0x9e: {  	s19 =	sld [smem:$0x3FDB];
	_ =	sdelay $0x1  }
0x9f: {  	s5 =	simm.s32 $_scs_section_size  }
0xa0: {  	s6 =	simm.s32 $_size__tile_overlayer_lowered;
	s7 =	simm.s32 $_tile_overlayer_lowered  }
0xa1: {  	s22 =	simm.s32 $0x1BFF;
	s21 =	sshll.u32 s7, $0x1;
	s4 =	sadd.s32 s5, s19  }
0xa2: {  	s8 =	simm.s32 $0x0;
	s20 =	sshll.u32 s6, $0x1;
	s6 =	sadd.s32 s21, s4  }
0xa3: {  	[timem:s8], [sflag:s22] =	dma.local [hbm:s6], s20  }
0xa4: {  	_ =	swait.ge [sflag:s22], s20  }
0xa5: {  	s5 =	ssub.s32 $0x0, s20;
	[sflag:s22] =	ssyncset.done $0x0  }
0xa6: {  	[sflag:s22] =	ssyncadd.s32 s5;
	_ =	sdelay $0x1  }
0xa7: {  	s23 =	simm.s32 $0x1B8B  }
0xa8: {  	_ =	swait.ge [sflag:s23], $0x1  }
0xa9: {  	[sflag:s23] =	ssyncset.done $0x0  }
0xaa: {  	s25 =	simm.s32 $0x1B8E;
	s24 =	sld [smem:$0x3FFE];
	[sflag:s23] =	ssyncadd.s32 $0xFFFFFFFF  }
0xab: {  	s26 =	simm.s32 $execute0_lowered;
	[smem:$0x3FD2] =	sst s25  }
0xac: {  	s6 =	sshll.u32 s26, $0x1;
	_ =	strace $0x8000004C;
	[dreg:$0x1] =	wrdreg $0xFFFFFFFF  }
0xad: {  	s28 =	simm.s32 $_size_execute0_lowered;
	s4 =	sadd.s32 s4, s6;
	[dreg:$0x0] =	wrdreg $0x0  }
0xae: {  	s6 =	sshll.u32 s28, $0x1;
	[dreg:$0x2] =	wrdreg s4  }
0xaf: {  	[dreg:$0x3] =	wrdreg s6  }
0xb0: {  	[dreg:$0x4] =	wrdreg $0xC0  }
0xb1: {  	_ =	task [dreg:s8], $0x5FFFF  }
0xb2: {  	[dreg:$0x1] =	wrdreg $0xFFFFFFFF  }
0xb3: {  	[dreg:$0x0] =	wrdreg $0x60  }
0xb4: {  	[dreg:$0x2] =	wrdreg s24  }
0xb5: {  	[dreg:$0x3] =	wrdreg s16  }
0xb6: {  	[dreg:$0x4] =	wrdreg s17  }
0xb7: {  	[dreg:$0x5] =	wrdreg $0x9  }
0xb8: {  	_ =	task.clear_ibuf [dreg:s8], $0x6FFFF;
	_ =	strace $0x9000004C  }
0xb9: {  	s29 =	simm.s32 $0x9;
	_ =	strace $0x8000004E  }
0xba: {  	_ =	swait.ge [sflag:s29], $0x1  }
0xbb: {  	[sflag:s29] =	ssyncadd.s32 $0xFFFFFFFF  }
0xbc: {  	_ =	strace $0x9000004E  }
0xbd: {  	_ =	sfence  }
0xbe: {  	s30 =	sld [smem:$0x0];
	_ =	sdelay $0x2  }
0xbf: {  	s31 =	sshll.u32 s1, $0xD;
	s1 =	sshrl.u32 s1, $0x2  }
0xc0: {  	s3 =	sand.u32 $0x4000, s31;
	s1 =	sadd.s32 s1, s30  }
0xc1: {  	s0 =	sor.u32 s3, s0;
	s1 =	sshll.u32 s1, $0x11  }
0xc2: {  	s0 =	sor.u32 s1, s0  }
0xc3: {  	s0 =	sadd.s32 $0x8F2B, s0  }
0xc4: {  	[sflag:s0] =	ssyncadd.remote.s32 $0x1  }
0xc5: {  	_ =	sfence.sel $0xFFFF  }
0xc6: {  	[dreg:$0x0] =	wrdreg $0xFFFFFFFF;
	(pc) =	sbr.abs _section_cstart, $3  }
0xc7: {  	[dreg:$0x1] =	wrdreg $0xFFFFFFFF  }
0xc8: {  	_ =	task.clear_ibuf [dreg:s8], $0x2FFFF;
	_ =	strace $0x9FFFFFFF  }
0xc9: {  	(tm) =	ssettm $0x7FFFFFFF  }
tec
execute0_lowered:
.L_overlay_start_1:
0x0: {  	(tag) =	ssettag $0x1  }
0x1: {  	s0 =	rddreg [dreg:$0x0];
	s1 =	srdreg.scid  }
0x2: {  	s5 =	simm.s32 $0x0;
	s3 =	stileid.u32;
	s1 =	sand.u32 $0x1, s1  }
0x3: {  	v1 =	vimm.s32 $0xECA86420;
	[smem:$0x7FF] =	sst s5;
	s2 =	sadd.s32 $0xBC00, s0;
	s6 =	sadd.s32 $0x5800, s0  }
0x4: {  	v0 =	vlaneseq.u32;
	vm0 =	vcmask $0xB08;
	vm1 =	vcmask $0x1310;
	s0 =	sadd.s32 $0x8A00, s0;
	[dreg:$0x4] =	wrdreg s1;
	s1 =	ssub.s32 $0x2, s1  }
.Ltmp0:
0x5: {  	vm2 =	vcmask $0x1B18;
	vm3 =	vcmask $0x300;
	vm4 =	vcmask $0x2320;
	_ =	strace $0x8000004D;
	[dreg:$0x5] =	wrdreg s2;
	(pc) =	sbr.rel .LBB2_1-.Ltmp0, $4  }
0x6: {  	vm5 =	vcmask $0x2B28;
	vm6 =	vcmask $0x3330;
	vm7 =	vcmask $0x3B38;
	s30 =	sshll.u32 s3, $0x1;
	s29 =	sshrl.u32 s1, $0x1;
	[dreg:$0x7] =	wrdreg s0  }
0x7: {  	vm8 =	vmmov $0xff;
	vm9 =	vcmask $0x704;
	v1 =	vunpack.c.l.s4.s8 v1;
	[dreg:$0x8] =	wrdreg s30;
	s1 =	ssub.s32 s1, s29  }
0x8: {  	vm11 =	vcmask $0xF0C;
	vm12 =	vcmask $0x1714;
	vm13 =	vcmask $0x1F1C;
	[dreg:$0x6] =	wrdreg s6;
	s31 =	smax.u32 s1, $0x1  }
0x9: {  	vm14 =	vcmask $0x2724;
	v2 =	vmul.u32 $0x2, v0;
	v1 =	vunpack.c.0.s8.s32 v1;
	s1 =	simm.s32 $0x0;
	[dreg:$0x9] =	wrdreg s31  }
.LBB2_39:
0xa: {  	s1 =	rddreg [dreg:$0xa]  }
0xb: {  	s0 =	rddreg [dreg:$0x9];
	s1 =	sadd.s32 $0x1, s1  }
0xc: {  	p0 =	sne.s32 s1, s0  }
.Ltmp1:
0xd: {  	_ = 	snop;
	(pc) =	sbr.rel @!p0 .LBB2_40-.Ltmp1, $1  }
0xe: {  	_ =	sdelay $0x3  }
.LBB2_1:
.Ltmp2:
0xf: {  	(pc) =	sbr.rel .LBB2_2-.Ltmp2, $2  }
0x10: {  	_ =	sdelay $0x2  }
0x11: {  	[dreg:$0xa] =	wrdreg s1;
	s1 =	simm.s32 $0x0  }
.LBB2_38:
0x12: {  	s1 =	simm.s32 $0x5  }
0x13: {  	_ =	swait.ge [sflag:s1], $0x2800  }
0x14: {  	s0 =	sld [smem:$0x7FC];
	_ =	sdelay $0x1  }
0x15: {  	s5 =	sld [smem:$0x7FD]  }
0x16: {  	s3 =	rddreg [dreg:$0xc];
	[sflag:s1] =	ssyncset.done $0x0;
	p2 =	seq.s32 s0, $0x1  }
0x17: {  	[sflag:s1] =	ssyncadd.s32 $0xFFFFD800;
	s0 =	smul.u32 @!p2 $0x500, s3  }
0x18: {  	s4 =	rddreg [dreg:$0x1];
	p0 =	seq.s32 s5, $0x1;
	s1 =	simm.s32 @!p2 $0x0  }
0x19: {  	s2 =	simm.s32 @!p2 $0x400;
	s3 =	smul.u32 @p0 $0x2800, s3;
	s0 =	sadd.s32 @!p2 s4, s0  }
0x1a: {  	[hbm4b:s0+s1] =	stream.linear.scatter @!p2 [tilespmem:s2], [sflag:$0x9], $0x2800, $0x38;
	[tilespmem:$0xA400] =	vst v63  }
0x1b: {  	s0 =	sadd.s32 @p0 $0xFF3CB000, s3  }
0x1c: {  	s28 =	simm.s32 $0x6;
	s5 =	rddreg [dreg:$0x2];
	s0 =	sshrl.u32 @p0 s0, $0x3  }
0x1d: {  	s1 =	simm.s32 @p0 $0x0;
	s2 =	simm.s32 @p0 $0x400;
	s0 =	sadd.s32 @p0 s5, s0  }
0x1e: {  	[hbm4b:s0+s1] =	stream.linear.scatter @p0 [tilespmem:s2], [sflag:$0x9], $0x2800, $0x38;
	[tilespmem:$0xA400] =	vst v63  }
0x1f: {  	_ =	swait.ge [sflag:s28], $0x2800  }
0x20: {  	s6 =	sld [smem:$0x7FB]  }
0x21: {  	s3 =	rddreg [dreg:$0xd]  }
0x22: {  	s1 =	simm.s32 @!p6 $0x0;
	s0 =	smul.u32 @!p6 $0x500, s3  }
0x23: {  	s2 =	simm.s32 @!p6 $0x2C00;
	[sflag:s28] =	ssyncset.done $0x0;
	p0 =	seq.s32 s6, $0x1  }
0x24: {  	[sflag:s28] =	ssyncadd.s32 $0xFFFFD800;
	s0 =	sadd.s32 @!p6 s4, s0;
	s3 =	smul.u32 @p0 $0x2800, s3  }
0x25: {  	[hbm4b:s0+s1] =	stream.linear.scatter @!p6 [tilespmem:s2], [sflag:$0xA], $0x2800, $0x38;
	[tilespmem:$0xA400] =	vst v63  }
0x26: {  	s0 =	sadd.s32 @p0 $0xFF3CB000, s3  }
0x27: {  	s1 =	simm.s32 @p0 $0x0;
	s0 =	sshrl.u32 @p0 s0, $0x3  }
0x28: {  	s2 =	simm.s32 @p0 $0x2C00;
	s3 =	rddreg [dreg:$0xe];
	s0 =	sadd.s32 @p0 s5, s0  }
0x29: {  	[hbm4b:s0+s1] =	stream.linear.scatter @p0 [tilespmem:s2], [sflag:$0xA], $0x2800, $0x38;
	[tilespmem:$0xA400] =	vst v63  }
0x2a: {  	s0 =	simm.s32 @p1 $0x7;
	p0 =	sgt.u32 s3, $0x4E1  }
0x2b: {  	_ =	swait.ge @p1 [sflag:s0], $0x2800;
	s1 =	smul.u32 @!p0 $0x500, s3  }
0x2c: {  	s2 =	simm.s32 @!p0 $0x5400;
	s3 =	smul.u32 @p3 $0x2800, s3;
	[sflag:s0] =	ssyncset.done @p1 $0x0  }
0x2d: {  	[sflag:s0] =	ssyncadd.s32 @p1 $0xFFFFD800;
	s0 =	sadd.s32 @!p0 s4, s1;
	s1 =	simm.s32 @!p0 $0x0  }
0x2e: {  	[hbm4b:s0+s1] =	stream.linear.scatter @!p0 [tilespmem:s2], [sflag:$0xB], $0x2800, $0x38;
	[tilespmem:$0xA400] =	vst v63  }
0x2f: {  	s0 =	sadd.s32 @p3 $0xFF3CB000, s3  }
0x30: {  	s1 =	simm.s32 @p3 $0x0;
	s0 =	sshrl.u32 @p3 s0, $0x3  }
0x31: {  	s2 =	simm.s32 @p3 $0x5400;
	s3 =	rddreg [dreg:$0xf];
	s0 =	sadd.s32 @p3 s5, s0  }
0x32: {  	[hbm4b:s0+s1] =	stream.linear.scatter @p3 [tilespmem:s2], [sflag:$0xB], $0x2800, $0x38;
	[tilespmem:$0xA400] =	vst v63  }
0x33: {  	p0 =	sgt.u32 s3, $0x4E1;
	s0 =	simm.s32 @p5 $0x8  }
0x34: {  	s1 =	smul.u32 @!p0 $0x500, s3;
	_ =	swait.ge @p5 [sflag:s0], $0x2800  }
0x35: {  	s2 =	simm.s32 @!p0 $0x7C00;
	s3 =	smul.u32 @p4 $0x2800, s3;
	[sflag:s0] =	ssyncset.done @p5 $0x0  }
0x36: {  	[sflag:s0] =	ssyncadd.s32 @p5 $0xFFFFD800;
	s0 =	sadd.s32 @!p0 s4, s1;
	s1 =	simm.s32 @!p0 $0x0  }
0x37: {  	[hbm4b:s0+s1] =	stream.linear.scatter @!p0 [tilespmem:s2], [sflag:$0xC], $0x2800, $0x38;
	[tilespmem:$0xA400] =	vst v63  }
0x38: {  	s0 =	sadd.s32 @p4 $0xFF3CB000, s3  }
0x39: {  	s29 =	simm.s32 $0x9;
	s0 =	sshrl.u32 @p4 s0, $0x3  }
0x3a: {  	s1 =	simm.s32 @p4 $0x0;
	s2 =	simm.s32 @p4 $0x7C00;
	s0 =	sadd.s32 @p4 s5, s0  }
0x3b: {  	[hbm4b:s0+s1] =	stream.linear.scatter @p4 [tilespmem:s2], [sflag:$0xC], $0x2800, $0x38;
	[tilespmem:$0xA400] =	vst v63  }
0x3c: {  	_ =	swait.ge [sflag:s29], $0x2800  }
0x3d: {  	[sflag:s29] =	ssyncset.done $0x0  }
0x3e: {  	s30 =	simm.s32 $0xA;
	[sflag:s29] =	ssyncadd.s32 $0xFFFFD800  }
0x3f: {  	_ =	swait.ge [sflag:s30], $0x2800  }
0x40: {  	[sflag:s30] =	ssyncset.done $0x0  }
0x41: {  	s0 =	simm.s32 @p1 $0xB;
	[sflag:s30] =	ssyncadd.s32 $0xFFFFD800  }
0x42: {  	_ =	swait.ge @p1 [sflag:s0], $0x2800  }
0x43: {  	[sflag:s0] =	ssyncset.done @p1 $0x0  }
0x44: {  	[sflag:s0] =	ssyncadd.s32 @p1 $0xFFFFD800;
	s0 =	simm.s32 @p5 $0xC  }
0x45: {  	_ =	swait.ge @p5 [sflag:s0], $0x2800  }
0x46: {  	s31 =	rddreg [dreg:$0xb]  }
0x47: {  	s1 =	sadd.s32 $0x1, s31  }
0x48: {  	p0 =	sne.s32 s1, $0x14  }
.Ltmp3:
0x49: {  	_ = 	snop;
	(pc) =	sbr.rel @!p0 .LBB2_39-.Ltmp3, $3  }
0x4a: {  	_ =	sdelay $0x1  }
0x4b: {  	vm9 =	vmmov vm10;
	vm11 =	vcmask $0xF0C;
	[sflag:s0] =	ssyncset.done @p5 $0x0  }
0x4c: {  	vm12 =	vcmask $0x1714;
	vm13 =	vcmask $0x1F1C;
	vm14 =	vcmask $0x2724;
	s5 =	simm.s32 $0x0;
	s6 =	rddreg [dreg:$0x6];
	[sflag:s0] =	ssyncadd.s32 @p5 $0xFFFFD800  }
.LBB2_2:
0x4d: {  	s0 =	sshll.u32 s1, $0x7;
	s30 =	rddreg [dreg:$0x8]  }
0x4e: {  	s3 =	sor.u32 s0, s30  }
0x4f: {  	p1 =	sgt.u32 s3, $0x4E1  }
.Ltmp4:
0x50: {  	_ = 	snop;
	(pc) =	sbr.rel @!p1 .LBB2_3-.Ltmp4, $3  }
0x51: {  	_ =	sdelay $0x1  }
0x52: {  	s31 =	rddreg [dreg:$0x4]  }
0x53: {  	[dreg:$0xb] =	wrdreg s1;
	s2 =	sor.u32 s31, s3  }
0x54: {  	s4 =	sadd.s32 $0xFFFFFB1E, s2  }
0x55: {  	p0 =	sgt.u32 s4, $0x4E1  }
.Ltmp5:
0x56: {  	_ = 	snop;
	(pc) =	sbr.rel @p0 .LBB2_5-.Ltmp5, $1  }
0x57: {  	_ =	sdelay $0x3  }
0x58: {  	s0 =	smul.u32 $0x50, s2  }
.Ltmp6:
0x59: {  	_ = 	snop;
	(pc) =	sbr.rel .LBB2_7-.Ltmp6, $4  }
0x5a: {  	_ = 	snop  }
0x5b: {  	s0 =	sadd.s32 $0xFFFE7960, s0  }
0x5c: {  	s1 =	rddreg [dreg:$0x7];
	s0 =	sshrl.u32 s0, $0x3  }
0x5d: {  	s0 =	sadd.s32 s1, s0  }
.LBB2_3:
0x5e: {  	s0 =	smul.u32 $0xA, s2;
	_ =	sdelay $0x1  }
0x5f: {  	s4 =	smov.u32 s2;
	s0 =	sadd.s32 s6, s0  }
.LBB2_7:
.Ltmp7:
0x60: {  	(pc) =	sbr.rel .LBB2_8-.Ltmp7, $2  }
0x61: {  	_ =	sdelay $0x2  }
0x62: {  	[tilespmem:s5], [sflag:$0x1] =	stream.linear.gather [hbm4b:s0+s5], $0x50, $0x38;
	[tilespmem:$0xA400] =	vst v63  }
.LBB2_5:
0x63: {  	p1 =	por $0x0, $0x0  }
.LBB2_8:
0x64: {  	s7 =	sor.u32 $0x20, s2  }
0x65: {  	p2 =	sgt.u32 s7, $0x4E1  }
.Ltmp8:
0x66: {  	_ = 	snop;
	(pc) =	sbr.rel @!p2 .LBB2_9-.Ltmp8, $1  }
0x67: {  	_ =	sdelay $0x3  }
0x68: {  	s0 =	sadd.s32 $0xFFFFFB3E, s2  }
0x69: {  	p0 =	sgt.u32 s0, $0x4E1  }
.Ltmp9:
0x6a: {  	_ = 	snop;
	(pc) =	sbr.rel @p0 .LBB2_11-.Ltmp9, $2  }
0x6b: {  	_ =	sdelay $0x2  }
0x6c: {  	[dreg:$0x12] =	wrdreg s0  }
0x6d: {  	s1 =	smul.u32 $0x50, s7  }
.Ltmp10:
0x6e: {  	_ = 	snop;
	(pc) =	sbr.rel .LBB2_13-.Ltmp10, $4  }
0x6f: {  	_ = 	snop  }
0x70: {  	s1 =	sadd.s32 $0xFFFE7960, s1  }
0x71: {  	s0 =	rddreg [dreg:$0x7];
	s1 =	sshrl.u32 s1, $0x3  }
0x72: {  	s1 =	sadd.s32 s0, s1  }
.LBB2_9:
0x73: {  	s0 =	smul.u32 $0xA, s7;
	_ =	sdelay $0x1  }
0x74: {  	[dreg:$0x12] =	wrdreg s7;
	s1 =	sadd.s32 s6, s0  }
.LBB2_13:
.Ltmp11:
0x75: {  	(pc) =	sbr.rel .LBB2_14-.Ltmp11, $3  }
0x76: {  	_ =	sdelay $0x1  }
0x77: {  	s0 =	simm.s32 $0x80  }
0x78: {  	[tilespmem:s0], [sflag:$0x2] =	stream.linear.gather [hbm4b:s1+s5], $0x50, $0x38;
	[tilespmem:$0xA400] =	vst v63  }
.LBB2_11:
0x79: {  	p2 =	por $0x0, $0x0  }
.LBB2_14:
0x7a: {  	s8 =	sor.u32 $0x40, s2  }
0x7b: {  	p3 =	sgt.u32 s8, $0x4E1  }
.Ltmp12:
0x7c: {  	_ = 	snop;
	(pc) =	sbr.rel @!p3 .LBB2_15-.Ltmp12, $4  }
0x7d: {  	_ = 	snop  }
0x7e: {  	s0 =	simm.s32 @!p1 $0x0  }
0x7f: {  	s0 =	simm.s32 @p1 $0x1  }
0x80: {  	[smem:$0x7FD] =	sst s0  }
0x81: {  	s0 =	sadd.s32 $0xFFFFFB5E, s2  }
0x82: {  	p0 =	sgt.u32 s0, $0x4E1  }
.Ltmp13:
0x83: {  	_ = 	snop;
	(pc) =	sbr.rel @p0 .LBB2_17-.Ltmp13, $2  }
0x84: {  	_ =	sdelay $0x2  }
0x85: {  	[dreg:$0x11] =	wrdreg s0  }
0x86: {  	s1 =	smul.u32 $0x50, s8  }
.Ltmp14:
0x87: {  	_ = 	snop;
	(pc) =	sbr.rel .LBB2_19-.Ltmp14, $4  }
0x88: {  	_ = 	snop  }
0x89: {  	s1 =	sadd.s32 $0xFFFE7960, s1  }
0x8a: {  	s0 =	rddreg [dreg:$0x7];
	s1 =	sshrl.u32 s1, $0x3  }
0x8b: {  	s1 =	sadd.s32 s0, s1  }
.LBB2_15:
0x8c: {  	s1 =	smul.u32 $0xA, s8;
	_ =	sdelay $0x1  }
0x8d: {  	[dreg:$0x11] =	wrdreg s8;
	s1 =	sadd.s32 s6, s1  }
.LBB2_19:
.Ltmp15:
0x8e: {  	(pc) =	sbr.rel .LBB2_20-.Ltmp15, $3  }
0x8f: {  	_ =	sdelay $0x1  }
0x90: {  	s0 =	simm.s32 $0x100;
	p1 =	por $0x1, $0x1  }
0x91: {  	[tilespmem:s0], [sflag:$0x3] =	stream.linear.gather [hbm4b:s1+s5], $0x50, $0x38;
	[tilespmem:$0xA400] =	vst v63  }
.LBB2_17:
0x92: {  	p1 =	slt.u32 s8, $0x9C4;
	p3 =	por $0x0, $0x0  }
.LBB2_20:
0x93: {  	s0 =	sor.u32 $0x60, s2  }
0x94: {  	p4 =	sgt.u32 s0, $0x4E1  }
.Ltmp16:
0x95: {  	_ = 	snop;
	(pc) =	sbr.rel @!p4 .LBB2_21-.Ltmp16, $4  }
0x96: {  	[dreg:$0xc] =	wrdreg s2  }
0x97: {  	[dreg:$0xd] =	wrdreg s7  }
0x98: {  	[dreg:$0xe] =	wrdreg s8  }
0x99: {  	[dreg:$0xf] =	wrdreg s0  }
0x9a: {  	s1 =	sadd.s32 $0xFFFFFB7E, s2  }
0x9b: {  	p0 =	sgt.u32 s1, $0x4E1  }
.Ltmp17:
0x9c: {  	_ = 	snop;
	(pc) =	sbr.rel @p0 .LBB2_23-.Ltmp17, $2  }
0x9d: {  	_ =	sdelay $0x2  }
0x9e: {  	[dreg:$0x10] =	wrdreg s1  }
0x9f: {  	s1 =	smul.u32 $0x50, s0  }
.Ltmp18:
0xa0: {  	_ = 	snop;
	(pc) =	sbr.rel .LBB2_25-.Ltmp18, $4  }
0xa1: {  	_ = 	snop  }
0xa2: {  	s1 =	sadd.s32 $0xFFFE7960, s1  }
0xa3: {  	s31 =	rddreg [dreg:$0x7];
	s1 =	sshrl.u32 s1, $0x3  }
0xa4: {  	s1 =	sadd.s32 s31, s1  }
.LBB2_21:
0xa5: {  	s1 =	smul.u32 $0xA, s0;
	_ =	sdelay $0x1  }
0xa6: {  	[dreg:$0x10] =	wrdreg s0;
	s1 =	sadd.s32 s6, s1  }
.LBB2_25:
.Ltmp19:
0xa7: {  	(pc) =	sbr.rel .LBB2_26-.Ltmp19, $3  }
0xa8: {  	_ =	sdelay $0x1  }
0xa9: {  	s0 =	simm.s32 $0x180;
	p5 =	por $0x1, $0x1  }
0xaa: {  	[tilespmem:s0], [sflag:$0x4] =	stream.linear.gather [hbm4b:s1+s5], $0x50, $0x38;
	[tilespmem:$0xA400] =	vst v63  }
.LBB2_23:
0xab: {  	p5 =	slt.u32 s0, $0x9C4;
	p4 =	por $0x0, $0x0  }
.LBB2_26:
0xac: {  	s1 =	smul.u32 $0x50, s4  }
0xad: {  	s0 =	simm.s32 $0x1  }
0xae: {  	_ =	swait.ge [sflag:s0], $0x50;
	v3 =	vor.u32 s1, v0  }
0xaf: {  	(v2sf) =	vpush v3, $0x1  }
0xb0: {  	(v2sf) =	vpush v3, $0x0;
	_ =	sdelay $0x1  }
0xb1: {  	(v2sf) =	vpush v3, $0x7;
	_ =	sdelay $0x1  }
0xb2: {  	(v2sf) =	vpush v3, $0x2  }
0xb3: {  	(v2sf) =	vpush v3, $0xF;
	_ =	sdelay $0x1  }
0xb4: {  	(v2sf) =	vpush v3, $0x3;
	_ =	sdelay $0x1  }
0xb5: {  	(v2sf) =	vpush v3, $0x4;
	_ =	sdelay $0x1  }
0xb6: {  	(v2sf) =	vpush v3, $0x6  }
0xb7: {  	p0 =	sgt.u32 s3, $0x4E1;
	s8 =	simm.s32 $0x7D0  }
0xb8: {  	s12 =	simm.s32 $0x0;
	s13 =	simm.s32 $0x40;
	s17 =	simm.s32 $0x80;
	(v2sf) =	vpush v3, $0xC  }
0xb9: {  	s8 =	simm.s32 @!p0 $0x0;
	[sflag:s0] =	ssyncset.done $0x0;
	(v2sf) =	vpush v3, $0x8;
	s2 =	spop (v2sf)  }
0xba: {  	[sflag:s0] =	ssyncadd.s32 $0xFFFFFFB0;
	s22 =	spop (v2sf);
	s23 =	smulhi.u32 $0x10624DD3, s2  }
0xbb: {  	s0 =	simm.s32 @!p0 $0x0;
	(v2sf) =	vpush v3, $0xD;
	s2 =	sshra.s32 s2, $0x1F;
	s9 =	smulhi.u32 $0x10624DD3, s22  }
0xbc: {  	s0 =	simm.s32 @p0 $0x1;
	s7 =	spop (v2sf);
	s2 =	smul.u32 $0x10624DD3, s2  }
0xbd: {  	[smem:$0x7FC] =	sst s0;
	s3 =	sshra.s32 s22, $0x1F;
	s25 =	smulhi.u32 $0x10624DD3, s7  }
0xbe: {  	(v2sf) =	vpush v3, $0xE;
	s14 =	spop (v2sf);
	s7 =	sshra.s32 s7, $0x1F;
	s3 =	smul.u32 $0x10624DD3, s3  }
0xbf: {  	s19 =	sadd.s32 $0x10, s1;
	(v2sf) =	vpush v3, $0x9;
	s15 =	spop (v2sf);
	s7 =	smul.u32 $0x10624DD3, s7  }
0xc0: {  	(v2sf) =	vpush v3, $0x5;
	s20 =	sshra.s32 s14, $0x1F;
	s14 =	smulhi.u32 $0x10624DD3, s14;
	s2 =	sadd.s32 s2, s23  }
0xc1: {  	s18 =	smulhi.u32 $0x10624DD3, s15;
	s15 =	sshra.s32 s15, $0x1F;
	s28 =	spop (v2sf)  }
0xc2: {  	(v2sf) =	vpush v3, $0xA;
	s0 =	smul.u32 $0x10624DD3, s20;
	s6 =	sshrl.u32 s2, $0x1F;
	s3 =	sadd.s32 s3, s9  }
0xc3: {  	s15 =	smul.u32 $0x10624DD3, s15;
	s24 =	sshra.s32 s28, $0x1F;
	s29 =	spop (v2sf)  }
0xc4: {  	s16 =	sadd.s32 s7, s25;
	s22 =	smulhi.u32 $0x10624DD3, s28;
	s30 =	sshra.s32 s29, $0x1F  }
0xc5: {  	s21 =	spop (v2sf);
	s10 =	sshra.s32 s16, $0x1F;
	s25 =	smul.u32 $0x10624DD3, s24  }
0xc6: {  	(v2sf) =	vpush v3, $0xB;
	s7 =	sadd.s32 s0, s14;
	s23 =	smulhi.u32 $0x10624DD3, s29;
	s0 =	sshrl.u32 s3, $0x1F  }
0xc7: {  	s26 =	spop (v2sf);
	s20 =	sadd.s32 s15, s18;
	s5 =	smul.u32 $0x10624DD3, s30  }
0xc8: {  	s28 =	sshra.s32 s7, $0x1F;
	s31 =	sshra.s32 s26, $0x1F;
	s30 =	spop (v2sf)  }
0xc9: {  	s1 =	smulhi.u32 $0x10624DD3, s26;
	s26 =	sshrl.u32 s7, $0x1F;
	s7 =	sshra.s32 s7, $0x7  }
0xca: {  	s25 =	sadd.s32 s25, s22;
	s24 =	sshra.s32 s30, $0x1F;
	s4 =	spop (v2sf)  }
0xcb: {  	s31 =	smul.u32 $0x10624DD3, s31;
	s22 =	sadd.s32 s5, s23;
	s5 =	sshra.s32 s3, $0x7  }
0xcc: {  	s3 =	sshra.s32 s3, $0x1F;
	s9 =	smulhi.u32 $0x10624DD3, s30;
	s29 =	sshra.s32 s4, $0x1F  }
0xcd: {  	s23 =	smulhi.u32 $0x10624DD3, s4;
	s1 =	sadd.s32 s31, s1;
	s11 =	spop (v2sf)  }
0xce: {  	v4 =	vmov s10;
	s31 =	sshra.s32 s11, $0x1F;
	s14 =	spop (v2sf);
	s11 =	smulhi.u32 $0x10624DD3, s11  }
0xcf: {  	v6 =	vmov s0;
	v4 =	vsel vm3, s5, v4;
	s0 =	sshrl.u32 s22, $0x1F;
	s10 =	smul.u32 $0x10624DD3, s31;
	s5 =	spop (v2sf)  }
0xd0: {  	v4 =	vsel vm9, s3, v4;
	s31 =	sshra.s32 s2, $0x1F;
	s2 =	sshra.s32 s2, $0x7;
	s15 =	smulhi.u32 $0x10624DD3, s5  }
0xd1: {  	s18 =	spop (v2sf);
	v4 =	vsel vm0, s2, v4;
	s4 =	sadd.s32 s10, s11;
	s11 =	smulhi.u32 $0x10624DD3, s14  }
0xd2: {  	s2 =	sshra.s32 s14, $0x1F;
	s10 =	sshra.s32 s18, $0x1F;
	v5 =	vsel vm11, s31, v4;
	s3 =	smulhi.u32 $0x10624DD3, s18  }
0xd3: {  	v6 =	vnsel vm3, $0x0, v6;
	s14 =	sshra.s32 s5, $0x1F;
	s31 =	sshra.s32 s1, $0x7;
	v4 =	vmov s8;
	s8 =	smul.u32 $0x10624DD3, s29;
	v5 =	vsel vm1, s7, v5  }
0xd4: {  	v6 =	vsel vm0, s6, v6;
	s5 =	sshra.s32 s25, $0x7;
	s18 =	sshra.s32 s22, $0x7;
	s2 =	smul.u32 $0x10624DD3, s2;
	v7 =	vsel vm12, s28, v5;
	v5 =	vor.u32 s19, v0  }
0xd5: {  	vm15 =	vcmask $0x2F2C;
	v6 =	vsel vm1, s26, v6;
	s7 =	sshra.s32 s25, $0x1F;
	s29 =	sadd.s32 s8, s23;
	s23 =	spop (v2sf);
	(v2sf) =	vpush v5, $0x1  }
0xd6: {  	v8 =	vmov s31;
	s31 =	sadd.s32 s2, s11;
	s2 =	smul.u32 $0x10624DD3, s24;
	v7 =	vsel vm2, s5, v7;
	s5 =	sshrl.u32 s25, $0x1F;
	(v2sf) =	vpush v5, $0x0  }
0xd7: {  	s25 =	sshra.s32 s21, $0x1F;
	s28 =	smulhi.u32 $0x10624DD3, s23;
	s26 =	sshra.s32 s29, $0x7;
	v7 =	vsel vm13, s7, v7;
	v6 =	vsel vm2, s5, v6;
	(v2sf) =	vpush v5, $0x7  }
0xd8: {  	s8 =	sshrl.u32 s31, $0x1F;
	s30 =	smul.u32 $0x10624DD3, s25;
	s25 =	sshra.s32 s22, $0x1F;
	v8 =	vsel vm0, s26, v8;
	v7 =	vsel vm4, s18, v7;
	(v2sf) =	vpush v5, $0x2  }
0xd9: {  	s7 =	sshra.s32 s23, $0x1F;
	s18 =	sshrl.u32 s1, $0x1F;
	v6 =	vsel vm4, s0, v6;
	s1 =	smul.u32 $0x10624DD3, s10;
	v7 =	vsel vm14, s25, v7;
	(v2sf) =	vpush v5, $0xF  }
.LBB2_27:
0xda: {  	s0 =	sshrl.u32 s29, $0x1F  }
0xdb: {  	(v2sf) =	vpush v5, $0x3;
	v9 =	vmov s18;
	s5 =	smul.u32 $0x10624DD3, s14;
	s6 =	sshra.s32 s31, $0x7;
	s24 =	smov.u32 s17  }
0xdc: {  	p6 =	sne.s32 s17, $0x100;
	s10 =	smulhi.u32 $0x10624DD3, s21;
	s11 =	sshra.s32 s4, $0x7;
	(v2sf) =	vpush v5, $0x4  }
0xdd: {  	v9 =	vsel vm0, s0, v9;
	s0 =	sadd.s32 s2, s9;
	v8 =	vsel vm1, s11, v8;
	(v2sf) =	vpush v5, $0x6;
	s2 =	sadd.s32 s5, s15;
	s5 =	sshra.s32 s20, $0x7  }
0xde: {  	s4 =	sshrl.u32 s4, $0x1F;
	s9 =	sadd.s32 s30, s10;
	(v2sf) =	vpush v5, $0xC;
	v8 =	vsel vm2, s5, v8;
	s5 =	sshra.s32 s0, $0x7  }
0xdf: {  	vm10 =	vcmask $0x3734;
	v9 =	vsel vm1, s4, v9;
	s4 =	smul.u32 $0x10624DD3, s7;
	s0 =	sshrl.u32 s0, $0x1F;
	v10 =	vmov s5;
	s5 =	sshra.s32 s2, $0x7  }
0xe0: {  	s1 =	sadd.s32 s1, s3;
	s3 =	sshra.s32 s2, $0x1F;
	(v2sf) =	vpush v5, $0x8;
	v10 =	vsel vm0, s6, v10;
	v7 =	vsel vm5, s5, v7;
	s5 =	sshra.s32 s9, $0x7  }
0xe1: {  	v11 =	vmov s0;
	s0 =	sadd.s32 s4, s28;
	s4 =	sshra.s32 s1, $0x7;
	s6 =	sshrl.u32 s20, $0x1F;
	(v2sf) =	vpush v5, $0xD;
	v7 =	vsel vm15, s3, v7  }
0xe2: {  	s1 =	sshrl.u32 s1, $0x1F;
	v11 =	vsel vm0, s8, v11;
	v9 =	vsel vm2, s6, v9;
	v10 =	vsel vm1, s4, v10;
	s3 =	sshra.s32 s0, $0x7;
	s4 =	sshra.s32 s9, $0x1F  }
0xe3: {  	v11 =	vsel vm1, s1, v11;
	s0 =	sshrl.u32 s0, $0x1F;
	s1 =	sshrl.u32 s2, $0x1F;
	s2 =	sshra.s32 s16, $0x7;
	v10 =	vsel vm2, s3, v10;
	v7 =	vsel vm6, s5, v7  }
0xe4: {  	s17 =	sadd.s32 $0x40, s17;
	s3 =	sshra.s32 s12, $0x2;
	v11 =	vsel vm2, s0, v11;
	s12 =	smov.u32 s13;
	v7 =	vsel vm10, s4, v7;
	(v2sf) =	vpush v5, $0xE  }
0xe5: {  	s19 =	sadd.s32 $0x10, s19;
	v6 =	vsel vm5, s1, v6;
	s1 =	sshrl.u32 s9, $0x1F;
	v9 =	vcombine.low v11, v9;
	v8 =	vcombine.low v10, v8;
	s0 =	spop (v2sf);
	v12 =	vld [tilespmem:s3+$0x0]  }
0xe6: {  	s5 =	smulhi.u32 $0x10624DD3, s0;
	s6 =	spop (v2sf)  }
0xe7: {  	v6 =	vsel vm6, s1, v6;
	s1 =	sshrl.u32 s16, $0x1F;
	v7 =	vsel vm7, s2, v7;
	(v2sf) =	vpush v5, $0x9;
	s0 =	sshra.s32 s0, $0x1F;
	s4 =	smulhi.u32 $0x10624DD3, s6  }
0xe8: {  	s2 =	spop (v2sf);
	s0 =	smul.u32 $0x10624DD3, s0  }
0xe9: {  	v6 =	vsel vm7, s1, v6;
	s9 =	sshra.s32 s6, $0x1F;
	s1 =	sshra.s32 s2, $0x1F;
	s2 =	smulhi.u32 $0x10624DD3, s2  }
0xea: {  	s6 =	spop (v2sf);
	s9 =	smul.u32 $0x10624DD3, s9  }
0xeb: {  	v8 =	vperm.xlane v8, v1;
	v7 =	vperm.xlane v7, v2;
	s7 =	sshra.s32 s6, $0x1F;
	s8 =	spop (v2sf);
	s1 =	smul.u32 $0x10624DD3, s1  }
0xec: {  	v9 =	vperm.xlane v9, v1;
	v6 =	vperm.xlane v6, v2;
	s10 =	smulhi.u32 $0x10624DD3, s8;
	s8 =	sshra.s32 s8, $0x1F;
	s15 =	spop (v2sf);
	(v2sf) =	vpush v5, $0x5  }
0xed: {  	s6 =	smulhi.u32 $0x10624DD3, s6;
	v10 =	vshra.s32 v12, $0x1F;
	s11 =	sshra.s32 s15, $0x1F;
	(v2sf) =	vpush v5, $0xA;
	s14 =	spop (v2sf)  }
0xee: {  	v6 =	vsel vm8, v6, v9;
	v7 =	vsel vm8, v7, v8;
	s8 =	smul.u32 $0x10624DD3, s8;
	v8 =	vshrl.u32 v10, $0x16;
	s13 =	sshra.s32 s14, $0x1F;
	s21 =	spop (v2sf)  }
0xef: {  	v6 =	vadd.s32 v6, v7;
	s7 =	smul.u32 $0x10624DD3, s7;
	s16 =	sadd.s32 s1, s2;
	v7 =	vadd.s32 v8, v12;
	s1 =	spop (v2sf)  }
0xf0: {  	s0 =	sadd.s32 s0, s5;
	v8 =	vmul.u32 $0xFFFFF830, v6;
	s20 =	sadd.s32 s8, s10;
	v7 =	vshra.s32 v7, $0xA;
	s2 =	sshra.s32 s1, $0x1F  }
0xf1: {  	vm10 =	vmmov vm9;
	s6 =	sadd.s32 s7, s6;
	s10 =	sshra.s32 s16, $0x1F;
	v9 =	vmul.u32 $0x13A0, v7;
	v7 =	vshll.u32 v7, $0xA;
	s22 =	spop (v2sf)  }
0xf2: {  	v6 =	vmul.u32 $0x13A0, v6;
	s7 =	smul.u32 $0x10624DD3, s11;
	v8 =	vadd.s32 v3, v8;
	v3 =	vmovc v5;
	v7 =	vsub.s32 v12, v7;
	s8 =	sshra.s32 s22, $0x1F;
	s5 =	spop (v2sf)  }
0xf3: {  	s23 =	sshrl.u32 s0, $0x1F;
	vm9 =	vlt.s32 v12, $0x0;
	s18 =	smul.u32 $0x10624DD3, s13;
	v5 =	vadd.s32 v4, v8;
	v7 =	vadd.s32 v9, v7  }
0xf4: {  	s13 =	sshrl.u32 s6, $0x1F;
	s11 =	sshra.s32 s6, $0x1F;
	s1 =	smulhi.u32 $0x10624DD3, s1;
	v5 =	vadd.s32 v6, v5;
	v6 =	vadd.s32 $0xFA0, v7;
	(v2sf) =	vpush v3, $0xB  }
0xf5: {  	s6 =	sshra.s32 s6, $0x7;
	s2 =	smul.u32 $0x10624DD3, s2;
	v5 =	vsel vm9, v5, v6;
	vm9 =	vmmov vm10;
	s25 =	spop (v2sf)  }
0xf6: {  	s26 =	sshra.s32 s5, $0x1F;
	s5 =	smulhi.u32 $0x10624DD3, s5;
	s28 =	sshra.s32 s25, $0x1F;
	[tilespmem:s3+$0x200] =	vst v5  }
0xf7: {  	s3 =	sadd.s32 s9, s4;
	s4 =	smulhi.u32 $0x10624DD3, s15;
	s15 =	spop (v2sf)  }
0xf8: {  	s1 =	sadd.s32 s2, s1;
	v5 =	vmov s10;
	s9 =	sshrl.u32 s3, $0x1F;
	s29 =	sshra.s32 s3, $0x7  }
0xf9: {  	s10 =	smulhi.u32 $0x10624DD3, s14;
	s3 =	sshra.s32 s3, $0x1F;
	v6 =	vmov s9;
	v5 =	vsel vm3, s29, v5;
	s29 =	sshra.s32 s0, $0x1F  }
0xfa: {  	s0 =	sshra.s32 s0, $0x7;
	s2 =	sshra.s32 s15, $0x1F;
	s9 =	smulhi.u32 $0x10624DD3, s22;
	v6 =	vnsel vm3, $0x0, v6;
	v5 =	vsel vm10, s3, v5  }
0xfb: {  	s22 =	smulhi.u32 $0x10624DD3, s25;
	s7 =	sadd.s32 s7, s4;
	v6 =	vsel vm0, s23, v6;
	v5 =	vsel vm0, s0, v5;
	s0 =	spop (v2sf)  }
0xfc: {  	s4 =	smul.u32 $0x10624DD3, s28;
	v5 =	vsel vm11, s29, v5;
	s14 =	sshra.s32 s0, $0x1F;
	s3 =	spop (v2sf)  }
0xfd: {  	s23 =	smulhi.u32 $0x10624DD3, s15;
	v5 =	vsel vm1, s6, v5;
	s25 =	sshra.s32 s3, $0x1F  }
0xfe: {  	s28 =	sshra.s32 s7, $0x1F;
	s2 =	smul.u32 $0x10624DD3, s2;
	s6 =	sshra.s32 s1, $0x7  }
0xff: {  	s10 =	sadd.s32 s18, s10;
	s3 =	smulhi.u32 $0x10624DD3, s3;
	v5 =	vsel vm12, s11, v5;
	s11 =	sshra.s32 s7, $0x7  }
0x100: {  	s4 =	sadd.s32 s4, s22;
	s15 =	smulhi.u32 $0x10624DD3, s0;
	s0 =	sshra.s32 s10, $0x7;
	v7 =	vsel vm2, s11, v5  }
0x101: {  	s22 =	sshrl.u32 s10, $0x1F;
	s10 =	sshra.s32 s10, $0x1F;
	v5 =	vor.u32 s19, v0;
	s11 =	smul.u32 $0x10624DD3, s26;
	v7 =	vsel vm13, s28, v7  }
.Ltmp20:
0x102: {  	v6 =	vsel vm1, s13, v6;
	s13 =	sshra.s32 s21, $0x1F;
	s7 =	sshrl.u32 s7, $0x1F;
	v7 =	vsel vm4, s0, v7;
	(v2sf) =	vpush v5, $0x1;
	(pc) =	sbr.rel @p6 .LBB2_27-.Ltmp20, $4  }
0x103: {  	s30 =	smul.u32 $0x10624DD3, s13;
	v6 =	vsel vm2, s7, v6;
	s29 =	sadd.s32 s11, s5;
	v7 =	vsel vm14, s10, v7;
	(v2sf) =	vpush v5, $0x0;
	s0 =	spop (v2sf)  }
0x104: {  	s18 =	sshrl.u32 s1, $0x1F;
	s13 =	smov.u32 s24;
	v8 =	vmov s6;
	v6 =	vsel vm4, s22, v6;
	(v2sf) =	vpush v5, $0x7;
	s28 =	smulhi.u32 $0x10624DD3, s0  }
0x105: {  	s31 =	sadd.s32 s2, s23;
	s2 =	smul.u32 $0x10624DD3, s8;
	s5 =	sshra.s32 s29, $0x7;
	(v2sf) =	vpush v5, $0x2  }
0x106: {  	s8 =	sshrl.u32 s31, $0x1F;
	s1 =	smul.u32 $0x10624DD3, s25;
	v8 =	vsel vm0, s5, v8;
	s7 =	sshra.s32 s0, $0x1F;
	(v2sf) =	vpush v5, $0xF  }
0x107: {  	_ =	sdelay $0x3  }
0x108: {  	(v2sf) =	vpush v5, $0x3  }
0x109: {  	(v2sf) =	vpush v5, $0x4  }
0x10a: {  	(v2sf) =	vpush v5, $0x6;
	_ =	sdelay $0x1  }
0x10b: {  	s0 =	smul.u32 $0x10624DD3, s14;
	(v2sf) =	vpush v5, $0xC  }
0x10c: {  	s5 =	smulhi.u32 $0x10624DD3, s21  }
0x10d: {  	s7 =	smul.u32 $0x10624DD3, s7;
	s2 =	sadd.s32 s2, s9;
	s6 =	spop (v2sf)  }
0x10e: {  	v9 =	vmov s18;
	s18 =	sshra.s32 s16, $0x7;
	s10 =	spop (v2sf);
	s11 =	smulhi.u32 $0x10624DD3, s6  }
0x10f: {  	s1 =	sadd.s32 s1, s3;
	s6 =	sshra.s32 s6, $0x1F;
	s9 =	smulhi.u32 $0x10624DD3, s10  }
0x110: {  	s0 =	sadd.s32 s0, s15;
	s26 =	spop (v2sf);
	s6 =	smul.u32 $0x10624DD3, s6  }
0x111: {  	s5 =	sadd.s32 s30, s5;
	s21 =	smulhi.u32 $0x10624DD3, s26;
	s14 =	sshra.s32 s26, $0x1F  }
0x112: {  	s7 =	sadd.s32 s7, s28;
	s17 =	spop (v2sf);
	s14 =	smul.u32 $0x10624DD3, s14  }
0x113: {  	s28 =	sshrl.u32 s20, $0x1F;
	s19 =	spop (v2sf);
	s24 =	smulhi.u32 $0x10624DD3, s17  }
0x114: {  	s30 =	sshra.s32 s7, $0x7;
	s22 =	smulhi.u32 $0x10624DD3, s19;
	s25 =	sshra.s32 s19, $0x1F  }
0x115: {  	s10 =	sshra.s32 s10, $0x1F;
	s26 =	sshra.s32 s17, $0x1F;
	s3 =	smul.u32 $0x10624DD3, s25  }
0x116: {  	s17 =	sshrl.u32 s7, $0x1F;
	s23 =	spop (v2sf);
	s25 =	smul.u32 $0x10624DD3, s26  }
0x117: {  	s14 =	sadd.s32 s14, s21;
	s15 =	spop (v2sf);
	s21 =	smul.u32 $0x10624DD3, s10  }
0x118: {  	s7 =	sshra.s32 s5, $0x1F;
	[dreg:$0x1b] =	wrdreg s14;
	s19 =	spop (v2sf)  }
0x119: {  	(v2sf) =	vpush v5, $0x8;
	s14 =	sadd.s32 s6, s11;
	[dreg:$0x1a] =	wrdreg s19;
	s3 =	sadd.s32 s3, s22  }
0x11a: {  	(v2sf) =	vpush v5, $0xD;
	s22 =	spop (v2sf);
	s11 =	sadd.s32 s25, s24;
	s24 =	sshra.s32 s31, $0x7  }
0x11b: {  	s25 =	sadd.s32 s21, s9;
	s9 =	sshra.s32 s4, $0x7;
	s31 =	sshra.s32 s0, $0x7  }
0x11c: {  	(v2sf) =	vpush v5, $0xE;
	s19 =	sshra.s32 s12, $0x2;
	s12 =	sshra.s32 s5, $0x7;
	s5 =	sshrl.u32 s5, $0x1F  }
0x11d: {  	(v2sf) =	vpush v5, $0x9;
	[dreg:$0x13] =	wrdreg s3;
	s26 =	sshra.s32 s22, $0x1F;
	s10 =	smulhi.u32 $0x10624DD3, s22  }
0x11e: {  	vm3 =	vcmask $0x300;
	s22 =	sshrl.u32 s29, $0x1F;
	s29 =	sshra.s32 s1, $0x7;
	s1 =	sshrl.u32 s1, $0x1F  }
0x11f: {  	vm4 =	vcmask $0x3734;
	(v2sf) =	vpush v5, $0x5;
	s3 =	sshrl.u32 s0, $0x1F;
	v8 =	vsel vm1, s9, v8;
	s9 =	sshrl.u32 s11, $0x1F;
	s6 =	smul.u32 $0x10624DD3, s26  }
0x120: {  	(v2sf) =	vpush v5, $0xA;
	v7 =	vsel vm5, s31, v7;
	s26 =	sshrl.u32 s4, $0x1F;
	s4 =	sshra.s32 s0, $0x1F;
	s0 =	sshra.s32 s15, $0x1F;
	v9 =	vsel vm0, s22, v9  }
0x121: {  	s22 =	sshrl.u32 s16, $0x1F;
	(v2sf) =	vpush v5, $0xB;
	v6 =	vsel vm5, s3, v6;
	v9 =	vsel vm1, s26, v9;
	s21 =	sadd.s32 s6, s10;
	s6 =	sshra.s32 s2, $0x7  }
0x122: {  	s3 =	sshra.s32 s14, $0x1F;
	s26 =	sshrl.u32 s25, $0x1F;
	v7 =	vsel vm15, s4, v7;
	s4 =	sshra.s32 s25, $0x7;
	v6 =	vsel vm6, s5, v6;
	v10 =	vmov s6  }
0x123: {  	s2 =	sshrl.u32 s2, $0x1F;
	s10 =	sshra.s32 s20, $0x7;
	s20 =	smul.u32 $0x10624DD3, s0;
	v9 =	vsel vm2, s28, v9;
	v7 =	vsel vm6, s12, v7;
	v10 =	vsel vm0, s24, v10  }
0x124: {  	s0 =	sshra.s32 s23, $0x1F;
	s23 =	smulhi.u32 $0x10624DD3, s23;
	v6 =	vsel vm7, s22, v6;
	v11 =	vmov s2;
	v10 =	vsel vm1, s29, v10;
	s29 =	rddreg [dreg:$0x1b]  }
0x125: {  	s12 =	sshra.s32 s14, $0x7;
	v14 =	vmov s26;
	s16 =	smul.u32 $0x10624DD3, s0;
	v8 =	vsel vm2, s10, v8;
	v11 =	vsel vm0, s8, v11;
	s8 =	sshra.s32 s29, $0x1F  }
0x126: {  	s28 =	smov.u32 s19;
	s10 =	sshra.s32 s11, $0x1F;
	s2 =	smulhi.u32 $0x10624DD3, s15;
	v7 =	vsel vm4, s7, v7;
	v11 =	vsel vm1, s1, v11;
	v12 =	vmov s8  }
0x127: {  	v13 =	vld [tilespmem:s19+$0x0];
	s11 =	sshra.s32 s11, $0x7;
	s24 =	sshra.s32 s25, $0x1F;
	v10 =	vsel vm2, s30, v10;
	v11 =	vsel vm2, s17, v11;
	v12 =	vsel vm3, s4, v12;
	s4 =	sadd.s32 s16, s23  }
0x128: {  	v7 =	vsel vm7, s18, v7;
	s2 =	sadd.s32 s20, s2;
	v9 =	vcombine.low v11, v9;
	v8 =	vcombine.low v10, v8;
	s6 =	spop (v2sf);
	s26 =	sshra.s32 s4, $0x7  }
0x129: {  	v6 =	vperm.xlane v6, v2;
	v7 =	vperm.xlane v7, v2;
	v11 =	vsel vm9, s24, v12;
	s25 =	spop (v2sf);
	s0 =	sshra.s32 s6, $0x1F;
	s8 =	smulhi.u32 $0x10624DD3, s6  }
0x12a: {  	v9 =	vperm.xlane v9, v1;
	v8 =	vperm.xlane v8, v1;
	v11 =	vsel vm0, s12, v11;
	s12 =	sshra.s32 s21, $0x7;
	s1 =	sshra.s32 s25, $0x1F;
	s15 =	smulhi.u32 $0x10624DD3, s25  }
0x12b: {  	v10 =	vnsel vm3, $0x0, v14;
	s25 =	sshrl.u32 s14, $0x1F;
	s14 =	spop (v2sf);
	v11 =	vsel vm11, s3, v11;
	s0 =	smul.u32 $0x10624DD3, s0  }
0x12c: {  	v6 =	vsel vm8, v6, v9;
	v9 =	vshra.s32 v13, $0x1F;
	v7 =	vsel vm8, v7, v8;
	s7 =	spop (v2sf);
	s17 =	sshra.s32 s14, $0x1F;
	s23 =	smulhi.u32 $0x10624DD3, s14  }
0x12d: {  	v10 =	vsel vm0, s25, v10;
	s25 =	sshra.s32 s4, $0x1F;
	v8 =	vshrl.u32 v9, $0x16;
	v9 =	vsel vm1, s11, v11;
	s11 =	sshra.s32 s2, $0x7;
	s1 =	smul.u32 $0x10624DD3, s1  }
0x12e: {  	s4 =	sshrl.u32 s4, $0x1F;
	s19 =	sshra.s32 s7, $0x1F;
	s7 =	smulhi.u32 $0x10624DD3, s7  }
0x12f: {  	s22 =	spop (v2sf);
	s5 =	smul.u32 $0x10624DD3, s17;
	s17 =	sshrl.u32 s2, $0x1F  }
0x130: {  	s2 =	sshra.s32 s2, $0x1F;
	s0 =	sadd.s32 s0, s8;
	s16 =	smulhi.u32 $0x10624DD3, s22  }
0x131: {  	v6 =	vadd.s32 v6, v7;
	v9 =	vsel vm12, s10, v9;
	v7 =	vadd.s32 v8, v13;
	s18 =	sshra.s32 s22, $0x1F;
	s24 =	spop (v2sf);
	s6 =	smul.u32 $0x10624DD3, s19  }
0x132: {  	v8 =	vsel vm2, s26, v9;
	v9 =	vmul.u32 $0xFFFFF830, v6;
	v7 =	vshra.s32 v7, $0xA;
	s1 =	sadd.s32 s1, s15;
	s20 =	sshra.s32 s24, $0x1F;
	s14 =	smulhi.u32 $0x10624DD3, s24  }
0x133: {  	v6 =	vmul.u32 $0x13A0, v6;
	s3 =	sadd.s32 s5, s23;
	s23 =	rddreg [dreg:$0x1a];
	s24 =	spop (v2sf);
	v11 =	vmul.u32 $0x13A0, v7;
	v7 =	vshll.u32 v7, $0xA  }
0x134: {  	v8 =	vsel vm13, s25, v8;
	s25 =	sshrl.u32 s21, $0x1F;
	s26 =	sshra.s32 s1, $0x7;
	s18 =	smul.u32 $0x10624DD3, s18;
	v3 =	vadd.s32 v3, v9;
	v7 =	vsub.s32 v13, v7  }
0x135: {  	vm4 =	vcmask $0x2320;
	s1 =	sshrl.u32 s1, $0x1F;
	s19 =	sshra.s32 s23, $0x1F;
	s20 =	smul.u32 $0x10624DD3, s20;
	v3 =	vadd.s32 v4, v3;
	v7 =	vadd.s32 v11, v7  }
0x136: {  	vm9 =	vlt.s32 v13, $0x0;
	s6 =	sadd.s32 s6, s7;
	s10 =	sshra.s32 s24, $0x1F;
	s21 =	smulhi.u32 $0x10624DD3, s23;
	v3 =	vadd.s32 v6, v3;
	v6 =	vadd.s32 $0xFA0, v7  }
0x137: {  	v9 =	vsel vm1, s9, v10;
	s22 =	sshra.s32 s3, $0x7;
	s3 =	sshrl.u32 s3, $0x1F;
	s5 =	smul.u32 $0x10624DD3, s19;
	v7 =	vmov s12;
	v3 =	vsel vm9, v3, v6  }
0x138: {  	s19 =	smulhi.u32 $0x10624DD3, s24;
	s9 =	sshrl.u32 s6, $0x1F;
	s24 =	rddreg [dreg:$0x13];
	v6 =	vsel vm4, s11, v8;
	v8 =	vsel vm2, s4, v9;
	v7 =	vsel vm0, s26, v7  }
0x139: {  	s6 =	sshra.s32 s6, $0x7;
	s23 =	sadd.s32 s18, s16;
	v9 =	vmov s25;
	s25 =	sshra.s32 s24, $0x7;
	vm9 =	vcmask $0x2F2C;
	v6 =	vsel vm14, s2, v6  }
0x13a: {  	s26 =	sadd.s32 s5, s21;
	s5 =	sshra.s32 s0, $0x7;
	s0 =	sshrl.u32 s0, $0x1F;
	v9 =	vsel vm0, s1, v9;
	v7 =	vsel vm1, s22, v7;
	v8 =	vsel vm4, s17, v8  }
0x13b: {  	s12 =	sshra.s32 s23, $0x7;
	s14 =	sadd.s32 s20, s14;
	s11 =	smul.u32 $0x10624DD3, s10;
	v10 =	vmov s5;
	v11 =	vmov s0;
	v7 =	vsel vm2, s25, v7  }
0x13c: {  	s15 =	sshra.s32 s23, $0x1F;
	s8 =	sshrl.u32 s24, $0x1F;
	s4 =	sshrl.u32 s23, $0x1F;
	v9 =	vsel vm1, s3, v9;
	v6 =	vsel vm5, s12, v6;
	v10 =	vsel vm0, s6, v10  }
0x13d: {  	s18 =	sshra.s32 s14, $0x7;
	s17 =	sadd.s32 s11, s19;
	v11 =	vsel vm0, s9, v11;
	s19 =	sshrl.u32 s14, $0x1F;
	v8 =	vsel vm5, s4, v8;
	v6 =	vsel vm9, s15, v6  }
0x13e: {  	s21 =	sshra.s32 s13, $0x2;
	[tilespmem:s28+$0x200] =	vst v3;
	s1 =	sshrl.u32 s26, $0x1F;
	v3 =	vsel vm2, s8, v9;
	v9 =	vsel vm1, s18, v10;
	s20 =	sshra.s32 s17, $0x7;
	v10 =	vsel vm1, s19, v11  }
0x13f: {  	s16 =	sshra.s32 s26, $0x7;
	s0 =	sshrl.u32 s17, $0x1F;
	v11 =	vld [tilespmem:s21+$0x0];
	vm9 =	vcmask $0x3734;
	v8 =	vsel vm6, s1, v8;
	v9 =	vsel vm2, s20, v9  }
0x140: {  	s24 =	sshrl.u32 s29, $0x1F;
	s22 =	sshra.s32 s26, $0x1F;
	v6 =	vsel vm6, s16, v6;
	v10 =	vsel vm2, s0, v10;
	v7 =	vcombine.low v9, v7  }
0x141: {  	s23 =	sshra.s32 s29, $0x7;
	v8 =	vsel vm7, s24, v8;
	v6 =	vsel vm9, s22, v6;
	v3 =	vcombine.low v10, v3  }
0x142: {  	v8 =	vperm.xlane v8, v2;
	v6 =	vsel vm7, s23, v6;
	v7 =	vperm.xlane v7, v1  }
0x143: {  	v6 =	vperm.xlane v6, v2;
	v3 =	vperm.xlane v3, v1  }
0x144: {  	v9 =	vshra.s32 v11, $0x1F  }
0x145: {  	v3 =	vsel vm8, v8, v3;
	v6 =	vsel vm8, v6, v7;
	v7 =	vshrl.u32 v9, $0x16  }
0x146: {  	v3 =	vadd.s32 v3, v6;
	v6 =	vadd.s32 v7, v11  }
0x147: {  	v7 =	vmul.u32 $0xFFFFF830, v3;
	v6 =	vshra.s32 v6, $0xA  }
0x148: {  	v8 =	vmul.u32 $0x13A0, v6;
	v6 =	vshll.u32 v6, $0xA  }
0x149: {  	v3 =	vmul.u32 $0x13A0, v3;
	v5 =	vadd.s32 v5, v7;
	v6 =	vsub.s32 v11, v6  }
0x14a: {  	v4 =	vadd.s32 v4, v5;
	v5 =	vadd.s32 v8, v6  }
0x14b: {  	s25 =	rddreg [dreg:$0x12];
	vm9 =	vlt.s32 v11, $0x0;
	v3 =	vadd.s32 v3, v4;
	v4 =	vadd.s32 $0xFA0, v5  }
0x14c: {  	s7 =	simm.s32 $0x2;
	s5 =	simm.s32 $0x200;
	s3 =	rddreg [dreg:$0x5];
	v3 =	vsel vm9, v3, v4  }
0x14d: {  	s4 =	simm.s32 $0x50;
	s6 =	simm.s32 $0x400;
	s26 =	smul.u32 $0x50, s25;
	[tilespmem:s21+$0x200] =	vst v3  }
0x14e: {  	[tilespmem:s6], [sflag:$0x5] =	stream.indirect.gather [hbm4b:s3+s4], $0x80, s5, s4, $0xb8;
	[tilespmem:$0xA400] =	vst v63  }
0x14f: {  	v3 =	vor.u32 s26, v0;
	_ =	swait.ge [sflag:s7], $0x50  }
0x150: {  	(v2sf) =	vpush v3, $0x1  }
0x151: {  	(v2sf) =	vpush v3, $0x0;
	_ =	sdelay $0x1  }
0x152: {  	(v2sf) =	vpush v3, $0x7;
	_ =	sdelay $0x2  }
0x153: {  	(v2sf) =	vpush v3, $0x2  }
0x154: {  	(v2sf) =	vpush v3, $0xF;
	_ =	sdelay $0x2  }
0x155: {  	(v2sf) =	vpush v3, $0x3  }
0x156: {  	(v2sf) =	vpush v3, $0x4;
	_ =	sdelay $0x1  }
0x157: {  	(v2sf) =	vpush v3, $0x6;
	_ =	sdelay $0x1  }
0x158: {  	s12 =	simm.s32 $0x40;
	s0 =	simm.s32 $0x0;
	(v2sf) =	vpush v3, $0xC;
	s9 =	spop (v2sf)  }
0x159: {  	[sflag:s7] =	ssyncset.done $0x0;
	(v2sf) =	vpush v3, $0x8;
	s10 =	spop (v2sf);
	s5 =	smulhi.u32 $0x10624DD3, s9  }
0x15a: {  	[sflag:s7] =	ssyncadd.s32 $0xFFFFFFB0;
	s2 =	sshra.s32 s9, $0x1F;
	s7 =	smulhi.u32 $0x10624DD3, s10  }
0x15b: {  	s16 =	simm.s32 $0x80;
	s11 =	spop (v2sf);
	s2 =	smul.u32 $0x10624DD3, s2  }
0x15c: {  	s17 =	sadd.s32 $0x10, s26;
	(v2sf) =	vpush v3, $0xD;
	s3 =	sshra.s32 s10, $0x1F;
	s19 =	smulhi.u32 $0x10624DD3, s11  }
0x15d: {  	s8 =	rddreg [dreg:$0xd];
	s6 =	sshra.s32 s11, $0x1F;
	s3 =	smul.u32 $0x10624DD3, s3  }
0x15e: {  	s4 =	simm.s32 $0x7D0;
	(v2sf) =	vpush v3, $0xE;
	s13 =	spop (v2sf);
	s6 =	smul.u32 $0x10624DD3, s6  }
0x15f: {  	p6 =	sgt.u32 s8, $0x4E1;
	s21 =	spop (v2sf);
	s8 =	smulhi.u32 $0x10624DD3, s13  }
0x160: {  	s4 =	simm.s32 @!p6 $0x0;
	s24 =	sshra.s32 s13, $0x1F;
	s22 =	smulhi.u32 $0x10624DD3, s21  }
0x161: {  	(v2sf) =	vpush v3, $0x9;
	s2 =	sadd.s32 s2, s5;
	s9 =	sshra.s32 s21, $0x1F;
	s23 =	smul.u32 $0x10624DD3, s24  }
0x162: {  	(v2sf) =	vpush v3, $0x5;
	s14 =	spop (v2sf);
	s3 =	sadd.s32 s3, s7;
	s9 =	smul.u32 $0x10624DD3, s9  }
0x163: {  	s15 =	sshra.s32 s14, $0x1F;
	s18 =	spop (v2sf);
	s13 =	sadd.s32 s6, s19  }
0x164: {  	(v2sf) =	vpush v3, $0xA;
	s29 =	sshrl.u32 s3, $0x1F;
	s25 =	sshra.s32 s18, $0x1F;
	s15 =	smul.u32 $0x10624DD3, s15  }
0x165: {  	s20 =	spop (v2sf);
	s6 =	sadd.s32 s23, s8;
	s8 =	smulhi.u32 $0x10624DD3, s14  }
0x166: {  	s10 =	sshra.s32 s13, $0x1F;
	s23 =	sshrl.u32 s2, $0x1F;
	s7 =	smulhi.u32 $0x10624DD3, s18  }
0x167: {  	(v2sf) =	vpush v3, $0xB;
	s26 =	spop (v2sf);
	s19 =	sadd.s32 s9, s22;
	s9 =	smul.u32 $0x10624DD3, s25  }
0x168: {  	v6 =	vmov s29;
	s25 =	sshrl.u32 s6, $0x1F;
	s24 =	sshra.s32 s26, $0x1F;
	s22 =	spop (v2sf)  }
0x169: {  	v6 =	vnsel vm3, $0x0, v6;
	s1 =	smulhi.u32 $0x10624DD3, s26;
	s26 =	sshra.s32 s6, $0x1F;
	s6 =	sshra.s32 s6, $0x7  }
0x16a: {  	s15 =	sadd.s32 s15, s8;
	v6 =	vsel vm0, s23, v6;
	s23 =	sshra.s32 s20, $0x1F;
	s11 =	smul.u32 $0x10624DD3, s24  }
0x16b: {  	s21 =	sshra.s32 s22, $0x1F;
	s5 =	spop (v2sf);
	s8 =	smulhi.u32 $0x10624DD3, s22  }
0x16c: {  	s7 =	sadd.s32 s9, s7;
	s29 =	smul.u32 $0x10624DD3, s23;
	s18 =	sshra.s32 s5, $0x1F  }
0x16d: {  	s5 =	smulhi.u32 $0x10624DD3, s5;
	s31 =	sshrl.u32 s7, $0x1F;
	s14 =	spop (v2sf)  }
0x16e: {  	v4 =	vmov s10;
	s24 =	sshra.s32 s14, $0x1F;
	s9 =	smulhi.u32 $0x10624DD3, s14;
	s14 =	sshra.s32 s3, $0x7  }
0x16f: {  	s1 =	sadd.s32 s11, s1;
	s11 =	sshra.s32 s2, $0x1F;
	s3 =	sshra.s32 s3, $0x1F;
	v4 =	vsel vm3, s14, v4  }
0x170: {  	s2 =	sshra.s32 s2, $0x7;
	s18 =	smul.u32 $0x10624DD3, s18;
	s28 =	spop (v2sf);
	v4 =	vsel vm10, s3, v4  }
0x171: {  	v6 =	vsel vm1, s25, v6;
	s25 =	sshra.s32 s7, $0x1F;
	s24 =	smul.u32 $0x10624DD3, s24;
	s14 =	spop (v2sf);
	v4 =	vsel vm0, s2, v4  }
0x172: {  	s18 =	sadd.s32 s18, s5;
	s10 =	smulhi.u32 $0x10624DD3, s28;
	s3 =	sshra.s32 s14, $0x1F;
	v5 =	vsel vm11, s11, v4  }
0x173: {  	s14 =	smulhi.u32 $0x10624DD3, s14;
	s24 =	sadd.s32 s24, s9;
	s9 =	spop (v2sf);
	v5 =	vsel vm1, s6, v5  }
0x174: {  	s2 =	sshra.s32 s28, $0x1F;
	s22 =	sshra.s32 s9, $0x1F;
	s9 =	smulhi.u32 $0x10624DD3, s9;
	v7 =	vsel vm12, s26, v5;
	v5 =	vor.u32 s17, v0  }
0x175: {  	s11 =	sshra.s32 s1, $0x7;
	v4 =	vmov s4;
	s2 =	smul.u32 $0x10624DD3, s2;
	s6 =	sshra.s32 s15, $0x7;
	(v2sf) =	vpush v5, $0x1  }
0x176: {  	s4 =	sshra.s32 s15, $0x1F;
	s23 =	spop (v2sf);
	v8 =	vmov s11;
	v7 =	vsel vm2, s6, v7;
	s6 =	sshrl.u32 s15, $0x1F;
	(v2sf) =	vpush v5, $0x0  }
0x177: {  	s28 =	smulhi.u32 $0x10624DD3, s23;
	s26 =	sshra.s32 s7, $0x7;
	s30 =	sadd.s32 s2, s10;
	v7 =	vsel vm13, s4, v7;
	v6 =	vsel vm2, s6, v6;
	(v2sf) =	vpush v5, $0x7  }
0x178: {  	s15 =	sshrl.u32 s1, $0x1F;
	s1 =	smul.u32 $0x10624DD3, s21;
	v7 =	vsel vm4, s26, v7;
	s26 =	sshra.s32 s18, $0x7;
	v6 =	vsel vm4, s31, v6;
	(v2sf) =	vpush v5, $0x2  }
0x179: {  	s2 =	sshra.s32 s23, $0x1F;
	s4 =	sshrl.u32 s30, $0x1F;
	s31 =	smul.u32 $0x10624DD3, s22;
	v7 =	vsel vm14, s25, v7;
	v8 =	vsel vm0, s26, v8;
	(v2sf) =	vpush v5, $0xF  }
.LBB2_29:
0x17a: {  	s5 =	sshrl.u32 s18, $0x1F;
	s3 =	smul.u32 $0x10624DD3, s3  }
0x17b: {  	(v2sf) =	vpush v5, $0x3;
	v9 =	vmov s15;
	s6 =	sshra.s32 s30, $0x7;
	s21 =	smov.u32 s16;
	p0 =	sne.s32 s16, $0x100  }
0x17c: {  	s7 =	smulhi.u32 $0x10624DD3, s20;
	s10 =	sshra.s32 s24, $0x7;
	s1 =	sadd.s32 s1, s8;
	(v2sf) =	vpush v5, $0x4  }
0x17d: {  	s8 =	sshrl.u32 s24, $0x1F;
	v9 =	vsel vm0, s5, v9;
	v8 =	vsel vm1, s10, v8;
	s5 =	sshra.s32 s19, $0x7;
	(v2sf) =	vpush v5, $0x6;
	s3 =	sadd.s32 s3, s14  }
0x17e: {  	vm9 =	vcmask $0x3734;
	s7 =	sadd.s32 s29, s7;
	v8 =	vsel vm2, s5, v8;
	s5 =	sshra.s32 s1, $0x7;
	s1 =	sshrl.u32 s1, $0x1F;
	(v2sf) =	vpush v5, $0xC  }
0x17f: {  	s2 =	smul.u32 $0x10624DD3, s2;
	v9 =	vsel vm1, s8, v9;
	s8 =	sadd.s32 s31, s9;
	v10 =	vmov s5;
	s5 =	sshra.s32 s3, $0x7;
	v11 =	vmov s1  }
0x180: {  	s9 =	sshrl.u32 s19, $0x1F;
	v10 =	vsel vm0, s6, v10;
	v7 =	vsel vm5, s5, v7;
	s5 =	sshra.s32 s3, $0x1F;
	s6 =	sshra.s32 s7, $0x7;
	(v2sf) =	vpush v5, $0x8  }
0x181: {  	s1 =	sadd.s32 s2, s28;
	s2 =	sshra.s32 s8, $0x7;
	v11 =	vsel vm0, s4, v11;
	s4 =	sshrl.u32 s8, $0x1F;
	v7 =	vsel vm15, s5, v7;
	(v2sf) =	vpush v5, $0xD  }
0x182: {  	v9 =	vsel vm2, s9, v9;
	v10 =	vsel vm1, s2, v10;
	s2 =	sshra.s32 s1, $0x7;
	s5 =	sshra.s32 s7, $0x1F;
	v11 =	vsel vm1, s4, v11;
	s1 =	sshrl.u32 s1, $0x1F  }
0x183: {  	s16 =	sadd.s32 $0x40, s16;
	s4 =	sshrl.u32 s3, $0x1F;
	v10 =	vsel vm2, s2, v10;
	v7 =	vsel vm6, s6, v7;
	s2 =	sshra.s32 s13, $0x7;
	v11 =	vsel vm2, s1, v11  }
0x184: {  	s3 =	sshra.s32 s0, $0x2;
	s0 =	smov.u32 s12;
	v6 =	vsel vm5, s4, v6;
	s4 =	sshrl.u32 s7, $0x1F;
	v7 =	vsel vm9, s5, v7;
	(v2sf) =	vpush v5, $0xE  }
0x185: {  	s17 =	sadd.s32 $0x10, s17;
	v9 =	vcombine.low v11, v9;
	v8 =	vcombine.low v10, v8;
	v6 =	vsel vm6, s4, v6;
	s4 =	sshrl.u32 s13, $0x1F;
	s1 =	spop (v2sf);
	v12 =	vld [tilespmem:s3+$0x80]  }
0x186: {  	v7 =	vsel vm7, s2, v7;
	s5 =	smulhi.u32 $0x10624DD3, s1;
	(v2sf) =	vpush v5, $0x9;
	s6 =	spop (v2sf);
	s1 =	sshra.s32 s1, $0x1F  }
0x187: {  	v6 =	vsel vm7, s4, v6;
	s8 =	smulhi.u32 $0x10624DD3, s6;
	s9 =	sshra.s32 s6, $0x1F;
	s2 =	spop (v2sf)  }
0x188: {  	s1 =	smul.u32 $0x10624DD3, s1;
	s4 =	sshra.s32 s2, $0x1F;
	s6 =	spop (v2sf)  }
0x189: {  	v8 =	vperm.xlane v8, v1;
	v7 =	vperm.xlane v7, v2;
	s2 =	smulhi.u32 $0x10624DD3, s2;
	s7 =	sshra.s32 s6, $0x1F;
	s10 =	spop (v2sf)  }
0x18a: {  	v9 =	vperm.xlane v9, v1;
	v6 =	vperm.xlane v6, v2;
	s11 =	smulhi.u32 $0x10624DD3, s10;
	s10 =	sshra.s32 s10, $0x1F;
	s15 =	spop (v2sf);
	(v2sf) =	vpush v5, $0x5  }
0x18b: {  	s4 =	smul.u32 $0x10624DD3, s4;
	v10 =	vshra.s32 v12, $0x1F;
	s22 =	sshra.s32 s15, $0x1F;
	(v2sf) =	vpush v5, $0xA;
	s14 =	spop (v2sf)  }
0x18c: {  	v6 =	vsel vm8, v6, v9;
	v7 =	vsel vm8, v7, v8;
	s10 =	smul.u32 $0x10624DD3, s10;
	v8 =	vshrl.u32 v10, $0x16;
	s12 =	sshra.s32 s14, $0x1F;
	s20 =	spop (v2sf)  }
0x18d: {  	v6 =	vadd.s32 v6, v7;
	s6 =	smulhi.u32 $0x10624DD3, s6;
	s13 =	sadd.s32 s4, s2;
	v7 =	vadd.s32 v8, v12;
	s2 =	spop (v2sf)  }
0x18e: {  	s9 =	smul.u32 $0x10624DD3, s9;
	v8 =	vmul.u32 $0xFFFFF830, v6;
	s19 =	sadd.s32 s10, s11;
	v7 =	vshra.s32 v7, $0xA;
	s23 =	sshra.s32 s2, $0x1F  }
0x18f: {  	s7 =	smul.u32 $0x10624DD3, s7;
	s10 =	sshra.s32 s13, $0x1F;
	v9 =	vmul.u32 $0x13A0, v7;
	v7 =	vshll.u32 v7, $0xA;
	s11 =	spop (v2sf)  }
0x190: {  	s1 =	sadd.s32 s1, s5;
	v6 =	vmul.u32 $0x13A0, v6;
	v8 =	vadd.s32 v3, v8;
	v3 =	vmovc v5;
	v7 =	vsub.s32 v12, v7;
	s4 =	sshra.s32 s11, $0x1F;
	s5 =	spop (v2sf)  }
0x191: {  	s24 =	sshrl.u32 s1, $0x1F;
	vm9 =	vlt.s32 v12, $0x0;
	s6 =	sadd.s32 s7, s6;
	s18 =	smul.u32 $0x10624DD3, s12;
	v5 =	vadd.s32 v4, v8;
	v7 =	vadd.s32 v9, v7  }
0x192: {  	s7 =	smul.u32 $0x10624DD3, s22;
	s12 =	sshrl.u32 s6, $0x1F;
	s22 =	sshra.s32 s6, $0x1F;
	v5 =	vadd.s32 v6, v5;
	v6 =	vadd.s32 $0xFA0, v7;
	(v2sf) =	vpush v3, $0xB  }
0x193: {  	s6 =	sshra.s32 s6, $0x7;
	s2 =	smulhi.u32 $0x10624DD3, s2;
	v5 =	vsel vm9, v5, v6;
	s25 =	spop (v2sf)  }
0x194: {  	s26 =	sshra.s32 s5, $0x1F;
	s5 =	smulhi.u32 $0x10624DD3, s5;
	s28 =	sshra.s32 s25, $0x1F;
	[tilespmem:s3+$0x280] =	vst v5  }
0x195: {  	s3 =	sadd.s32 s9, s8;
	s9 =	smulhi.u32 $0x10624DD3, s15;
	s15 =	spop (v2sf)  }
0x196: {  	s8 =	smul.u32 $0x10624DD3, s23;
	v5 =	vmov s10;
	s23 =	sshrl.u32 s3, $0x1F;
	s29 =	sshra.s32 s3, $0x7  }
0x197: {  	s10 =	smulhi.u32 $0x10624DD3, s14;
	s14 =	sshra.s32 s1, $0x1F;
	s3 =	sshra.s32 s3, $0x1F;
	v6 =	vmov s23;
	v5 =	vsel vm3, s29, v5  }
0x198: {  	s1 =	sshra.s32 s1, $0x7;
	s2 =	sadd.s32 s8, s2;
	s8 =	smulhi.u32 $0x10624DD3, s11;
	v6 =	vnsel vm3, $0x0, v6;
	v5 =	vsel vm10, s3, v5  }
0x199: {  	s23 =	sshra.s32 s15, $0x1F;
	s11 =	smulhi.u32 $0x10624DD3, s25;
	v6 =	vsel vm0, s24, v6;
	v5 =	vsel vm0, s1, v5;
	s1 =	spop (v2sf)  }
0x19a: {  	s25 =	smulhi.u32 $0x10624DD3, s15;
	v5 =	vsel vm11, s14, v5;
	s3 =	sshra.s32 s1, $0x1F;
	s14 =	spop (v2sf)  }
0x19b: {  	s7 =	sadd.s32 s7, s9;
	v5 =	vsel vm1, s6, v5;
	s6 =	smul.u32 $0x10624DD3, s28;
	s31 =	sshra.s32 s14, $0x1F  }
0x19c: {  	s30 =	sshra.s32 s2, $0x7;
	s15 =	sshra.s32 s7, $0x1F;
	s9 =	smulhi.u32 $0x10624DD3, s14  }
0x19d: {  	s10 =	sadd.s32 s18, s10;
	s18 =	sshra.s32 s7, $0x7;
	v5 =	vsel vm12, s22, v5;
	s14 =	smulhi.u32 $0x10624DD3, s1  }
0x19e: {  	s1 =	sshra.s32 s10, $0x7;
	s22 =	smul.u32 $0x10624DD3, s23;
	s24 =	sadd.s32 s6, s11;
	v7 =	vsel vm2, s18, v5  }
0x19f: {  	v5 =	vor.u32 s17, v0;
	s6 =	smul.u32 $0x10624DD3, s26;
	s11 =	sshrl.u32 s10, $0x1F;
	s10 =	sshra.s32 s10, $0x1F;
	v7 =	vsel vm13, s15, v7  }
.Ltmp21:
0x1a0: {  	s7 =	sshrl.u32 s7, $0x1F;
	v6 =	vsel vm1, s12, v6;
	s12 =	sshra.s32 s20, $0x1F;
	v7 =	vsel vm4, s1, v7;
	(v2sf) =	vpush v5, $0x1;
	(pc) =	sbr.rel @p0 .LBB2_29-.Ltmp21, $4  }
0x1a1: {  	v6 =	vsel vm2, s7, v6;
	s29 =	smul.u32 $0x10624DD3, s12;
	s18 =	sadd.s32 s6, s5;
	v7 =	vsel vm14, s10, v7;
	(v2sf) =	vpush v5, $0x0;
	s5 =	spop (v2sf)  }
0x1a2: {  	v8 =	vmov s30;
	s12 =	smov.u32 s21;
	s15 =	sshrl.u32 s2, $0x1F;
	v6 =	vsel vm4, s11, v6;
	(v2sf) =	vpush v5, $0x7;
	s28 =	smulhi.u32 $0x10624DD3, s5  }
0x1a3: {  	s30 =	sadd.s32 s22, s25;
	s1 =	smul.u32 $0x10624DD3, s4;
	s6 =	sshra.s32 s18, $0x7;
	(v2sf) =	vpush v5, $0x2  }
0x1a4: {  	s31 =	smul.u32 $0x10624DD3, s31;
	s4 =	sshrl.u32 s30, $0x1F;
	v8 =	vsel vm0, s6, v8;
	s2 =	sshra.s32 s5, $0x1F;
	(v2sf) =	vpush v5, $0xF  }
0x1a5: {  	_ =	sdelay $0x3  }
0x1a6: {  	(v2sf) =	vpush v5, $0x3;
	_ =	sdelay $0x1  }
0x1a7: {  	(v2sf) =	vpush v5, $0x4  }
0x1a8: {  	s3 =	smul.u32 $0x10624DD3, s3;
	(v2sf) =	vpush v5, $0x6  }
0x1a9: {  	s5 =	smulhi.u32 $0x10624DD3, s20  }
0x1aa: {  	s2 =	smul.u32 $0x10624DD3, s2;
	s1 =	sadd.s32 s1, s8;
	(v2sf) =	vpush v5, $0xC  }
0x1ab: {  	s18 =	sshrl.u32 s18, $0x1F;
	v9 =	vmov s15;
	s15 =	sshra.s32 s13, $0x7;
	s6 =	spop (v2sf)  }
0x1ac: {  	s13 =	sshrl.u32 s13, $0x1F;
	s7 =	spop (v2sf);
	s10 =	smulhi.u32 $0x10624DD3, s6  }
0x1ad: {  	s9 =	sadd.s32 s31, s9;
	s6 =	sshra.s32 s6, $0x1F;
	s21 =	smulhi.u32 $0x10624DD3, s7  }
0x1ae: {  	s22 =	sadd.s32 s3, s14;
	s11 =	spop (v2sf);
	s6 =	smul.u32 $0x10624DD3, s6  }
0x1af: {  	s5 =	sadd.s32 s29, s5;
	s7 =	sshra.s32 s7, $0x1F;
	s20 =	smulhi.u32 $0x10624DD3, s11  }
0x1b0: {  	s16 =	spop (v2sf);
	s25 =	sshra.s32 s11, $0x1F;
	s7 =	smul.u32 $0x10624DD3, s7  }
0x1b1: {  	s2 =	sadd.s32 s2, s28;
	s17 =	spop (v2sf);
	s3 =	smul.u32 $0x10624DD3, s25  }
0x1b2: {  	s25 =	smulhi.u32 $0x10624DD3, s16;
	s29 =	sshra.s32 s16, $0x1F;
	s6 =	sadd.s32 s6, s10  }
0x1b3: {  	s10 =	sshra.s32 s30, $0x7;
	s30 =	sshra.s32 s22, $0x7;
	s11 =	smulhi.u32 $0x10624DD3, s17  }
0x1b4: {  	(v2sf) =	vpush v5, $0x8;
	s26 =	sshra.s32 s17, $0x1F;
	s23 =	spop (v2sf);
	s8 =	smul.u32 $0x10624DD3, s29  }
0x1b5: {  	(v2sf) =	vpush v5, $0xD;
	s14 =	smul.u32 $0x10624DD3, s26;
	s31 =	sshra.s32 s23, $0x1F;
	s16 =	sadd.s32 s3, s20  }
0x1b6: {  	(v2sf) =	vpush v5, $0xE;
	s26 =	spop (v2sf);
	s20 =	smulhi.u32 $0x10624DD3, s23;
	s23 =	sshrl.u32 s24, $0x1F  }
0x1b7: {  	v9 =	vsel vm0, s18, v9;
	s3 =	sshrl.u32 s2, $0x1F;
	s28 =	smul.u32 $0x10624DD3, s31;
	s29 =	spop (v2sf)  }
0x1b8: {  	s25 =	sadd.s32 s8, s25;
	v9 =	vsel vm1, s23, v9;
	s23 =	sshrl.u32 s6, $0x1F;
	[dreg:$0x17] =	wrdreg s29  }
0x1b9: {  	s11 =	sadd.s32 s14, s11;
	s31 =	spop (v2sf);
	s29 =	sshra.s32 s2, $0x7  }
0x1ba: {  	s2 =	sshra.s32 s5, $0x7;
	s18 =	sshrl.u32 s25, $0x1F;
	[dreg:$0x14] =	wrdreg s11  }
0x1bb: {  	(v2sf) =	vpush v5, $0x9;
	s14 =	sshra.s32 s31, $0x1F;
	s11 =	smulhi.u32 $0x10624DD3, s31;
	s8 =	sadd.s32 s28, s20  }
0x1bc: {  	(v2sf) =	vpush v5, $0x5;
	s28 =	sshrl.u32 s9, $0x1F;
	s31 =	sshra.s32 s22, $0x1F;
	s22 =	sshrl.u32 s22, $0x1F  }
0x1bd: {  	s20 =	sshra.s32 s0, $0x2;
	s0 =	sshra.s32 s26, $0x1F;
	s17 =	smul.u32 $0x10624DD3, s14  }
0x1be: {  	s14 =	sadd.s32 s7, s21;
	s21 =	sshra.s32 s24, $0x7;
	s7 =	sshra.s32 s1, $0x7  }
0x1bf: {  	(v2sf) =	vpush v5, $0xA;
	s1 =	sshrl.u32 s1, $0x1F;
	s24 =	sshra.s32 s9, $0x7;
	s9 =	sshra.s32 s5, $0x1F  }
0x1c0: {  	s5 =	sshrl.u32 s5, $0x1F;
	s0 =	smul.u32 $0x10624DD3, s0;
	v6 =	vsel vm5, s22, v6;
	s22 =	rddreg [dreg:$0x17]  }
0x1c1: {  	v7 =	vsel vm5, s30, v7;
	v10 =	vmov s7;
	s7 =	sshra.s32 s25, $0x1F;
	s30 =	sshra.s32 s14, $0x1F;
	s17 =	sadd.s32 s17, s11  }
0x1c2: {  	v8 =	vsel vm1, s21, v8;
	s11 =	sshra.s32 s19, $0x7;
	s19 =	sshrl.u32 s19, $0x1F;
	v10 =	vsel vm0, s10, v10;
	s10 =	smulhi.u32 $0x10624DD3, s26  }
0x1c3: {  	v7 =	vsel vm15, s31, v7;
	v12 =	vmov s1;
	v8 =	vsel vm2, s11, v8;
	s11 =	sshra.s32 s25, $0x7;
	s25 =	sshra.s32 s16, $0x1F;
	s21 =	spop (v2sf)  }
0x1c4: {  	s26 =	sshra.s32 s14, $0x7;
	v9 =	vsel vm2, s19, v9;
	s19 =	sshra.s32 s6, $0x1F;
	v10 =	vsel vm1, s24, v10;
	v11 =	vmov s25;
	s1 =	spop (v2sf)  }
0x1c5: {  	v14 =	vld [tilespmem:s20+$0x80];
	v6 =	vsel vm6, s5, v6;
	s6 =	sshra.s32 s6, $0x7;
	v10 =	vsel vm2, s29, v10;
	v11 =	vsel vm3, s26, v11;
	s29 =	smulhi.u32 $0x10624DD3, s21;
	s31 =	spop (v2sf)  }
0x1c6: {  	v12 =	vsel vm0, s4, v12;
	v6 =	vsel vm7, s13, v6;
	s0 =	sadd.s32 s0, s10;
	s25 =	sshra.s32 s8, $0x7;
	v11 =	vsel vm10, s30, v11;
	s30 =	smulhi.u32 $0x10624DD3, s31  }
0x1c7: {  	v7 =	vsel vm6, s2, v7;
	v12 =	vsel vm1, s28, v12;
	v6 =	vperm.xlane v6, v2;
	s26 =	sshra.s32 s31, $0x1F;
	s31 =	sshra.s32 s1, $0x1F;
	s1 =	smulhi.u32 $0x10624DD3, s1  }
0x1c8: {  	v12 =	vsel vm2, s3, v12;
	s10 =	sshrl.u32 s8, $0x1F;
	(v2sf) =	vpush v5, $0xB;
	s24 =	sshra.s32 s21, $0x1F;
	v11 =	vsel vm0, s6, v11;
	s4 =	smul.u32 $0x10624DD3, s26  }
0x1c9: {  	v9 =	vcombine.low v12, v9;
	v8 =	vcombine.low v10, v8;
	s6 =	sshra.s32 s0, $0x7;
	v11 =	vsel vm11, s19, v11;
	s19 =	sshrl.u32 s14, $0x1F;
	s26 =	smul.u32 $0x10624DD3, s31  }
0x1ca: {  	v15 =	vshra.s32 v14, $0x1F;
	s14 =	sshra.s32 s17, $0x7;
	v11 =	vsel vm1, s11, v11;
	s11 =	spop (v2sf);
	v13 =	vmov s19;
	s19 =	smul.u32 $0x10624DD3, s24  }
0x1cb: {  	vm9 =	vlt.s32 v14, $0x0;
	v9 =	vperm.xlane v9, v1;
	vm11 =	vcmask $0x3734;
	s24 =	sshrl.u32 s17, $0x1F;
	s28 =	sshra.s32 s11, $0x1F;
	s31 =	spop (v2sf)  }
0x1cc: {  	v40 =	vshrl.u32 v15, $0x16;
	v8 =	vperm.xlane v8, v1;
	v7 =	vsel vm11, s9, v7;
	s2 =	smulhi.u32 $0x10624DD3, s11;
	s11 =	sshrl.u32 s0, $0x1F;
	s0 =	sshra.s32 s0, $0x1F  }
0x1cd: {  	v38 =	vmov s14;
	v6 =	vsel vm8, v6, v9;
	v11 =	vsel vm12, s7, v11;
	s3 =	sadd.s32 s4, s30;
	s30 =	sshra.s32 s8, $0x1F;
	s1 =	sadd.s32 s26, s1  }
0x1ce: {  	v13 =	vnsel vm3, $0x0, v13;
	v7 =	vsel vm7, s15, v7;
	v11 =	vsel vm2, s25, v11;
	s5 =	spop (v2sf);
	s7 =	smul.u32 $0x10624DD3, s28;
	s13 =	sshra.s32 s31, $0x1F  }
0x1cf: {  	v13 =	vsel vm0, s23, v13;
	v7 =	vperm.xlane v7, v2;
	s4 =	smulhi.u32 $0x10624DD3, s31;
	s23 =	sshra.s32 s22, $0x1F;
	s26 =	rddreg [dreg:$0x14];
	v11 =	vsel vm13, s30, v11  }
0x1d0: {  	v39 =	vmov s24;
	v13 =	vsel vm1, s18, v13;
	s15 =	smulhi.u32 $0x10624DD3, s5;
	s21 =	sshra.s32 s1, $0x7;
	s25 =	sshra.s32 s3, $0x7;
	v11 =	vsel vm4, s6, v11  }
0x1d1: {  	s1 =	sshrl.u32 s1, $0x1F;
	s8 =	smul.u32 $0x10624DD3, s13;
	s28 =	sshra.s32 s26, $0x7;
	v37 =	vsel vm2, s10, v13;
	v12 =	vsel vm0, s21, v38;
	v7 =	vsel vm8, v7, v8  }
0x1d2: {  	s3 =	sshrl.u32 s3, $0x1F;
	s5 =	sshra.s32 s5, $0x1F;
	s13 =	smulhi.u32 $0x10624DD3, s22;
	v42 =	vsel vm0, s1, v39;
	v8 =	vadd.s32 v40, v14;
	v11 =	vsel vm14, s0, v11  }
0x1d3: {  	s18 =	sadd.s32 s7, s2;
	s7 =	smul.u32 $0x10624DD3, s23;
	s2 =	sadd.s32 s19, s29;
	v10 =	vsel vm4, s11, v37;
	v41 =	vsel vm1, s25, v12;
	v6 =	vadd.s32 v6, v7  }
0x1d4: {  	s5 =	smul.u32 $0x10624DD3, s5;
	s21 =	sshra.s32 s12, $0x2;
	s30 =	sshra.s32 s2, $0x7;
	v7 =	vsel vm1, s3, v42;
	v8 =	vshra.s32 v8, $0xA;
	v9 =	vsel vm2, s28, v41  }
0x1d5: {  	s4 =	sadd.s32 s8, s4;
	s9 =	sshra.s32 s18, $0x7;
	s2 =	sshrl.u32 s2, $0x1F;
	v43 =	vmov s30;
	v44 =	vmul.u32 $0xFFFFF830, v6;
	v45 =	vmul.u32 $0x13A0, v8  }
0x1d6: {  	s0 =	sshrl.u32 s18, $0x1F;
	s18 =	sshrl.u32 s26, $0x1F;
	s26 =	sshrl.u32 s16, $0x1F;
	v8 =	vshll.u32 v8, $0xA;
	v6 =	vmul.u32 $0x13A0, v6;
	v47 =	vmov s2  }
0x1d7: {  	s14 =	sshra.s32 s4, $0x7;
	s7 =	sadd.s32 s7, s13;
	v12 =	vsel vm0, s9, v43;
	v8 =	vsub.s32 v14, v8;
	v3 =	vadd.s32 v3, v44;
	s29 =	spop (v2sf)  }
0x1d8: {  	s5 =	sadd.s32 s5, s15;
	v11 =	vsel vm5, s14, v11;
	v8 =	vadd.s32 v45, v8;
	v3 =	vadd.s32 v4, v3;
	s31 =	smulhi.u32 $0x10624DD3, s29;
	s1 =	sshra.s32 s29, $0x1F  }
0x1d9: {  	s15 =	sshra.s32 s4, $0x1F;
	s23 =	sshrl.u32 s4, $0x1F;
	v48 =	vsel vm0, s0, v47;
	v46 =	vadd.s32 $0xFA0, v8;
	v3 =	vadd.s32 v6, v3;
	s1 =	smul.u32 $0x10624DD3, s1  }
0x1da: {  	s17 =	sshra.s32 s7, $0x7;
	s19 =	sshra.s32 s5, $0x7;
	v10 =	vsel vm5, s23, v10;
	s25 =	sshrl.u32 s7, $0x1F;
	v11 =	vsel vm15, s15, v11;
	v3 =	vsel vm9, v3, v46  }
0x1db: {  	s5 =	sshrl.u32 s5, $0x1F;
	s22 =	sshra.s32 s7, $0x1F;
	v49 =	vsel vm1, s19, v12;
	v52 =	vsel vm6, s25, v10;
	v50 =	vsel vm6, s17, v11;
	[tilespmem:s20+$0x280] =	vst v3;
	s1 =	sadd.s32 s1, s31  }
0x1dc: {  	v53 =	vsel vm7, s26, v52;
	v6 =	vsel vm1, s5, v48;
	v8 =	vsel vm11, s22, v50;
	v51 =	vld [tilespmem:s21+$0x80];
	s20 =	sshra.s32 s1, $0x7;
	s1 =	sshrl.u32 s1, $0x1F  }
0x1dd: {  	s24 =	sshra.s32 s16, $0x7;
	v3 =	vsel vm2, s18, v7;
	v7 =	vsel vm2, s20, v49;
	v6 =	vsel vm2, s1, v6  }
0x1de: {  	v8 =	vsel vm7, s24, v8;
	v7 =	vcombine.low v7, v9;
	v3 =	vcombine.low v6, v3  }
0x1df: {  	v8 =	vperm.xlane v8, v2;
	v6 =	vperm.xlane v53, v2  }
0x1e0: {  	v7 =	vperm.xlane v7, v1;
	v3 =	vperm.xlane v3, v1  }
0x1e1: {  	v54 =	vshra.s32 v51, $0x1F  }
0x1e2: {  	v56 =	vshrl.u32 v54, $0x16;
	v3 =	vsel vm8, v6, v3;
	v55 =	vsel vm8, v8, v7  }
0x1e3: {  	v57 =	vadd.s32 v56, v51;
	v3 =	vadd.s32 v3, v55  }
0x1e4: {  	v6 =	vshra.s32 v57, $0xA;
	v58 =	vmul.u32 $0xFFFFF830, v3  }
0x1e5: {  	v59 =	vmul.u32 $0x13A0, v6;
	v6 =	vshll.u32 v6, $0xA  }
0x1e6: {  	v3 =	vmul.u32 $0x13A0, v3;
	v6 =	vsub.s32 v51, v6;
	v60 =	vadd.s32 v5, v58  }
.Ltmp22:
0x1e7: {  	v62 =	vadd.s32 v59, v6;
	v61 =	vadd.s32 v4, v60;
	(pc) =	sbr.rel @!p1 .LBB2_34-.Ltmp22, $4  }
0x1e8: {  	vm9 =	vlt.s32 v51, $0x0;
	v63 =	vadd.s32 $0xFA0, v62;
	v3 =	vadd.s32 v3, v61  }
0x1e9: {  	s28 =	rddreg [dreg:$0x5];
	v3 =	vsel vm9, v3, v63  }
0x1ea: {  	s30 =	simm.s32 $0x280;
	s29 =	simm.s32 $0x50;
	s31 =	simm.s32 $0x2C00;
	[tilespmem:s21+$0x280] =	vst v3  }
0x1eb: {  	[tilespmem:s31], [sflag:$0x6] =	stream.indirect.gather [hbm4b:s28+s29], $0x80, s30, s29, $0xb8;
	[tilespmem:$0xA400] =	vst v63  }
0x1ec: {  	s0 =	rddreg [dreg:$0x11]  }
0x1ed: {  	s1 =	smul.u32 $0x50, s0  }
0x1ee: {  	s22 =	simm.s32 $0x3  }
0x1ef: {  	_ =	swait.ge [sflag:s22], $0x50;
	v3 =	vor.u32 s1, v0  }
0x1f0: {  	(v2sf) =	vpush v3, $0x1  }
0x1f1: {  	(v2sf) =	vpush v3, $0x0;
	_ =	sdelay $0x1  }
0x1f2: {  	(v2sf) =	vpush v3, $0x7;
	_ =	sdelay $0x1  }
0x1f3: {  	(v2sf) =	vpush v3, $0x2  }
0x1f4: {  	(v2sf) =	vpush v3, $0xF;
	_ =	sdelay $0x1  }
0x1f5: {  	(v2sf) =	vpush v3, $0x3;
	_ =	sdelay $0x1  }
0x1f6: {  	(v2sf) =	vpush v3, $0x4;
	_ =	sdelay $0x1  }
0x1f7: {  	(v2sf) =	vpush v3, $0x6  }
0x1f8: {  	(v2sf) =	vpush v3, $0xC  }
0x1f9: {  	s4 =	simm.s32 $0x7D0;
	s12 =	simm.s32 $0x40;
	s16 =	simm.s32 $0x80  }
0x1fa: {  	s0 =	simm.s32 $0x0;
	s2 =	rddreg [dreg:$0xe];
	(v2sf) =	vpush v3, $0x8;
	s23 =	spop (v2sf)  }
0x1fb: {  	[sflag:s22] =	ssyncset.done $0x0;
	s3 =	spop (v2sf);
	s5 =	smulhi.u32 $0x10624DD3, s23  }
0x1fc: {  	p0 =	sgt.u32 s2, $0x4E1;
	s2 =	sshra.s32 s23, $0x1F;
	s7 =	smulhi.u32 $0x10624DD3, s3  }
0x1fd: {  	[sflag:s22] =	ssyncadd.s32 $0xFFFFFFB0;
	(v2sf) =	vpush v3, $0xD;
	s6 =	spop (v2sf);
	s2 =	smul.u32 $0x10624DD3, s2  }
0x1fe: {  	s17 =	sadd.s32 $0x10, s1;
	s3 =	sshra.s32 s3, $0x1F;
	s24 =	smulhi.u32 $0x10624DD3, s6  }
0x1ff: {  	s8 =	spop (v2sf);
	s6 =	sshra.s32 s6, $0x1F;
	s3 =	smul.u32 $0x10624DD3, s3  }
0x200: {  	s4 =	simm.s32 @!p0 $0x0;
	s9 =	spop (v2sf);
	s6 =	smul.u32 $0x10624DD3, s6  }
0x201: {  	(v2sf) =	vpush v3, $0xE;
	s11 =	sshra.s32 s8, $0x1F;
	s8 =	smulhi.u32 $0x10624DD3, s8;
	s2 =	sadd.s32 s2, s5  }
0x202: {  	(v2sf) =	vpush v3, $0x9;
	s10 =	smulhi.u32 $0x10624DD3, s9;
	s9 =	sshra.s32 s9, $0x1F;
	s14 =	spop (v2sf)  }
0x203: {  	(v2sf) =	vpush v3, $0x5;
	s26 =	smul.u32 $0x10624DD3, s11;
	s23 =	sshrl.u32 s2, $0x1F;
	s3 =	sadd.s32 s3, s7  }
0x204: {  	s9 =	smul.u32 $0x10624DD3, s9;
	s15 =	sshra.s32 s14, $0x1F;
	s18 =	spop (v2sf)  }
0x205: {  	(v2sf) =	vpush v3, $0xA;
	s13 =	sadd.s32 s6, s24;
	s14 =	smulhi.u32 $0x10624DD3, s14;
	s29 =	sshrl.u32 s3, $0x1F  }
0x206: {  	s21 =	sshra.s32 s18, $0x1F;
	s20 =	spop (v2sf);
	s15 =	smul.u32 $0x10624DD3, s15  }
0x207: {  	s6 =	sadd.s32 s26, s8;
	s25 =	spop (v2sf);
	s19 =	sadd.s32 s9, s10  }
0x208: {  	s9 =	smul.u32 $0x10624DD3, s21;
	s10 =	sshra.s32 s13, $0x1F;
	s26 =	sshra.s32 s6, $0x1F  }
0x209: {  	(v2sf) =	vpush v3, $0xB;
	s31 =	sshra.s32 s25, $0x1F;
	s22 =	spop (v2sf);
	s1 =	smulhi.u32 $0x10624DD3, s25  }
0x20a: {  	s25 =	sshrl.u32 s6, $0x1F;
	s6 =	sshra.s32 s6, $0x7;
	s11 =	smul.u32 $0x10624DD3, s31  }
0x20b: {  	s15 =	sadd.s32 s15, s14;
	s14 =	sshra.s32 s2, $0x1F;
	s31 =	smulhi.u32 $0x10624DD3, s18  }
0x20c: {  	s2 =	sshra.s32 s2, $0x7;
	s5 =	spop (v2sf);
	s8 =	smulhi.u32 $0x10624DD3, s22  }
0x20d: {  	v6 =	vmov s29;
	s21 =	sshra.s32 s22, $0x1F;
	s18 =	sshra.s32 s5, $0x1F;
	s5 =	smulhi.u32 $0x10624DD3, s5  }
0x20e: {  	v6 =	vnsel vm3, $0x0, v6;
	v4 =	vmov s10;
	s7 =	sadd.s32 s9, s31;
	s31 =	sshra.s32 s3, $0x7;
	s18 =	smul.u32 $0x10624DD3, s18  }
0x20f: {  	v6 =	vsel vm0, s23, v6;
	s1 =	sadd.s32 s11, s1;
	s3 =	sshra.s32 s3, $0x1F;
	v4 =	vsel vm3, s31, v4;
	s30 =	sshrl.u32 s7, $0x1F  }
0x210: {  	v6 =	vsel vm1, s25, v6;
	s25 =	sshra.s32 s7, $0x1F;
	v4 =	vsel vm10, s3, v4;
	s18 =	sadd.s32 s18, s5;
	s24 =	spop (v2sf)  }
0x211: {  	vm11 =	vcmask $0xF0C;
	v4 =	vsel vm0, s2, v4;
	s11 =	sshra.s32 s24, $0x1F;
	s28 =	spop (v2sf);
	s24 =	smulhi.u32 $0x10624DD3, s24  }
0x212: {  	v5 =	vsel vm11, s14, v4;
	v4 =	vmov s4;
	s4 =	sshra.s32 s15, $0x1F;
	s11 =	smul.u32 $0x10624DD3, s11;
	s31 =	spop (v2sf)  }
0x213: {  	s2 =	sshra.s32 s28, $0x1F;
	s10 =	smulhi.u32 $0x10624DD3, s28;
	v5 =	vsel vm1, s6, v5;
	s6 =	sshrl.u32 s15, $0x1F  }
0x214: {  	vm12 =	vcmask $0x1714;
	s9 =	spop (v2sf);
	s3 =	sshra.s32 s31, $0x1F;
	s14 =	smulhi.u32 $0x10624DD3, s31  }
0x215: {  	vm13 =	vcmask $0x1F1C;
	s31 =	sshra.s32 s15, $0x7;
	v7 =	vsel vm12, s26, v5;
	v5 =	vor.u32 s17, v0;
	s2 =	smul.u32 $0x10624DD3, s2;
	s15 =	sshrl.u32 s1, $0x1F  }
0x216: {  	vm14 =	vcmask $0x2724;
	vm15 =	vcmask $0x2F2C;
	s24 =	sadd.s32 s11, s24;
	s22 =	sshra.s32 s9, $0x1F;
	s9 =	smulhi.u32 $0x10624DD3, s9;
	(v2sf) =	vpush v5, $0x1  }
0x217: {  	v6 =	vsel vm2, s6, v6;
	s11 =	sshra.s32 s1, $0x7;
	v7 =	vsel vm2, s31, v7;
	s31 =	sshra.s32 s20, $0x1F;
	s1 =	smul.u32 $0x10624DD3, s21;
	(v2sf) =	vpush v5, $0x0  }
0x218: {  	s26 =	sshra.s32 s7, $0x7;
	s23 =	spop (v2sf);
	v6 =	vsel vm4, s30, v6;
	v7 =	vsel vm13, s4, v7;
	s28 =	smul.u32 $0x10624DD3, s31;
	(v2sf) =	vpush v5, $0x7  }
0x219: {  	v8 =	vmov s11;
	s29 =	sadd.s32 s2, s10;
	s31 =	sshra.s32 s18, $0x7;
	s30 =	smul.u32 $0x10624DD3, s22;
	v7 =	vsel vm4, s26, v7;
	(v2sf) =	vpush v5, $0x2  }
0x21a: {  	s2 =	sshra.s32 s23, $0x1F;
	s26 =	smulhi.u32 $0x10624DD3, s23;
	v8 =	vsel vm0, s31, v8;
	s4 =	sshrl.u32 s29, $0x1F;
	v7 =	vsel vm14, s25, v7;
	(v2sf) =	vpush v5, $0xF  }
.LBB2_32:
0x21b: {  	s5 =	sshrl.u32 s18, $0x1F;
	s3 =	smul.u32 $0x10624DD3, s3  }
0x21c: {  	(v2sf) =	vpush v5, $0x3;
	v9 =	vmov s15;
	s6 =	sshra.s32 s29, $0x7;
	s21 =	smov.u32 s16;
	p0 =	sne.s32 s16, $0x100  }
0x21d: {  	s7 =	smulhi.u32 $0x10624DD3, s20;
	s10 =	sshra.s32 s24, $0x7;
	s1 =	sadd.s32 s1, s8;
	(v2sf) =	vpush v5, $0x4  }
0x21e: {  	s8 =	sshrl.u32 s24, $0x1F;
	v9 =	vsel vm0, s5, v9;
	v8 =	vsel vm1, s10, v8;
	s5 =	sshra.s32 s19, $0x7;
	(v2sf) =	vpush v5, $0x6;
	s3 =	sadd.s32 s3, s14  }
0x21f: {  	vm9 =	vcmask $0x3734;
	s7 =	sadd.s32 s28, s7;
	v8 =	vsel vm2, s5, v8;
	s5 =	sshra.s32 s1, $0x7;
	s1 =	sshrl.u32 s1, $0x1F;
	(v2sf) =	vpush v5, $0xC  }
0x220: {  	s2 =	smul.u32 $0x10624DD3, s2;
	v9 =	vsel vm1, s8, v9;
	s8 =	sadd.s32 s30, s9;
	v10 =	vmov s5;
	s5 =	sshra.s32 s3, $0x7;
	v11 =	vmov s1  }
0x221: {  	s9 =	sshrl.u32 s19, $0x1F;
	v10 =	vsel vm0, s6, v10;
	v7 =	vsel vm5, s5, v7;
	s5 =	sshra.s32 s3, $0x1F;
	s6 =	sshra.s32 s7, $0x7;
	(v2sf) =	vpush v5, $0x8  }
0x222: {  	s1 =	sadd.s32 s2, s26;
	s2 =	sshra.s32 s8, $0x7;
	v11 =	vsel vm0, s4, v11;
	s4 =	sshrl.u32 s8, $0x1F;
	v7 =	vsel vm15, s5, v7;
	(v2sf) =	vpush v5, $0xD  }
0x223: {  	v9 =	vsel vm2, s9, v9;
	v10 =	vsel vm1, s2, v10;
	s2 =	sshra.s32 s1, $0x7;
	s5 =	sshra.s32 s7, $0x1F;
	v11 =	vsel vm1, s4, v11;
	s1 =	sshrl.u32 s1, $0x1F  }
0x224: {  	s16 =	sadd.s32 $0x40, s16;
	s4 =	sshrl.u32 s3, $0x1F;
	v10 =	vsel vm2, s2, v10;
	v7 =	vsel vm6, s6, v7;
	s2 =	sshra.s32 s13, $0x7;
	v11 =	vsel vm2, s1, v11  }
0x225: {  	s3 =	sshra.s32 s0, $0x2;
	s0 =	smov.u32 s12;
	v6 =	vsel vm5, s4, v6;
	s4 =	sshrl.u32 s7, $0x1F;
	v7 =	vsel vm9, s5, v7;
	(v2sf) =	vpush v5, $0xE  }
0x226: {  	s17 =	sadd.s32 $0x10, s17;
	v9 =	vcombine.low v11, v9;
	v8 =	vcombine.low v10, v8;
	v6 =	vsel vm6, s4, v6;
	s4 =	sshrl.u32 s13, $0x1F;
	s1 =	spop (v2sf);
	v12 =	vld [tilespmem:s3+$0x100]  }
0x227: {  	v7 =	vsel vm7, s2, v7;
	s5 =	smulhi.u32 $0x10624DD3, s1;
	(v2sf) =	vpush v5, $0x9;
	s6 =	spop (v2sf);
	s1 =	sshra.s32 s1, $0x1F  }
0x228: {  	v6 =	vsel vm7, s4, v6;
	s8 =	smulhi.u32 $0x10624DD3, s6;
	s9 =	sshra.s32 s6, $0x1F;
	s2 =	spop (v2sf)  }
0x229: {  	s1 =	smul.u32 $0x10624DD3, s1;
	s4 =	sshra.s32 s2, $0x1F;
	s6 =	spop (v2sf)  }
0x22a: {  	v8 =	vperm.xlane v8, v1;
	v7 =	vperm.xlane v7, v2;
	s2 =	smulhi.u32 $0x10624DD3, s2;
	s7 =	sshra.s32 s6, $0x1F;
	s10 =	spop (v2sf)  }
0x22b: {  	v9 =	vperm.xlane v9, v1;
	v6 =	vperm.xlane v6, v2;
	s11 =	smulhi.u32 $0x10624DD3, s10;
	s10 =	sshra.s32 s10, $0x1F;
	s15 =	spop (v2sf);
	(v2sf) =	vpush v5, $0x5  }
0x22c: {  	s4 =	smul.u32 $0x10624DD3, s4;
	v10 =	vshra.s32 v12, $0x1F;
	s22 =	sshra.s32 s15, $0x1F;
	(v2sf) =	vpush v5, $0xA;
	s14 =	spop (v2sf)  }
0x22d: {  	v6 =	vsel vm8, v6, v9;
	v7 =	vsel vm8, v7, v8;
	s10 =	smul.u32 $0x10624DD3, s10;
	v8 =	vshrl.u32 v10, $0x16;
	s12 =	sshra.s32 s14, $0x1F;
	s20 =	spop (v2sf)  }
0x22e: {  	v6 =	vadd.s32 v6, v7;
	s6 =	smulhi.u32 $0x10624DD3, s6;
	s13 =	sadd.s32 s4, s2;
	v7 =	vadd.s32 v8, v12;
	s2 =	spop (v2sf)  }
0x22f: {  	s9 =	smul.u32 $0x10624DD3, s9;
	v8 =	vmul.u32 $0xFFFFF830, v6;
	s19 =	sadd.s32 s10, s11;
	v7 =	vshra.s32 v7, $0xA;
	s23 =	sshra.s32 s2, $0x1F  }
0x230: {  	s7 =	smul.u32 $0x10624DD3, s7;
	s10 =	sshra.s32 s13, $0x1F;
	v9 =	vmul.u32 $0x13A0, v7;
	v7 =	vshll.u32 v7, $0xA;
	s11 =	spop (v2sf)  }
0x231: {  	s1 =	sadd.s32 s1, s5;
	v6 =	vmul.u32 $0x13A0, v6;
	v8 =	vadd.s32 v3, v8;
	v3 =	vmovc v5;
	v7 =	vsub.s32 v12, v7;
	s4 =	sshra.s32 s11, $0x1F;
	s5 =	spop (v2sf)  }
0x232: {  	s24 =	sshrl.u32 s1, $0x1F;
	vm9 =	vlt.s32 v12, $0x0;
	s6 =	sadd.s32 s7, s6;
	s18 =	smul.u32 $0x10624DD3, s12;
	v5 =	vadd.s32 v4, v8;
	v7 =	vadd.s32 v9, v7  }
0x233: {  	s7 =	smul.u32 $0x10624DD3, s22;
	s12 =	sshrl.u32 s6, $0x1F;
	s22 =	sshra.s32 s6, $0x1F;
	v5 =	vadd.s32 v6, v5;
	v6 =	vadd.s32 $0xFA0, v7;
	(v2sf) =	vpush v3, $0xB  }
0x234: {  	s6 =	sshra.s32 s6, $0x7;
	s2 =	smulhi.u32 $0x10624DD3, s2;
	v5 =	vsel vm9, v5, v6;
	s25 =	spop (v2sf)  }
0x235: {  	s26 =	sshra.s32 s5, $0x1F;
	s5 =	smulhi.u32 $0x10624DD3, s5;
	s28 =	sshra.s32 s25, $0x1F;
	[tilespmem:s3+$0x300] =	vst v5  }
0x236: {  	s3 =	sadd.s32 s9, s8;
	s9 =	smulhi.u32 $0x10624DD3, s15;
	s15 =	spop (v2sf)  }
0x237: {  	s8 =	smul.u32 $0x10624DD3, s23;
	v5 =	vmov s10;
	s23 =	sshrl.u32 s3, $0x1F;
	s29 =	sshra.s32 s3, $0x7  }
0x238: {  	s10 =	smulhi.u32 $0x10624DD3, s14;
	s14 =	sshra.s32 s1, $0x1F;
	s3 =	sshra.s32 s3, $0x1F;
	v6 =	vmov s23;
	v5 =	vsel vm3, s29, v5  }
0x239: {  	s1 =	sshra.s32 s1, $0x7;
	s2 =	sadd.s32 s8, s2;
	s8 =	smulhi.u32 $0x10624DD3, s11;
	v6 =	vnsel vm3, $0x0, v6;
	v5 =	vsel vm10, s3, v5  }
0x23a: {  	s23 =	sshra.s32 s15, $0x1F;
	s11 =	smulhi.u32 $0x10624DD3, s25;
	v6 =	vsel vm0, s24, v6;
	v5 =	vsel vm0, s1, v5;
	s1 =	spop (v2sf)  }
0x23b: {  	s25 =	smulhi.u32 $0x10624DD3, s15;
	v5 =	vsel vm11, s14, v5;
	s3 =	sshra.s32 s1, $0x1F;
	s14 =	spop (v2sf)  }
0x23c: {  	s7 =	sadd.s32 s7, s9;
	v5 =	vsel vm1, s6, v5;
	s6 =	smul.u32 $0x10624DD3, s28;
	s30 =	sshra.s32 s14, $0x1F  }
0x23d: {  	s29 =	sshra.s32 s2, $0x7;
	s15 =	sshra.s32 s7, $0x1F;
	s9 =	smulhi.u32 $0x10624DD3, s14  }
0x23e: {  	s10 =	sadd.s32 s18, s10;
	s18 =	sshra.s32 s7, $0x7;
	v5 =	vsel vm12, s22, v5;
	s14 =	smulhi.u32 $0x10624DD3, s1  }
0x23f: {  	s1 =	sshra.s32 s10, $0x7;
	s22 =	smul.u32 $0x10624DD3, s23;
	s24 =	sadd.s32 s6, s11;
	v7 =	vsel vm2, s18, v5  }
0x240: {  	v5 =	vor.u32 s17, v0;
	s6 =	smul.u32 $0x10624DD3, s26;
	s11 =	sshrl.u32 s10, $0x1F;
	s10 =	sshra.s32 s10, $0x1F;
	v7 =	vsel vm13, s15, v7  }
.Ltmp23:
0x241: {  	s7 =	sshrl.u32 s7, $0x1F;
	v6 =	vsel vm1, s12, v6;
	s12 =	sshra.s32 s20, $0x1F;
	v7 =	vsel vm4, s1, v7;
	(v2sf) =	vpush v5, $0x1;
	(pc) =	sbr.rel @p0 .LBB2_32-.Ltmp23, $4  }
0x242: {  	v6 =	vsel vm2, s7, v6;
	s28 =	smul.u32 $0x10624DD3, s12;
	s18 =	sadd.s32 s6, s5;
	v7 =	vsel vm14, s10, v7;
	(v2sf) =	vpush v5, $0x0;
	s5 =	spop (v2sf)  }
0x243: {  	v8 =	vmov s29;
	s12 =	smov.u32 s21;
	s15 =	sshrl.u32 s2, $0x1F;
	v6 =	vsel vm4, s11, v6;
	(v2sf) =	vpush v5, $0x7;
	s26 =	smulhi.u32 $0x10624DD3, s5  }
0x244: {  	s29 =	sadd.s32 s22, s25;
	s1 =	smul.u32 $0x10624DD3, s4;
	s6 =	sshra.s32 s18, $0x7;
	(v2sf) =	vpush v5, $0x2  }
0x245: {  	s30 =	smul.u32 $0x10624DD3, s30;
	s4 =	sshrl.u32 s29, $0x1F;
	v8 =	vsel vm0, s6, v8;
	s2 =	sshra.s32 s5, $0x1F;
	(v2sf) =	vpush v5, $0xF  }
0x246: {  	_ =	sdelay $0x3  }
0x247: {  	(v2sf) =	vpush v5, $0x3;
	_ =	sdelay $0x1  }
0x248: {  	(v2sf) =	vpush v5, $0x4  }
0x249: {  	s3 =	smul.u32 $0x10624DD3, s3  }
0x24a: {  	s5 =	smulhi.u32 $0x10624DD3, s20;
	(v2sf) =	vpush v5, $0x6  }
0x24b: {  	s2 =	smul.u32 $0x10624DD3, s2;
	s1 =	sadd.s32 s1, s8;
	(v2sf) =	vpush v5, $0xC  }
0x24c: {  	s18 =	sshrl.u32 s18, $0x1F;
	v9 =	vmov s15;
	s15 =	sshra.s32 s13, $0x7;
	s6 =	spop (v2sf)  }
0x24d: {  	s13 =	sshrl.u32 s13, $0x1F;
	s7 =	spop (v2sf);
	s10 =	smulhi.u32 $0x10624DD3, s6  }
0x24e: {  	s9 =	sadd.s32 s30, s9;
	s6 =	sshra.s32 s6, $0x1F;
	s21 =	smulhi.u32 $0x10624DD3, s7  }
0x24f: {  	s22 =	sadd.s32 s3, s14;
	s11 =	spop (v2sf);
	s6 =	smul.u32 $0x10624DD3, s6  }
0x250: {  	s5 =	sadd.s32 s28, s5;
	s7 =	sshra.s32 s7, $0x1F;
	s20 =	smulhi.u32 $0x10624DD3, s11  }
0x251: {  	s16 =	spop (v2sf);
	s25 =	sshra.s32 s11, $0x1F;
	s7 =	smul.u32 $0x10624DD3, s7  }
0x252: {  	s2 =	sadd.s32 s2, s26;
	s17 =	spop (v2sf);
	s3 =	smul.u32 $0x10624DD3, s25  }
0x253: {  	s25 =	smulhi.u32 $0x10624DD3, s16;
	s30 =	sshra.s32 s16, $0x1F;
	s6 =	sadd.s32 s6, s10  }
0x254: {  	s10 =	sshra.s32 s29, $0x7;
	s29 =	sshra.s32 s2, $0x7;
	s11 =	smulhi.u32 $0x10624DD3, s17  }
0x255: {  	(v2sf) =	vpush v5, $0x8;
	s28 =	sshra.s32 s17, $0x1F;
	s23 =	spop (v2sf);
	s8 =	smul.u32 $0x10624DD3, s30  }
0x256: {  	(v2sf) =	vpush v5, $0xD;
	s14 =	smul.u32 $0x10624DD3, s28;
	s31 =	sshra.s32 s23, $0x1F;
	s16 =	sadd.s32 s3, s20  }
0x257: {  	(v2sf) =	vpush v5, $0xE;
	s26 =	spop (v2sf);
	s20 =	smulhi.u32 $0x10624DD3, s23;
	s23 =	sshrl.u32 s24, $0x1F  }
0x258: {  	v9 =	vsel vm0, s18, v9;
	s3 =	sshrl.u32 s2, $0x1F;
	s2 =	sshra.s32 s5, $0x7;
	s28 =	smul.u32 $0x10624DD3, s31  }
0x259: {  	s30 =	spop (v2sf);
	s25 =	sadd.s32 s8, s25;
	v9 =	vsel vm1, s23, v9;
	s23 =	sshrl.u32 s6, $0x1F  }
0x25a: {  	[dreg:$0x18] =	wrdreg s30;
	s11 =	sadd.s32 s14, s11;
	s31 =	spop (v2sf)  }
0x25b: {  	s30 =	sshra.s32 s22, $0x7;
	s18 =	sshrl.u32 s25, $0x1F;
	[dreg:$0x15] =	wrdreg s11  }
0x25c: {  	(v2sf) =	vpush v5, $0x9;
	s14 =	sshra.s32 s31, $0x1F;
	s11 =	smulhi.u32 $0x10624DD3, s31;
	s8 =	sadd.s32 s28, s20  }
0x25d: {  	(v2sf) =	vpush v5, $0x5;
	s28 =	sshrl.u32 s9, $0x1F;
	s31 =	sshra.s32 s22, $0x1F;
	s22 =	sshrl.u32 s22, $0x1F  }
0x25e: {  	s20 =	sshra.s32 s0, $0x2;
	s0 =	sshra.s32 s26, $0x1F;
	s17 =	smul.u32 $0x10624DD3, s14  }
0x25f: {  	s14 =	sadd.s32 s7, s21;
	s21 =	sshra.s32 s24, $0x7;
	s7 =	sshra.s32 s1, $0x7  }
0x260: {  	(v2sf) =	vpush v5, $0xA;
	s1 =	sshrl.u32 s1, $0x1F;
	s24 =	sshra.s32 s9, $0x7;
	s9 =	sshra.s32 s5, $0x1F  }
0x261: {  	s5 =	sshrl.u32 s5, $0x1F;
	s0 =	smul.u32 $0x10624DD3, s0;
	v6 =	vsel vm5, s22, v6;
	s22 =	rddreg [dreg:$0x18]  }
0x262: {  	v7 =	vsel vm5, s30, v7;
	v10 =	vmov s7;
	s7 =	sshra.s32 s25, $0x1F;
	s30 =	sshra.s32 s14, $0x1F;
	s17 =	sadd.s32 s17, s11  }
0x263: {  	v8 =	vsel vm1, s21, v8;
	s11 =	sshra.s32 s19, $0x7;
	s19 =	sshrl.u32 s19, $0x1F;
	v10 =	vsel vm0, s10, v10;
	s10 =	smulhi.u32 $0x10624DD3, s26  }
0x264: {  	v7 =	vsel vm15, s31, v7;
	v12 =	vmov s1;
	v8 =	vsel vm2, s11, v8;
	s11 =	sshra.s32 s25, $0x7;
	s25 =	sshra.s32 s16, $0x1F;
	s21 =	spop (v2sf)  }
0x265: {  	s26 =	sshra.s32 s14, $0x7;
	v9 =	vsel vm2, s19, v9;
	s19 =	sshra.s32 s6, $0x1F;
	v10 =	vsel vm1, s24, v10;
	v11 =	vmov s25;
	s1 =	spop (v2sf)  }
0x266: {  	v14 =	vld [tilespmem:s20+$0x100];
	v6 =	vsel vm6, s5, v6;
	s6 =	sshra.s32 s6, $0x7;
	v10 =	vsel vm2, s29, v10;
	v11 =	vsel vm3, s26, v11;
	s29 =	smulhi.u32 $0x10624DD3, s21;
	s31 =	spop (v2sf)  }
0x267: {  	v12 =	vsel vm0, s4, v12;
	v6 =	vsel vm7, s13, v6;
	s0 =	sadd.s32 s0, s10;
	s25 =	sshra.s32 s8, $0x7;
	v11 =	vsel vm10, s30, v11;
	s30 =	smulhi.u32 $0x10624DD3, s31  }
0x268: {  	v7 =	vsel vm6, s2, v7;
	v12 =	vsel vm1, s28, v12;
	v6 =	vperm.xlane v6, v2;
	s26 =	sshra.s32 s31, $0x1F;
	s31 =	sshra.s32 s1, $0x1F;
	s1 =	smulhi.u32 $0x10624DD3, s1  }
0x269: {  	v12 =	vsel vm2, s3, v12;
	s10 =	sshrl.u32 s8, $0x1F;
	(v2sf) =	vpush v5, $0xB;
	s24 =	sshra.s32 s21, $0x1F;
	v11 =	vsel vm0, s6, v11;
	s4 =	smul.u32 $0x10624DD3, s26  }
0x26a: {  	v9 =	vcombine.low v12, v9;
	v8 =	vcombine.low v10, v8;
	s6 =	sshra.s32 s0, $0x7;
	v11 =	vsel vm11, s19, v11;
	s19 =	sshrl.u32 s14, $0x1F;
	s26 =	smul.u32 $0x10624DD3, s31  }
0x26b: {  	v15 =	vshra.s32 v14, $0x1F;
	s14 =	sshra.s32 s17, $0x7;
	v11 =	vsel vm1, s11, v11;
	s11 =	spop (v2sf);
	v13 =	vmov s19;
	s19 =	smul.u32 $0x10624DD3, s24  }
0x26c: {  	vm9 =	vlt.s32 v14, $0x0;
	v9 =	vperm.xlane v9, v1;
	vm11 =	vcmask $0x3734;
	s24 =	sshrl.u32 s17, $0x1F;
	s28 =	sshra.s32 s11, $0x1F;
	s31 =	spop (v2sf)  }
0x26d: {  	v40 =	vshrl.u32 v15, $0x16;
	v8 =	vperm.xlane v8, v1;
	v7 =	vsel vm11, s9, v7;
	s2 =	smulhi.u32 $0x10624DD3, s11;
	s11 =	sshrl.u32 s0, $0x1F;
	s0 =	sshra.s32 s0, $0x1F  }
0x26e: {  	v38 =	vmov s14;
	v6 =	vsel vm8, v6, v9;
	v11 =	vsel vm12, s7, v11;
	s3 =	sadd.s32 s4, s30;
	s30 =	sshra.s32 s8, $0x1F;
	s1 =	sadd.s32 s26, s1  }
0x26f: {  	v13 =	vnsel vm3, $0x0, v13;
	v7 =	vsel vm7, s15, v7;
	v11 =	vsel vm2, s25, v11;
	s5 =	spop (v2sf);
	s7 =	smul.u32 $0x10624DD3, s28;
	s13 =	sshra.s32 s31, $0x1F  }
0x270: {  	v13 =	vsel vm0, s23, v13;
	v7 =	vperm.xlane v7, v2;
	s4 =	smulhi.u32 $0x10624DD3, s31;
	s23 =	sshra.s32 s22, $0x1F;
	s26 =	rddreg [dreg:$0x15];
	v11 =	vsel vm13, s30, v11  }
0x271: {  	v39 =	vmov s24;
	v13 =	vsel vm1, s18, v13;
	s15 =	smulhi.u32 $0x10624DD3, s5;
	s21 =	sshra.s32 s1, $0x7;
	s25 =	sshra.s32 s3, $0x7;
	v11 =	vsel vm4, s6, v11  }
0x272: {  	s1 =	sshrl.u32 s1, $0x1F;
	s8 =	smul.u32 $0x10624DD3, s13;
	s28 =	sshra.s32 s26, $0x7;
	v37 =	vsel vm2, s10, v13;
	v12 =	vsel vm0, s21, v38;
	v7 =	vsel vm8, v7, v8  }
0x273: {  	s3 =	sshrl.u32 s3, $0x1F;
	s5 =	sshra.s32 s5, $0x1F;
	s13 =	smulhi.u32 $0x10624DD3, s22;
	v42 =	vsel vm0, s1, v39;
	v8 =	vadd.s32 v40, v14;
	v11 =	vsel vm14, s0, v11  }
0x274: {  	s18 =	sadd.s32 s7, s2;
	s7 =	smul.u32 $0x10624DD3, s23;
	s2 =	sadd.s32 s19, s29;
	v10 =	vsel vm4, s11, v37;
	v41 =	vsel vm1, s25, v12;
	v6 =	vadd.s32 v6, v7  }
0x275: {  	s5 =	smul.u32 $0x10624DD3, s5;
	s21 =	sshra.s32 s12, $0x2;
	s30 =	sshra.s32 s2, $0x7;
	v7 =	vsel vm1, s3, v42;
	v8 =	vshra.s32 v8, $0xA;
	v9 =	vsel vm2, s28, v41  }
0x276: {  	s4 =	sadd.s32 s8, s4;
	s9 =	sshra.s32 s18, $0x7;
	s2 =	sshrl.u32 s2, $0x1F;
	v43 =	vmov s30;
	v44 =	vmul.u32 $0xFFFFF830, v6;
	v45 =	vmul.u32 $0x13A0, v8  }
0x277: {  	s0 =	sshrl.u32 s18, $0x1F;
	s18 =	sshrl.u32 s26, $0x1F;
	s26 =	sshrl.u32 s16, $0x1F;
	v8 =	vshll.u32 v8, $0xA;
	v6 =	vmul.u32 $0x13A0, v6;
	v47 =	vmov s2  }
0x278: {  	s14 =	sshra.s32 s4, $0x7;
	s7 =	sadd.s32 s7, s13;
	v12 =	vsel vm0, s9, v43;
	v8 =	vsub.s32 v14, v8;
	v3 =	vadd.s32 v3, v44;
	s29 =	spop (v2sf)  }
0x279: {  	s5 =	sadd.s32 s5, s15;
	v11 =	vsel vm5, s14, v11;
	v8 =	vadd.s32 v45, v8;
	v3 =	vadd.s32 v4, v3;
	s31 =	smulhi.u32 $0x10624DD3, s29;
	s1 =	sshra.s32 s29, $0x1F  }
0x27a: {  	s15 =	sshra.s32 s4, $0x1F;
	s23 =	sshrl.u32 s4, $0x1F;
	v48 =	vsel vm0, s0, v47;
	v46 =	vadd.s32 $0xFA0, v8;
	v3 =	vadd.s32 v6, v3;
	s1 =	smul.u32 $0x10624DD3, s1  }
0x27b: {  	s17 =	sshra.s32 s7, $0x7;
	s19 =	sshra.s32 s5, $0x7;
	v10 =	vsel vm5, s23, v10;
	s25 =	sshrl.u32 s7, $0x1F;
	v11 =	vsel vm15, s15, v11;
	v3 =	vsel vm9, v3, v46  }
0x27c: {  	s5 =	sshrl.u32 s5, $0x1F;
	s22 =	sshra.s32 s7, $0x1F;
	v49 =	vsel vm1, s19, v12;
	v52 =	vsel vm6, s25, v10;
	v50 =	vsel vm6, s17, v11;
	[tilespmem:s20+$0x300] =	vst v3;
	s1 =	sadd.s32 s1, s31  }
0x27d: {  	v53 =	vsel vm7, s26, v52;
	v6 =	vsel vm1, s5, v48;
	v8 =	vsel vm11, s22, v50;
	v51 =	vld [tilespmem:s21+$0x100];
	s20 =	sshra.s32 s1, $0x7;
	s1 =	sshrl.u32 s1, $0x1F  }
0x27e: {  	s24 =	sshra.s32 s16, $0x7;
	v3 =	vsel vm2, s18, v7;
	v7 =	vsel vm2, s20, v49;
	v6 =	vsel vm2, s1, v6  }
0x27f: {  	v8 =	vsel vm7, s24, v8;
	v7 =	vcombine.low v7, v9;
	v3 =	vcombine.low v6, v3  }
0x280: {  	v8 =	vperm.xlane v8, v2;
	v6 =	vperm.xlane v53, v2  }
0x281: {  	v7 =	vperm.xlane v7, v1;
	v3 =	vperm.xlane v3, v1  }
0x282: {  	v54 =	vshra.s32 v51, $0x1F  }
0x283: {  	v56 =	vshrl.u32 v54, $0x16;
	v3 =	vsel vm8, v6, v3;
	v55 =	vsel vm8, v8, v7  }
0x284: {  	v57 =	vadd.s32 v56, v51;
	v3 =	vadd.s32 v3, v55  }
0x285: {  	v6 =	vshra.s32 v57, $0xA;
	v58 =	vmul.u32 $0xFFFFF830, v3  }
0x286: {  	v59 =	vmul.u32 $0x13A0, v6;
	v6 =	vshll.u32 v6, $0xA  }
0x287: {  	v3 =	vmul.u32 $0x13A0, v3;
	v6 =	vsub.s32 v51, v6;
	v60 =	vadd.s32 v5, v58  }
0x288: {  	v62 =	vadd.s32 v59, v6;
	v61 =	vadd.s32 v4, v60  }
0x289: {  	vm9 =	vlt.s32 v51, $0x0;
	v63 =	vadd.s32 $0xFA0, v62;
	v3 =	vadd.s32 v3, v61  }
0x28a: {  	s28 =	rddreg [dreg:$0x5];
	v3 =	vsel vm9, v3, v63  }
0x28b: {  	s30 =	simm.s32 $0x300;
	s29 =	simm.s32 $0x50;
	s31 =	simm.s32 $0x5400;
	[tilespmem:s21+$0x300] =	vst v3  }
0x28c: {  	[tilespmem:s31], [sflag:$0x7] =	stream.indirect.gather [hbm4b:s28+s29], $0x80, s30, s29, $0xb8;
	[tilespmem:$0xA400] =	vst v63  }
.LBB2_34:
.Ltmp24:
0x28d: {  	(pc) =	sbr.rel @!p5 .LBB2_38-.Ltmp24, $4  }
0x28e: {  	_ = 	snop  }
0x28f: {  	s0 =	simm.s32 @!p2 $0x0  }
0x290: {  	s0 =	simm.s32 @p2 $0x1  }
0x291: {  	[smem:$0x7FB] =	sst s0  }
0x292: {  	s0 =	rddreg [dreg:$0x10]  }
0x293: {  	s1 =	smul.u32 $0x50, s0  }
0x294: {  	s23 =	simm.s32 $0x4  }
0x295: {  	_ =	swait.ge [sflag:s23], $0x50;
	v3 =	vor.u32 s1, v0  }
0x296: {  	(v2sf) =	vpush v3, $0x1  }
0x297: {  	(v2sf) =	vpush v3, $0x0;
	_ =	sdelay $0x1  }
0x298: {  	(v2sf) =	vpush v3, $0x7;
	_ =	sdelay $0x1  }
0x299: {  	(v2sf) =	vpush v3, $0x2  }
0x29a: {  	(v2sf) =	vpush v3, $0xF;
	_ =	sdelay $0x1  }
0x29b: {  	(v2sf) =	vpush v3, $0x3;
	_ =	sdelay $0x1  }
0x29c: {  	(v2sf) =	vpush v3, $0x4;
	_ =	sdelay $0x1  }
0x29d: {  	(v2sf) =	vpush v3, $0x6  }
0x29e: {  	(v2sf) =	vpush v3, $0xC  }
0x29f: {  	s4 =	simm.s32 $0x7D0;
	s12 =	simm.s32 $0x40;
	s16 =	simm.s32 $0x80  }
0x2a0: {  	s0 =	simm.s32 $0x0;
	s2 =	rddreg [dreg:$0xf];
	(v2sf) =	vpush v3, $0x8;
	s24 =	spop (v2sf)  }
0x2a1: {  	[sflag:s23] =	ssyncset.done $0x0;
	s3 =	spop (v2sf);
	s5 =	smulhi.u32 $0x10624DD3, s24  }
0x2a2: {  	p0 =	sgt.u32 s2, $0x4E1;
	s2 =	sshra.s32 s24, $0x1F;
	s7 =	smulhi.u32 $0x10624DD3, s3  }
0x2a3: {  	[sflag:s23] =	ssyncadd.s32 $0xFFFFFFB0;
	(v2sf) =	vpush v3, $0xD;
	s6 =	spop (v2sf);
	s2 =	smul.u32 $0x10624DD3, s2  }
0x2a4: {  	s17 =	sadd.s32 $0x10, s1;
	s3 =	sshra.s32 s3, $0x1F;
	s25 =	smulhi.u32 $0x10624DD3, s6  }
0x2a5: {  	s8 =	spop (v2sf);
	s6 =	sshra.s32 s6, $0x1F;
	s3 =	smul.u32 $0x10624DD3, s3  }
0x2a6: {  	s4 =	simm.s32 @!p0 $0x0;
	s9 =	spop (v2sf);
	s6 =	smul.u32 $0x10624DD3, s6  }
0x2a7: {  	(v2sf) =	vpush v3, $0xE;
	s11 =	sshra.s32 s8, $0x1F;
	s8 =	smulhi.u32 $0x10624DD3, s8;
	s2 =	sadd.s32 s2, s5  }
0x2a8: {  	(v2sf) =	vpush v3, $0x9;
	s10 =	smulhi.u32 $0x10624DD3, s9;
	s9 =	sshra.s32 s9, $0x1F;
	s14 =	spop (v2sf)  }
0x2a9: {  	(v2sf) =	vpush v3, $0x5;
	s30 =	smul.u32 $0x10624DD3, s11;
	s23 =	sshrl.u32 s2, $0x1F;
	s3 =	sadd.s32 s3, s7  }
0x2aa: {  	(v2sf) =	vpush v3, $0xA;
	s9 =	smul.u32 $0x10624DD3, s9;
	s15 =	sshra.s32 s14, $0x1F;
	s18 =	spop (v2sf)  }
0x2ab: {  	s13 =	sadd.s32 s6, s25;
	s14 =	smulhi.u32 $0x10624DD3, s14;
	s29 =	sshrl.u32 s3, $0x1F  }
0x2ac: {  	s21 =	sshra.s32 s18, $0x1F;
	s20 =	spop (v2sf);
	s15 =	smul.u32 $0x10624DD3, s15  }
0x2ad: {  	s6 =	sadd.s32 s30, s8;
	s24 =	smulhi.u32 $0x10624DD3, s18;
	s26 =	spop (v2sf)  }
0x2ae: {  	(v2sf) =	vpush v3, $0xB;
	s19 =	sadd.s32 s9, s10;
	s9 =	smul.u32 $0x10624DD3, s21;
	s10 =	sshra.s32 s13, $0x1F  }
0x2af: {  	s25 =	sshrl.u32 s6, $0x1F;
	s31 =	sshra.s32 s26, $0x1F;
	s22 =	spop (v2sf)  }
0x2b0: {  	s1 =	smulhi.u32 $0x10624DD3, s26;
	s26 =	sshra.s32 s6, $0x1F;
	s6 =	sshra.s32 s6, $0x7  }
0x2b1: {  	s15 =	sadd.s32 s15, s14;
	s14 =	sshra.s32 s3, $0x7;
	s11 =	smul.u32 $0x10624DD3, s31  }
0x2b2: {  	v4 =	vmov s10;
	s3 =	sshra.s32 s3, $0x1F;
	s5 =	spop (v2sf);
	s8 =	smulhi.u32 $0x10624DD3, s22  }
0x2b3: {  	s7 =	sadd.s32 s9, s24;
	v4 =	vsel vm3, s14, v4;
	s18 =	sshra.s32 s5, $0x1F;
	s5 =	smulhi.u32 $0x10624DD3, s5  }
0x2b4: {  	v4 =	vsel vm10, s3, v4;
	s1 =	sadd.s32 s11, s1;
	s11 =	sshra.s32 s2, $0x1F;
	s2 =	sshra.s32 s2, $0x7  }
0x2b5: {  	vm11 =	vcmask $0xF0C;
	v6 =	vmov s29;
	s21 =	sshra.s32 s22, $0x1F;
	s29 =	sshrl.u32 s7, $0x1F;
	s18 =	smul.u32 $0x10624DD3, s18;
	v4 =	vsel vm0, s2, v4  }
0x2b6: {  	v5 =	vsel vm11, s11, v4;
	s11 =	sshra.s32 s1, $0x7;
	v4 =	vmov s4;
	s4 =	sshra.s32 s15, $0x1F;
	s31 =	spop (v2sf)  }
0x2b7: {  	s30 =	sshra.s32 s31, $0x1F;
	s28 =	spop (v2sf);
	s31 =	smulhi.u32 $0x10624DD3, s31  }
0x2b8: {  	s18 =	sadd.s32 s18, s5;
	s24 =	smul.u32 $0x10624DD3, s30;
	s14 =	spop (v2sf)  }
0x2b9: {  	vm12 =	vcmask $0x1714;
	v5 =	vsel vm1, s6, v5;
	s6 =	sshrl.u32 s15, $0x1F;
	s10 =	smulhi.u32 $0x10624DD3, s28;
	s30 =	spop (v2sf)  }
0x2ba: {  	vm13 =	vcmask $0x1F1C;
	vm14 =	vcmask $0x2724;
	v6 =	vnsel vm3, $0x0, v6;
	s3 =	sshra.s32 s14, $0x1F;
	s14 =	smulhi.u32 $0x10624DD3, s14;
	s24 =	sadd.s32 s24, s31  }
0x2bb: {  	v6 =	vsel vm0, s23, v6;
	v7 =	vsel vm12, s26, v5;
	v5 =	vor.u32 s17, v0;
	s31 =	sshra.s32 s28, $0x1F;
	s22 =	sshra.s32 s30, $0x1F;
	s9 =	smulhi.u32 $0x10624DD3, s30  }
0x2bc: {  	vm15 =	vcmask $0x2F2C;
	v6 =	vsel vm1, s25, v6;
	(v2sf) =	vpush v5, $0x1;
	s30 =	sshra.s32 s15, $0x7;
	s15 =	sshrl.u32 s1, $0x1F;
	s1 =	smul.u32 $0x10624DD3, s21  }
0x2bd: {  	v8 =	vmov s11;
	(v2sf) =	vpush v5, $0x0;
	s28 =	sshra.s32 s7, $0x7;
	s23 =	spop (v2sf);
	v7 =	vsel vm2, s30, v7;
	s2 =	smul.u32 $0x10624DD3, s31  }
0x2be: {  	v6 =	vsel vm2, s6, v6;
	(v2sf) =	vpush v5, $0x7;
	s31 =	sshra.s32 s20, $0x1F;
	s30 =	sshra.s32 s7, $0x1F;
	s25 =	smulhi.u32 $0x10624DD3, s23;
	v7 =	vsel vm13, s4, v7  }
0x2bf: {  	v6 =	vsel vm4, s29, v6;
	(v2sf) =	vpush v5, $0x2;
	s26 =	smul.u32 $0x10624DD3, s31;
	s31 =	sshra.s32 s18, $0x7;
	v7 =	vsel vm4, s28, v7;
	s28 =	sadd.s32 s2, s10  }
0x2c0: {  	s29 =	smul.u32 $0x10624DD3, s22;
	(v2sf) =	vpush v5, $0xF;
	v8 =	vsel vm0, s31, v8;
	s2 =	sshra.s32 s23, $0x1F;
	v7 =	vsel vm14, s30, v7;
	s4 =	sshrl.u32 s28, $0x1F  }
.LBB2_36:
0x2c1: {  	s5 =	sshrl.u32 s18, $0x1F;
	s3 =	smul.u32 $0x10624DD3, s3  }
0x2c2: {  	(v2sf) =	vpush v5, $0x3;
	v9 =	vmov s15;
	s6 =	sshra.s32 s28, $0x7;
	s21 =	smov.u32 s16;
	p0 =	sne.s32 s16, $0x100  }
0x2c3: {  	s7 =	smulhi.u32 $0x10624DD3, s20;
	s10 =	sshra.s32 s24, $0x7;
	s1 =	sadd.s32 s1, s8;
	(v2sf) =	vpush v5, $0x4  }
0x2c4: {  	s8 =	sshrl.u32 s24, $0x1F;
	v9 =	vsel vm0, s5, v9;
	v8 =	vsel vm1, s10, v8;
	s5 =	sshra.s32 s19, $0x7;
	(v2sf) =	vpush v5, $0x6;
	s3 =	sadd.s32 s3, s14  }
0x2c5: {  	vm9 =	vcmask $0x3734;
	s7 =	sadd.s32 s26, s7;
	v8 =	vsel vm2, s5, v8;
	s5 =	sshra.s32 s1, $0x7;
	s1 =	sshrl.u32 s1, $0x1F;
	(v2sf) =	vpush v5, $0xC  }
0x2c6: {  	s2 =	smul.u32 $0x10624DD3, s2;
	v9 =	vsel vm1, s8, v9;
	s8 =	sadd.s32 s29, s9;
	v10 =	vmov s5;
	s5 =	sshra.s32 s3, $0x7;
	v11 =	vmov s1  }
0x2c7: {  	s9 =	sshrl.u32 s19, $0x1F;
	v10 =	vsel vm0, s6, v10;
	v7 =	vsel vm5, s5, v7;
	s5 =	sshra.s32 s3, $0x1F;
	s6 =	sshra.s32 s7, $0x7;
	(v2sf) =	vpush v5, $0x8  }
0x2c8: {  	s1 =	sadd.s32 s2, s25;
	s2 =	sshra.s32 s8, $0x7;
	v11 =	vsel vm0, s4, v11;
	s4 =	sshrl.u32 s8, $0x1F;
	v7 =	vsel vm15, s5, v7;
	(v2sf) =	vpush v5, $0xD  }
0x2c9: {  	v9 =	vsel vm2, s9, v9;
	v10 =	vsel vm1, s2, v10;
	s2 =	sshra.s32 s1, $0x7;
	s5 =	sshra.s32 s7, $0x1F;
	v11 =	vsel vm1, s4, v11;
	s1 =	sshrl.u32 s1, $0x1F  }
0x2ca: {  	s16 =	sadd.s32 $0x40, s16;
	s4 =	sshrl.u32 s3, $0x1F;
	v10 =	vsel vm2, s2, v10;
	v7 =	vsel vm6, s6, v7;
	s2 =	sshra.s32 s13, $0x7;
	v11 =	vsel vm2, s1, v11  }
0x2cb: {  	s3 =	sshra.s32 s0, $0x2;
	s0 =	smov.u32 s12;
	v6 =	vsel vm5, s4, v6;
	s4 =	sshrl.u32 s7, $0x1F;
	v7 =	vsel vm9, s5, v7;
	(v2sf) =	vpush v5, $0xE  }
0x2cc: {  	s17 =	sadd.s32 $0x10, s17;
	v9 =	vcombine.low v11, v9;
	v8 =	vcombine.low v10, v8;
	v6 =	vsel vm6, s4, v6;
	s4 =	sshrl.u32 s13, $0x1F;
	s1 =	spop (v2sf);
	v12 =	vld [tilespmem:s3+$0x180]  }
0x2cd: {  	v7 =	vsel vm7, s2, v7;
	s5 =	smulhi.u32 $0x10624DD3, s1;
	(v2sf) =	vpush v5, $0x9;
	s6 =	spop (v2sf);
	s1 =	sshra.s32 s1, $0x1F  }
0x2ce: {  	v6 =	vsel vm7, s4, v6;
	s8 =	smulhi.u32 $0x10624DD3, s6;
	s9 =	sshra.s32 s6, $0x1F;
	s2 =	spop (v2sf)  }
0x2cf: {  	s1 =	smul.u32 $0x10624DD3, s1;
	s4 =	sshra.s32 s2, $0x1F;
	s6 =	spop (v2sf)  }
0x2d0: {  	v8 =	vperm.xlane v8, v1;
	v7 =	vperm.xlane v7, v2;
	s2 =	smulhi.u32 $0x10624DD3, s2;
	s7 =	sshra.s32 s6, $0x1F;
	s10 =	spop (v2sf)  }
0x2d1: {  	v9 =	vperm.xlane v9, v1;
	v6 =	vperm.xlane v6, v2;
	s11 =	smulhi.u32 $0x10624DD3, s10;
	s10 =	sshra.s32 s10, $0x1F;
	s15 =	spop (v2sf);
	(v2sf) =	vpush v5, $0x5  }
0x2d2: {  	s4 =	smul.u32 $0x10624DD3, s4;
	v10 =	vshra.s32 v12, $0x1F;
	s22 =	sshra.s32 s15, $0x1F;
	(v2sf) =	vpush v5, $0xA;
	s14 =	spop (v2sf)  }
0x2d3: {  	v6 =	vsel vm8, v6, v9;
	v7 =	vsel vm8, v7, v8;
	s10 =	smul.u32 $0x10624DD3, s10;
	v8 =	vshrl.u32 v10, $0x16;
	s12 =	sshra.s32 s14, $0x1F;
	s20 =	spop (v2sf)  }
0x2d4: {  	v6 =	vadd.s32 v6, v7;
	s6 =	smulhi.u32 $0x10624DD3, s6;
	s13 =	sadd.s32 s4, s2;
	v7 =	vadd.s32 v8, v12;
	s2 =	spop (v2sf)  }
0x2d5: {  	s9 =	smul.u32 $0x10624DD3, s9;
	v8 =	vmul.u32 $0xFFFFF830, v6;
	s19 =	sadd.s32 s10, s11;
	v7 =	vshra.s32 v7, $0xA;
	s23 =	sshra.s32 s2, $0x1F  }
0x2d6: {  	s7 =	smul.u32 $0x10624DD3, s7;
	s10 =	sshra.s32 s13, $0x1F;
	v9 =	vmul.u32 $0x13A0, v7;
	v7 =	vshll.u32 v7, $0xA;
	s11 =	spop (v2sf)  }
0x2d7: {  	s1 =	sadd.s32 s1, s5;
	v6 =	vmul.u32 $0x13A0, v6;
	v8 =	vadd.s32 v3, v8;
	v3 =	vmovc v5;
	v7 =	vsub.s32 v12, v7;
	s4 =	sshra.s32 s11, $0x1F;
	s5 =	spop (v2sf)  }
0x2d8: {  	s24 =	sshrl.u32 s1, $0x1F;
	vm9 =	vlt.s32 v12, $0x0;
	s6 =	sadd.s32 s7, s6;
	s18 =	smul.u32 $0x10624DD3, s12;
	v5 =	vadd.s32 v4, v8;
	v7 =	vadd.s32 v9, v7  }
0x2d9: {  	s7 =	smul.u32 $0x10624DD3, s22;
	s12 =	sshrl.u32 s6, $0x1F;
	s22 =	sshra.s32 s6, $0x1F;
	v5 =	vadd.s32 v6, v5;
	v6 =	vadd.s32 $0xFA0, v7;
	(v2sf) =	vpush v3, $0xB  }
0x2da: {  	s6 =	sshra.s32 s6, $0x7;
	s2 =	smulhi.u32 $0x10624DD3, s2;
	v5 =	vsel vm9, v5, v6;
	s25 =	spop (v2sf)  }
0x2db: {  	s26 =	sshra.s32 s5, $0x1F;
	s5 =	smulhi.u32 $0x10624DD3, s5;
	s28 =	sshra.s32 s25, $0x1F;
	[tilespmem:s3+$0x380] =	vst v5  }
0x2dc: {  	s3 =	sadd.s32 s9, s8;
	s9 =	smulhi.u32 $0x10624DD3, s15;
	s15 =	spop (v2sf)  }
0x2dd: {  	s8 =	smul.u32 $0x10624DD3, s23;
	v5 =	vmov s10;
	s23 =	sshrl.u32 s3, $0x1F;
	s29 =	sshra.s32 s3, $0x7  }
0x2de: {  	s10 =	smulhi.u32 $0x10624DD3, s14;
	s14 =	sshra.s32 s1, $0x1F;
	s3 =	sshra.s32 s3, $0x1F;
	v6 =	vmov s23;
	v5 =	vsel vm3, s29, v5  }
0x2df: {  	s1 =	sshra.s32 s1, $0x7;
	s2 =	sadd.s32 s8, s2;
	s8 =	smulhi.u32 $0x10624DD3, s11;
	v6 =	vnsel vm3, $0x0, v6;
	v5 =	vsel vm10, s3, v5  }
0x2e0: {  	s23 =	sshra.s32 s15, $0x1F;
	s11 =	smulhi.u32 $0x10624DD3, s25;
	v6 =	vsel vm0, s24, v6;
	v5 =	vsel vm0, s1, v5;
	s1 =	spop (v2sf)  }
0x2e1: {  	s29 =	smulhi.u32 $0x10624DD3, s15;
	v5 =	vsel vm11, s14, v5;
	s3 =	sshra.s32 s1, $0x1F;
	s14 =	spop (v2sf)  }
0x2e2: {  	s7 =	sadd.s32 s7, s9;
	v5 =	vsel vm1, s6, v5;
	s6 =	smul.u32 $0x10624DD3, s28;
	s30 =	sshra.s32 s14, $0x1F  }
0x2e3: {  	s15 =	sshra.s32 s7, $0x1F;
	s28 =	sshra.s32 s2, $0x7;
	s9 =	smulhi.u32 $0x10624DD3, s14  }
0x2e4: {  	s10 =	sadd.s32 s18, s10;
	s18 =	sshra.s32 s7, $0x7;
	v5 =	vsel vm12, s22, v5;
	s14 =	smulhi.u32 $0x10624DD3, s1  }
0x2e5: {  	s1 =	sshra.s32 s10, $0x7;
	s22 =	smul.u32 $0x10624DD3, s23;
	s24 =	sadd.s32 s6, s11;
	v7 =	vsel vm2, s18, v5  }
0x2e6: {  	v5 =	vor.u32 s17, v0;
	s6 =	smul.u32 $0x10624DD3, s26;
	s11 =	sshrl.u32 s10, $0x1F;
	s10 =	sshra.s32 s10, $0x1F;
	v7 =	vsel vm13, s15, v7  }
.Ltmp25:
0x2e7: {  	s7 =	sshrl.u32 s7, $0x1F;
	v6 =	vsel vm1, s12, v6;
	s12 =	sshra.s32 s20, $0x1F;
	v7 =	vsel vm4, s1, v7;
	(v2sf) =	vpush v5, $0x1;
	(pc) =	sbr.rel @p0 .LBB2_36-.Ltmp25, $4  }
0x2e8: {  	v6 =	vsel vm2, s7, v6;
	s26 =	smul.u32 $0x10624DD3, s12;
	s18 =	sadd.s32 s6, s5;
	v7 =	vsel vm14, s10, v7;
	(v2sf) =	vpush v5, $0x0;
	s5 =	spop (v2sf)  }
0x2e9: {  	v8 =	vmov s28;
	s12 =	smov.u32 s21;
	s15 =	sshrl.u32 s2, $0x1F;
	v6 =	vsel vm4, s11, v6;
	(v2sf) =	vpush v5, $0x7;
	s25 =	smulhi.u32 $0x10624DD3, s5  }
0x2ea: {  	s28 =	sadd.s32 s22, s29;
	s1 =	smul.u32 $0x10624DD3, s4;
	s6 =	sshra.s32 s18, $0x7;
	(v2sf) =	vpush v5, $0x2  }
0x2eb: {  	s29 =	smul.u32 $0x10624DD3, s30;
	s4 =	sshrl.u32 s28, $0x1F;
	v8 =	vsel vm0, s6, v8;
	s2 =	sshra.s32 s5, $0x1F;
	(v2sf) =	vpush v5, $0xF  }
0x2ec: {  	_ =	sdelay $0x3  }
0x2ed: {  	(v2sf) =	vpush v5, $0x3;
	_ =	sdelay $0x1  }
0x2ee: {  	(v2sf) =	vpush v5, $0x4  }
0x2ef: {  	s3 =	smul.u32 $0x10624DD3, s3  }
0x2f0: {  	s5 =	smulhi.u32 $0x10624DD3, s20;
	(v2sf) =	vpush v5, $0x6  }
0x2f1: {  	s2 =	smul.u32 $0x10624DD3, s2;
	(v2sf) =	vpush v5, $0xC  }
0x2f2: {  	s1 =	sadd.s32 s1, s8;
	s18 =	sshrl.u32 s18, $0x1F;
	s6 =	spop (v2sf)  }
0x2f3: {  	v9 =	vmov s15;
	s15 =	sshra.s32 s13, $0x7;
	s7 =	spop (v2sf);
	s10 =	smulhi.u32 $0x10624DD3, s6  }
0x2f4: {  	s13 =	sshrl.u32 s13, $0x1F;
	s6 =	sshra.s32 s6, $0x1F;
	s21 =	smulhi.u32 $0x10624DD3, s7  }
0x2f5: {  	s9 =	sadd.s32 s29, s9;
	s11 =	spop (v2sf);
	s6 =	smul.u32 $0x10624DD3, s6  }
0x2f6: {  	s22 =	sadd.s32 s3, s14;
	s7 =	sshra.s32 s7, $0x1F;
	s20 =	smulhi.u32 $0x10624DD3, s11  }
0x2f7: {  	s5 =	sadd.s32 s26, s5;
	s23 =	sshra.s32 s11, $0x1F;
	s7 =	smul.u32 $0x10624DD3, s7  }
0x2f8: {  	s2 =	sadd.s32 s2, s25;
	s16 =	spop (v2sf);
	s3 =	smul.u32 $0x10624DD3, s23  }
0x2f9: {  	s17 =	spop (v2sf);
	s25 =	smulhi.u32 $0x10624DD3, s16;
	s30 =	sshra.s32 s16, $0x1F  }
0x2fa: {  	s6 =	sadd.s32 s6, s10;
	s10 =	sshra.s32 s28, $0x7;
	s11 =	smulhi.u32 $0x10624DD3, s17  }
0x2fb: {  	s26 =	sshra.s32 s17, $0x1F;
	s23 =	spop (v2sf);
	s8 =	smul.u32 $0x10624DD3, s30  }
0x2fc: {  	(v2sf) =	vpush v5, $0x8;
	s28 =	sshrl.u32 s9, $0x1F;
	s14 =	smul.u32 $0x10624DD3, s26;
	s31 =	sshra.s32 s23, $0x1F  }
0x2fd: {  	(v2sf) =	vpush v5, $0xD;
	s16 =	sadd.s32 s3, s20;
	s26 =	spop (v2sf);
	s20 =	smulhi.u32 $0x10624DD3, s23  }
0x2fe: {  	v9 =	vsel vm0, s18, v9;
	(v2sf) =	vpush v5, $0xE;
	s23 =	sshrl.u32 s24, $0x1F;
	s3 =	sshrl.u32 s2, $0x1F;
	s29 =	smul.u32 $0x10624DD3, s31  }
0x2ff: {  	s30 =	spop (v2sf);
	s25 =	sadd.s32 s8, s25;
	v9 =	vsel vm1, s23, v9;
	s23 =	sshrl.u32 s6, $0x1F  }
0x300: {  	[dreg:$0x19] =	wrdreg s30;
	s11 =	sadd.s32 s14, s11;
	s31 =	spop (v2sf)  }
0x301: {  	s30 =	sshra.s32 s22, $0x7;
	s18 =	sshrl.u32 s25, $0x1F;
	[dreg:$0x16] =	wrdreg s11  }
0x302: {  	(v2sf) =	vpush v5, $0x9;
	s14 =	sshra.s32 s31, $0x1F;
	s11 =	smulhi.u32 $0x10624DD3, s31;
	s8 =	sadd.s32 s29, s20  }
0x303: {  	s29 =	sshra.s32 s2, $0x7;
	s31 =	sshra.s32 s22, $0x1F;
	s22 =	sshrl.u32 s22, $0x1F  }
0x304: {  	(v2sf) =	vpush v5, $0x5;
	s20 =	sshra.s32 s0, $0x2;
	s2 =	sshra.s32 s5, $0x7;
	s0 =	sshra.s32 s26, $0x1F  }
0x305: {  	s17 =	smul.u32 $0x10624DD3, s14;
	s14 =	sadd.s32 s7, s21;
	s21 =	sshra.s32 s24, $0x7  }
0x306: {  	(v2sf) =	vpush v5, $0xA;
	s7 =	sshra.s32 s1, $0x7;
	s1 =	sshrl.u32 s1, $0x1F;
	s24 =	sshra.s32 s9, $0x7  }
0x307: {  	s9 =	sshra.s32 s5, $0x1F;
	s5 =	sshrl.u32 s5, $0x1F;
	s0 =	smul.u32 $0x10624DD3, s0  }
0x308: {  	v7 =	vsel vm5, s30, v7;
	v6 =	vsel vm5, s22, v6;
	s22 =	rddreg [dreg:$0x19];
	v10 =	vmov s7;
	s7 =	sshra.s32 s25, $0x1F;
	s30 =	sshra.s32 s14, $0x1F  }
0x309: {  	v7 =	vsel vm15, s31, v7;
	vm15 =	vcmask $0x3734;
	v8 =	vsel vm1, s21, v8;
	s17 =	sadd.s32 s17, s11;
	s11 =	sshra.s32 s19, $0x7;
	s19 =	sshrl.u32 s19, $0x1F  }
0x30a: {  	v12 =	vmov s1;
	v10 =	vsel vm0, s10, v10;
	s10 =	smulhi.u32 $0x10624DD3, s26;
	s26 =	sshra.s32 s14, $0x7;
	v8 =	vsel vm2, s11, v8;
	s11 =	sshra.s32 s25, $0x7  }
0x30b: {  	v7 =	vsel vm6, s2, v7;
	v6 =	vsel vm6, s5, v6;
	s25 =	sshra.s32 s16, $0x1F;
	v9 =	vsel vm2, s19, v9;
	s19 =	sshra.s32 s6, $0x1F;
	s21 =	spop (v2sf)  }
0x30c: {  	v12 =	vsel vm0, s4, v12;
	s6 =	sshra.s32 s6, $0x7;
	v10 =	vsel vm1, s24, v10;
	v11 =	vmov s25;
	s0 =	sadd.s32 s0, s10;
	s1 =	spop (v2sf)  }
0x30d: {  	v14 =	vld [tilespmem:s20+$0x180];
	v7 =	vsel vm15, s9, v7;
	v10 =	vsel vm2, s29, v10;
	s25 =	sshra.s32 s8, $0x7;
	v11 =	vsel vm3, s26, v11;
	s29 =	smulhi.u32 $0x10624DD3, s21;
	s31 =	spop (v2sf)  }
0x30e: {  	v6 =	vsel vm7, s13, v6;
	v12 =	vsel vm1, s28, v12;
	s10 =	sshrl.u32 s8, $0x1F;
	v11 =	vsel vm10, s30, v11;
	s24 =	sshra.s32 s21, $0x1F;
	s30 =	smulhi.u32 $0x10624DD3, s31  }
0x30f: {  	v7 =	vsel vm7, s15, v7;
	(v2sf) =	vpush v5, $0xB;
	v11 =	vsel vm0, s6, v11;
	s26 =	sshra.s32 s31, $0x1F;
	s31 =	sshra.s32 s1, $0x1F;
	s1 =	smulhi.u32 $0x10624DD3, s1  }
0x310: {  	v6 =	vperm.xlane v6, v2;
	v12 =	vsel vm2, s3, v12;
	s6 =	sshra.s32 s0, $0x7;
	v11 =	vsel vm11, s19, v11;
	s19 =	sshrl.u32 s14, $0x1F;
	s4 =	smul.u32 $0x10624DD3, s26  }
0x311: {  	v7 =	vperm.xlane v7, v2;
	v9 =	vcombine.low v12, v9;
	s14 =	sshra.s32 s17, $0x7;
	v11 =	vsel vm1, s11, v11;
	s11 =	spop (v2sf);
	s26 =	smul.u32 $0x10624DD3, s31  }
0x312: {  	v8 =	vcombine.low v10, v8;
	v15 =	vshra.s32 v14, $0x1F;
	v13 =	vmov s19;
	s19 =	smul.u32 $0x10624DD3, s24;
	s24 =	sshrl.u32 s17, $0x1F;
	s28 =	sshra.s32 s11, $0x1F  }
0x313: {  	vm9 =	vlt.s32 v14, $0x0;
	v40 =	vshrl.u32 v15, $0x16;
	v9 =	vperm.xlane v9, v1;
	s31 =	spop (v2sf);
	s2 =	smulhi.u32 $0x10624DD3, s11;
	s11 =	sshrl.u32 s0, $0x1F  }
0x314: {  	v8 =	vperm.xlane v8, v1;
	vm11 =	vcmask $0x2F2C;
	v38 =	vmov s14;
	s0 =	sshra.s32 s0, $0x1F;
	s3 =	sadd.s32 s4, s30;
	s30 =	sshra.s32 s8, $0x1F  }
0x315: {  	v6 =	vsel vm8, v6, v9;
	v11 =	vsel vm12, s7, v11;
	v13 =	vnsel vm3, $0x0, v13;
	s1 =	sadd.s32 s26, s1;
	s5 =	spop (v2sf);
	s7 =	smul.u32 $0x10624DD3, s28  }
0x316: {  	v7 =	vsel vm8, v7, v8;
	v8 =	vadd.s32 v40, v14;
	v13 =	vsel vm0, s23, v13;
	s13 =	sshra.s32 s31, $0x1F;
	s4 =	smulhi.u32 $0x10624DD3, s31;
	s23 =	sshra.s32 s22, $0x1F  }
0x317: {  	v39 =	vmov s24;
	v6 =	vadd.s32 v6, v7;
	v8 =	vshra.s32 v8, $0xA;
	s26 =	rddreg [dreg:$0x16];
	s15 =	smulhi.u32 $0x10624DD3, s5;
	s21 =	sshra.s32 s1, $0x7  }
0x318: {  	v11 =	vsel vm2, s25, v11;
	v44 =	vmul.u32 $0xFFFFF830, v6;
	v45 =	vmul.u32 $0x13A0, v8;
	s25 =	sshra.s32 s3, $0x7;
	s1 =	sshrl.u32 s1, $0x1F;
	s8 =	smul.u32 $0x10624DD3, s13  }
0x319: {  	v8 =	vshll.u32 v8, $0xA;
	v6 =	vmul.u32 $0x13A0, v6;
	v11 =	vsel vm13, s30, v11;
	s28 =	sshra.s32 s26, $0x7;
	s3 =	sshrl.u32 s3, $0x1F;
	s13 =	smulhi.u32 $0x10624DD3, s22  }
0x31a: {  	v13 =	vsel vm1, s18, v13;
	s5 =	sshra.s32 s5, $0x1F;
	v8 =	vsub.s32 v14, v8;
	v11 =	vsel vm4, s6, v11;
	s18 =	sadd.s32 s7, s2;
	s7 =	smul.u32 $0x10624DD3, s23  }
0x31b: {  	v37 =	vsel vm2, s10, v13;
	v12 =	vsel vm0, s21, v38;
	s2 =	sadd.s32 s19, s29;
	v42 =	vsel vm0, s1, v39;
	s5 =	smul.u32 $0x10624DD3, s5;
	s21 =	sshra.s32 s12, $0x2  }
0x31c: {  	v3 =	vadd.s32 v3, v44;
	v8 =	vadd.s32 v45, v8;
	v11 =	vsel vm14, s0, v11;
	s30 =	sshra.s32 s2, $0x7;
	s4 =	sadd.s32 s8, s4;
	s9 =	sshra.s32 s18, $0x7  }
0x31d: {  	v10 =	vsel vm4, s11, v37;
	v41 =	vsel vm1, s25, v12;
	v7 =	vsel vm1, s3, v42;
	s0 =	sshrl.u32 s18, $0x1F;
	s2 =	sshrl.u32 s2, $0x1F;
	s18 =	sshrl.u32 s26, $0x1F  }
0x31e: {  	v3 =	vadd.s32 v4, v3;
	v46 =	vadd.s32 $0xFA0, v8;
	v9 =	vsel vm2, s28, v41;
	s14 =	sshra.s32 s4, $0x7;
	s7 =	sadd.s32 s7, s13;
	s29 =	spop (v2sf)  }
0x31f: {  	v43 =	vmov s30;
	s5 =	sadd.s32 s5, s15;
	v3 =	vadd.s32 v6, v3;
	v47 =	vmov s2;
	s31 =	smulhi.u32 $0x10624DD3, s29;
	s1 =	sshra.s32 s29, $0x1F  }
0x320: {  	s15 =	sshra.s32 s4, $0x1F;
	s23 =	sshrl.u32 s4, $0x1F;
	v12 =	vsel vm0, s9, v43;
	v11 =	vsel vm5, s14, v11;
	v3 =	vsel vm9, v3, v46;
	s1 =	smul.u32 $0x10624DD3, s1  }
0x321: {  	s26 =	sshrl.u32 s16, $0x1F;
	v48 =	vsel vm0, s0, v47;
	s19 =	sshra.s32 s5, $0x7;
	v10 =	vsel vm5, s23, v10;
	s25 =	sshrl.u32 s7, $0x1F;
	v11 =	vsel vm11, s15, v11  }
0x322: {  	s17 =	sshra.s32 s7, $0x7;
	s5 =	sshrl.u32 s5, $0x1F;
	[tilespmem:s20+$0x380] =	vst v3;
	v3 =	vsel vm2, s18, v7;
	v49 =	vsel vm1, s19, v12;
	v52 =	vsel vm6, s25, v10;
	s1 =	sadd.s32 s1, s31  }
0x323: {  	s22 =	sshra.s32 s7, $0x1F;
	v6 =	vsel vm1, s5, v48;
	v50 =	vsel vm6, s17, v11;
	v51 =	vld [tilespmem:s21+$0x180];
	v53 =	vsel vm7, s26, v52;
	s20 =	sshra.s32 s1, $0x7;
	s1 =	sshrl.u32 s1, $0x1F  }
0x324: {  	s24 =	sshra.s32 s16, $0x7;
	v8 =	vsel vm15, s22, v50;
	v7 =	vsel vm2, s20, v49;
	v6 =	vsel vm2, s1, v6  }
0x325: {  	v8 =	vsel vm7, s24, v8;
	v7 =	vcombine.low v7, v9;
	v3 =	vcombine.low v6, v3  }
0x326: {  	v8 =	vperm.xlane v8, v2;
	v6 =	vperm.xlane v53, v2  }
0x327: {  	v7 =	vperm.xlane v7, v1;
	v3 =	vperm.xlane v3, v1  }
0x328: {  	v54 =	vshra.s32 v51, $0x1F  }
0x329: {  	v56 =	vshrl.u32 v54, $0x16;
	v3 =	vsel vm8, v6, v3;
	v55 =	vsel vm8, v8, v7  }
0x32a: {  	v57 =	vadd.s32 v56, v51;
	v3 =	vadd.s32 v3, v55  }
0x32b: {  	v6 =	vshra.s32 v57, $0xA;
	v58 =	vmul.u32 $0xFFFFF830, v3  }
0x32c: {  	v59 =	vmul.u32 $0x13A0, v6;
	v6 =	vshll.u32 v6, $0xA  }
0x32d: {  	v3 =	vmul.u32 $0x13A0, v3;
	v6 =	vsub.s32 v51, v6;
	v60 =	vadd.s32 v5, v58  }
.Ltmp26:
0x32e: {  	v62 =	vadd.s32 v59, v6;
	v61 =	vadd.s32 v4, v60;
	(pc) =	sbr.rel .LBB2_38-.Ltmp26, $4  }
0x32f: {  	vm9 =	vlt.s32 v51, $0x0;
	v63 =	vadd.s32 $0xFA0, v62;
	v3 =	vadd.s32 v3, v61  }
0x330: {  	s28 =	rddreg [dreg:$0x5];
	v3 =	vsel vm9, v3, v63  }
0x331: {  	s30 =	simm.s32 $0x380;
	s29 =	simm.s32 $0x50;
	s31 =	simm.s32 $0x7C00;
	[tilespmem:s21+$0x380] =	vst v3  }
0x332: {  	[tilespmem:s31], [sflag:$0x8] =	stream.indirect.gather [hbm4b:s28+s29], $0x80, s30, s29, $0xb8;
	[tilespmem:$0xA400] =	vst v63  }
.LBB2_40:
0x333: {  	_ =	sfence.sel $0x180000  }
0x334: {  	[bflag:$0x0] =	sbarrier.arrive $0xFFFF  }
0x335: {  	_ =	strace $0x9000004D  }
0x336: {  	s0 =	stileid.u32;
	[bflag:$0x2] =	sbarrier.arrive $0xFFFF  }
0x337: {  	p0 =	sne.s32 s0, $0x0;
	s0 =	rddreg [dreg:$0x3]  }
0x338: {  	s0 =	sadd.s32 @!p0 $0x100000, s0  }
0x339: {  	[sflag:s0] =	ssyncadd.tile.s32 @!p0 $0x1;
	_ =	shalt  }
.Lfunc_end2:
_tile_overlayer_lowered:
.L_overlay_start_2:
0x33a: {  	(tag) =	ssettag $0x2  }
0x33b: {  	s0 =	rddreg [dreg:$0x0];
	s2 =	stileid.u32  }
0x33c: {  	s1 =	rddreg [dreg:$0x1];
	p0 =	sne.s32 s2, $0x0  }
0x33d: {  	s3 =	rddreg [dreg:$0x2];
	[bflag:$0x3] =	sbarrier.arrive $0xFFFF;
	s2 =	simm.s32 @!p0 $0x1C0D  }
0x33e: {  	[timem:s3], [sflag:s2] =	dma.local @!p0 [hbm:s0], s1  }
0x33f: {  	s0 =	simm.s32 @!p0 $0xD  }
0x340: {  	_ =	swait.ge @!p0 [sflag:s0], s1  }
0x341: {  	s1 =	ssub.s32 @!p0 $0x0, s1;
	[sflag:s0] =	ssyncset.done @!p0 $0x0  }
0x342: {  	[sflag:s0] =	ssyncadd.s32 @!p0 s1  }
0x343: {  	[bflag:$0x3] =	sbarrier.arrive $0xFFFF  }
0x344: {  	_ =	shalt  }

// kernel: kernel.6.cloned.1.call-start
scs
__scs_entry_jumppad:
0x0: {  	(pc) =	sbr.rel $0x88, $3  }
0x1: {  	(tag) =	ssettag $0x0;
	lr =	simm.s32 $0x1  }
0x2: {  	[smem:$0x3F98] =	sst lr;
	_ =	strace $0xD0000000  }
0x3: {  	_ = 	snop  }
0x4: {  	_ = 	snop  }
0x5: {  	_ = 	snop  }
0x6: {  	_ = 	snop  }
0x7: {  	_ = 	snop  }
__scs_overlays_trampoline_lowered:
0x8: {  	[smem:$0x3FA7] =	sst s0  }
0x9: {  	[smem:$0x3FA8] =	sst s1  }
0xa: {  	[smem:$0x3FA9] =	sst s2  }
0xb: {  	[smem:$0x3FAA] =	sst s3  }
0xc: {  	[smem:$0x3FAB] =	sst s4  }
0xd: {  	[smem:$0x3FAC] =	sst s5  }
0xe: {  	[smem:$0x3FAD] =	sst s6  }
0xf: {  	[smem:$0x3FAE] =	sst s7  }
0x10: {  	[smem:$0x3FAF] =	sst s8  }
0x11: {  	[smem:$0x3FB0] =	sst s9;
	s0 =	simm.s32 @!p0 $0x0  }
0x12: {  	s1 =	sld [smem:$0x3F96];
	s0 =	simm.s32 @p0 $0x1  }
0x13: {  	[smem:$0x3FB1] =	sst s0;
	s0 =	simm.s32 @!p1 $0x0  }
0x14: {  	s2 =	sld [smem:$0x3F95];
	s0 =	simm.s32 @p1 $0x1  }
0x15: {  	[smem:$0x3FB2] =	sst s0;
	s0 =	simm.s32 @!p2 $0x0  }
0x16: {  	s3 =	sld [smem:$0x3FDB];
	s0 =	simm.s32 @p2 $0x1  }
0x17: {  	s4 =	simm.s32 $0x1BF5;
	[smem:$0x3FB4] =	sst s0  }
0x18: {  	s0 =	sld [smem:$0x3F97];
	_ =	swait.ge [sflag:s4], $0x0  }
0x19: {  	s7 =	sld [smem:$0x3F98]  }
0x1a: {  	s8 =	sadd.s32 $0xFFFFE003, lr  }
0x1b: {  	s9 =	sadd.s32 $0xFFFFFEF7, lr;
	s5 =	simm.s32 $0xFFFFFFFF;
	p2 =	slt.u32 s8, $0xFFFFF086  }
0x1c: {  	p1 =	slt.u32 s9, $0xF7A;
	s5 =	simm.s32 @!p2 $0x0  }
0x1d: {  	s5 =	simm.s32 @p1 $0x1;
	p0 =	seq.s32 s7, s2  }
0x1e: {  	s7 =	smul.u32 @!p0 $0xF7A, s2;
	p2 =	seq.s32 @!p0 s5, $0x0  }
0x1f: {  	s9 =	smul.u32 $0xF7A, s1;
	s8 =	simm.s32 @!p0 $0x1BF5;
	p2 =	por !p2, p0  }
0x20: {  	[sflag:s8] =	ssyncset.s32 @!p0 $0xFFFFF086;
	s6 =	sadd.s32 @!p0 s3, s7;
	s7 =	simm.s32 @!p0 $0x108  }
0x21: {  	s3 =	sadd.s32 s3, s9;
	s6 =	sadd.s32 @!p0 $0x88, s6;
	s7 =	simm.s32 @p2 $0x1082  }
0x22: {  	[simem:s7], [sflag:s8] =	dma.local @!p0 [hbm:s6], $0xF7A  }
0x23: {  	s9 =	sor.u32 $0xD0000000, s2;
	s6 =	simm.s32 $0x108;
	_ =	swait.ge @!p0 [sflag:s8], $0x0  }
0x24: {  	s3 =	sadd.s32 $0x88, s3;
	s6 =	simm.s32 @!p1 $0x1082;
	[sflag:s4] =	ssyncset.s32 $0xFFFFF086  }
0x25: {  	[simem:s6], [sflag:s4] =	dma.local [hbm:s3], $0xF7A  }
0x26: {  	[smem:$0x3F98] =	sst s1;
	(tag) =	ssettag s2;
	_ =	strace s9  }
0x27: {  	s1 =	sld [smem:$0x3FA8]  }
0x28: {  	s2 =	sld [smem:$0x3FA9]  }
0x29: {  	s4 =	sld [smem:$0x3FAB]  }
0x2a: {  	p0 =	seq.s32 s5, $0x0;
	s5 =	sld [smem:$0x3FAC]  }
0x2b: {  	s6 =	sld [smem:$0x3FAD]  }
0x2c: {  	s7 =	sld [smem:$0x3FAE]  }
0x2d: {  	s3 =	simm.s32 $0x108;
	s8 =	sld [smem:$0x3FAF]  }
0x2e: {  	s3 =	simm.s32 @!p0 $0x1082;
	s9 =	sld [smem:$0x3FB0]  }
0x2f: {  	lr =	sadd.s32 s0, s3;
	s0 =	sld [smem:$0x3FA7]  }
0x30: {  	s3 =	sld [smem:$0x3FAA]  }
0x31: {  	[smem:$0x3FB3] =	sst s10  }
0x32: {  	s10 =	sld [smem:$0x3FB1];
	_ =	sdelay $0x3  }
0x33: {  	p0 =	seq.s32 s10, $0x1;
	s10 =	sld [smem:$0x3FB3];
	_ =	sdelay $0x3  }
0x34: {  	[smem:$0x3FB3] =	sst s10  }
0x35: {  	s10 =	sld [smem:$0x3FB2];
	_ =	sdelay $0x3  }
0x36: {  	p1 =	seq.s32 s10, $0x1;
	s10 =	sld [smem:$0x3FB3];
	_ =	sdelay $0x3  }
0x37: {  	[smem:$0x3FB3] =	sst s10  }
0x38: {  	s10 =	sld [smem:$0x3FB4]  }
0x39: {  	_ = 	snop;
	(pc) =	sbr.ind lr, $3  }
0x3a: {  	_ = 	snop  }
0x3b: {  	_ = 	snop  }
0x3c: {  	p2 =	seq.s32 s10, $0x1;
	s10 =	sld [smem:$0x3FB3]  }
0x3d: {  	_ =	shalt  }
0x3e: {  	_ =	shalt  }
0x3f: {  	_ =	shalt  }
0x40: {  	_ =	shalt  }
0x41: {  	_ =	shalt  }
0x42: {  	_ =	shalt  }
0x43: {  	_ =	shalt  }
0x44: {  	_ =	shalt  }
0x45: {  	_ =	shalt  }
0x46: {  	_ =	shalt  }
0x47: {  	_ =	shalt  }
0x48: {  	_ =	shalt  }
0x49: {  	_ =	shalt  }
0x4a: {  	_ =	shalt  }
0x4b: {  	_ =	shalt  }
0x4c: {  	_ =	shalt  }
0x4d: {  	_ =	shalt  }
0x4e: {  	_ =	shalt  }
0x4f: {  	_ =	shalt  }
0x50: {  	_ =	shalt  }
0x51: {  	_ =	shalt  }
0x52: {  	_ =	shalt  }
0x53: {  	_ =	shalt  }
0x54: {  	_ =	shalt  }
0x55: {  	_ =	shalt  }
0x56: {  	_ =	shalt  }
0x57: {  	_ =	shalt  }
0x58: {  	_ =	shalt  }
0x59: {  	_ =	shalt  }
0x5a: {  	_ =	shalt  }
0x5b: {  	_ =	shalt  }
0x5c: {  	_ =	shalt  }
0x5d: {  	_ =	shalt  }
0x5e: {  	_ =	shalt  }
0x5f: {  	_ =	shalt  }
0x60: {  	_ =	shalt  }
0x61: {  	_ =	shalt  }
0x62: {  	_ =	shalt  }
0x63: {  	_ =	shalt  }
0x64: {  	_ =	shalt  }
0x65: {  	_ =	shalt  }
0x66: {  	_ =	shalt  }
0x67: {  	_ =	shalt  }
0x68: {  	_ =	shalt  }
0x69: {  	_ =	shalt  }
0x6a: {  	_ =	shalt  }
0x6b: {  	_ =	shalt  }
0x6c: {  	_ =	shalt  }
0x6d: {  	_ =	shalt  }
0x6e: {  	_ =	shalt  }
0x6f: {  	_ =	shalt  }
0x70: {  	_ =	shalt  }
0x71: {  	_ =	shalt  }
0x72: {  	_ =	shalt  }
0x73: {  	_ =	shalt  }
0x74: {  	_ =	shalt  }
0x75: {  	_ =	shalt  }
0x76: {  	_ =	shalt  }
0x77: {  	_ =	shalt  }
0x78: {  	_ =	shalt  }
0x79: {  	_ =	shalt  }
0x7a: {  	_ =	shalt  }
0x7b: {  	_ =	shalt  }
0x7c: {  	_ =	shalt  }
0x7d: {  	_ =	shalt  }
0x7e: {  	_ =	shalt  }
0x7f: {  	_ =	shalt  }
0x80: {  	_ =	shalt  }
0x81: {  	_ =	shalt  }
0x82: {  	_ =	shalt  }
0x83: {  	_ =	shalt  }
0x84: {  	_ =	shalt  }
0x85: {  	_ =	shalt  }
0x86: {  	_ =	shalt  }
0x87: {  	_ =	shalt  }
.Lfunc_end0:
.L_simem_size_0:
called_computation_lowered:
.L_overlay_start_0:
0x88: {  	s2 =	sld [smem:$0x3FD9]  }
0x89: {  	s3 =	sld [smem:$0x3FFE];
	_ =	sdelay $0x1  }
0x8a: {  	s1 =	srdreg.scid  }
0x8b: {  	s0 =	sand.u32 $0x1, s1  }
0x8c: {  	s14 =	sshll.u32 s0, $0xA;
	s2 =	sadd.s32 s3, s2  }
0x8d: {  	s2 =	sadd.s32 s2, s14  }
0x8e: {  	[smem:$0x3FBF] =	sst s2  }
0x8f: {  	_ = 	snop  }
0x90: {  	s2 =	sld [smem:$0x3FD0];
	_ =	sdelay $0x1  }
0x91: {  	s15 =	sld [smem:$0x3FC9]  }
0x92: {  	s5 =	simm.s32 $0xB;
	s6 =	simm.s32 $0x10;
	s4 =	sld [smem:$0x3FC8]  }
0x93: {  	[smem:s6], [sflag:s5] =	dma.local [hbm:s2], $0x1  }
0x94: {  	_ =	swait.eq [sflag:s5], $0x1  }
0x95: {  	[sflag:s5] =	ssyncset.done $0x0  }
0x96: {  	s16 =	sld [smem:$0x10];
	[sflag:s5] =	ssyncadd.s32 $0xFFFFFFFF  }
0x97: {  	s17 =	sld [smem:$0x11];
	(tm) =	ssettm $0x1  }
0x98: {  	s18 =	sld [smem:$0x3FFB];
	_ =	sdelay $0x3  }
0x99: {  	_ =	strace s18  }
0x9a: {  	s6 =	sld [smem:$0x3FFC];
	_ =	sdelay $0x3  }
0x9b: {  	_ =	strace s6  }
0x9c: {  	s6 =	sld [smem:$0x3FFD];
	_ =	sdelay $0x3  }
0x9d: {  	_ =	strace s6  }
0x9e: {  	_ =	strace $0x8FFFFFFF  }
0x9f: {  	s19 =	sld [smem:$0x3FDB];
	_ =	sdelay $0x1  }
0xa0: {  	s7 =	simm.s32 $_scs_section_size  }
0xa1: {  	s8 =	simm.s32 $_size__tile_overlayer_lowered;
	s9 =	simm.s32 $_tile_overlayer_lowered  }
0xa2: {  	s22 =	simm.s32 $0x1BFF;
	s21 =	sshll.u32 s9, $0x1;
	s6 =	sadd.s32 s7, s19  }
0xa3: {  	s10 =	simm.s32 $0x0;
	s20 =	sshll.u32 s8, $0x1;
	s8 =	sadd.s32 s21, s6  }
0xa4: {  	[timem:s10], [sflag:s22] =	dma.local [hbm:s8], s20  }
0xa5: {  	_ =	swait.ge [sflag:s22], s20  }
0xa6: {  	s7 =	ssub.s32 $0x0, s20;
	[sflag:s22] =	ssyncset.done $0x0  }
0xa7: {  	[sflag:s22] =	ssyncadd.s32 s7;
	_ =	sdelay $0x1  }
0xa8: {  	s23 =	simm.s32 $0x1B8B  }
0xa9: {  	_ =	swait.ge [sflag:s23], $0x1  }
0xaa: {  	[sflag:s23] =	ssyncset.done $0x0  }
0xab: {  	s25 =	simm.s32 $0x1B8E;
	s24 =	sld [smem:$0x3FFE];
	[sflag:s23] =	ssyncadd.s32 $0xFFFFFFFF  }
0xac: {  	s26 =	simm.s32 $execute0_lowered;
	[smem:$0x3FD2] =	sst s25  }
0xad: {  	s8 =	sshll.u32 s26, $0x1;
	_ =	strace $0x80000046;
	[dreg:$0x1] =	wrdreg $0xFFFFFFFF  }
0xae: {  	s28 =	simm.s32 $_size_execute0_lowered;
	s6 =	sadd.s32 s6, s8;
	[dreg:$0x0] =	wrdreg $0x0  }
0xaf: {  	s8 =	sshll.u32 s28, $0x1;
	[dreg:$0x2] =	wrdreg s6  }
0xb0: {  	[dreg:$0x3] =	wrdreg s8  }
0xb1: {  	[dreg:$0x4] =	wrdreg $0xC0  }
0xb2: {  	_ =	task [dreg:s10], $0x5FFFF  }
0xb3: {  	[dreg:$0x1] =	wrdreg $0xFFFFFFFF  }
0xb4: {  	[dreg:$0x0] =	wrdreg $0x60  }
0xb5: {  	[dreg:$0x2] =	wrdreg s15  }
0xb6: {  	[dreg:$0x3] =	wrdreg s4  }
0xb7: {  	[dreg:$0x4] =	wrdreg s24  }
0xb8: {  	[dreg:$0x5] =	wrdreg s17  }
0xb9: {  	[dreg:$0x6] =	wrdreg s16  }
0xba: {  	[dreg:$0x7] =	wrdreg $0x9  }
0xbb: {  	_ =	task.clear_ibuf [dreg:s10], $0x8FFFF;
	_ =	strace $0x90000046  }
0xbc: {  	s29 =	simm.s32 $0x9;
	_ =	strace $0x80000048  }
0xbd: {  	_ =	swait.ge [sflag:s29], $0x1  }
0xbe: {  	[sflag:s29] =	ssyncadd.s32 $0xFFFFFFFF  }
0xbf: {  	_ =	strace $0x90000048  }
0xc0: {  	_ =	sfence  }
0xc1: {  	s30 =	sld [smem:$0x0];
	_ =	sdelay $0x2  }
0xc2: {  	s31 =	sshll.u32 s1, $0xD;
	s1 =	sshrl.u32 s1, $0x2  }
0xc3: {  	s3 =	sand.u32 $0x4000, s31;
	s1 =	sadd.s32 s1, s30  }
0xc4: {  	s0 =	sor.u32 s3, s0;
	s1 =	sshll.u32 s1, $0x11  }
0xc5: {  	s0 =	sor.u32 s1, s0  }
0xc6: {  	s0 =	sadd.s32 $0x8F2B, s0  }
0xc7: {  	[sflag:s0] =	ssyncadd.remote.s32 $0x1  }
0xc8: {  	_ =	sfence.sel $0xFFFF  }
0xc9: {  	[dreg:$0x0] =	wrdreg $0xFFFFFFFF;
	(pc) =	sbr.abs _section_cstart, $3  }
0xca: {  	[dreg:$0x1] =	wrdreg $0xFFFFFFFF  }
0xcb: {  	_ =	task.clear_ibuf [dreg:s10], $0x2FFFF;
	_ =	strace $0x9FFFFFFF  }
0xcc: {  	(tm) =	ssettm $0x7FFFFFFF  }
0xcd: {  	_ =	shalt  }
tec
execute0_lowered:
.L_overlay_start_1:
0x0: {  	(tag) =	ssettag $0x1  }
0x1: {  	s1 =	rddreg [dreg:$0x0]  }
0x2: {  	s2 =	rddreg [dreg:$0x1]  }
0x3: {  	s0 =	rddreg [dreg:$0x2]  }
0x4: {  	s3 =	rddreg [dreg:$0x3]  }
0x5: {  	s26 =	stileid.u32;
	s7 =	rddreg [dreg:$0x4]  }
0x6: {  	s4 =	srdreg.scid;
	s12 =	simm.s32 $0x180;
	s13 =	simm.s32 $0x1  }
0x7: {  	s14 =	simm.s32 $0x200;
	s15 =	simm.s32 $0x2;
	s16 =	simm.s32 $0x4200  }
0x8: {  	s17 =	simm.s32 $0x3;
	s18 =	simm.s32 $0x8200;
	s19 =	simm.s32 $0x4  }
0x9: {  	s20 =	simm.s32 $0xC200;
	s21 =	simm.s32 $0x5;
	s22 =	simm.s32 $0x6  }
0xa: {  	s23 =	simm.s32 $0x7;
	s24 =	simm.s32 $0x8;
	s25 =	simm.s32 $0x9  }
0xb: {  	s28 =	simm.s32 $0xB;
	s29 =	simm.s32 $0x0;
	s5 =	sand.u32 $0x7, s26  }
0xc: {  	s8 =	sand.u32 $0x1, s4;
	s4 =	simm.s32 $0x0;
	s6 =	smul.u32 $0x320, s5  }
0xd: {  	p0 =	sgt.u32 s26, $0x7;
	p1 =	slt.u32 s26, $0x8;
	s10 =	smul.u32 $0x19000, s5  }
0xe: {  	s26 =	simm.s32 $0xA;
	s9 =	ssub.s32 $0x2, s8;
	s11 =	smul.u32 $0xC800, s8  }
0xf: {  	[smem:$0x7FF] =	sst s4;
	s8 =	smul.u32 $0x190, s8;
	s30 =	sshrl.u32 s9, $0x1  }
.Ltmp0:
0x10: {  	_ =	strace $0x80000047;
	s5 =	ssub.s32 s9, s30;
	(pc) =	sbr.rel .LBB2_1-.Ltmp0, $4  }
0x11: {  	s0 =	sadd.s32 s6, s0;
	s3 =	sadd.s32 s10, s3;
	s31 =	sadd.s32 s10, s7  }
0x12: {  	s10 =	simm.s32 $0x80;
	s5 =	smax.u32 s5, $0x1;
	s0 =	sadd.s32 s8, s0  }
0x13: {  	s6 =	sadd.s32 s11, s3;
	s7 =	sadd.s32 $0x2430, s0;
	s0 =	sadd.s32 $0x3E30, s0  }
0x14: {  	s8 =	sadd.s32 s11, s31;
	s11 =	simm.s32 $0x100;
	[dreg:$0x6] =	wrdreg s0  }
.LBB2_12:
0x15: {  	s29 =	sadd.s32 $0x1, s29  }
0x16: {  	p2 =	sne.s32 s29, s5  }
.Ltmp1:
0x17: {  	_ = 	snop;
	(pc) =	sbr.rel @!p2 .LBB2_13-.Ltmp1, $1  }
0x18: {  	_ =	sdelay $0x3  }
.LBB2_1:
.Ltmp2:
0x19: {  	(pc) =	sbr.rel @p0 .LBB2_7-.Ltmp2, $4  }
.Ltmp3:
0x1a: {  	(pc) =	sbr.rel @!p0 .LBB2_2-.Ltmp3, $4  }
0x1b: {  	_ = 	snop  }
0x1c: {  	_ = 	snop  }
0x1d: {  	s30 =	smov.u32 s7;
	s31 =	simm.s32 $0x0;
	s3 =	simm.s32 $0x0  }
0x1e: {  	_ = 	snop  }
.LBB2_4:
0x1f: {  	s0 =	sadd.s32 $0xFFFFFFE0, s30  }
0x20: {  	[tilespmem:s10], [sflag:$0x2] =	stream.linear.gather [hbm4b:s0+s4], $0x80, $0x38;
	[tilespmem:$0x10200] =	vst v63  }
0x21: {  	s9 =	sadd.s32 $0xFFFFFFF0, s30  }
0x22: {  	[tilespmem:s11], [sflag:$0x3] =	stream.linear.gather [hbm4b:s9+s4], $0x80, $0x38;
	[tilespmem:$0x10200] =	vst v63  }
0x23: {  	_ = 	snop  }
0x24: {  	[tilespmem:s12], [sflag:$0x4] =	stream.linear.gather [hbm4b:s30+s4], $0x80, $0x38;
	[tilespmem:$0x10200] =	vst v63  }
0x25: {  	_ =	swait.ge [sflag:s13], $0x80  }
0x26: {  	[sflag:s13] =	ssyncset.done $0x0  }
0x27: {  	[sflag:s13] =	ssyncadd.s32 $0xFFFFFF80  }
0x28: {  	[tilespmem:s14], [sflag:$0x5] =	stream.indirect.gather [hbm4b:s1+s10], $0x80, s4, s10, $0xb8;
	[tilespmem:$0x10200] =	vst v63  }
0x29: {  	_ =	swait.ge [sflag:s15], $0x80  }
0x2a: {  	[sflag:s15] =	ssyncset.done $0x0  }
0x2b: {  	[sflag:s15] =	ssyncadd.s32 $0xFFFFFF80  }
0x2c: {  	[tilespmem:s16], [sflag:$0x6] =	stream.indirect.gather [hbm4b:s1+s10], $0x80, s10, s10, $0xb8;
	[tilespmem:$0x10200] =	vst v63  }
0x2d: {  	_ =	swait.ge [sflag:s17], $0x80  }
0x2e: {  	[sflag:s17] =	ssyncset.done $0x0  }
0x2f: {  	[sflag:s17] =	ssyncadd.s32 $0xFFFFFF80  }
0x30: {  	[tilespmem:s18], [sflag:$0x7] =	stream.indirect.gather [hbm4b:s1+s10], $0x80, s11, s10, $0xb8;
	[tilespmem:$0x10200] =	vst v63  }
0x31: {  	_ =	swait.ge [sflag:s19], $0x80  }
0x32: {  	[sflag:s19] =	ssyncset.done $0x0  }
0x33: {  	[sflag:s19] =	ssyncadd.s32 $0xFFFFFF80  }
0x34: {  	[tilespmem:s20], [sflag:$0x8] =	stream.indirect.gather [hbm4b:s1+s10], $0x80, s12, s10, $0xb8;
	[tilespmem:$0x10200] =	vst v63  }
0x35: {  	_ =	swait.ge [sflag:s21], $0x4000  }
0x36: {  	[sflag:s21] =	ssyncset.done $0x0  }
0x37: {  	s0 =	sadd.s32 s31, s6;
	[sflag:s21] =	ssyncadd.s32 $0xFFFFC000  }
0x38: {  	[hbm4b:s0+s4] =	stream.linear.scatter [tilespmem:s14], [sflag:$0x9], $0x4000, $0x38;
	[tilespmem:$0x10200] =	vst v63  }
0x39: {  	_ =	swait.ge [sflag:s22], $0x4000  }
0x3a: {  	[sflag:s22] =	ssyncset.done $0x0  }
0x3b: {  	s9 =	sadd.s32 $0x800, s0;
	[sflag:s22] =	ssyncadd.s32 $0xFFFFC000  }
0x3c: {  	[hbm4b:s9+s4] =	stream.linear.scatter [tilespmem:s16], [sflag:$0xA], $0x4000, $0x38;
	[tilespmem:$0x10200] =	vst v63  }
0x3d: {  	_ =	swait.ge [sflag:s23], $0x4000  }
0x3e: {  	[sflag:s23] =	ssyncset.done $0x0  }
0x3f: {  	s9 =	sadd.s32 $0x1000, s0;
	[sflag:s23] =	ssyncadd.s32 $0xFFFFC000  }
0x40: {  	[hbm4b:s9+s4] =	stream.linear.scatter [tilespmem:s18], [sflag:$0xB], $0x4000, $0x38;
	[tilespmem:$0x10200] =	vst v63  }
0x41: {  	_ =	swait.ge [sflag:s24], $0x4000  }
0x42: {  	[sflag:s24] =	ssyncset.done $0x0  }
0x43: {  	s0 =	sadd.s32 $0x1800, s0;
	[sflag:s24] =	ssyncadd.s32 $0xFFFFC000  }
0x44: {  	[hbm4b:s0+s4] =	stream.linear.scatter [tilespmem:s20], [sflag:$0xC], $0x4000, $0x38;
	[tilespmem:$0x10200] =	vst v63  }
0x45: {  	_ =	swait.ge [sflag:s25], $0x4000  }
0x46: {  	[sflag:s25] =	ssyncset.done $0x0  }
0x47: {  	[sflag:s25] =	ssyncadd.s32 $0xFFFFC000  }
0x48: {  	_ =	swait.ge [sflag:s26], $0x4000  }
0x49: {  	[sflag:s26] =	ssyncset.done $0x0  }
0x4a: {  	[sflag:s26] =	ssyncadd.s32 $0xFFFFC000  }
0x4b: {  	_ =	swait.ge [sflag:s28], $0x4000  }
0x4c: {  	[sflag:s28] =	ssyncset.done $0x0  }
0x4d: {  	s0 =	simm.s32 $0xC;
	[sflag:s28] =	ssyncadd.s32 $0xFFFFC000  }
.LBB2_5:
0x4e: {  	s31 =	sadd.s32 $0x2000, s31  }
0x4f: {  	p2 =	sne.s32 s31, $0xE000  }
.Ltmp4:
0x50: {  	_ = 	snop;
	(pc) =	sbr.rel @!p2 .LBB2_6-.Ltmp4, $4  }
0x51: {  	_ = 	snop  }
0x52: {  	_ =	swait.ge [sflag:s0], $0x4000  }
0x53: {  	[sflag:s0] =	ssyncset.done $0x0  }
0x54: {  	s3 =	sadd.s32 $0x1, s3;
	s30 =	sadd.s32 $0x40, s30;
	[sflag:s0] =	ssyncadd.s32 $0xFFFFC000  }
.LBB2_2:
0x55: {  	p2 =	slt.u32 s3, $0x6  }
.Ltmp5:
0x56: {  	_ = 	snop;
	(pc) =	sbr.rel @p2 .LBB2_4-.Ltmp5, $3  }
0x57: {  	_ =	sdelay $0x1  }
0x58: {  	s0 =	sadd.s32 $0xFFFFFFD0, s30  }
0x59: {  	[tilespmem:s4], [sflag:$0x1] =	stream.linear.gather [hbm4b:s0+s4], $0x80, $0x38;
	[tilespmem:$0x10200] =	vst v63  }
0x5a: {  	_ =	swait.ge [sflag:s13], $0x80  }
0x5b: {  	[sflag:s13] =	ssyncset.done $0x0  }
0x5c: {  	[sflag:s13] =	ssyncadd.s32 $0xFFFFFF80  }
0x5d: {  	[tilespmem:s14], [sflag:$0x5] =	stream.indirect.gather [hbm4b:s1+s10], $0x80, s4, s10, $0xb8;
	[tilespmem:$0x10200] =	vst v63  }
.Ltmp6:
0x5e: {  	_ =	swait.ge [sflag:s21], $0x4000;
	(pc) =	sbr.rel .LBB2_5-.Ltmp6, $4  }
0x5f: {  	[sflag:s21] =	ssyncset.done $0x0  }
0x60: {  	s0 =	sadd.s32 s31, s6;
	[sflag:s21] =	ssyncadd.s32 $0xFFFFC000  }
0x61: {  	[hbm4b:s0+s4] =	stream.linear.scatter [tilespmem:s14], [sflag:$0x9], $0x4000, $0x38;
	[tilespmem:$0x10200] =	vst v63  }
0x62: {  	s0 =	simm.s32 $0x9  }
.LBB2_6:
.Ltmp7:
0x63: {  	(pc) =	sbr.rel @p1 .LBB2_12-.Ltmp7, $1  }
0x64: {  	_ =	sdelay $0x3  }
.LBB2_7:
.Ltmp8:
0x65: {  	(pc) =	sbr.rel .LBB2_8-.Ltmp8, $2  }
0x66: {  	_ =	sdelay $0x2  }
0x67: {  	s3 =	simm.s32 $0x0;
	s30 =	rddreg [dreg:$0x6];
	s31 =	simm.s32 $0x0  }
.LBB2_10:
0x68: {  	s0 =	sadd.s32 $0xFFFFFFE0, s30  }
0x69: {  	[tilespmem:s10], [sflag:$0x2] =	stream.linear.gather [hbm4b:s0+s4], $0x80, $0x38;
	[tilespmem:$0x10200] =	vst v63  }
0x6a: {  	s9 =	sadd.s32 $0xFFFFFFF0, s30  }
0x6b: {  	[tilespmem:s11], [sflag:$0x3] =	stream.linear.gather [hbm4b:s9+s4], $0x80, $0x38;
	[tilespmem:$0x10200] =	vst v63  }
0x6c: {  	_ = 	snop  }
0x6d: {  	[tilespmem:s12], [sflag:$0x4] =	stream.linear.gather [hbm4b:s30+s4], $0x80, $0x38;
	[tilespmem:$0x10200] =	vst v63  }
0x6e: {  	_ =	swait.ge [sflag:s13], $0x80  }
0x6f: {  	[sflag:s13] =	ssyncset.done $0x0  }
0x70: {  	[sflag:s13] =	ssyncadd.s32 $0xFFFFFF80  }
0x71: {  	[tilespmem:s14], [sflag:$0x5] =	stream.indirect.gather [hbm4b:s2+s10], $0x80, s4, s10, $0xb8;
	[tilespmem:$0x10200] =	vst v63  }
0x72: {  	_ =	swait.ge [sflag:s15], $0x80  }
0x73: {  	[sflag:s15] =	ssyncset.done $0x0  }
0x74: {  	[sflag:s15] =	ssyncadd.s32 $0xFFFFFF80  }
0x75: {  	[tilespmem:s16], [sflag:$0x6] =	stream.indirect.gather [hbm4b:s2+s10], $0x80, s10, s10, $0xb8;
	[tilespmem:$0x10200] =	vst v63  }
0x76: {  	_ =	swait.ge [sflag:s17], $0x80  }
0x77: {  	[sflag:s17] =	ssyncset.done $0x0  }
0x78: {  	[sflag:s17] =	ssyncadd.s32 $0xFFFFFF80  }
0x79: {  	[tilespmem:s18], [sflag:$0x7] =	stream.indirect.gather [hbm4b:s2+s10], $0x80, s11, s10, $0xb8;
	[tilespmem:$0x10200] =	vst v63  }
0x7a: {  	_ =	swait.ge [sflag:s19], $0x80  }
0x7b: {  	[sflag:s19] =	ssyncset.done $0x0  }
0x7c: {  	[sflag:s19] =	ssyncadd.s32 $0xFFFFFF80  }
0x7d: {  	[tilespmem:s20], [sflag:$0x8] =	stream.indirect.gather [hbm4b:s2+s10], $0x80, s12, s10, $0xb8;
	[tilespmem:$0x10200] =	vst v63  }
0x7e: {  	_ =	swait.ge [sflag:s21], $0x4000  }
0x7f: {  	[sflag:s21] =	ssyncset.done $0x0  }
0x80: {  	s0 =	sadd.s32 s3, s8;
	[sflag:s21] =	ssyncadd.s32 $0xFFFFC000  }
0x81: {  	[hbm4b:s0+s4] =	stream.linear.scatter [tilespmem:s14], [sflag:$0x9], $0x4000, $0x38;
	[tilespmem:$0x10200] =	vst v63  }
0x82: {  	_ =	swait.ge [sflag:s22], $0x4000  }
0x83: {  	[sflag:s22] =	ssyncset.done $0x0  }
0x84: {  	s9 =	sadd.s32 $0x800, s0;
	[sflag:s22] =	ssyncadd.s32 $0xFFFFC000  }
0x85: {  	[hbm4b:s9+s4] =	stream.linear.scatter [tilespmem:s16], [sflag:$0xA], $0x4000, $0x38;
	[tilespmem:$0x10200] =	vst v63  }
0x86: {  	_ =	swait.ge [sflag:s23], $0x4000  }
0x87: {  	[sflag:s23] =	ssyncset.done $0x0  }
0x88: {  	s9 =	sadd.s32 $0x1000, s0;
	[sflag:s23] =	ssyncadd.s32 $0xFFFFC000  }
0x89: {  	[hbm4b:s9+s4] =	stream.linear.scatter [tilespmem:s18], [sflag:$0xB], $0x4000, $0x38;
	[tilespmem:$0x10200] =	vst v63  }
0x8a: {  	_ =	swait.ge [sflag:s24], $0x4000  }
0x8b: {  	[sflag:s24] =	ssyncset.done $0x0  }
0x8c: {  	s0 =	sadd.s32 $0x1800, s0;
	[sflag:s24] =	ssyncadd.s32 $0xFFFFC000  }
0x8d: {  	[hbm4b:s0+s4] =	stream.linear.scatter [tilespmem:s20], [sflag:$0xC], $0x4000, $0x38;
	[tilespmem:$0x10200] =	vst v63  }
0x8e: {  	_ =	swait.ge [sflag:s25], $0x4000  }
0x8f: {  	[sflag:s25] =	ssyncset.done $0x0  }
0x90: {  	[sflag:s25] =	ssyncadd.s32 $0xFFFFC000  }
0x91: {  	_ =	swait.ge [sflag:s26], $0x4000  }
0x92: {  	[sflag:s26] =	ssyncset.done $0x0  }
0x93: {  	[sflag:s26] =	ssyncadd.s32 $0xFFFFC000  }
0x94: {  	_ =	swait.ge [sflag:s28], $0x4000  }
0x95: {  	[sflag:s28] =	ssyncset.done $0x0  }
0x96: {  	s0 =	simm.s32 $0xC;
	[sflag:s28] =	ssyncadd.s32 $0xFFFFC000  }
.LBB2_11:
0x97: {  	s3 =	sadd.s32 $0x2000, s3  }
0x98: {  	p2 =	sne.s32 s3, $0xE000  }
.Ltmp9:
0x99: {  	_ = 	snop;
	(pc) =	sbr.rel @!p2 .LBB2_12-.Ltmp9, $4  }
0x9a: {  	_ = 	snop  }
0x9b: {  	_ =	swait.ge [sflag:s0], $0x4000  }
0x9c: {  	[sflag:s0] =	ssyncset.done $0x0  }
0x9d: {  	s31 =	sadd.s32 $0x1, s31;
	s30 =	sadd.s32 $0x40, s30;
	[sflag:s0] =	ssyncadd.s32 $0xFFFFC000  }
.LBB2_8:
0x9e: {  	p2 =	slt.u32 s31, $0x6  }
.Ltmp10:
0x9f: {  	_ = 	snop;
	(pc) =	sbr.rel @p2 .LBB2_10-.Ltmp10, $3  }
0xa0: {  	_ =	sdelay $0x1  }
0xa1: {  	s0 =	sadd.s32 $0xFFFFFFD0, s30  }
0xa2: {  	[tilespmem:s4], [sflag:$0x1] =	stream.linear.gather [hbm4b:s0+s4], $0x80, $0x38;
	[tilespmem:$0x10200] =	vst v63  }
0xa3: {  	_ =	swait.ge [sflag:s13], $0x80  }
0xa4: {  	[sflag:s13] =	ssyncset.done $0x0  }
0xa5: {  	[sflag:s13] =	ssyncadd.s32 $0xFFFFFF80  }
0xa6: {  	[tilespmem:s14], [sflag:$0x5] =	stream.indirect.gather [hbm4b:s2+s10], $0x80, s4, s10, $0xb8;
	[tilespmem:$0x10200] =	vst v63  }
.Ltmp11:
0xa7: {  	_ =	swait.ge [sflag:s21], $0x4000;
	(pc) =	sbr.rel .LBB2_11-.Ltmp11, $4  }
0xa8: {  	[sflag:s21] =	ssyncset.done $0x0  }
0xa9: {  	s0 =	sadd.s32 s3, s8;
	[sflag:s21] =	ssyncadd.s32 $0xFFFFC000  }
0xaa: {  	[hbm4b:s0+s4] =	stream.linear.scatter [tilespmem:s14], [sflag:$0x9], $0x4000, $0x38;
	[tilespmem:$0x10200] =	vst v63  }
0xab: {  	s0 =	simm.s32 $0x9  }
.LBB2_13:
0xac: {  	_ =	sfence.sel $0x180000  }
0xad: {  	[bflag:$0x0] =	sbarrier.arrive $0xFFFF  }
0xae: {  	_ =	strace $0x90000047  }
0xaf: {  	s0 =	stileid.u32;
	[bflag:$0x2] =	sbarrier.arrive $0xFFFF  }
0xb0: {  	p0 =	sne.s32 s0, $0x0;
	s0 =	rddreg [dreg:$0x5]  }
0xb1: {  	s0 =	sadd.s32 @!p0 $0x100000, s0  }
0xb2: {  	[sflag:s0] =	ssyncadd.tile.s32 @!p0 $0x1;
	_ =	shalt  }
.Lfunc_end2:
_tile_overlayer_lowered:
.L_overlay_start_2:
0xb3: {  	(tag) =	ssettag $0x2  }
0xb4: {  	s0 =	rddreg [dreg:$0x0];
	s2 =	stileid.u32  }
0xb5: {  	s1 =	rddreg [dreg:$0x1];
	p0 =	sne.s32 s2, $0x0  }
0xb6: {  	s3 =	rddreg [dreg:$0x2];
	[bflag:$0x3] =	sbarrier.arrive $0xFFFF;
	s2 =	simm.s32 @!p0 $0x1C0D  }
0xb7: {  	[timem:s3], [sflag:s2] =	dma.local @!p0 [hbm:s0], s1  }
0xb8: {  	s0 =	simm.s32 @!p0 $0xD  }
0xb9: {  	_ =	swait.ge @!p0 [sflag:s0], s1  }
0xba: {  	s1 =	ssub.s32 @!p0 $0x0, s1;
	[sflag:s0] =	ssyncset.done @!p0 $0x0  }
0xbb: {  	[sflag:s0] =	ssyncadd.s32 @!p0 s1  }
0xbc: {  	[bflag:$0x3] =	sbarrier.arrive $0xFFFF  }
0xbd: {  	_ =	shalt  }

// kernel: kernel.9.cloned.1.call-start
scs
__scs_entry_jumppad:
0x0: {  	(pc) =	sbr.rel $0x88, $3  }
0x1: {  	(tag) =	ssettag $0x0;
	lr =	simm.s32 $0x1  }
0x2: {  	[smem:$0x3F98] =	sst lr;
	_ =	strace $0xD0000000  }
0x3: {  	_ = 	snop  }
0x4: {  	_ = 	snop  }
0x5: {  	_ = 	snop  }
0x6: {  	_ = 	snop  }
0x7: {  	_ = 	snop  }
__scs_overlays_trampoline_lowered:
0x8: {  	[smem:$0x3FA7] =	sst s0  }
0x9: {  	[smem:$0x3FA8] =	sst s1  }
0xa: {  	[smem:$0x3FA9] =	sst s2  }
0xb: {  	[smem:$0x3FAA] =	sst s3  }
0xc: {  	[smem:$0x3FAB] =	sst s4  }
0xd: {  	[smem:$0x3FAC] =	sst s5  }
0xe: {  	[smem:$0x3FAD] =	sst s6  }
0xf: {  	[smem:$0x3FAE] =	sst s7  }
0x10: {  	[smem:$0x3FAF] =	sst s8  }
0x11: {  	[smem:$0x3FB0] =	sst s9;
	s0 =	simm.s32 @!p0 $0x0  }
0x12: {  	s1 =	sld [smem:$0x3F96];
	s0 =	simm.s32 @p0 $0x1  }
0x13: {  	[smem:$0x3FB1] =	sst s0;
	s0 =	simm.s32 @!p1 $0x0  }
0x14: {  	s2 =	sld [smem:$0x3F95];
	s0 =	simm.s32 @p1 $0x1  }
0x15: {  	[smem:$0x3FB2] =	sst s0;
	s0 =	simm.s32 @!p2 $0x0  }
0x16: {  	s3 =	sld [smem:$0x3FDB];
	s0 =	simm.s32 @p2 $0x1  }
0x17: {  	s4 =	simm.s32 $0x1BF5;
	[smem:$0x3FB4] =	sst s0  }
0x18: {  	s0 =	sld [smem:$0x3F97];
	_ =	swait.ge [sflag:s4], $0x0  }
0x19: {  	s7 =	sld [smem:$0x3F98]  }
0x1a: {  	s8 =	sadd.s32 $0xFFFFE003, lr  }
0x1b: {  	s9 =	sadd.s32 $0xFFFFFEF7, lr;
	s5 =	simm.s32 $0xFFFFFFFF;
	p2 =	slt.u32 s8, $0xFFFFF086  }
0x1c: {  	p1 =	slt.u32 s9, $0xF7A;
	s5 =	simm.s32 @!p2 $0x0  }
0x1d: {  	s5 =	simm.s32 @p1 $0x1;
	p0 =	seq.s32 s7, s2  }
0x1e: {  	s7 =	smul.u32 @!p0 $0xF7A, s2;
	p2 =	seq.s32 @!p0 s5, $0x0  }
0x1f: {  	s9 =	smul.u32 $0xF7A, s1;
	s8 =	simm.s32 @!p0 $0x1BF5;
	p2 =	por !p2, p0  }
0x20: {  	[sflag:s8] =	ssyncset.s32 @!p0 $0xFFFFF086;
	s6 =	sadd.s32 @!p0 s3, s7;
	s7 =	simm.s32 @!p0 $0x108  }
0x21: {  	s3 =	sadd.s32 s3, s9;
	s6 =	sadd.s32 @!p0 $0x88, s6;
	s7 =	simm.s32 @p2 $0x1082  }
0x22: {  	[simem:s7], [sflag:s8] =	dma.local @!p0 [hbm:s6], $0xF7A  }
0x23: {  	s9 =	sor.u32 $0xD0000000, s2;
	s6 =	simm.s32 $0x108;
	_ =	swait.ge @!p0 [sflag:s8], $0x0  }
0x24: {  	s3 =	sadd.s32 $0x88, s3;
	s6 =	simm.s32 @!p1 $0x1082;
	[sflag:s4] =	ssyncset.s32 $0xFFFFF086  }
0x25: {  	[simem:s6], [sflag:s4] =	dma.local [hbm:s3], $0xF7A  }
0x26: {  	[smem:$0x3F98] =	sst s1;
	(tag) =	ssettag s2;
	_ =	strace s9  }
0x27: {  	s1 =	sld [smem:$0x3FA8]  }
0x28: {  	s2 =	sld [smem:$0x3FA9]  }
0x29: {  	s4 =	sld [smem:$0x3FAB]  }
0x2a: {  	p0 =	seq.s32 s5, $0x0;
	s5 =	sld [smem:$0x3FAC]  }
0x2b: {  	s6 =	sld [smem:$0x3FAD]  }
0x2c: {  	s7 =	sld [smem:$0x3FAE]  }
0x2d: {  	s3 =	simm.s32 $0x108;
	s8 =	sld [smem:$0x3FAF]  }
0x2e: {  	s3 =	simm.s32 @!p0 $0x1082;
	s9 =	sld [smem:$0x3FB0]  }
0x2f: {  	lr =	sadd.s32 s0, s3;
	s0 =	sld [smem:$0x3FA7]  }
0x30: {  	s3 =	sld [smem:$0x3FAA]  }
0x31: {  	[smem:$0x3FB3] =	sst s10  }
0x32: {  	s10 =	sld [smem:$0x3FB1];
	_ =	sdelay $0x3  }
0x33: {  	p0 =	seq.s32 s10, $0x1;
	s10 =	sld [smem:$0x3FB3];
	_ =	sdelay $0x3  }
0x34: {  	[smem:$0x3FB3] =	sst s10  }
0x35: {  	s10 =	sld [smem:$0x3FB2];
	_ =	sdelay $0x3  }
0x36: {  	p1 =	seq.s32 s10, $0x1;
	s10 =	sld [smem:$0x3FB3];
	_ =	sdelay $0x3  }
0x37: {  	[smem:$0x3FB3] =	sst s10  }
0x38: {  	s10 =	sld [smem:$0x3FB4]  }
0x39: {  	_ = 	snop;
	(pc) =	sbr.ind lr, $3  }
0x3a: {  	_ = 	snop  }
0x3b: {  	_ = 	snop  }
0x3c: {  	p2 =	seq.s32 s10, $0x1;
	s10 =	sld [smem:$0x3FB3]  }
0x3d: {  	_ =	shalt  }
0x3e: {  	_ =	shalt  }
0x3f: {  	_ =	shalt  }
0x40: {  	_ =	shalt  }
0x41: {  	_ =	shalt  }
0x42: {  	_ =	shalt  }
0x43: {  	_ =	shalt  }
0x44: {  	_ =	shalt  }
0x45: {  	_ =	shalt  }
0x46: {  	_ =	shalt  }
0x47: {  	_ =	shalt  }
0x48: {  	_ =	shalt  }
0x49: {  	_ =	shalt  }
0x4a: {  	_ =	shalt  }
0x4b: {  	_ =	shalt  }
0x4c: {  	_ =	shalt  }
0x4d: {  	_ =	shalt  }
0x4e: {  	_ =	shalt  }
0x4f: {  	_ =	shalt  }
0x50: {  	_ =	shalt  }
0x51: {  	_ =	shalt  }
0x52: {  	_ =	shalt  }
0x53: {  	_ =	shalt  }
0x54: {  	_ =	shalt  }
0x55: {  	_ =	shalt  }
0x56: {  	_ =	shalt  }
0x57: {  	_ =	shalt  }
0x58: {  	_ =	shalt  }
0x59: {  	_ =	shalt  }
0x5a: {  	_ =	shalt  }
0x5b: {  	_ =	shalt  }
0x5c: {  	_ =	shalt  }
0x5d: {  	_ =	shalt  }
0x5e: {  	_ =	shalt  }
0x5f: {  	_ =	shalt  }
0x60: {  	_ =	shalt  }
0x61: {  	_ =	shalt  }
0x62: {  	_ =	shalt  }
0x63: {  	_ =	shalt  }
0x64: {  	_ =	shalt  }
0x65: {  	_ =	shalt  }
0x66: {  	_ =	shalt  }
0x67: {  	_ =	shalt  }
0x68: {  	_ =	shalt  }
0x69: {  	_ =	shalt  }
0x6a: {  	_ =	shalt  }
0x6b: {  	_ =	shalt  }
0x6c: {  	_ =	shalt  }
0x6d: {  	_ =	shalt  }
0x6e: {  	_ =	shalt  }
0x6f: {  	_ =	shalt  }
0x70: {  	_ =	shalt  }
0x71: {  	_ =	shalt  }
0x72: {  	_ =	shalt  }
0x73: {  	_ =	shalt  }
0x74: {  	_ =	shalt  }
0x75: {  	_ =	shalt  }
0x76: {  	_ =	shalt  }
0x77: {  	_ =	shalt  }
0x78: {  	_ =	shalt  }
0x79: {  	_ =	shalt  }
0x7a: {  	_ =	shalt  }
0x7b: {  	_ =	shalt  }
0x7c: {  	_ =	shalt  }
0x7d: {  	_ =	shalt  }
0x7e: {  	_ =	shalt  }
0x7f: {  	_ =	shalt  }
0x80: {  	_ =	shalt  }
0x81: {  	_ =	shalt  }
0x82: {  	_ =	shalt  }
0x83: {  	_ =	shalt  }
0x84: {  	_ =	shalt  }
0x85: {  	_ =	shalt  }
0x86: {  	_ =	shalt  }
0x87: {  	_ =	shalt  }
.Lfunc_end0:
.L_simem_size_0:
called_computation.1_lowered:
.L_overlay_start_0:
0x88: {  	s2 =	sld [smem:$0x3FD9]  }
0x89: {  	s3 =	sld [smem:$0x3FFE];
	_ =	sdelay $0x1  }
0x8a: {  	s1 =	srdreg.scid  }
0x8b: {  	s0 =	sand.u32 $0x1, s1  }
0x8c: {  	s17 =	sshll.u32 s0, $0xA;
	s2 =	sadd.s32 s3, s2  }
0x8d: {  	s2 =	sadd.s32 s2, s17  }
0x8e: {  	[smem:$0x3FBF] =	sst s2  }
0x8f: {  	_ = 	snop  }
0x90: {  	(tm) =	ssettm $0x1  }
0x91: {  	s18 =	sld [smem:$0x3FFB];
	_ =	sdelay $0x3  }
0x92: {  	_ =	strace s18  }
0x93: {  	s2 =	sld [smem:$0x3FFC];
	_ =	sdelay $0x3  }
0x94: {  	_ =	strace s2  }
0x95: {  	s2 =	sld [smem:$0x3FFD];
	_ =	sdelay $0x3  }
0x96: {  	_ =	strace s2  }
0x97: {  	_ =	strace $0x8FFFFFFF  }
0x98: {  	s19 =	sld [smem:$0x3FDB];
	_ =	sdelay $0x1  }
0x99: {  	s20 =	simm.s32 $_scs_section_size  }
0x9a: {  	s4 =	simm.s32 $_size__tile_overlayer_lowered;
	s5 =	simm.s32 $_tile_overlayer_lowered  }
0x9b: {  	s6 =	simm.s32 $0x1BFF;
	s21 =	sshll.u32 s5, $0x1;
	s3 =	sadd.s32 s20, s19  }
0x9c: {  	s22 =	simm.s32 $0x0;
	s4 =	sshll.u32 s4, $0x1;
	s5 =	sadd.s32 s21, s3  }
0x9d: {  	[timem:s22], [sflag:s6] =	dma.local [hbm:s5], s4  }
0x9e: {  	_ =	swait.ge [sflag:s6], s4  }
0x9f: {  	s4 =	ssub.s32 $0x0, s4;
	[sflag:s6] =	ssyncset.done $0x0  }
0xa0: {  	[sflag:s6] =	ssyncadd.s32 s4;
	_ =	sdelay $0x1  }
0xa1: {  	s23 =	simm.s32 $0x1B8B  }
0xa2: {  	_ =	swait.ge [sflag:s23], $0x1  }
0xa3: {  	[sflag:s23] =	ssyncset.done $0x0  }
0xa4: {  	[sflag:s23] =	ssyncadd.s32 $0xFFFFFFFF  }
0xa5: {  	s4 =	sld [smem:$0x0]  }
0xa6: {  	s5 =	sand.u32 $0xFFFFFFFE, s1  }
0xa7: {  	p0 =	sne.s32 s1, s5  }
0xa8: {  	s5 =	sshll.u32 @p0 s5, $0xE  }
0xa9: {  	s5 =	sadd.s32 @p0 $0x11B8D, s5;
	s6 =	sshll.u32 @p0 s4, $0x11  }
0xaa: {  	s5 =	sor.u32 @p0 s6, s5  }
0xab: {  	[sflag:s5] =	ssyncadd.remote.s32 @p0 $0x1;
	_ =	sdelay $0x1  }
0xac: {  	s5 =	simm.s32 @p0 $0x1B8D  }
0xad: {  	_ =	swait.eq @p0 [sflag:s5], $0x1  }
0xae: {  	[sflag:s5] =	ssyncadd.s32 @p0 $0xFFFFFFFF  }
0xaf: {  	s6 =	sshll.u32 @!p0 s1, $0xE  }
0xb0: {  	s6 =	sor.u32 @!p0 $0x4000, s6;
	s5 =	simm.s32 @!p0 $0x1B8D  }
0xb1: {  	s4 =	sshll.u32 @!p0 s4, $0x11;
	s6 =	sadd.s32 @!p0 $0x11B8D, s6;
	_ =	swait.eq @!p0 [sflag:s5], $0x1  }
0xb2: {  	s4 =	sor.u32 @!p0 s4, s6;
	[sflag:s5] =	ssyncadd.s32 @!p0 $0xFFFFFFFF  }
0xb3: {  	s25 =	simm.s32 $0x1B8E;
	s24 =	sld [smem:$0x3FFE];
	[sflag:s4] =	ssyncadd.remote.s32 @!p0 $0x1  }
0xb4: {  	s26 =	simm.s32 $execute0_lowered;
	[smem:$0x3FD2] =	sst s25  }
0xb5: {  	s5 =	sshll.u32 s26, $0x1;
	_ =	strace $0x80000049;
	[dreg:$0x1] =	wrdreg $0xFFFFFFFF  }
0xb6: {  	s28 =	simm.s32 $_size_execute0_lowered;
	s3 =	sadd.s32 s3, s5;
	[dreg:$0x0] =	wrdreg $0x0  }
0xb7: {  	s5 =	sshll.u32 s28, $0x1;
	[dreg:$0x2] =	wrdreg s3  }
0xb8: {  	[dreg:$0x3] =	wrdreg s5  }
0xb9: {  	[dreg:$0x4] =	wrdreg $0xC0  }
0xba: {  	_ =	task [dreg:s22], $0x5FFFF  }
0xbb: {  	[dreg:$0x1] =	wrdreg $0xFFFFFFFF  }
0xbc: {  	[dreg:$0x0] =	wrdreg $0x60  }
0xbd: {  	[dreg:$0x2] =	wrdreg s24  }
0xbe: {  	[dreg:$0x3] =	wrdreg $0xA  }
0xbf: {  	_ =	task.clear_ibuf [dreg:s22], $0x4FFFF;
	_ =	strace $0x90000049  }
0xc0: {  	s29 =	simm.s32 $0xA;
	_ =	strace $0x8000004B  }
0xc1: {  	_ =	swait.ge [sflag:s29], $0x1  }
0xc2: {  	[sflag:s29] =	ssyncadd.s32 $0xFFFFFFFF  }
0xc3: {  	_ =	strace $0x9000004B  }
0xc4: {  	_ =	sfence  }
0xc5: {  	s30 =	sld [smem:$0x0];
	_ =	sdelay $0x2  }
0xc6: {  	s31 =	sshll.u32 s1, $0xD;
	s1 =	sshrl.u32 s1, $0x2  }
0xc7: {  	s4 =	sand.u32 $0x4000, s31;
	s1 =	sadd.s32 s1, s30  }
0xc8: {  	s0 =	sor.u32 s4, s0;
	s1 =	sshll.u32 s1, $0x11  }
0xc9: {  	s0 =	sor.u32 s1, s0  }
0xca: {  	s0 =	sadd.s32 $0x8F2B, s0  }
0xcb: {  	[sflag:s0] =	ssyncadd.remote.s32 $0x1  }
0xcc: {  	_ =	sfence.sel $0xFFFF  }
0xcd: {  	[dreg:$0x0] =	wrdreg $0xFFFFFFFF;
	(pc) =	sbr.abs _section_cstart, $3  }
0xce: {  	[dreg:$0x1] =	wrdreg $0xFFFFFFFF  }
0xcf: {  	_ =	task.clear_ibuf [dreg:s22], $0x2FFFF;
	_ =	strace $0x9FFFFFFF  }
0xd0: {  	(tm) =	ssettm $0x7FFFFFFF  }
0xd1: {  	_ =	shalt  }
tec
execute0_lowered:
.L_overlay_start_1:
0x0: {  	(tag) =	ssettag $0x1  }
0x1: {  	s8 =	rddreg [dreg:$0x0]  }
0x2: {  	s0 =	rddreg [dreg:$0x1];
	s1 =	simm.s32 $0x0;
	s2 =	srdreg.scid  }
0x3: {  	s13 =	simm.s32 $0x1;
	[smem:$0x7FF] =	sst s1;
	s3 =	sadd.s32 $0x2400, s8  }
0x4: {  	s4 =	sadd.s32 $0x3E00, s8;
	s9 =	sand.u32 $0x1, s2;
	s5 =	sadd.s32 $0x5800, s8  }
0x5: {  	s2 =	stileid.u32;
	s6 =	sadd.s32 $0x8A00, s8;
	_ =	strace $0x8000004A  }
0x6: {  	s7 =	ssub.s32 $0x2, s9;
	s11 =	sshll.u32 s2, $0x1;
	s31 =	sshll.u32 s2, $0x7  }
.Ltmp0:
0x7: {  	s12 =	sshll.u32 s9, $0x6;
	s10 =	sshrl.u32 s7, $0x1;
	(pc) =	sbr.rel .LBB2_1-.Ltmp0, $4  }
0x8: {  	s14 =	sor.u32 s9, s11;
	s11 =	sor.u32 s12, s31;
	s12 =	simm.s32 $0x18700  }
0x9: {  	s10 =	ssub.s32 s7, s10;
	s7 =	sadd.s32 $0x5600, s8;
	s8 =	sadd.s32 $0x3C00, s8  }
0xa: {  	s11 =	sshrl.u32 s11, $0x2;
	p0 =	seq.s32 s14, $0x0;
	p1 =	seq.s32 s14, $0x1  }
0xb: {  	v0 =	vimm.s32 $0xFFFFFFFF;
	v1 =	vlaneseq.u32;
	v2 =	vimm.f32 $0.0e+00;
	s9 =	smax.u32 s10, $0x1;
	s10 =	ssub.s32 $0x186A, s14;
	s14 =	simm.s32 $0x0  }
.LBB2_15:
0xc: {  	[hbm4b:s6+s1] =	stream.linear.scatter [tilespmem:s1], [sflag:$0x1], $0x18700, $0x38;
	[tilespmem:$0x18F00] =	vst v63  }
.LBB2_29:
0xd: {  	_ =	swait.ge [sflag:s13], $0x18700  }
0xe: {  	[sflag:s13] =	ssyncset.done $0x0  }
0xf: {  	[sflag:s13] =	ssyncadd.s32 $0xFFFE7900  }
.LBB2_30:
0x10: {  	s14 =	sadd.s32 $0x1, s14  }
0x11: {  	p2 =	sne.s32 s14, s9  }
.Ltmp1:
0x12: {  	_ = 	snop;
	(pc) =	sbr.rel @!p2 .LBB2_31-.Ltmp1, $1  }
0x13: {  	_ =	sdelay $0x3  }
.LBB2_1:
.Ltmp2:
0x14: {  	(pc) =	sbr.rel @p0 .LBB2_16-.Ltmp2, $1  }
0x15: {  	_ =	sdelay $0x3  }
.Ltmp3:
0x16: {  	(pc) =	sbr.rel @!p1 .LBB2_30-.Ltmp3, $1  }
0x17: {  	_ =	sdelay $0x3  }
0x18: {  	s15 =	simm.s32 $0x40;
	s16 =	simm.s32 $0x0  }
.LBB2_4:
0x19: {  	p2 =	seq.s32 s15, $0x61A40;
	[tilespmem:s16+$0x0] =	vst v0;
	s16 =	smov.u32 s15;
	s15 =	sadd.s32 $0x40, s15  }
.Ltmp4:
0x1a: {  	(pc) =	sbr.rel @!p2 .LBB2_4-.Ltmp4, $2  }
0x1b: {  	_ =	sdelay $0x2  }
0x1c: {  	s16 =	sshra.s32 s16, $0x2  }
.Ltmp5:
0x1d: {  	(pc) =	sbr.rel .LBB2_6-.Ltmp5, $2  }
0x1e: {  	_ =	sdelay $0x2  }
0x1f: {  	[tilespmem:s16+$0x0] =	vst v0;
	s15 =	simm.s32 $0x0;
	s16 =	simm.s32 $0x0  }
.LBB2_10:
0x20: {  	s16 =	sadd.s32 $0x1, s16  }
0x21: {  	p2 =	sne.s32 s16, $0x18  }
.Ltmp6:
0x22: {  	_ = 	snop;
	(pc) =	sbr.rel @!p2 .LBB2_11-.Ltmp6, $1  }
0x23: {  	_ =	sdelay $0x3  }
.LBB2_6:
0x24: {  	s17 =	sshll.u32 s16, $0x8  }
.Ltmp7:
0x25: {  	s17 =	sadd.s32 s4, s17;
	(pc) =	sbr.rel .LBB2_7-.Ltmp7, $4  }
0x26: {  	[tilespmem:s12], [sflag:$0x1] =	stream.linear.gather [hbm4b:s17+s15], $0x800, $0x38;
	[tilespmem:$0x18F00] =	vst v63  }
0x27: {  	_ =	swait.ge [sflag:s13], $0x800  }
0x28: {  	[sflag:s13] =	ssyncset.done $0x0  }
0x29: {  	s18 =	simm.s32 $0x0;
	s17 =	sshll.u32 s16, $0xB;
	[sflag:s13] =	ssyncadd.s32 $0xFFFFF800  }
.LBB2_9:
0x2a: {  	s18 =	sadd.s32 $0x1, s18  }
0x2b: {  	p2 =	sne.s32 s18, $0x80  }
.Ltmp8:
0x2c: {  	_ = 	snop;
	(pc) =	sbr.rel @!p2 .LBB2_10-.Ltmp8, $1  }
0x2d: {  	_ =	sdelay $0x3  }
.LBB2_7:
0x2e: {  	s19 =	sshll.u32 s18, $0x4  }
0x2f: {  	v3 =	vld [tilespmem:s19+$0x18700];
	_ =	sdelay $0x5  }
0x30: {  	s19 =	sadd.s32 s17, s19  }
0x31: {  	v4 =	vor.u32 s19, v1  }
0x32: {  	[tilespmem:v3+s1+$0x0] =	vst.idx.msk $0xffff, v4  }
0x33: {  	v5 =	vld.idx.msk [tilespmem:v3+s1+$0x0], $0xffff;
	_ =	sdelay $0x4  }
0x34: {  	vm0 =	vlt.s32 v5, v4  }
0x35: {  	v5 =	vsel vm0, $0x3F800000, v2  }
0x36: {  	(xrf0) =	vmax.scan.msk.f32 $0xffff, v5;
	_ =	sdelay $0x5  }
0x37: {  	v5, _, _ =	vpop (xrf0)  }
0x38: {  	(v2sf) =	vpush v5, $0xF;
	_ =	sdelay $0xe  }
0x39: {  	s31 =	spop (v2sf)  }
0x3a: {  	p2 =	sgt.f32 s31, $0.0e+00  }
.Ltmp9:
0x3b: {  	_ = 	snop;
	(pc) =	sbr.rel @!p2 .LBB2_9-.Ltmp9, $1  }
0x3c: {  	_ =	sdelay $0x3  }
.LBB2_8:
0x3d: {  	[tilespmem:v3+s1+$0x0] =	vst.idx.msk vm0, v4  }
0x3e: {  	v5 =	vld.idx.msk [tilespmem:v3+s1+$0x0], $0xffff;
	_ =	sdelay $0x4  }
0x3f: {  	vm0 =	vlt.s32 v5, v4  }
0x40: {  	v5 =	vsel vm0, $0x3F800000, v2  }
0x41: {  	(xrf0) =	vmax.scan.msk.f32 $0xffff, v5;
	_ =	sdelay $0x5  }
0x42: {  	v5, _, _ =	vpop (xrf0)  }
0x43: {  	(v2sf) =	vpush v5, $0xF;
	_ =	sdelay $0xe  }
0x44: {  	s19 =	spop (v2sf)  }
0x45: {  	p2 =	sgt.f32 s19, $0.0e+00  }
.Ltmp10:
0x46: {  	_ = 	snop;
	(pc) =	sbr.rel @p2 .LBB2_8-.Ltmp10, $1  }
0x47: {  	_ =	sdelay $0x3  }
.Ltmp11:
0x48: {  	_ = 	snop;
	(pc) =	sbr.rel .LBB2_9-.Ltmp11, $1  }
0x49: {  	_ =	sdelay $0x3  }
.LBB2_11:
.Ltmp12:
0x4a: {  	s15 =	simm.s32 $0x0;
	(pc) =	sbr.rel .LBB2_12-.Ltmp12, $4  }
0x4b: {  	[tilespmem:s12], [sflag:$0x1] =	stream.linear.gather [hbm4b:s7+s15], $0x350, $0x38;
	[tilespmem:$0x18F00] =	vst v63  }
0x4c: {  	_ =	swait.ge [sflag:s13], $0x350  }
0x4d: {  	[sflag:s13] =	ssyncset.done $0x0  }
0x4e: {  	[sflag:s13] =	ssyncadd.s32 $0xFFFFFCB0  }
.LBB2_14:
0x4f: {  	s15 =	sadd.s32 $0x1, s15  }
0x50: {  	p2 =	sne.s32 s15, $0x35  }
.Ltmp13:
0x51: {  	_ = 	snop;
	(pc) =	sbr.rel @!p2 .LBB2_15-.Ltmp13, $1  }
0x52: {  	_ =	sdelay $0x3  }
.LBB2_12:
0x53: {  	s16 =	sshll.u32 s15, $0x4  }
0x54: {  	v3 =	vld [tilespmem:s16+$0x18700];
	_ =	sdelay $0x5  }
0x55: {  	s16 =	sor.u32 $0xC000, s16  }
0x56: {  	v4 =	vor.u32 s16, v1  }
0x57: {  	[tilespmem:v3+s1+$0x0] =	vst.idx.msk $0xffff, v4  }
0x58: {  	v5 =	vld.idx.msk [tilespmem:v3+s1+$0x0], $0xffff;
	_ =	sdelay $0x4  }
0x59: {  	vm0 =	vlt.s32 v5, v4  }
0x5a: {  	v5 =	vsel vm0, $0x3F800000, v2  }
0x5b: {  	(xrf0) =	vmax.scan.msk.f32 $0xffff, v5;
	_ =	sdelay $0x5  }
0x5c: {  	v5, _, _ =	vpop (xrf0)  }
0x5d: {  	(v2sf) =	vpush v5, $0xF;
	_ =	sdelay $0xe  }
0x5e: {  	s31 =	spop (v2sf)  }
0x5f: {  	p2 =	sgt.f32 s31, $0.0e+00  }
.Ltmp14:
0x60: {  	_ = 	snop;
	(pc) =	sbr.rel @!p2 .LBB2_14-.Ltmp14, $1  }
0x61: {  	_ =	sdelay $0x3  }
.LBB2_13:
0x62: {  	[tilespmem:v3+s1+$0x0] =	vst.idx.msk vm0, v4  }
0x63: {  	v5 =	vld.idx.msk [tilespmem:v3+s1+$0x0], $0xffff;
	_ =	sdelay $0x4  }
0x64: {  	vm0 =	vlt.s32 v5, v4  }
0x65: {  	v5 =	vsel vm0, $0x3F800000, v2  }
0x66: {  	(xrf0) =	vmax.scan.msk.f32 $0xffff, v5;
	_ =	sdelay $0x5  }
0x67: {  	v5, _, _ =	vpop (xrf0)  }
0x68: {  	(v2sf) =	vpush v5, $0xF;
	_ =	sdelay $0xe  }
0x69: {  	s16 =	spop (v2sf)  }
0x6a: {  	p2 =	sgt.f32 s16, $0.0e+00  }
.Ltmp15:
0x6b: {  	_ = 	snop;
	(pc) =	sbr.rel @p2 .LBB2_13-.Ltmp15, $1  }
0x6c: {  	_ =	sdelay $0x3  }
.Ltmp16:
0x6d: {  	_ = 	snop;
	(pc) =	sbr.rel .LBB2_14-.Ltmp16, $1  }
0x6e: {  	_ =	sdelay $0x3  }
.LBB2_16:
0x6f: {  	p2 =	seq.s32 s10, $0x1  }
.Ltmp17:
0x70: {  	_ = 	snop;
	(pc) =	sbr.rel @p2 .LBB2_18-.Ltmp17, $2  }
0x71: {  	_ =	sdelay $0x2  }
0x72: {  	s15 =	sadd.s32 $0xFFFFFFFF, s10;
	[tilespmem:s11+$0x0] =	vst v0;
	s16 =	smov.u32 s11  }
.LBB2_17:
0x73: {  	p2 =	seq.s32 s15, $0x1  }
.Ltmp18:
0x74: {  	_ = 	snop;
	(pc) =	sbr.rel @!p2 .LBB2_17-.Ltmp18, $3  }
0x75: {  	_ =	sdelay $0x1  }
0x76: {  	s15 =	sadd.s32 $0xFFFFFFFF, s15;
	s16 =	sadd.s32 $0x10, s16  }
0x77: {  	[tilespmem:s16+$0x0] =	vst v0  }
.LBB2_18:
.Ltmp19:
0x78: {  	(pc) =	sbr.rel .LBB2_19-.Ltmp19, $2  }
0x79: {  	_ =	sdelay $0x2  }
0x7a: {  	s15 =	simm.s32 $0x0;
	s16 =	simm.s32 $0x0  }
.LBB2_23:
0x7b: {  	s16 =	sadd.s32 $0x1, s16  }
0x7c: {  	p2 =	sne.s32 s16, $0x18  }
.Ltmp20:
0x7d: {  	_ = 	snop;
	(pc) =	sbr.rel @!p2 .LBB2_24-.Ltmp20, $1  }
0x7e: {  	_ =	sdelay $0x3  }
.LBB2_19:
0x7f: {  	s17 =	sshll.u32 s16, $0x8  }
.Ltmp21:
0x80: {  	s17 =	sadd.s32 s3, s17;
	(pc) =	sbr.rel .LBB2_20-.Ltmp21, $4  }
0x81: {  	[tilespmem:s12], [sflag:$0x1] =	stream.linear.gather [hbm4b:s17+s15], $0x800, $0x38;
	[tilespmem:$0x18F00] =	vst v63  }
0x82: {  	_ =	swait.ge [sflag:s13], $0x800  }
0x83: {  	[sflag:s13] =	ssyncset.done $0x0  }
0x84: {  	s18 =	simm.s32 $0x0;
	s17 =	sshll.u32 s16, $0xB;
	[sflag:s13] =	ssyncadd.s32 $0xFFFFF800  }
.LBB2_22:
0x85: {  	s18 =	sadd.s32 $0x1, s18  }
0x86: {  	p2 =	sne.s32 s18, $0x80  }
.Ltmp22:
0x87: {  	_ = 	snop;
	(pc) =	sbr.rel @!p2 .LBB2_23-.Ltmp22, $1  }
0x88: {  	_ =	sdelay $0x3  }
.LBB2_20:
0x89: {  	s19 =	sshll.u32 s18, $0x4  }
0x8a: {  	v3 =	vld [tilespmem:s19+$0x18700];
	_ =	sdelay $0x5  }
0x8b: {  	s19 =	sadd.s32 s17, s19  }
0x8c: {  	v4 =	vor.u32 s19, v1  }
0x8d: {  	[tilespmem:v3+s1+$0x0] =	vst.idx.msk $0xffff, v4  }
0x8e: {  	v5 =	vld.idx.msk [tilespmem:v3+s1+$0x0], $0xffff;
	_ =	sdelay $0x4  }
0x8f: {  	vm0 =	vlt.s32 v5, v4  }
0x90: {  	v5 =	vsel vm0, $0x3F800000, v2  }
0x91: {  	(xrf0) =	vmax.scan.msk.f32 $0xffff, v5;
	_ =	sdelay $0x5  }
0x92: {  	v5, _, _ =	vpop (xrf0)  }
0x93: {  	(v2sf) =	vpush v5, $0xF;
	_ =	sdelay $0xe  }
0x94: {  	s31 =	spop (v2sf)  }
0x95: {  	p2 =	sgt.f32 s31, $0.0e+00  }
.Ltmp23:
0x96: {  	_ = 	snop;
	(pc) =	sbr.rel @!p2 .LBB2_22-.Ltmp23, $1  }
0x97: {  	_ =	sdelay $0x3  }
.LBB2_21:
0x98: {  	[tilespmem:v3+s1+$0x0] =	vst.idx.msk vm0, v4  }
0x99: {  	v5 =	vld.idx.msk [tilespmem:v3+s1+$0x0], $0xffff;
	_ =	sdelay $0x4  }
0x9a: {  	vm0 =	vlt.s32 v5, v4  }
0x9b: {  	v5 =	vsel vm0, $0x3F800000, v2  }
0x9c: {  	(xrf0) =	vmax.scan.msk.f32 $0xffff, v5;
	_ =	sdelay $0x5  }
0x9d: {  	v5, _, _ =	vpop (xrf0)  }
0x9e: {  	(v2sf) =	vpush v5, $0xF;
	_ =	sdelay $0xe  }
0x9f: {  	s19 =	spop (v2sf)  }
0xa0: {  	p2 =	sgt.f32 s19, $0.0e+00  }
.Ltmp24:
0xa1: {  	_ = 	snop;
	(pc) =	sbr.rel @p2 .LBB2_21-.Ltmp24, $1  }
0xa2: {  	_ =	sdelay $0x3  }
.Ltmp25:
0xa3: {  	_ = 	snop;
	(pc) =	sbr.rel .LBB2_22-.Ltmp25, $1  }
0xa4: {  	_ =	sdelay $0x3  }
.LBB2_24:
.Ltmp26:
0xa5: {  	s15 =	simm.s32 $0x0;
	(pc) =	sbr.rel .LBB2_25-.Ltmp26, $4  }
0xa6: {  	[tilespmem:s12], [sflag:$0x1] =	stream.linear.gather [hbm4b:s8+s15], $0x350, $0x38;
	[tilespmem:$0x18F00] =	vst v63  }
0xa7: {  	_ =	swait.ge [sflag:s13], $0x350  }
0xa8: {  	[sflag:s13] =	ssyncset.done $0x0  }
0xa9: {  	[sflag:s13] =	ssyncadd.s32 $0xFFFFFCB0  }
.LBB2_27:
0xaa: {  	s15 =	sadd.s32 $0x1, s15  }
0xab: {  	p2 =	sne.s32 s15, $0x35  }
.Ltmp27:
0xac: {  	_ = 	snop;
	(pc) =	sbr.rel @!p2 .LBB2_28-.Ltmp27, $1  }
0xad: {  	_ =	sdelay $0x3  }
.LBB2_25:
0xae: {  	s16 =	sshll.u32 s15, $0x4  }
0xaf: {  	v3 =	vld [tilespmem:s16+$0x18700];
	_ =	sdelay $0x5  }
0xb0: {  	s16 =	sor.u32 $0xC000, s16  }
0xb1: {  	v4 =	vor.u32 s16, v1  }
0xb2: {  	[tilespmem:v3+s1+$0x0] =	vst.idx.msk $0xffff, v4  }
0xb3: {  	v5 =	vld.idx.msk [tilespmem:v3+s1+$0x0], $0xffff;
	_ =	sdelay $0x4  }
0xb4: {  	vm0 =	vlt.s32 v5, v4  }
0xb5: {  	v5 =	vsel vm0, $0x3F800000, v2  }
0xb6: {  	(xrf0) =	vmax.scan.msk.f32 $0xffff, v5;
	_ =	sdelay $0x5  }
0xb7: {  	v5, _, _ =	vpop (xrf0)  }
0xb8: {  	(v2sf) =	vpush v5, $0xF;
	_ =	sdelay $0xe  }
0xb9: {  	s31 =	spop (v2sf)  }
0xba: {  	p2 =	sgt.f32 s31, $0.0e+00  }
.Ltmp28:
0xbb: {  	_ = 	snop;
	(pc) =	sbr.rel @!p2 .LBB2_27-.Ltmp28, $1  }
0xbc: {  	_ =	sdelay $0x3  }
.LBB2_26:
0xbd: {  	[tilespmem:v3+s1+$0x0] =	vst.idx.msk vm0, v4  }
0xbe: {  	v5 =	vld.idx.msk [tilespmem:v3+s1+$0x0], $0xffff;
	_ =	sdelay $0x4  }
0xbf: {  	vm0 =	vlt.s32 v5, v4  }
0xc0: {  	v5 =	vsel vm0, $0x3F800000, v2  }
0xc1: {  	(xrf0) =	vmax.scan.msk.f32 $0xffff, v5;
	_ =	sdelay $0x5  }
0xc2: {  	v5, _, _ =	vpop (xrf0)  }
0xc3: {  	(v2sf) =	vpush v5, $0xF;
	_ =	sdelay $0xe  }
0xc4: {  	s16 =	spop (v2sf)  }
0xc5: {  	p2 =	sgt.f32 s16, $0.0e+00  }
.Ltmp29:
0xc6: {  	_ = 	snop;
	(pc) =	sbr.rel @p2 .LBB2_26-.Ltmp29, $1  }
0xc7: {  	_ =	sdelay $0x3  }
.Ltmp30:
0xc8: {  	_ = 	snop;
	(pc) =	sbr.rel .LBB2_27-.Ltmp30, $1  }
0xc9: {  	_ =	sdelay $0x3  }
.LBB2_28:
.Ltmp31:
0xca: {  	(pc) =	sbr.rel .LBB2_29-.Ltmp31, $2  }
0xcb: {  	_ =	sdelay $0x2  }
0xcc: {  	[hbm4b:s5+s1] =	stream.linear.scatter [tilespmem:s1], [sflag:$0x1], $0x18700, $0x38;
	[tilespmem:$0x18F00] =	vst v63  }
.LBB2_31:
0xcd: {  	_ =	sfence.sel $0x180000  }
0xce: {  	[bflag:$0x0] =	sbarrier.arrive $0xFFFF  }
0xcf: {  	p0 =	sne.s32 s2, $0x0;
	_ =	strace $0x9000004A  }
0xd0: {  	s0 =	sadd.s32 @!p0 $0x100000, s0;
	[bflag:$0x2] =	sbarrier.arrive $0xFFFF  }
0xd1: {  	[sflag:s0] =	ssyncadd.tile.s32 @!p0 $0x1;
	_ =	shalt  }
.Lfunc_end2:
_tile_overlayer_lowered:
.L_overlay_start_2:
0xd2: {  	(tag) =	ssettag $0x2  }
0xd3: {  	s0 =	rddreg [dreg:$0x0];
	s2 =	stileid.u32  }
0xd4: {  	s1 =	rddreg [dreg:$0x1];
	p0 =	sne.s32 s2, $0x0  }
0xd5: {  	s3 =	rddreg [dreg:$0x2];
	[bflag:$0x3] =	sbarrier.arrive $0xFFFF;
	s2 =	simm.s32 @!p0 $0x1C01  }
0xd6: {  	[timem:s3], [sflag:s2] =	dma.local @!p0 [hbm:s0], s1  }
0xd7: {  	s0 =	simm.s32 @!p0 $0x1  }
0xd8: {  	_ =	swait.ge @!p0 [sflag:s0], s1  }
0xd9: {  	s1 =	ssub.s32 @!p0 $0x0, s1;
	[sflag:s0] =	ssyncset.done @!p0 $0x0  }
0xda: {  	[sflag:s0] =	ssyncadd.s32 @!p0 s1  }
0xdb: {  	[bflag:$0x3] =	sbarrier.arrive $0xFFFF  }
0xdc: {  	_ =	shalt  }

</sc_bundles>
